<compile_context>
chip_gen: v7x
topology: tpu7x:2x2x1
jax: 0.10.2.dev20260603
libtpu: 0.0.44.dev20260713+nightly
codegen_flags: <defaults>
</compile_context>

<pallas_src>
import functools

import jax
import jax.numpy as jnp
from jax import lax
from jax.experimental import pallas as pl
from jax.experimental.pallas import tpu as pltpu
from jax.experimental.pallas import tpu_sc as plsc

N = 10000
E = 320000
D = 128
H = 128
O = 32

NC = 2
NS = 16
L = 16

CHUNK = 128
CPT = 80
U = 8
QITERS = CPT // U
NCHUNKS_PAD = NC * NS * CPT + 8
E_PAD = NCHUNKS_PAD * CHUNK

ROWS_PER_TILE = 624
TAIL_ROWS = N - NS * ROWS_PER_TILE


def _make_agg(width):
  mesh = plsc.VectorSubcoreMesh(core_axis_name="c", subcore_axis_name="s")

  @functools.partial(
      pl.kernel,
      mesh=mesh,
      compiler_params=pltpu.CompilerParams(use_tc_tiling_on_sc=False),
      out_type=jax.ShapeDtypeStruct((NC, N, width), jnp.float32),
      scratch_types=[
          pltpu.VMEM((U, 2, CHUNK), jnp.int32),
          pltpu.VMEM((2, CHUNK, width), jnp.float32),
          pltpu.VMEM_SHARED((N + 8, width), jnp.float32),
      ] + [pltpu.SemaphoreType.DMA] * (U + 2),
  )
  def agg(x_hbm, sd_hbm, out_hbm, idx_v, rows_v, acc,
          si0, si1, si2, si3, si4, si5, si6, si7, sg0, sg1):
    sem_i = (si0, si1, si2, si3, si4, si5, si6, si7)
    sem_g = (sg0, sg1)
    cid = lax.axis_index("c")
    sid = lax.axis_index("s")
    base = (cid * NS + sid) * CPT

    def zrow(i, _):
      def zcol(j, _):
        rows_v[0, i, pl.ds(j * L, L)] = jnp.zeros((L,), jnp.float32)
        return 0
      return lax.fori_loop(0, width // L, zcol, 0)
    lax.fori_loop(0, CHUNK, zrow, 0)

    zbase = sid * ROWS_PER_TILE
    nfull = ROWS_PER_TILE // CHUNK
    rem = ROWS_PER_TILE - nfull * CHUNK
    for k in range(nfull):
      pltpu.sync_copy(rows_v.at[0], acc.at[pl.ds(zbase + k * CHUNK, CHUNK)])
    pltpu.sync_copy(rows_v.at[0, pl.ds(0, rem)],
                    acc.at[pl.ds(zbase + nfull * CHUNK, rem)])

    @pl.when(sid == NS - 1)
    def _():
      pltpu.sync_copy(rows_v.at[0, pl.ds(0, TAIL_ROWS)],
                      acc.at[pl.ds(NS * ROWS_PER_TILE, TAIL_ROWS)])
    plsc.subcore_barrier()

    def idx_copy(c, j):
      return pltpu.make_async_copy(sd_hbm.at[base + c], idx_v.at[j % U],
                                   sem_i[j % U])

    def gather(c, j):
      del c
      return pltpu.make_async_copy(x_hbm.at[idx_v.at[j % U, 0]],
                                   rows_v.at[j % 2], sem_g[j % 2])

    def scatter_prev(j):
      pltpu.sync_copy(rows_v.at[(j - 1) % 2],
                      acc.at[idx_v.at[(j - 1) % U, 1]], add=True)

    for j in range(U - 1):
      idx_copy(j, j).start()

    def qbody(q, _):
      c0 = q * U
      for j in range(U):
        c = c0 + j
        idx_copy(c, j).wait()
        gather(c, j).start()
        if j == 0:
          @pl.when(c >= 1)
          def _():
            gather(c - 1, j - 1).wait()
            scatter_prev(j)
        else:
          gather(c - 1, j - 1).wait()
          scatter_prev(j)
        idx_copy(c + U - 1, j - 1).start()
      return 0
    lax.fori_loop(0, QITERS, qbody, 0)

    gather(CPT - 1, U - 1).wait()
    scatter_prev(0)
    for j in range(U - 1):
      idx_copy(CPT + j, j).wait()
    plsc.subcore_barrier()

    pltpu.sync_copy(acc.at[pl.ds(zbase, ROWS_PER_TILE)],
                    out_hbm.at[cid, pl.ds(zbase, ROWS_PER_TILE)])

    @pl.when(sid == NS - 1)
    def _():
      pltpu.sync_copy(acc.at[pl.ds(NS * ROWS_PER_TILE, TAIL_ROWS)],
                      out_hbm.at[cid, pl.ds(NS * ROWS_PER_TILE, TAIL_ROWS)])

  return agg


_agg_d = _make_agg(D)
_agg_o = _make_agg(O)


def _tc1_body(agg_ref, xs_ref, w1r_ref, b1_ref, w1s_ref, bnw_ref, bnb_ref,
              w2r_ref, w2s_ref, z2_ref, z2root_ref):
  agg = agg_ref[0] + agg_ref[1]
  h = lax.dot_general(agg, w1r_ref[...], (((1,), (1,)), ((), ())),
                      preferred_element_type=jnp.float32)
  h += lax.dot_general(xs_ref[...], w1s_ref[...], (((1,), (1,)), ((), ())),
                       preferred_element_type=jnp.float32)
  h += b1_ref[...]
  m = jnp.mean(h, axis=0, keepdims=True)
  c = h - m
  v = jnp.mean(c * c, axis=0, keepdims=True)
  x1 = jnp.maximum(c * lax.rsqrt(v + 1e-5) * bnw_ref[...] + bnb_ref[...], 0.0)
  z2_ref[...] = lax.dot_general(x1, w2r_ref[...], (((1,), (1,)), ((), ())),
                                preferred_element_type=jnp.float32)
  z2root_ref[...] = lax.dot_general(x1, w2s_ref[...], (((1,), (1,)), ((), ())),
                                    preferred_element_type=jnp.float32)


_tc1 = pl.pallas_call(
    _tc1_body,
    out_shape=[jax.ShapeDtypeStruct((N, O), jnp.float32),
               jax.ShapeDtypeStruct((N, O), jnp.float32)],
)


def _tc2_body(agg_ref, z2root_ref, b2_ref, bnw_ref, bnb_ref, out_ref):
  h = agg_ref[0] + agg_ref[1] + z2root_ref[...] + b2_ref[...]
  m = jnp.mean(h, axis=0, keepdims=True)
  c = h - m
  v = jnp.mean(c * c, axis=0, keepdims=True)
  out_ref[...] = jnp.maximum(
      c * lax.rsqrt(v + 1e-5) * bnw_ref[...] + bnb_ref[...], 0.0)


_tc2 = pl.pallas_call(
    _tc2_body,
    out_shape=jax.ShapeDtypeStruct((N, O), jnp.float32),
)


def kernel(xs, edge_index, W1_rel, b1_rel, W1_root, bn1_w, bn1_b,
           W2_rel, b2_rel, W2_root, bn2_w, bn2_b):
  pad = E_PAD - E
  src_p = jnp.concatenate([edge_index[0], jnp.zeros((pad,), jnp.int32)])
  dst_p = jnp.concatenate([edge_index[1], jnp.full((pad,), N, jnp.int32)])
  sd = jnp.stack([src_p, dst_p]).reshape(2, NCHUNKS_PAD, CHUNK)
  sd = sd.transpose(1, 0, 2)

  agg1 = _agg_d(xs, sd)
  z2, z2root = _tc1(agg1, xs, W1_rel, b1_rel.reshape(1, H), W1_root,
                    bn1_w.reshape(1, H), bn1_b.reshape(1, H), W2_rel, W2_root)
  agg2 = _agg_o(z2, sd)
  return _tc2(agg2, z2root, b2_rel.reshape(1, O),
              bn2_w.reshape(1, O), bn2_b.reshape(1, O))

# --- scband reference (transcript-rebuilt; emitter-appended) ---
"""Pipeline reference for scband-gnndense-layer-36919538876772 (READ-ONLY COPY).

The authoritative reference and input builder live on the scoring server;
editing this copy changes nothing except your own understanding.
"""

import jax, jax.numpy as jnp
import numpy as np

N = 10000
E = 320000
D = 128
H = 128  # output_dim * growth_rate = 32 * 4
O = 32


def setup_inputs(seed: int = 0) -> dict:
    key = jax.random.key(seed)
    ks = jax.random.split(key, 13)
    xs = jax.random.normal(ks[0], (N, D), dtype=jnp.float32)
    edge_index = jax.random.randint(ks[1], (2, E), 0, N, dtype=jnp.int32)
    # GraphConv1: lin_rel (weight+bias) applied to aggregated neighbors, lin_root (no bias) to x
    W1_rel = jax.random.normal(ks[2], (H, D), dtype=jnp.float32) * 0.05
    b1_rel = jax.random.normal(ks[3], (H,), dtype=jnp.float32) * 0.05
    W1_root = jax.random.normal(ks[4], (H, D), dtype=jnp.float32) * 0.05
    bn1_w = jnp.ones((H,), dtype=jnp.float32)
    bn1_b = jnp.zeros((H,), dtype=jnp.float32)
    # GraphConv2
    W2_rel = jax.random.normal(ks[5], (O, H), dtype=jnp.float32) * 0.05
    b2_rel = jax.random.normal(ks[6], (O,), dtype=jnp.float32) * 0.05
    W2_root = jax.random.normal(ks[7], (O, H), dtype=jnp.float32) * 0.05
    bn2_w = jnp.ones((O,), dtype=jnp.float32)
    bn2_b = jnp.zeros((O,), dtype=jnp.float32)
    return {
        "xs": xs, "edge_index": edge_index,
        "W1_rel": W1_rel, "b1_rel": b1_rel, "W1_root": W1_root,
        "bn1_w": bn1_w, "bn1_b": bn1_b,
        "W2_rel": W2_rel, "b2_rel": b2_rel, "W2_root": W2_root,
        "bn2_w": bn2_w, "bn2_b": bn2_b,
    }


def _graph_conv(x, src, dst, W_rel, b_rel, W_root):
    # PyG GraphConv (aggr='add'): out = lin_rel(sum_{j->i} x_j) + lin_root(x_i)
    agg = jax.ops.segment_sum(x[src], dst, num_segments=N)
    return agg @ W_rel.T + b_rel + x @ W_root.T


def _batch_norm(x, w, b, eps=1e-5):
    # training-mode batch statistics over the node dimension
    m = jnp.mean(x, axis=0)
    v = jnp.var(x, axis=0)
    return (x - m) / jnp.sqrt(v + eps) * w + b


def reference(xs, edge_index, W1_rel, b1_rel, W1_root, bn1_w, bn1_b,
              W2_rel, b2_rel, W2_root, bn2_w, bn2_b):
    src = edge_index[0]
    dst = edge_index[1]
    x = xs  # single tensor -> cat of [xs] is identity
    x = _graph_conv(x, src, dst, W1_rel, b1_rel, W1_root)
    x = _batch_norm(x, bn1_w, bn1_b)
    x = jax.nn.relu(x)
    x = _graph_conv(x, src, dst, W2_rel, b2_rel, W2_root)
    x = _batch_norm(x, bn2_w, bn2_b)
    x = jax.nn.relu(x)
    return x

if __name__ == "__main__":
    import jax
    _d = setup_inputs()
    print(jax.jit(kernel)(*tuple(_d.values())))

</pallas_src>

<mosaic_0001>
#map = affine_map<(d0, d1) -> (0, 0)>
#map1 = affine_map<(d0, d1) -> (0, 0, 0)>
module attributes {stable_mosaic.version = 14 : i64} {
  func.func @agg(%arg0: i32, %arg1: i32, %arg2: memref<10000x32xf32, #tpu.memory_space<hbm>>, %arg3: memref<2568x2x128xi32, #tpu.memory_space<hbm>>, %arg4: memref<2x10000x32xf32, #tpu.memory_space<hbm>>, %arg5: memref<8x2x128xi32, #tpu.memory_space<vmem>>, %arg6: memref<2x128x32xf32, #tpu.memory_space<vmem>>, %arg7: memref<10008x32xf32, #tpu.memory_space<vmem_shared>>, %arg8: memref<!tpu.dma_semaphore, #tpu.memory_space<semaphore_mem>>, %arg9: memref<!tpu.dma_semaphore, #tpu.memory_space<semaphore_mem>>, %arg10: memref<!tpu.dma_semaphore, #tpu.memory_space<semaphore_mem>>, %arg11: memref<!tpu.dma_semaphore, #tpu.memory_space<semaphore_mem>>, %arg12: memref<!tpu.dma_semaphore, #tpu.memory_space<semaphore_mem>>, %arg13: memref<!tpu.dma_semaphore, #tpu.memory_space<semaphore_mem>>, %arg14: memref<!tpu.dma_semaphore, #tpu.memory_space<semaphore_mem>>, %arg15: memref<!tpu.dma_semaphore, #tpu.memory_space<semaphore_mem>>, %arg16: memref<!tpu.dma_semaphore, #tpu.memory_space<semaphore_mem>>, %arg17: memref<!tpu.dma_semaphore, #tpu.memory_space<semaphore_mem>>) attributes {dimension_semantics = [#tpu.dimension_semantics<core_parallel>, #tpu.dimension_semantics<subcore_parallel>], iteration_bounds = array<i64: 2, 16>, scalar_prefetch = 0 : i64, scratch_operands = 13 : i64, tpu.core_type = #tpu.core_type<sc_vector_subcore>, window_params = [{transform_indices = #map}, {transform_indices = #map1}, {transform_indices = #map1}]} {
    %mul3A = arith.constant 16 : i32
    %mul3A_0 = arith.muli %arg0, %mul3A : i32
    %add3A = arith.addi %mul3A_0, %arg1 : i32
    %mul3A_1 = arith.constant 80 : i32
    %mul3A_2 = arith.muli %add3A, %mul3A_1 : i32
    %scan3A = arith.constant 0 : i32
    %scan3A_3 = arith.constant 0 : i32
    %scan3A_4 = arith.constant 128 : i32
    %scan3A_5 = arith.addi %scan3A_3, %scan3A_4 : i32
    %scan3A_6 = arith.constant 1 : i32
    %scan3A_7 = scf.for %scan3A_320 = %scan3A_3 to %scan3A_5 step %scan3A_6 iter_args(%scan3A_321 = %scan3A) -> (i32)  : i32 {
      %scan3A_322 = arith.constant 0 : i32
      %scan3A_323 = arith.constant 0 : i32
      %scan3A_324 = arith.constant 2 : i32
      %scan3A_325 = arith.addi %scan3A_323, %scan3A_324 : i32
      %scan3A_326 = arith.constant 1 : i32
      %scan3A_327 = scf.for %scan3A_329 = %scan3A_323 to %scan3A_325 step %scan3A_326 iter_args(%scan3A_330 = %scan3A_322) -> (i32)  : i32 {
        %broadcast_in_dim3A = arith.constant 0.000000e+00 : f32
        %broadcast_in_dim3A_331 = vector.broadcast %broadcast_in_dim3A : f32 to vector<16xf32>
        %mul3A_332 = arith.constant 16 : i32
        %mul3A_333 = arith.muli %scan3A_329, %mul3A_332 : i32
        %swap3A = arith.constant 0 : i32
        %swap3A_334 = arith.index_cast %swap3A : i32 to index
        %swap3A_335 = arith.index_cast %scan3A_320 : i32 to index
        %swap3A_336 = arith.index_cast %mul3A_333 : i32 to index
        %swap3A_337 = tpu.vector_load %arg6[%swap3A_334, %swap3A_335, %swap3A_336] {strides = array<i32>} : memref<2x128x32xf32, #tpu.memory_space<vmem>>, vector<1x1x16xf32>,
        %swap3A_338 = vector.shape_cast %swap3A_337 : vector<1x1x16xf32> to vector<16xf32>
        %swap3A_339 = vector.shape_cast %broadcast_in_dim3A_331 : vector<16xf32> to vector<1x1x16xf32>
        tpu.vector_store %arg6[%swap3A_334, %swap3A_335, %swap3A_336], %swap3A_339 {strides = array<i32>} : memref<2x128x32xf32, #tpu.memory_space<vmem>>, vector<1x1x16xf32>,
        %scan3A_340 = arith.constant 0 : i32
        scf.yield %scan3A_340 : i32
      }
      %scan3A_328 = arith.constant 2 : i32
      scf.yield %scan3A_327 : i32
    }
    %scan3A_8 = arith.constant 128 : i32
    %mul3A_9 = arith.constant 624 : i32
    %mul3A_10 = arith.muli %arg1, %mul3A_9 : i32
    %add3A_11 = arith.constant 0 : i32
    %add3A_12 = arith.addi %mul3A_10, %add3A_11 : i32
    %run_scoped3A = arith.constant 0 : i32
    "tpu.region"() ({
      %run_scoped3A_320 = tpu.sem_alloc : memref<!tpu.dma_semaphore, #tpu.memory_space<semaphore_mem>>
      %dma_start3A_321 = arith.constant 0 : i32
      %dma_start3A_322 = arith.constant 0 : i32
      %dma_start3A_323 = tpu.memref_slice %arg6[%run_scoped3A, %dma_start3A_321, %dma_start3A_322] : memref<2x128x32xf32, #tpu.memory_space<vmem>> -> memref<1x128x32xf32, #tpu.memory_space<vmem>>
      %dma_start3A_324 = tpu.memref_squeeze %dma_start3A_323 : memref<1x128x32xf32, #tpu.memory_space<vmem>> -> memref<128x32xf32, #tpu.memory_space<vmem>>
      %dma_start3A_325 = arith.constant 0 : i32
      %dma_start3A_326 = tpu.memref_slice %arg7[%add3A_12, %dma_start3A_325] : memref<10008x32xf32, #tpu.memory_space<vmem_shared>> -> memref<128x32xf32, #tpu.memory_space<vmem_shared>>
      %dma_start3A_327 = arith.constant 0 : i32
      %dma_start3A_328 = tpu.memref_slice %arg7[%add3A_12, %dma_start3A_327] : memref<10008x32xf32, #tpu.memory_space<vmem_shared>> -> memref<128x32xf32, #tpu.memory_space<vmem_shared>>
      %dma_start3A_329 = arith.constant 0 : i32
      %dma_start3A_330 = arith.constant 0 : i32
      %dma_start3A_331 = tpu.memref_slice %arg6[%run_scoped3A, %dma_start3A_329, %dma_start3A_330] : memref<2x128x32xf32, #tpu.memory_space<vmem>> -> memref<1x128x32xf32, #tpu.memory_space<vmem>>
      %dma_start3A_332 = tpu.memref_squeeze %dma_start3A_331 : memref<1x128x32xf32, #tpu.memory_space<vmem>> -> memref<128x32xf32, #tpu.memory_space<vmem>>
      tpu.enqueue_dma source(%dma_start3A_332 : memref<128x32xf32, #tpu.memory_space<vmem>>) target(%dma_start3A_328 : memref<128x32xf32, #tpu.memory_space<vmem_shared>>) target_semaphore(%run_scoped3A_320 : memref<!tpu.dma_semaphore, #tpu.memory_space<semaphore_mem>>)
      %dma_wait3A_333 = arith.constant 0 : i32
      %dma_wait3A_334 = arith.constant 0 : i32
      %dma_wait3A_335 = tpu.memref_slice %arg6[%run_scoped3A, %dma_wait3A_333, %dma_wait3A_334] : memref<2x128x32xf32, #tpu.memory_space<vmem>> -> memref<1x128x32xf32, #tpu.memory_space<vmem>>
      %dma_wait3A_336 = tpu.memref_squeeze %dma_wait3A_335 : memref<1x128x32xf32, #tpu.memory_space<vmem>> -> memref<128x32xf32, #tpu.memory_space<vmem>>
      %dma_wait3A_337 = arith.constant 0 : i32
      %dma_wait3A_338 = tpu.memref_slice %arg7[%add3A_12, %dma_wait3A_337] : memref<10008x32xf32, #tpu.memory_space<vmem_shared>> -> memref<128x32xf32, #tpu.memory_space<vmem_shared>>
      %dma_wait3A_339 = arith.constant 0 : i32
      %dma_wait3A_340 = tpu.memref_slice %arg7[%add3A_12, %dma_wait3A_339] : memref<10008x32xf32, #tpu.memory_space<vmem_shared>> -> memref<128x32xf32, #tpu.memory_space<vmem_shared>>
      %dma_wait3A_341 = arith.constant 0 : i32
      %dma_wait3A_342 = arith.constant 0 : i32
      %dma_wait3A_343 = tpu.memref_slice %arg6[%run_scoped3A, %dma_wait3A_341, %dma_wait3A_342] : memref<2x128x32xf32, #tpu.memory_space<vmem>> -> memref<1x128x32xf32, #tpu.memory_space<vmem>>
      %dma_wait3A_344 = tpu.memref_squeeze %dma_wait3A_343 : memref<1x128x32xf32, #tpu.memory_space<vmem>> -> memref<128x32xf32, #tpu.memory_space<vmem>>
      tpu.wait_dma2 semaphore(%run_scoped3A_320 : memref<!tpu.dma_semaphore, #tpu.memory_space<semaphore_mem>>) src(%dma_wait3A_344 : memref<128x32xf32, #tpu.memory_space<vmem>>) dst(%dma_wait3A_340 : memref<128x32xf32, #tpu.memory_space<vmem_shared>>)
      tpu.yield
    }) : () -> ()
    %add3A_13 = arith.constant 128 : i32
    %add3A_14 = arith.addi %mul3A_10, %add3A_13 : i32
    %run_scoped3A_15 = arith.constant 0 : i32
    "tpu.region"() ({
      %run_scoped3A_320 = tpu.sem_alloc : memref<!tpu.dma_semaphore, #tpu.memory_space<semaphore_mem>>
      %dma_start3A_321 = arith.constant 0 : i32
      %dma_start3A_322 = arith.constant 0 : i32
      %dma_start3A_323 = tpu.memref_slice %arg6[%run_scoped3A_15, %dma_start3A_321, %dma_start3A_322] : memref<2x128x32xf32, #tpu.memory_space<vmem>> -> memref<1x128x32xf32, #tpu.memory_space<vmem>>
      %dma_start3A_324 = tpu.memref_squeeze %dma_start3A_323 : memref<1x128x32xf32, #tpu.memory_space<vmem>> -> memref<128x32xf32, #tpu.memory_space<vmem>>
      %dma_start3A_325 = arith.constant 0 : i32
      %dma_start3A_326 = tpu.memref_slice %arg7[%add3A_14, %dma_start3A_325] : memref<10008x32xf32, #tpu.memory_space<vmem_shared>> -> memref<128x32xf32, #tpu.memory_space<vmem_shared>>
      %dma_start3A_327 = arith.constant 0 : i32
      %dma_start3A_328 = tpu.memref_slice %arg7[%add3A_14, %dma_start3A_327] : memref<10008x32xf32, #tpu.memory_space<vmem_shared>> -> memref<128x32xf32, #tpu.memory_space<vmem_shared>>
      %dma_start3A_329 = arith.constant 0 : i32
      %dma_start3A_330 = arith.constant 0 : i32
      %dma_start3A_331 = tpu.memref_slice %arg6[%run_scoped3A_15, %dma_start3A_329, %dma_start3A_330] : memref<2x128x32xf32, #tpu.memory_space<vmem>> -> memref<1x128x32xf32, #tpu.memory_space<vmem>>
      %dma_start3A_332 = tpu.memref_squeeze %dma_start3A_331 : memref<1x128x32xf32, #tpu.memory_space<vmem>> -> memref<128x32xf32, #tpu.memory_space<vmem>>
      tpu.enqueue_dma source(%dma_start3A_332 : memref<128x32xf32, #tpu.memory_space<vmem>>) target(%dma_start3A_328 : memref<128x32xf32, #tpu.memory_space<vmem_shared>>) target_semaphore(%run_scoped3A_320 : memref<!tpu.dma_semaphore, #tpu.memory_space<semaphore_mem>>)
      %dma_wait3A_333 = arith.constant 0 : i32
      %dma_wait3A_334 = arith.constant 0 : i32
      %dma_wait3A_335 = tpu.memref_slice %arg6[%run_scoped3A_15, %dma_wait3A_333, %dma_wait3A_334] : memref<2x128x32xf32, #tpu.memory_space<vmem>> -> memref<1x128x32xf32, #tpu.memory_space<vmem>>
      %dma_wait3A_336 = tpu.memref_squeeze %dma_wait3A_335 : memref<1x128x32xf32, #tpu.memory_space<vmem>> -> memref<128x32xf32, #tpu.memory_space<vmem>>
      %dma_wait3A_337 = arith.constant 0 : i32
      %dma_wait3A_338 = tpu.memref_slice %arg7[%add3A_14, %dma_wait3A_337] : memref<10008x32xf32, #tpu.memory_space<vmem_shared>> -> memref<128x32xf32, #tpu.memory_space<vmem_shared>>
      %dma_wait3A_339 = arith.constant 0 : i32
      %dma_wait3A_340 = tpu.memref_slice %arg7[%add3A_14, %dma_wait3A_339] : memref<10008x32xf32, #tpu.memory_space<vmem_shared>> -> memref<128x32xf32, #tpu.memory_space<vmem_shared>>
      %dma_wait3A_341 = arith.constant 0 : i32
      %dma_wait3A_342 = arith.constant 0 : i32
      %dma_wait3A_343 = tpu.memref_slice %arg6[%run_scoped3A_15, %dma_wait3A_341, %dma_wait3A_342] : memref<2x128x32xf32, #tpu.memory_space<vmem>> -> memref<1x128x32xf32, #tpu.memory_space<vmem>>
      %dma_wait3A_344 = tpu.memref_squeeze %dma_wait3A_343 : memref<1x128x32xf32, #tpu.memory_space<vmem>> -> memref<128x32xf32, #tpu.memory_space<vmem>>
      tpu.wait_dma2 semaphore(%run_scoped3A_320 : memref<!tpu.dma_semaphore, #tpu.memory_space<semaphore_mem>>) src(%dma_wait3A_344 : memref<128x32xf32, #tpu.memory_space<vmem>>) dst(%dma_wait3A_340 : memref<128x32xf32, #tpu.memory_space<vmem_shared>>)
      tpu.yield
    }) : () -> ()
    %add3A_16 = arith.constant 256 : i32
    %add3A_17 = arith.addi %mul3A_10, %add3A_16 : i32
    %run_scoped3A_18 = arith.constant 0 : i32
    "tpu.region"() ({
      %run_scoped3A_320 = tpu.sem_alloc : memref<!tpu.dma_semaphore, #tpu.memory_space<semaphore_mem>>
      %dma_start3A_321 = arith.constant 0 : i32
      %dma_start3A_322 = arith.constant 0 : i32
      %dma_start3A_323 = tpu.memref_slice %arg6[%run_scoped3A_18, %dma_start3A_321, %dma_start3A_322] : memref<2x128x32xf32, #tpu.memory_space<vmem>> -> memref<1x128x32xf32, #tpu.memory_space<vmem>>
      %dma_start3A_324 = tpu.memref_squeeze %dma_start3A_323 : memref<1x128x32xf32, #tpu.memory_space<vmem>> -> memref<128x32xf32, #tpu.memory_space<vmem>>
      %dma_start3A_325 = arith.constant 0 : i32
      %dma_start3A_326 = tpu.memref_slice %arg7[%add3A_17, %dma_start3A_325] : memref<10008x32xf32, #tpu.memory_space<vmem_shared>> -> memref<128x32xf32, #tpu.memory_space<vmem_shared>>
      %dma_start3A_327 = arith.constant 0 : i32
      %dma_start3A_328 = tpu.memref_slice %arg7[%add3A_17, %dma_start3A_327] : memref<10008x32xf32, #tpu.memory_space<vmem_shared>> -> memref<128x32xf32, #tpu.memory_space<vmem_shared>>
      %dma_start3A_329 = arith.constant 0 : i32
      %dma_start3A_330 = arith.constant 0 : i32
      %dma_start3A_331 = tpu.memref_slice %arg6[%run_scoped3A_18, %dma_start3A_329, %dma_start3A_330] : memref<2x128x32xf32, #tpu.memory_space<vmem>> -> memref<1x128x32xf32, #tpu.memory_space<vmem>>
      %dma_start3A_332 = tpu.memref_squeeze %dma_start3A_331 : memref<1x128x32xf32, #tpu.memory_space<vmem>> -> memref<128x32xf32, #tpu.memory_space<vmem>>
      tpu.enqueue_dma source(%dma_start3A_332 : memref<128x32xf32, #tpu.memory_space<vmem>>) target(%dma_start3A_328 : memref<128x32xf32, #tpu.memory_space<vmem_shared>>) target_semaphore(%run_scoped3A_320 : memref<!tpu.dma_semaphore, #tpu.memory_space<semaphore_mem>>)
      %dma_wait3A_333 = arith.constant 0 : i32
      %dma_wait3A_334 = arith.constant 0 : i32
      %dma_wait3A_335 = tpu.memref_slice %arg6[%run_scoped3A_18, %dma_wait3A_333, %dma_wait3A_334] : memref<2x128x32xf32, #tpu.memory_space<vmem>> -> memref<1x128x32xf32, #tpu.memory_space<vmem>>
      %dma_wait3A_336 = tpu.memref_squeeze %dma_wait3A_335 : memref<1x128x32xf32, #tpu.memory_space<vmem>> -> memref<128x32xf32, #tpu.memory_space<vmem>>
      %dma_wait3A_337 = arith.constant 0 : i32
      %dma_wait3A_338 = tpu.memref_slice %arg7[%add3A_17, %dma_wait3A_337] : memref<10008x32xf32, #tpu.memory_space<vmem_shared>> -> memref<128x32xf32, #tpu.memory_space<vmem_shared>>
      %dma_wait3A_339 = arith.constant 0 : i32
      %dma_wait3A_340 = tpu.memref_slice %arg7[%add3A_17, %dma_wait3A_339] : memref<10008x32xf32, #tpu.memory_space<vmem_shared>> -> memref<128x32xf32, #tpu.memory_space<vmem_shared>>
      %dma_wait3A_341 = arith.constant 0 : i32
      %dma_wait3A_342 = arith.constant 0 : i32
      %dma_wait3A_343 = tpu.memref_slice %arg6[%run_scoped3A_18, %dma_wait3A_341, %dma_wait3A_342] : memref<2x128x32xf32, #tpu.memory_space<vmem>> -> memref<1x128x32xf32, #tpu.memory_space<vmem>>
      %dma_wait3A_344 = tpu.memref_squeeze %dma_wait3A_343 : memref<1x128x32xf32, #tpu.memory_space<vmem>> -> memref<128x32xf32, #tpu.memory_space<vmem>>
      tpu.wait_dma2 semaphore(%run_scoped3A_320 : memref<!tpu.dma_semaphore, #tpu.memory_space<semaphore_mem>>) src(%dma_wait3A_344 : memref<128x32xf32, #tpu.memory_space<vmem>>) dst(%dma_wait3A_340 : memref<128x32xf32, #tpu.memory_space<vmem_shared>>)
      tpu.yield
    }) : () -> ()
    %add3A_19 = arith.constant 384 : i32
    %add3A_20 = arith.addi %mul3A_10, %add3A_19 : i32
    %run_scoped3A_21 = arith.constant 0 : i32
    "tpu.region"() ({
      %run_scoped3A_320 = tpu.sem_alloc : memref<!tpu.dma_semaphore, #tpu.memory_space<semaphore_mem>>
      %dma_start3A_321 = arith.constant 0 : i32
      %dma_start3A_322 = arith.constant 0 : i32
      %dma_start3A_323 = tpu.memref_slice %arg6[%run_scoped3A_21, %dma_start3A_321, %dma_start3A_322] : memref<2x128x32xf32, #tpu.memory_space<vmem>> -> memref<1x128x32xf32, #tpu.memory_space<vmem>>
      %dma_start3A_324 = tpu.memref_squeeze %dma_start3A_323 : memref<1x128x32xf32, #tpu.memory_space<vmem>> -> memref<128x32xf32, #tpu.memory_space<vmem>>
      %dma_start3A_325 = arith.constant 0 : i32
      %dma_start3A_326 = tpu.memref_slice %arg7[%add3A_20, %dma_start3A_325] : memref<10008x32xf32, #tpu.memory_space<vmem_shared>> -> memref<128x32xf32, #tpu.memory_space<vmem_shared>>
      %dma_start3A_327 = arith.constant 0 : i32
      %dma_start3A_328 = tpu.memref_slice %arg7[%add3A_20, %dma_start3A_327] : memref<10008x32xf32, #tpu.memory_space<vmem_shared>> -> memref<128x32xf32, #tpu.memory_space<vmem_shared>>
      %dma_start3A_329 = arith.constant 0 : i32
      %dma_start3A_330 = arith.constant 0 : i32
      %dma_start3A_331 = tpu.memref_slice %arg6[%run_scoped3A_21, %dma_start3A_329, %dma_start3A_330] : memref<2x128x32xf32, #tpu.memory_space<vmem>> -> memref<1x128x32xf32, #tpu.memory_space<vmem>>
      %dma_start3A_332 = tpu.memref_squeeze %dma_start3A_331 : memref<1x128x32xf32, #tpu.memory_space<vmem>> -> memref<128x32xf32, #tpu.memory_space<vmem>>
      tpu.enqueue_dma source(%dma_start3A_332 : memref<128x32xf32, #tpu.memory_space<vmem>>) target(%dma_start3A_328 : memref<128x32xf32, #tpu.memory_space<vmem_shared>>) target_semaphore(%run_scoped3A_320 : memref<!tpu.dma_semaphore, #tpu.memory_space<semaphore_mem>>)
      %dma_wait3A_333 = arith.constant 0 : i32
      %dma_wait3A_334 = arith.constant 0 : i32
      %dma_wait3A_335 = tpu.memref_slice %arg6[%run_scoped3A_21, %dma_wait3A_333, %dma_wait3A_334] : memref<2x128x32xf32, #tpu.memory_space<vmem>> -> memref<1x128x32xf32, #tpu.memory_space<vmem>>
      %dma_wait3A_336 = tpu.memref_squeeze %dma_wait3A_335 : memref<1x128x32xf32, #tpu.memory_space<vmem>> -> memref<128x32xf32, #tpu.memory_space<vmem>>
      %dma_wait3A_337 = arith.constant 0 : i32
      %dma_wait3A_338 = tpu.memref_slice %arg7[%add3A_20, %dma_wait3A_337] : memref<10008x32xf32, #tpu.memory_space<vmem_shared>> -> memref<128x32xf32, #tpu.memory_space<vmem_shared>>
      %dma_wait3A_339 = arith.constant 0 : i32
      %dma_wait3A_340 = tpu.memref_slice %arg7[%add3A_20, %dma_wait3A_339] : memref<10008x32xf32, #tpu.memory_space<vmem_shared>> -> memref<128x32xf32, #tpu.memory_space<vmem_shared>>
      %dma_wait3A_341 = arith.constant 0 : i32
      %dma_wait3A_342 = arith.constant 0 : i32
      %dma_wait3A_343 = tpu.memref_slice %arg6[%run_scoped3A_21, %dma_wait3A_341, %dma_wait3A_342] : memref<2x128x32xf32, #tpu.memory_space<vmem>> -> memref<1x128x32xf32, #tpu.memory_space<vmem>>
      %dma_wait3A_344 = tpu.memref_squeeze %dma_wait3A_343 : memref<1x128x32xf32, #tpu.memory_space<vmem>> -> memref<128x32xf32, #tpu.memory_space<vmem>>
      tpu.wait_dma2 semaphore(%run_scoped3A_320 : memref<!tpu.dma_semaphore, #tpu.memory_space<semaphore_mem>>) src(%dma_wait3A_344 : memref<128x32xf32, #tpu.memory_space<vmem>>) dst(%dma_wait3A_340 : memref<128x32xf32, #tpu.memory_space<vmem_shared>>)
      tpu.yield
    }) : () -> ()
    %add3A_22 = arith.constant 512 : i32
    %add3A_23 = arith.addi %mul3A_10, %add3A_22 : i32
    %run_scoped3A_24 = arith.constant 0 : i32
    "tpu.region"() ({
      %run_scoped3A_320 = tpu.sem_alloc : memref<!tpu.dma_semaphore, #tpu.memory_space<semaphore_mem>>
      %dma_start3A_321 = arith.constant 0 : i32
      %dma_start3A_322 = arith.constant 0 : i32
      %dma_start3A_323 = tpu.memref_slice %arg6[%run_scoped3A_24, %dma_start3A_321, %dma_start3A_322] : memref<2x128x32xf32, #tpu.memory_space<vmem>> -> memref<1x112x32xf32, #tpu.memory_space<vmem>>
      %dma_start3A_324 = tpu.memref_squeeze %dma_start3A_323 : memref<1x112x32xf32, #tpu.memory_space<vmem>> -> memref<112x32xf32, #tpu.memory_space<vmem>>
      %dma_start3A_325 = arith.constant 0 : i32
      %dma_start3A_326 = tpu.memref_slice %arg7[%add3A_23, %dma_start3A_325] : memref<10008x32xf32, #tpu.memory_space<vmem_shared>> -> memref<112x32xf32, #tpu.memory_space<vmem_shared>>
      %dma_start3A_327 = arith.constant 0 : i32
      %dma_start3A_328 = tpu.memref_slice %arg7[%add3A_23, %dma_start3A_327] : memref<10008x32xf32, #tpu.memory_space<vmem_shared>> -> memref<112x32xf32, #tpu.memory_space<vmem_shared>>
      %dma_start3A_329 = arith.constant 0 : i32
      %dma_start3A_330 = arith.constant 0 : i32
      %dma_start3A_331 = tpu.memref_slice %arg6[%run_scoped3A_24, %dma_start3A_329, %dma_start3A_330] : memref<2x128x32xf32, #tpu.memory_space<vmem>> -> memref<1x112x32xf32, #tpu.memory_space<vmem>>
      %dma_start3A_332 = tpu.memref_squeeze %dma_start3A_331 : memref<1x112x32xf32, #tpu.memory_space<vmem>> -> memref<112x32xf32, #tpu.memory_space<vmem>>
      tpu.enqueue_dma source(%dma_start3A_332 : memref<112x32xf32, #tpu.memory_space<vmem>>) target(%dma_start3A_328 : memref<112x32xf32, #tpu.memory_space<vmem_shared>>) target_semaphore(%run_scoped3A_320 : memref<!tpu.dma_semaphore, #tpu.memory_space<semaphore_mem>>)
      %dma_wait3A_333 = arith.constant 0 : i32
      %dma_wait3A_334 = arith.constant 0 : i32
      %dma_wait3A_335 = tpu.memref_slice %arg6[%run_scoped3A_24, %dma_wait3A_333, %dma_wait3A_334] : memref<2x128x32xf32, #tpu.memory_space<vmem>> -> memref<1x112x32xf32, #tpu.memory_space<vmem>>
      %dma_wait3A_336 = tpu.memref_squeeze %dma_wait3A_335 : memref<1x112x32xf32, #tpu.memory_space<vmem>> -> memref<112x32xf32, #tpu.memory_space<vmem>>
      %dma_wait3A_337 = arith.constant 0 : i32
      %dma_wait3A_338 = tpu.memref_slice %arg7[%add3A_23, %dma_wait3A_337] : memref<10008x32xf32, #tpu.memory_space<vmem_shared>> -> memref<112x32xf32, #tpu.memory_space<vmem_shared>>
      %dma_wait3A_339 = arith.constant 0 : i32
      %dma_wait3A_340 = tpu.memref_slice %arg7[%add3A_23, %dma_wait3A_339] : memref<10008x32xf32, #tpu.memory_space<vmem_shared>> -> memref<112x32xf32, #tpu.memory_space<vmem_shared>>
      %dma_wait3A_341 = arith.constant 0 : i32
      %dma_wait3A_342 = arith.constant 0 : i32
      %dma_wait3A_343 = tpu.memref_slice %arg6[%run_scoped3A_24, %dma_wait3A_341, %dma_wait3A_342] : memref<2x128x32xf32, #tpu.memory_space<vmem>> -> memref<1x112x32xf32, #tpu.memory_space<vmem>>
      %dma_wait3A_344 = tpu.memref_squeeze %dma_wait3A_343 : memref<1x112x32xf32, #tpu.memory_space<vmem>> -> memref<112x32xf32, #tpu.memory_space<vmem>>
      tpu.wait_dma2 semaphore(%run_scoped3A_320 : memref<!tpu.dma_semaphore, #tpu.memory_space<semaphore_mem>>) src(%dma_wait3A_344 : memref<112x32xf32, #tpu.memory_space<vmem>>) dst(%dma_wait3A_340 : memref<112x32xf32, #tpu.memory_space<vmem_shared>>)
      tpu.yield
    }) : () -> ()
    %eq3A = arith.constant 15 : i32
    %eq3A_25 = arith.cmpi eq, %arg1, %eq3A : i32
    %convert_element_type3A = arith.extui %eq3A_25 : i1 to i32
    %cond3A = arith.constant 0 : i32
    %cond3A_26 = arith.cmpi ne, %convert_element_type3A, %cond3A : i32
    scf.if %cond3A_26 {
      %run_scoped3A_320 = arith.constant 0 : i32
      "tpu.region"() ({
        %run_scoped3A_321 = tpu.sem_alloc : memref<!tpu.dma_semaphore, #tpu.memory_space<semaphore_mem>>
        %dma_start3A_322 = arith.constant 0 : i32
        %dma_start3A_323 = arith.constant 0 : i32
        %dma_start3A_324 = tpu.memref_slice %arg6[%run_scoped3A_320, %dma_start3A_322, %dma_start3A_323] : memref<2x128x32xf32, #tpu.memory_space<vmem>> -> memref<1x16x32xf32, #tpu.memory_space<vmem>>
        %dma_start3A_325 = tpu.memref_squeeze %dma_start3A_324 : memref<1x16x32xf32, #tpu.memory_space<vmem>> -> memref<16x32xf32, #tpu.memory_space<vmem>>
        %dma_start3A_326 = arith.constant 9984 : i32
        %dma_start3A_327 = arith.constant 0 : i32
        %dma_start3A_328 = tpu.memref_slice %arg7[%dma_start3A_326, %dma_start3A_327] : memref<10008x32xf32, #tpu.memory_space<vmem_shared>> -> memref<16x32xf32, #tpu.memory_space<vmem_shared>>
        %dma_start3A_329 = arith.constant 9984 : i32
        %dma_start3A_330 = arith.constant 0 : i32
        %dma_start3A_331 = tpu.memref_slice %arg7[%dma_start3A_329, %dma_start3A_330] : memref<10008x32xf32, #tpu.memory_space<vmem_shared>> -> memref<16x32xf32, #tpu.memory_space<vmem_shared>>
        %dma_start3A_332 = arith.constant 0 : i32
        %dma_start3A_333 = arith.constant 0 : i32
        %dma_start3A_334 = tpu.memref_slice %arg6[%run_scoped3A_320, %dma_start3A_332, %dma_start3A_333] : memref<2x128x32xf32, #tpu.memory_space<vmem>> -> memref<1x16x32xf32, #tpu.memory_space<vmem>>
        %dma_start3A_335 = tpu.memref_squeeze %dma_start3A_334 : memref<1x16x32xf32, #tpu.memory_space<vmem>> -> memref<16x32xf32, #tpu.memory_space<vmem>>
        tpu.enqueue_dma source(%dma_start3A_335 : memref<16x32xf32, #tpu.memory_space<vmem>>) target(%dma_start3A_331 : memref<16x32xf32, #tpu.memory_space<vmem_shared>>) target_semaphore(%run_scoped3A_321 : memref<!tpu.dma_semaphore, #tpu.memory_space<semaphore_mem>>)
        %dma_wait3A_336 = arith.constant 0 : i32
        %dma_wait3A_337 = arith.constant 0 : i32
        %dma_wait3A_338 = tpu.memref_slice %arg6[%run_scoped3A_320, %dma_wait3A_336, %dma_wait3A_337] : memref<2x128x32xf32, #tpu.memory_space<vmem>> -> memref<1x16x32xf32, #tpu.memory_space<vmem>>
        %dma_wait3A_339 = tpu.memref_squeeze %dma_wait3A_338 : memref<1x16x32xf32, #tpu.memory_space<vmem>> -> memref<16x32xf32, #tpu.memory_space<vmem>>
        %dma_wait3A_340 = arith.constant 9984 : i32
        %dma_wait3A_341 = arith.constant 0 : i32
        %dma_wait3A_342 = tpu.memref_slice %arg7[%dma_wait3A_340, %dma_wait3A_341] : memref<10008x32xf32, #tpu.memory_space<vmem_shared>> -> memref<16x32xf32, #tpu.memory_space<vmem_shared>>
        %dma_wait3A_343 = arith.constant 9984 : i32
        %dma_wait3A_344 = arith.constant 0 : i32
        %dma_wait3A_345 = tpu.memref_slice %arg7[%dma_wait3A_343, %dma_wait3A_344] : memref<10008x32xf32, #tpu.memory_space<vmem_shared>> -> memref<16x32xf32, #tpu.memory_space<vmem_shared>>
        %dma_wait3A_346 = arith.constant 0 : i32
        %dma_wait3A_347 = arith.constant 0 : i32
        %dma_wait3A_348 = tpu.memref_slice %arg6[%run_scoped3A_320, %dma_wait3A_346, %dma_wait3A_347] : memref<2x128x32xf32, #tpu.memory_space<vmem>> -> memref<1x16x32xf32, #tpu.memory_space<vmem>>
        %dma_wait3A_349 = tpu.memref_squeeze %dma_wait3A_348 : memref<1x16x32xf32, #tpu.memory_space<vmem>> -> memref<16x32xf32, #tpu.memory_space<vmem>>
        tpu.wait_dma2 semaphore(%run_scoped3A_321 : memref<!tpu.dma_semaphore, #tpu.memory_space<semaphore_mem>>) src(%dma_wait3A_349 : memref<16x32xf32, #tpu.memory_space<vmem>>) dst(%dma_wait3A_345 : memref<16x32xf32, #tpu.memory_space<vmem_shared>>)
        tpu.yield
      }) : () -> ()
    } else {
    }
    %barrier3A = arith.constant 0 : index
    tpu.barrier barrier_id(%barrier3A)
    %add3A_27 = arith.constant 0 : i32
    %add3A_28 = arith.addi %mul3A_2, %add3A_27 : i32
    %dma_start3A = arith.constant 0 : i32
    %dma_start3A_29 = arith.constant 0 : i32
    %dma_start3A_30 = arith.constant 0 : i32
    %dma_start3A_31 = tpu.memref_slice %arg5[%dma_start3A, %dma_start3A_29, %dma_start3A_30] : memref<8x2x128xi32, #tpu.memory_space<vmem>> -> memref<1x2x128xi32, #tpu.memory_space<vmem>>
    %dma_start3A_32 = tpu.memref_squeeze %dma_start3A_31 : memref<1x2x128xi32, #tpu.memory_space<vmem>> -> memref<2x128xi32, #tpu.memory_space<vmem>>
    %dma_start3A_33 = arith.constant 0 : i32
    %dma_start3A_34 = arith.constant 0 : i32
    %dma_start3A_35 = tpu.memref_slice %arg3[%add3A_28, %dma_start3A_33, %dma_start3A_34] : memref<2568x2x128xi32, #tpu.memory_space<hbm>> -> memref<1x2x128xi32, #tpu.memory_space<hbm>>
    %dma_start3A_36 = tpu.memref_squeeze %dma_start3A_35 : memref<1x2x128xi32, #tpu.memory_space<hbm>> -> memref<2x128xi32, #tpu.memory_space<hbm>>
    %dma_start3A_37 = arith.constant 0 : i32
    %dma_start3A_38 = arith.constant 0 : i32
    %dma_start3A_39 = tpu.memref_slice %arg5[%dma_start3A, %dma_start3A_37, %dma_start3A_38] : memref<8x2x128xi32, #tpu.memory_space<vmem>> -> memref<1x2x128xi32, #tpu.memory_space<vmem>>
    %dma_start3A_40 = tpu.memref_squeeze %dma_start3A_39 : memref<1x2x128xi32, #tpu.memory_space<vmem>> -> memref<2x128xi32, #tpu.memory_space<vmem>>
    %dma_start3A_41 = arith.constant 0 : i32
    %dma_start3A_42 = arith.constant 0 : i32
    %dma_start3A_43 = tpu.memref_slice %arg3[%add3A_28, %dma_start3A_41, %dma_start3A_42] : memref<2568x2x128xi32, #tpu.memory_space<hbm>> -> memref<1x2x128xi32, #tpu.memory_space<hbm>>
    %dma_start3A_44 = tpu.memref_squeeze %dma_start3A_43 : memref<1x2x128xi32, #tpu.memory_space<hbm>> -> memref<2x128xi32, #tpu.memory_space<hbm>>
    tpu.enqueue_dma source(%dma_start3A_44 : memref<2x128xi32, #tpu.memory_space<hbm>>) target(%dma_start3A_40 : memref<2x128xi32, #tpu.memory_space<vmem>>) target_semaphore(%arg8 : memref<!tpu.dma_semaphore, #tpu.memory_space<semaphore_mem>>)
    %add3A_45 = arith.constant 1 : i32
    %add3A_46 = arith.addi %mul3A_2, %add3A_45 : i32
    %dma_start3A_47 = arith.constant 1 : i32
    %dma_start3A_48 = arith.constant 0 : i32
    %dma_start3A_49 = arith.constant 0 : i32
    %dma_start3A_50 = tpu.memref_slice %arg5[%dma_start3A_47, %dma_start3A_48, %dma_start3A_49] : memref<8x2x128xi32, #tpu.memory_space<vmem>> -> memref<1x2x128xi32, #tpu.memory_space<vmem>>
    %dma_start3A_51 = tpu.memref_squeeze %dma_start3A_50 : memref<1x2x128xi32, #tpu.memory_space<vmem>> -> memref<2x128xi32, #tpu.memory_space<vmem>>
    %dma_start3A_52 = arith.constant 0 : i32
    %dma_start3A_53 = arith.constant 0 : i32
    %dma_start3A_54 = tpu.memref_slice %arg3[%add3A_46, %dma_start3A_52, %dma_start3A_53] : memref<2568x2x128xi32, #tpu.memory_space<hbm>> -> memref<1x2x128xi32, #tpu.memory_space<hbm>>
    %dma_start3A_55 = tpu.memref_squeeze %dma_start3A_54 : memref<1x2x128xi32, #tpu.memory_space<hbm>> -> memref<2x128xi32, #tpu.memory_space<hbm>>
    %dma_start3A_56 = arith.constant 0 : i32
    %dma_start3A_57 = arith.constant 0 : i32
    %dma_start3A_58 = tpu.memref_slice %arg5[%dma_start3A_47, %dma_start3A_56, %dma_start3A_57] : memref<8x2x128xi32, #tpu.memory_space<vmem>> -> memref<1x2x128xi32, #tpu.memory_space<vmem>>
    %dma_start3A_59 = tpu.memref_squeeze %dma_start3A_58 : memref<1x2x128xi32, #tpu.memory_space<vmem>> -> memref<2x128xi32, #tpu.memory_space<vmem>>
    %dma_start3A_60 = arith.constant 0 : i32
    %dma_start3A_61 = arith.constant 0 : i32
    %dma_start3A_62 = tpu.memref_slice %arg3[%add3A_46, %dma_start3A_60, %dma_start3A_61] : memref<2568x2x128xi32, #tpu.memory_space<hbm>> -> memref<1x2x128xi32, #tpu.memory_space<hbm>>
    %dma_start3A_63 = tpu.memref_squeeze %dma_start3A_62 : memref<1x2x128xi32, #tpu.memory_space<hbm>> -> memref<2x128xi32, #tpu.memory_space<hbm>>
    tpu.enqueue_dma source(%dma_start3A_63 : memref<2x128xi32, #tpu.memory_space<hbm>>) target(%dma_start3A_59 : memref<2x128xi32, #tpu.memory_space<vmem>>) target_semaphore(%arg9 : memref<!tpu.dma_semaphore, #tpu.memory_space<semaphore_mem>>)
    %add3A_64 = arith.constant 2 : i32
    %add3A_65 = arith.addi %mul3A_2, %add3A_64 : i32
    %dma_start3A_66 = arith.constant 2 : i32
    %dma_start3A_67 = arith.constant 0 : i32
    %dma_start3A_68 = arith.constant 0 : i32
    %dma_start3A_69 = tpu.memref_slice %arg5[%dma_start3A_66, %dma_start3A_67, %dma_start3A_68] : memref<8x2x128xi32, #tpu.memory_space<vmem>> -> memref<1x2x128xi32, #tpu.memory_space<vmem>>
    %dma_start3A_70 = tpu.memref_squeeze %dma_start3A_69 : memref<1x2x128xi32, #tpu.memory_space<vmem>> -> memref<2x128xi32, #tpu.memory_space<vmem>>
    %dma_start3A_71 = arith.constant 0 : i32
    %dma_start3A_72 = arith.constant 0 : i32
    %dma_start3A_73 = tpu.memref_slice %arg3[%add3A_65, %dma_start3A_71, %dma_start3A_72] : memref<2568x2x128xi32, #tpu.memory_space<hbm>> -> memref<1x2x128xi32, #tpu.memory_space<hbm>>
    %dma_start3A_74 = tpu.memref_squeeze %dma_start3A_73 : memref<1x2x128xi32, #tpu.memory_space<hbm>> -> memref<2x128xi32, #tpu.memory_space<hbm>>
    %dma_start3A_75 = arith.constant 0 : i32
    %dma_start3A_76 = arith.constant 0 : i32
    %dma_start3A_77 = tpu.memref_slice %arg5[%dma_start3A_66, %dma_start3A_75, %dma_start3A_76] : memref<8x2x128xi32, #tpu.memory_space<vmem>> -> memref<1x2x128xi32, #tpu.memory_space<vmem>>
    %dma_start3A_78 = tpu.memref_squeeze %dma_start3A_77 : memref<1x2x128xi32, #tpu.memory_space<vmem>> -> memref<2x128xi32, #tpu.memory_space<vmem>>
    %dma_start3A_79 = arith.constant 0 : i32
    %dma_start3A_80 = arith.constant 0 : i32
    %dma_start3A_81 = tpu.memref_slice %arg3[%add3A_65, %dma_start3A_79, %dma_start3A_80] : memref<2568x2x128xi32, #tpu.memory_space<hbm>> -> memref<1x2x128xi32, #tpu.memory_space<hbm>>
    %dma_start3A_82 = tpu.memref_squeeze %dma_start3A_81 : memref<1x2x128xi32, #tpu.memory_space<hbm>> -> memref<2x128xi32, #tpu.memory_space<hbm>>
    tpu.enqueue_dma source(%dma_start3A_82 : memref<2x128xi32, #tpu.memory_space<hbm>>) target(%dma_start3A_78 : memref<2x128xi32, #tpu.memory_space<vmem>>) target_semaphore(%arg10 : memref<!tpu.dma_semaphore, #tpu.memory_space<semaphore_mem>>)
    %add3A_83 = arith.constant 3 : i32
    %add3A_84 = arith.addi %mul3A_2, %add3A_83 : i32
    %dma_start3A_85 = arith.constant 3 : i32
    %dma_start3A_86 = arith.constant 0 : i32
    %dma_start3A_87 = arith.constant 0 : i32
    %dma_start3A_88 = tpu.memref_slice %arg5[%dma_start3A_85, %dma_start3A_86, %dma_start3A_87] : memref<8x2x128xi32, #tpu.memory_space<vmem>> -> memref<1x2x128xi32, #tpu.memory_space<vmem>>
    %dma_start3A_89 = tpu.memref_squeeze %dma_start3A_88 : memref<1x2x128xi32, #tpu.memory_space<vmem>> -> memref<2x128xi32, #tpu.memory_space<vmem>>
    %dma_start3A_90 = arith.constant 0 : i32
    %dma_start3A_91 = arith.constant 0 : i32
    %dma_start3A_92 = tpu.memref_slice %arg3[%add3A_84, %dma_start3A_90, %dma_start3A_91] : memref<2568x2x128xi32, #tpu.memory_space<hbm>> -> memref<1x2x128xi32, #tpu.memory_space<hbm>>
    %dma_start3A_93 = tpu.memref_squeeze %dma_start3A_92 : memref<1x2x128xi32, #tpu.memory_space<hbm>> -> memref<2x128xi32, #tpu.memory_space<hbm>>
    %dma_start3A_94 = arith.constant 0 : i32
    %dma_start3A_95 = arith.constant 0 : i32
    %dma_start3A_96 = tpu.memref_slice %arg5[%dma_start3A_85, %dma_start3A_94, %dma_start3A_95] : memref<8x2x128xi32, #tpu.memory_space<vmem>> -> memref<1x2x128xi32, #tpu.memory_space<vmem>>
    %dma_start3A_97 = tpu.memref_squeeze %dma_start3A_96 : memref<1x2x128xi32, #tpu.memory_space<vmem>> -> memref<2x128xi32, #tpu.memory_space<vmem>>
    %dma_start3A_98 = arith.constant 0 : i32
    %dma_start3A_99 = arith.constant 0 : i32
    %dma_start3A_100 = tpu.memref_slice %arg3[%add3A_84, %dma_start3A_98, %dma_start3A_99] : memref<2568x2x128xi32, #tpu.memory_space<hbm>> -> memref<1x2x128xi32, #tpu.memory_space<hbm>>
    %dma_start3A_101 = tpu.memref_squeeze %dma_start3A_100 : memref<1x2x128xi32, #tpu.memory_space<hbm>> -> memref<2x128xi32, #tpu.memory_space<hbm>>
    tpu.enqueue_dma source(%dma_start3A_101 : memref<2x128xi32, #tpu.memory_space<hbm>>) target(%dma_start3A_97 : memref<2x128xi32, #tpu.memory_space<vmem>>) target_semaphore(%arg11 : memref<!tpu.dma_semaphore, #tpu.memory_space<semaphore_mem>>)
    %add3A_102 = arith.constant 4 : i32
    %add3A_103 = arith.addi %mul3A_2, %add3A_102 : i32
    %dma_start3A_104 = arith.constant 4 : i32
    %dma_start3A_105 = arith.constant 0 : i32
    %dma_start3A_106 = arith.constant 0 : i32
    %dma_start3A_107 = tpu.memref_slice %arg5[%dma_start3A_104, %dma_start3A_105, %dma_start3A_106] : memref<8x2x128xi32, #tpu.memory_space<vmem>> -> memref<1x2x128xi32, #tpu.memory_space<vmem>>
    %dma_start3A_108 = tpu.memref_squeeze %dma_start3A_107 : memref<1x2x128xi32, #tpu.memory_space<vmem>> -> memref<2x128xi32, #tpu.memory_space<vmem>>
    %dma_start3A_109 = arith.constant 0 : i32
    %dma_start3A_110 = arith.constant 0 : i32
    %dma_start3A_111 = tpu.memref_slice %arg3[%add3A_103, %dma_start3A_109, %dma_start3A_110] : memref<2568x2x128xi32, #tpu.memory_space<hbm>> -> memref<1x2x128xi32, #tpu.memory_space<hbm>>
    %dma_start3A_112 = tpu.memref_squeeze %dma_start3A_111 : memref<1x2x128xi32, #tpu.memory_space<hbm>> -> memref<2x128xi32, #tpu.memory_space<hbm>>
    %dma_start3A_113 = arith.constant 0 : i32
    %dma_start3A_114 = arith.constant 0 : i32
    %dma_start3A_115 = tpu.memref_slice %arg5[%dma_start3A_104, %dma_start3A_113, %dma_start3A_114] : memref<8x2x128xi32, #tpu.memory_space<vmem>> -> memref<1x2x128xi32, #tpu.memory_space<vmem>>
    %dma_start3A_116 = tpu.memref_squeeze %dma_start3A_115 : memref<1x2x128xi32, #tpu.memory_space<vmem>> -> memref<2x128xi32, #tpu.memory_space<vmem>>
    %dma_start3A_117 = arith.constant 0 : i32
    %dma_start3A_118 = arith.constant 0 : i32
    %dma_start3A_119 = tpu.memref_slice %arg3[%add3A_103, %dma_start3A_117, %dma_start3A_118] : memref<2568x2x128xi32, #tpu.memory_space<hbm>> -> memref<1x2x128xi32, #tpu.memory_space<hbm>>
    %dma_start3A_120 = tpu.memref_squeeze %dma_start3A_119 : memref<1x2x128xi32, #tpu.memory_space<hbm>> -> memref<2x128xi32, #tpu.memory_space<hbm>>
    tpu.enqueue_dma source(%dma_start3A_120 : memref<2x128xi32, #tpu.memory_space<hbm>>) target(%dma_start3A_116 : memref<2x128xi32, #tpu.memory_space<vmem>>) target_semaphore(%arg12 : memref<!tpu.dma_semaphore, #tpu.memory_space<semaphore_mem>>)
    %add3A_121 = arith.constant 5 : i32
    %add3A_122 = arith.addi %mul3A_2, %add3A_121 : i32
    %dma_start3A_123 = arith.constant 5 : i32
    %dma_start3A_124 = arith.constant 0 : i32
    %dma_start3A_125 = arith.constant 0 : i32
    %dma_start3A_126 = tpu.memref_slice %arg5[%dma_start3A_123, %dma_start3A_124, %dma_start3A_125] : memref<8x2x128xi32, #tpu.memory_space<vmem>> -> memref<1x2x128xi32, #tpu.memory_space<vmem>>
    %dma_start3A_127 = tpu.memref_squeeze %dma_start3A_126 : memref<1x2x128xi32, #tpu.memory_space<vmem>> -> memref<2x128xi32, #tpu.memory_space<vmem>>
    %dma_start3A_128 = arith.constant 0 : i32
    %dma_start3A_129 = arith.constant 0 : i32
    %dma_start3A_130 = tpu.memref_slice %arg3[%add3A_122, %dma_start3A_128, %dma_start3A_129] : memref<2568x2x128xi32, #tpu.memory_space<hbm>> -> memref<1x2x128xi32, #tpu.memory_space<hbm>>
    %dma_start3A_131 = tpu.memref_squeeze %dma_start3A_130 : memref<1x2x128xi32, #tpu.memory_space<hbm>> -> memref<2x128xi32, #tpu.memory_space<hbm>>
    %dma_start3A_132 = arith.constant 0 : i32
    %dma_start3A_133 = arith.constant 0 : i32
    %dma_start3A_134 = tpu.memref_slice %arg5[%dma_start3A_123, %dma_start3A_132, %dma_start3A_133] : memref<8x2x128xi32, #tpu.memory_space<vmem>> -> memref<1x2x128xi32, #tpu.memory_space<vmem>>
    %dma_start3A_135 = tpu.memref_squeeze %dma_start3A_134 : memref<1x2x128xi32, #tpu.memory_space<vmem>> -> memref<2x128xi32, #tpu.memory_space<vmem>>
    %dma_start3A_136 = arith.constant 0 : i32
    %dma_start3A_137 = arith.constant 0 : i32
    %dma_start3A_138 = tpu.memref_slice %arg3[%add3A_122, %dma_start3A_136, %dma_start3A_137] : memref<2568x2x128xi32, #tpu.memory_space<hbm>> -> memref<1x2x128xi32, #tpu.memory_space<hbm>>
    %dma_start3A_139 = tpu.memref_squeeze %dma_start3A_138 : memref<1x2x128xi32, #tpu.memory_space<hbm>> -> memref<2x128xi32, #tpu.memory_space<hbm>>
    tpu.enqueue_dma source(%dma_start3A_139 : memref<2x128xi32, #tpu.memory_space<hbm>>) target(%dma_start3A_135 : memref<2x128xi32, #tpu.memory_space<vmem>>) target_semaphore(%arg13 : memref<!tpu.dma_semaphore, #tpu.memory_space<semaphore_mem>>)
    %add3A_140 = arith.constant 6 : i32
    %add3A_141 = arith.addi %mul3A_2, %add3A_140 : i32
    %dma_start3A_142 = arith.constant 6 : i32
    %dma_start3A_143 = arith.constant 0 : i32
    %dma_start3A_144 = arith.constant 0 : i32
    %dma_start3A_145 = tpu.memref_slice %arg5[%dma_start3A_142, %dma_start3A_143, %dma_start3A_144] : memref<8x2x128xi32, #tpu.memory_space<vmem>> -> memref<1x2x128xi32, #tpu.memory_space<vmem>>
    %dma_start3A_146 = tpu.memref_squeeze %dma_start3A_145 : memref<1x2x128xi32, #tpu.memory_space<vmem>> -> memref<2x128xi32, #tpu.memory_space<vmem>>
    %dma_start3A_147 = arith.constant 0 : i32
    %dma_start3A_148 = arith.constant 0 : i32
    %dma_start3A_149 = tpu.memref_slice %arg3[%add3A_141, %dma_start3A_147, %dma_start3A_148] : memref<2568x2x128xi32, #tpu.memory_space<hbm>> -> memref<1x2x128xi32, #tpu.memory_space<hbm>>
    %dma_start3A_150 = tpu.memref_squeeze %dma_start3A_149 : memref<1x2x128xi32, #tpu.memory_space<hbm>> -> memref<2x128xi32, #tpu.memory_space<hbm>>
    %dma_start3A_151 = arith.constant 0 : i32
    %dma_start3A_152 = arith.constant 0 : i32
    %dma_start3A_153 = tpu.memref_slice %arg5[%dma_start3A_142, %dma_start3A_151, %dma_start3A_152] : memref<8x2x128xi32, #tpu.memory_space<vmem>> -> memref<1x2x128xi32, #tpu.memory_space<vmem>>
    %dma_start3A_154 = tpu.memref_squeeze %dma_start3A_153 : memref<1x2x128xi32, #tpu.memory_space<vmem>> -> memref<2x128xi32, #tpu.memory_space<vmem>>
    %dma_start3A_155 = arith.constant 0 : i32
    %dma_start3A_156 = arith.constant 0 : i32
    %dma_start3A_157 = tpu.memref_slice %arg3[%add3A_141, %dma_start3A_155, %dma_start3A_156] : memref<2568x2x128xi32, #tpu.memory_space<hbm>> -> memref<1x2x128xi32, #tpu.memory_space<hbm>>
    %dma_start3A_158 = tpu.memref_squeeze %dma_start3A_157 : memref<1x2x128xi32, #tpu.memory_space<hbm>> -> memref<2x128xi32, #tpu.memory_space<hbm>>
    tpu.enqueue_dma source(%dma_start3A_158 : memref<2x128xi32, #tpu.memory_space<hbm>>) target(%dma_start3A_154 : memref<2x128xi32, #tpu.memory_space<vmem>>) target_semaphore(%arg14 : memref<!tpu.dma_semaphore, #tpu.memory_space<semaphore_mem>>)
    %scan3A_159 = arith.constant 0 : i32
    %scan3A_160 = arith.constant 0 : i32
    %scan3A_161 = arith.constant 10 : i32
    %scan3A_162 = arith.addi %scan3A_160, %scan3A_161 : i32
    %scan3A_163 = arith.constant 1 : i32
    %scan3A_164 = scf.for %scan3A_320 = %scan3A_160 to %scan3A_162 step %scan3A_163 iter_args(%scan3A_321 = %scan3A_159) -> (i32)  : i32 {
      %mul3A_322 = arith.constant 8 : i32
      %mul3A_323 = arith.muli %scan3A_320, %mul3A_322 : i32
      %add3A_324 = arith.constant 0 : i32
      %add3A_325 = arith.addi %mul3A_323, %add3A_324 : i32
      %add3A_326 = arith.addi %mul3A_2, %add3A_325 : i32
      %dma_wait3A_327 = arith.constant 0 : i32
      %dma_wait3A_328 = arith.constant 0 : i32
      %dma_wait3A_329 = arith.constant 0 : i32
      %dma_wait3A_330 = tpu.memref_slice %arg5[%dma_wait3A_327, %dma_wait3A_328, %dma_wait3A_329] : memref<8x2x128xi32, #tpu.memory_space<vmem>> -> memref<1x2x128xi32, #tpu.memory_space<vmem>>
      %dma_wait3A_331 = tpu.memref_squeeze %dma_wait3A_330 : memref<1x2x128xi32, #tpu.memory_space<vmem>> -> memref<2x128xi32, #tpu.memory_space<vmem>>
      %dma_wait3A_332 = arith.constant 0 : i32
      %dma_wait3A_333 = arith.constant 0 : i32
      %dma_wait3A_334 = tpu.memref_slice %arg3[%add3A_326, %dma_wait3A_332, %dma_wait3A_333] : memref<2568x2x128xi32, #tpu.memory_space<hbm>> -> memref<1x2x128xi32, #tpu.memory_space<hbm>>
      %dma_wait3A_335 = tpu.memref_squeeze %dma_wait3A_334 : memref<1x2x128xi32, #tpu.memory_space<hbm>> -> memref<2x128xi32, #tpu.memory_space<hbm>>
      %dma_wait3A_336 = arith.constant 0 : i32
      %dma_wait3A_337 = arith.constant 0 : i32
      %dma_wait3A_338 = tpu.memref_slice %arg5[%dma_wait3A_327, %dma_wait3A_336, %dma_wait3A_337] : memref<8x2x128xi32, #tpu.memory_space<vmem>> -> memref<1x2x128xi32, #tpu.memory_space<vmem>>
      %dma_wait3A_339 = tpu.memref_squeeze %dma_wait3A_338 : memref<1x2x128xi32, #tpu.memory_space<vmem>> -> memref<2x128xi32, #tpu.memory_space<vmem>>
      %dma_wait3A_340 = arith.constant 0 : i32
      %dma_wait3A_341 = arith.constant 0 : i32
      %dma_wait3A_342 = tpu.memref_slice %arg3[%add3A_326, %dma_wait3A_340, %dma_wait3A_341] : memref<2568x2x128xi32, #tpu.memory_space<hbm>> -> memref<1x2x128xi32, #tpu.memory_space<hbm>>
      %dma_wait3A_343 = tpu.memref_squeeze %dma_wait3A_342 : memref<1x2x128xi32, #tpu.memory_space<hbm>> -> memref<2x128xi32, #tpu.memory_space<hbm>>
      tpu.wait_dma2 semaphore(%arg8 : memref<!tpu.dma_semaphore, #tpu.memory_space<semaphore_mem>>) src(%dma_wait3A_343 : memref<2x128xi32, #tpu.memory_space<hbm>>) dst(%dma_wait3A_339 : memref<2x128xi32, #tpu.memory_space<vmem>>)
      %dma_start3A_344 = arith.constant 0 : i32
      %dma_start3A_345 = arith.constant 0 : i32
      %dma_start3A_346 = arith.constant 0 : i32
      %dma_start3A_347 = arith.constant 0 : i32
      %dma_start3A_348 = arith.constant 0 : i32
      %dma_start3A_349 = tpu.memref_slice %arg6[%dma_start3A_346, %dma_start3A_347, %dma_start3A_348] : memref<2x128x32xf32, #tpu.memory_space<vmem>> -> memref<1x128x32xf32, #tpu.memory_space<vmem>>
      %dma_start3A_350 = tpu.memref_squeeze %dma_start3A_349 : memref<1x128x32xf32, #tpu.memory_space<vmem>> -> memref<128x32xf32, #tpu.memory_space<vmem>>
      %dma_start3A_351 = arith.constant 0 : i32
      %dma_start3A_352 = tpu.memref_slice %arg5[%dma_start3A_344, %dma_start3A_345, %dma_start3A_351] : memref<8x2x128xi32, #tpu.memory_space<vmem>> -> memref<1x1x128xi32, #tpu.memory_space<vmem>>
      %dma_start3A_353 = tpu.memref_squeeze %dma_start3A_352 : memref<1x1x128xi32, #tpu.memory_space<vmem>> -> memref<128xi32, #tpu.memory_space<vmem>>
      %dma_start3A_354 = arith.constant 0 : i32
      %dma_start3A_355 = arith.constant 0 : i32
      %dma_start3A_356 = tpu.memref_slice %arg2[%dma_start3A_354, %dma_start3A_355] : memref<10000x32xf32, #tpu.memory_space<hbm>> -> memref<10000x32xf32, #tpu.memory_space<hbm>>
      tpu.enqueue_indirect_dma source(%dma_start3A_356 : memref<10000x32xf32, #tpu.memory_space<hbm>>) target(%dma_start3A_350 : memref<128x32xf32, #tpu.memory_space<vmem>>) offsets(%dma_start3A_353 : memref<128xi32, #tpu.memory_space<vmem>>) semaphore(%arg16 : memref<!tpu.dma_semaphore, #tpu.memory_space<semaphore_mem>>)
      %ge3A = arith.constant 1 : i32
      %ge3A_357 = arith.cmpi sge, %add3A_325, %ge3A : i32
      %convert_element_type3A_358 = arith.extui %ge3A_357 : i1 to i32
      %cond3A_359 = arith.constant 0 : i32
      %cond3A_360 = arith.cmpi ne, %convert_element_type3A_358, %cond3A_359 : i32
      scf.if %cond3A_360 {
        %sub3A_894 = arith.constant 1 : i32
        %sub3A_895 = arith.subi %add3A_325, %sub3A_894 : i32
        %dma_wait3A_896 = arith.constant 7 : i32
        %dma_wait3A_897 = arith.constant 0 : i32
        %dma_wait3A_898 = arith.constant 1 : i32
        %dma_wait3A_899 = arith.constant 0 : i32
        %dma_wait3A_900 = arith.constant 0 : i32
        %dma_wait3A_901 = tpu.memref_slice %arg6[%dma_wait3A_898, %dma_wait3A_899, %dma_wait3A_900] : memref<2x128x32xf32, #tpu.memory_space<vmem>> -> memref<1x128x32xf32, #tpu.memory_space<vmem>>
        %dma_wait3A_902 = tpu.memref_squeeze %dma_wait3A_901 : memref<1x128x32xf32, #tpu.memory_space<vmem>> -> memref<128x32xf32, #tpu.memory_space<vmem>>
        %dma_wait3A_903 = arith.constant 0 : i32
        %dma_wait3A_904 = tpu.memref_slice %arg5[%dma_wait3A_896, %dma_wait3A_897, %dma_wait3A_903] : memref<8x2x128xi32, #tpu.memory_space<vmem>> -> memref<1x1x128xi32, #tpu.memory_space<vmem>>
        %dma_wait3A_905 = tpu.memref_squeeze %dma_wait3A_904 : memref<1x1x128xi32, #tpu.memory_space<vmem>> -> memref<128xi32, #tpu.memory_space<vmem>>
        %dma_wait3A_906 = arith.constant 0 : i32
        %dma_wait3A_907 = arith.constant 0 : i32
        %dma_wait3A_908 = tpu.memref_slice %arg2[%dma_wait3A_906, %dma_wait3A_907] : memref<10000x32xf32, #tpu.memory_space<hbm>> -> memref<10000x32xf32, #tpu.memory_space<hbm>>
        tpu.wait_indirect_dma semaphore(%arg17 : memref<!tpu.dma_semaphore, #tpu.memory_space<semaphore_mem>>) src(%dma_wait3A_908 : memref<10000x32xf32, #tpu.memory_space<hbm>>) dst(%dma_wait3A_902 : memref<128x32xf32, #tpu.memory_space<vmem>>)
        %run_scoped3A_909 = arith.constant 1 : i32
        %run_scoped3A_910 = arith.constant 7 : i32
        %run_scoped3A_911 = arith.constant 1 : i32
        "tpu.region"() ({
          %run_scoped3A_912 = tpu.sem_alloc : memref<!tpu.dma_semaphore, #tpu.memory_space<semaphore_mem>>
          %dma_start3A_913 = arith.constant 0 : i32
          %dma_start3A_914 = arith.constant 0 : i32
          %dma_start3A_915 = tpu.memref_slice %arg6[%run_scoped3A_909, %dma_start3A_913, %dma_start3A_914] : memref<2x128x32xf32, #tpu.memory_space<vmem>> -> memref<1x128x32xf32, #tpu.memory_space<vmem>>
          %dma_start3A_916 = tpu.memref_squeeze %dma_start3A_915 : memref<1x128x32xf32, #tpu.memory_space<vmem>> -> memref<128x32xf32, #tpu.memory_space<vmem>>
          %dma_start3A_917 = arith.constant 0 : i32
          %dma_start3A_918 = tpu.memref_slice %arg5[%run_scoped3A_910, %run_scoped3A_911, %dma_start3A_917] : memref<8x2x128xi32, #tpu.memory_space<vmem>> -> memref<1x1x128xi32, #tpu.memory_space<vmem>>
          %dma_start3A_919 = tpu.memref_squeeze %dma_start3A_918 : memref<1x1x128xi32, #tpu.memory_space<vmem>> -> memref<128xi32, #tpu.memory_space<vmem>>
          %dma_start3A_920 = arith.constant 0 : i32
          %dma_start3A_921 = arith.constant 0 : i32
          %dma_start3A_922 = tpu.memref_slice %arg7[%dma_start3A_920, %dma_start3A_921] : memref<10008x32xf32, #tpu.memory_space<vmem_shared>> -> memref<10008x32xf32, #tpu.memory_space<vmem_shared>>
          tpu.enqueue_indirect_dma source(%dma_start3A_916 : memref<128x32xf32, #tpu.memory_space<vmem>>) target(%dma_start3A_922 : memref<10008x32xf32, #tpu.memory_space<vmem_shared>>) offsets(%dma_start3A_919 : memref<128xi32, #tpu.memory_space<vmem>>) semaphore(%run_scoped3A_912 : memref<!tpu.dma_semaphore, #tpu.memory_space<semaphore_mem>>) {add = true}
          %dma_wait3A_923 = arith.constant 0 : i32
          %dma_wait3A_924 = arith.constant 0 : i32
          %dma_wait3A_925 = tpu.memref_slice %arg6[%run_scoped3A_909, %dma_wait3A_923, %dma_wait3A_924] : memref<2x128x32xf32, #tpu.memory_space<vmem>> -> memref<1x128x32xf32, #tpu.memory_space<vmem>>
          %dma_wait3A_926 = tpu.memref_squeeze %dma_wait3A_925 : memref<1x128x32xf32, #tpu.memory_space<vmem>> -> memref<128x32xf32, #tpu.memory_space<vmem>>
          %dma_wait3A_927 = arith.constant 0 : i32
          %dma_wait3A_928 = tpu.memref_slice %arg5[%run_scoped3A_910, %run_scoped3A_911, %dma_wait3A_927] : memref<8x2x128xi32, #tpu.memory_space<vmem>> -> memref<1x1x128xi32, #tpu.memory_space<vmem>>
          %dma_wait3A_929 = tpu.memref_squeeze %dma_wait3A_928 : memref<1x1x128xi32, #tpu.memory_space<vmem>> -> memref<128xi32, #tpu.memory_space<vmem>>
          %dma_wait3A_930 = arith.constant 0 : i32
          %dma_wait3A_931 = arith.constant 0 : i32
          %dma_wait3A_932 = tpu.memref_slice %arg7[%dma_wait3A_930, %dma_wait3A_931] : memref<10008x32xf32, #tpu.memory_space<vmem_shared>> -> memref<10008x32xf32, #tpu.memory_space<vmem_shared>>
          tpu.wait_indirect_dma semaphore(%run_scoped3A_912 : memref<!tpu.dma_semaphore, #tpu.memory_space<semaphore_mem>>) src(%dma_wait3A_926 : memref<128x32xf32, #tpu.memory_space<vmem>>) dst(%dma_wait3A_932 : memref<10008x32xf32, #tpu.memory_space<vmem_shared>>)
          tpu.yield
        }) : () -> ()
      } else {
      }
      %add3A_361 = arith.constant 8 : i32
      %add3A_362 = arith.addi %add3A_325, %add3A_361 : i32
      %sub3A = arith.constant 1 : i32
      %sub3A_363 = arith.subi %add3A_362, %sub3A : i32
      %add3A_364 = arith.addi %mul3A_2, %sub3A_363 : i32
      %dma_start3A_365 = arith.constant 7 : i32
      %dma_start3A_366 = arith.constant 0 : i32
      %dma_start3A_367 = arith.constant 0 : i32
      %dma_start3A_368 = tpu.memref_slice %arg5[%dma_start3A_365, %dma_start3A_366, %dma_start3A_367] : memref<8x2x128xi32, #tpu.memory_space<vmem>> -> memref<1x2x128xi32, #tpu.memory_space<vmem>>
      %dma_start3A_369 = tpu.memref_squeeze %dma_start3A_368 : memref<1x2x128xi32, #tpu.memory_space<vmem>> -> memref<2x128xi32, #tpu.memory_space<vmem>>
      %dma_start3A_370 = arith.constant 0 : i32
      %dma_start3A_371 = arith.constant 0 : i32
      %dma_start3A_372 = tpu.memref_slice %arg3[%add3A_364, %dma_start3A_370, %dma_start3A_371] : memref<2568x2x128xi32, #tpu.memory_space<hbm>> -> memref<1x2x128xi32, #tpu.memory_space<hbm>>
      %dma_start3A_373 = tpu.memref_squeeze %dma_start3A_372 : memref<1x2x128xi32, #tpu.memory_space<hbm>> -> memref<2x128xi32, #tpu.memory_space<hbm>>
      %dma_start3A_374 = arith.constant 0 : i32
      %dma_start3A_375 = arith.constant 0 : i32
      %dma_start3A_376 = tpu.memref_slice %arg5[%dma_start3A_365, %dma_start3A_374, %dma_start3A_375] : memref<8x2x128xi32, #tpu.memory_space<vmem>> -> memref<1x2x128xi32, #tpu.memory_space<vmem>>
      %dma_start3A_377 = tpu.memref_squeeze %dma_start3A_376 : memref<1x2x128xi32, #tpu.memory_space<vmem>> -> memref<2x128xi32, #tpu.memory_space<vmem>>
      %dma_start3A_378 = arith.constant 0 : i32
      %dma_start3A_379 = arith.constant 0 : i32
      %dma_start3A_380 = tpu.memref_slice %arg3[%add3A_364, %dma_start3A_378, %dma_start3A_379] : memref<2568x2x128xi32, #tpu.memory_space<hbm>> -> memref<1x2x128xi32, #tpu.memory_space<hbm>>
      %dma_start3A_381 = tpu.memref_squeeze %dma_start3A_380 : memref<1x2x128xi32, #tpu.memory_space<hbm>> -> memref<2x128xi32, #tpu.memory_space<hbm>>
      tpu.enqueue_dma source(%dma_start3A_381 : memref<2x128xi32, #tpu.memory_space<hbm>>) target(%dma_start3A_377 : memref<2x128xi32, #tpu.memory_space<vmem>>) target_semaphore(%arg15 : memref<!tpu.dma_semaphore, #tpu.memory_space<semaphore_mem>>)
      %add3A_382 = arith.constant 1 : i32
      %add3A_383 = arith.addi %mul3A_323, %add3A_382 : i32
      %add3A_384 = arith.addi %mul3A_2, %add3A_383 : i32
      %dma_wait3A_385 = arith.constant 1 : i32
      %dma_wait3A_386 = arith.constant 0 : i32
      %dma_wait3A_387 = arith.constant 0 : i32
      %dma_wait3A_388 = tpu.memref_slice %arg5[%dma_wait3A_385, %dma_wait3A_386, %dma_wait3A_387] : memref<8x2x128xi32, #tpu.memory_space<vmem>> -> memref<1x2x128xi32, #tpu.memory_space<vmem>>
      %dma_wait3A_389 = tpu.memref_squeeze %dma_wait3A_388 : memref<1x2x128xi32, #tpu.memory_space<vmem>> -> memref<2x128xi32, #tpu.memory_space<vmem>>
      %dma_wait3A_390 = arith.constant 0 : i32
      %dma_wait3A_391 = arith.constant 0 : i32
      %dma_wait3A_392 = tpu.memref_slice %arg3[%add3A_384, %dma_wait3A_390, %dma_wait3A_391] : memref<2568x2x128xi32, #tpu.memory_space<hbm>> -> memref<1x2x128xi32, #tpu.memory_space<hbm>>
      %dma_wait3A_393 = tpu.memref_squeeze %dma_wait3A_392 : memref<1x2x128xi32, #tpu.memory_space<hbm>> -> memref<2x128xi32, #tpu.memory_space<hbm>>
      %dma_wait3A_394 = arith.constant 0 : i32
      %dma_wait3A_395 = arith.constant 0 : i32
      %dma_wait3A_396 = tpu.memref_slice %arg5[%dma_wait3A_385, %dma_wait3A_394, %dma_wait3A_395] : memref<8x2x128xi32, #tpu.memory_space<vmem>> -> memref<1x2x128xi32, #tpu.memory_space<vmem>>
      %dma_wait3A_397 = tpu.memref_squeeze %dma_wait3A_396 : memref<1x2x128xi32, #tpu.memory_space<vmem>> -> memref<2x128xi32, #tpu.memory_space<vmem>>
      %dma_wait3A_398 = arith.constant 0 : i32
      %dma_wait3A_399 = arith.constant 0 : i32
      %dma_wait3A_400 = tpu.memref_slice %arg3[%add3A_384, %dma_wait3A_398, %dma_wait3A_399] : memref<2568x2x128xi32, #tpu.memory_space<hbm>> -> memref<1x2x128xi32, #tpu.memory_space<hbm>>
      %dma_wait3A_401 = tpu.memref_squeeze %dma_wait3A_400 : memref<1x2x128xi32, #tpu.memory_space<hbm>> -> memref<2x128xi32, #tpu.memory_space<hbm>>
      tpu.wait_dma2 semaphore(%arg9 : memref<!tpu.dma_semaphore, #tpu.memory_space<semaphore_mem>>) src(%dma_wait3A_401 : memref<2x128xi32, #tpu.memory_space<hbm>>) dst(%dma_wait3A_397 : memref<2x128xi32, #tpu.memory_space<vmem>>)
      %dma_start3A_402 = arith.constant 1 : i32
      %dma_start3A_403 = arith.constant 0 : i32
      %dma_start3A_404 = arith.constant 1 : i32
      %dma_start3A_405 = arith.constant 0 : i32
      %dma_start3A_406 = arith.constant 0 : i32
      %dma_start3A_407 = tpu.memref_slice %arg6[%dma_start3A_404, %dma_start3A_405, %dma_start3A_406] : memref<2x128x32xf32, #tpu.memory_space<vmem>> -> memref<1x128x32xf32, #tpu.memory_space<vmem>>
      %dma_start3A_408 = tpu.memref_squeeze %dma_start3A_407 : memref<1x128x32xf32, #tpu.memory_space<vmem>> -> memref<128x32xf32, #tpu.memory_space<vmem>>
      %dma_start3A_409 = arith.constant 0 : i32
      %dma_start3A_410 = tpu.memref_slice %arg5[%dma_start3A_402, %dma_start3A_403, %dma_start3A_409] : memref<8x2x128xi32, #tpu.memory_space<vmem>> -> memref<1x1x128xi32, #tpu.memory_space<vmem>>
      %dma_start3A_411 = tpu.memref_squeeze %dma_start3A_410 : memref<1x1x128xi32, #tpu.memory_space<vmem>> -> memref<128xi32, #tpu.memory_space<vmem>>
      %dma_start3A_412 = arith.constant 0 : i32
      %dma_start3A_413 = arith.constant 0 : i32
      %dma_start3A_414 = tpu.memref_slice %arg2[%dma_start3A_412, %dma_start3A_413] : memref<10000x32xf32, #tpu.memory_space<hbm>> -> memref<10000x32xf32, #tpu.memory_space<hbm>>
      tpu.enqueue_indirect_dma source(%dma_start3A_414 : memref<10000x32xf32, #tpu.memory_space<hbm>>) target(%dma_start3A_408 : memref<128x32xf32, #tpu.memory_space<vmem>>) offsets(%dma_start3A_411 : memref<128xi32, #tpu.memory_space<vmem>>) semaphore(%arg17 : memref<!tpu.dma_semaphore, #tpu.memory_space<semaphore_mem>>)
      %sub3A_415 = arith.constant 1 : i32
      %sub3A_416 = arith.subi %add3A_383, %sub3A_415 : i32
      %dma_wait3A_417 = arith.constant 0 : i32
      %dma_wait3A_418 = arith.constant 0 : i32
      %dma_wait3A_419 = arith.constant 0 : i32
      %dma_wait3A_420 = arith.constant 0 : i32
      %dma_wait3A_421 = arith.constant 0 : i32
      %dma_wait3A_422 = tpu.memref_slice %arg6[%dma_wait3A_419, %dma_wait3A_420, %dma_wait3A_421] : memref<2x128x32xf32, #tpu.memory_space<vmem>> -> memref<1x128x32xf32, #tpu.memory_space<vmem>>
      %dma_wait3A_423 = tpu.memref_squeeze %dma_wait3A_422 : memref<1x128x32xf32, #tpu.memory_space<vmem>> -> memref<128x32xf32, #tpu.memory_space<vmem>>
      %dma_wait3A_424 = arith.constant 0 : i32
      %dma_wait3A_425 = tpu.memref_slice %arg5[%dma_wait3A_417, %dma_wait3A_418, %dma_wait3A_424] : memref<8x2x128xi32, #tpu.memory_space<vmem>> -> memref<1x1x128xi32, #tpu.memory_space<vmem>>
      %dma_wait3A_426 = tpu.memref_squeeze %dma_wait3A_425 : memref<1x1x128xi32, #tpu.memory_space<vmem>> -> memref<128xi32, #tpu.memory_space<vmem>>
      %dma_wait3A_427 = arith.constant 0 : i32
      %dma_wait3A_428 = arith.constant 0 : i32
      %dma_wait3A_429 = tpu.memref_slice %arg2[%dma_wait3A_427, %dma_wait3A_428] : memref<10000x32xf32, #tpu.memory_space<hbm>> -> memref<10000x32xf32, #tpu.memory_space<hbm>>
      tpu.wait_indirect_dma semaphore(%arg16 : memref<!tpu.dma_semaphore, #tpu.memory_space<semaphore_mem>>) src(%dma_wait3A_429 : memref<10000x32xf32, #tpu.memory_space<hbm>>) dst(%dma_wait3A_423 : memref<128x32xf32, #tpu.memory_space<vmem>>)
      %run_scoped3A_430 = arith.constant 0 : i32
      %run_scoped3A_431 = arith.constant 0 : i32
      %run_scoped3A_432 = arith.constant 1 : i32
      "tpu.region"() ({
        %run_scoped3A_894 = tpu.sem_alloc : memref<!tpu.dma_semaphore, #tpu.memory_space<semaphore_mem>>
        %dma_start3A_895 = arith.constant 0 : i32
        %dma_start3A_896 = arith.constant 0 : i32
        %dma_start3A_897 = tpu.memref_slice %arg6[%run_scoped3A_430, %dma_start3A_895, %dma_start3A_896] : memref<2x128x32xf32, #tpu.memory_space<vmem>> -> memref<1x128x32xf32, #tpu.memory_space<vmem>>
        %dma_start3A_898 = tpu.memref_squeeze %dma_start3A_897 : memref<1x128x32xf32, #tpu.memory_space<vmem>> -> memref<128x32xf32, #tpu.memory_space<vmem>>
        %dma_start3A_899 = arith.constant 0 : i32
        %dma_start3A_900 = tpu.memref_slice %arg5[%run_scoped3A_431, %run_scoped3A_432, %dma_start3A_899] : memref<8x2x128xi32, #tpu.memory_space<vmem>> -> memref<1x1x128xi32, #tpu.memory_space<vmem>>
        %dma_start3A_901 = tpu.memref_squeeze %dma_start3A_900 : memref<1x1x128xi32, #tpu.memory_space<vmem>> -> memref<128xi32, #tpu.memory_space<vmem>>
        %dma_start3A_902 = arith.constant 0 : i32
        %dma_start3A_903 = arith.constant 0 : i32
        %dma_start3A_904 = tpu.memref_slice %arg7[%dma_start3A_902, %dma_start3A_903] : memref<10008x32xf32, #tpu.memory_space<vmem_shared>> -> memref<10008x32xf32, #tpu.memory_space<vmem_shared>>
        tpu.enqueue_indirect_dma source(%dma_start3A_898 : memref<128x32xf32, #tpu.memory_space<vmem>>) target(%dma_start3A_904 : memref<10008x32xf32, #tpu.memory_space<vmem_shared>>) offsets(%dma_start3A_901 : memref<128xi32, #tpu.memory_space<vmem>>) semaphore(%run_scoped3A_894 : memref<!tpu.dma_semaphore, #tpu.memory_space<semaphore_mem>>) {add = true}
        %dma_wait3A_905 = arith.constant 0 : i32
        %dma_wait3A_906 = arith.constant 0 : i32
        %dma_wait3A_907 = tpu.memref_slice %arg6[%run_scoped3A_430, %dma_wait3A_905, %dma_wait3A_906] : memref<2x128x32xf32, #tpu.memory_space<vmem>> -> memref<1x128x32xf32, #tpu.memory_space<vmem>>
        %dma_wait3A_908 = tpu.memref_squeeze %dma_wait3A_907 : memref<1x128x32xf32, #tpu.memory_space<vmem>> -> memref<128x32xf32, #tpu.memory_space<vmem>>
        %dma_wait3A_909 = arith.constant 0 : i32
        %dma_wait3A_910 = tpu.memref_slice %arg5[%run_scoped3A_431, %run_scoped3A_432, %dma_wait3A_909] : memref<8x2x128xi32, #tpu.memory_space<vmem>> -> memref<1x1x128xi32, #tpu.memory_space<vmem>>
        %dma_wait3A_911 = tpu.memref_squeeze %dma_wait3A_910 : memref<1x1x128xi32, #tpu.memory_space<vmem>> -> memref<128xi32, #tpu.memory_space<vmem>>
        %dma_wait3A_912 = arith.constant 0 : i32
        %dma_wait3A_913 = arith.constant 0 : i32
        %dma_wait3A_914 = tpu.memref_slice %arg7[%dma_wait3A_912, %dma_wait3A_913] : memref<10008x32xf32, #tpu.memory_space<vmem_shared>> -> memref<10008x32xf32, #tpu.memory_space<vmem_shared>>
        tpu.wait_indirect_dma semaphore(%run_scoped3A_894 : memref<!tpu.dma_semaphore, #tpu.memory_space<semaphore_mem>>) src(%dma_wait3A_908 : memref<128x32xf32, #tpu.memory_space<vmem>>) dst(%dma_wait3A_914 : memref<10008x32xf32, #tpu.memory_space<vmem_shared>>)
        tpu.yield
      }) : () -> ()
      %add3A_433 = arith.constant 8 : i32
      %add3A_434 = arith.addi %add3A_383, %add3A_433 : i32
      %sub3A_435 = arith.constant 1 : i32
      %sub3A_436 = arith.subi %add3A_434, %sub3A_435 : i32
      %add3A_437 = arith.addi %mul3A_2, %sub3A_436 : i32
      %dma_start3A_438 = arith.constant 0 : i32
      %dma_start3A_439 = arith.constant 0 : i32
      %dma_start3A_440 = arith.constant 0 : i32
      %dma_start3A_441 = tpu.memref_slice %arg5[%dma_start3A_438, %dma_start3A_439, %dma_start3A_440] : memref<8x2x128xi32, #tpu.memory_space<vmem>> -> memref<1x2x128xi32, #tpu.memory_space<vmem>>
      %dma_start3A_442 = tpu.memref_squeeze %dma_start3A_441 : memref<1x2x128xi32, #tpu.memory_space<vmem>> -> memref<2x128xi32, #tpu.memory_space<vmem>>
      %dma_start3A_443 = arith.constant 0 : i32
      %dma_start3A_444 = arith.constant 0 : i32
      %dma_start3A_445 = tpu.memref_slice %arg3[%add3A_437, %dma_start3A_443, %dma_start3A_444] : memref<2568x2x128xi32, #tpu.memory_space<hbm>> -> memref<1x2x128xi32, #tpu.memory_space<hbm>>
      %dma_start3A_446 = tpu.memref_squeeze %dma_start3A_445 : memref<1x2x128xi32, #tpu.memory_space<hbm>> -> memref<2x128xi32, #tpu.memory_space<hbm>>
      %dma_start3A_447 = arith.constant 0 : i32
      %dma_start3A_448 = arith.constant 0 : i32
      %dma_start3A_449 = tpu.memref_slice %arg5[%dma_start3A_438, %dma_start3A_447, %dma_start3A_448] : memref<8x2x128xi32, #tpu.memory_space<vmem>> -> memref<1x2x128xi32, #tpu.memory_space<vmem>>
      %dma_start3A_450 = tpu.memref_squeeze %dma_start3A_449 : memref<1x2x128xi32, #tpu.memory_space<vmem>> -> memref<2x128xi32, #tpu.memory_space<vmem>>
      %dma_start3A_451 = arith.constant 0 : i32
      %dma_start3A_452 = arith.constant 0 : i32
      %dma_start3A_453 = tpu.memref_slice %arg3[%add3A_437, %dma_start3A_451, %dma_start3A_452] : memref<2568x2x128xi32, #tpu.memory_space<hbm>> -> memref<1x2x128xi32, #tpu.memory_space<hbm>>
      %dma_start3A_454 = tpu.memref_squeeze %dma_start3A_453 : memref<1x2x128xi32, #tpu.memory_space<hbm>> -> memref<2x128xi32, #tpu.memory_space<hbm>>
      tpu.enqueue_dma source(%dma_start3A_454 : memref<2x128xi32, #tpu.memory_space<hbm>>) target(%dma_start3A_450 : memref<2x128xi32, #tpu.memory_space<vmem>>) target_semaphore(%arg8 : memref<!tpu.dma_semaphore, #tpu.memory_space<semaphore_mem>>)
      %add3A_455 = arith.constant 2 : i32
      %add3A_456 = arith.addi %mul3A_323, %add3A_455 : i32
      %add3A_457 = arith.addi %mul3A_2, %add3A_456 : i32
      %dma_wait3A_458 = arith.constant 2 : i32
      %dma_wait3A_459 = arith.constant 0 : i32
      %dma_wait3A_460 = arith.constant 0 : i32
      %dma_wait3A_461 = tpu.memref_slice %arg5[%dma_wait3A_458, %dma_wait3A_459, %dma_wait3A_460] : memref<8x2x128xi32, #tpu.memory_space<vmem>> -> memref<1x2x128xi32, #tpu.memory_space<vmem>>
      %dma_wait3A_462 = tpu.memref_squeeze %dma_wait3A_461 : memref<1x2x128xi32, #tpu.memory_space<vmem>> -> memref<2x128xi32, #tpu.memory_space<vmem>>
      %dma_wait3A_463 = arith.constant 0 : i32
      %dma_wait3A_464 = arith.constant 0 : i32
      %dma_wait3A_465 = tpu.memref_slice %arg3[%add3A_457, %dma_wait3A_463, %dma_wait3A_464] : memref<2568x2x128xi32, #tpu.memory_space<hbm>> -> memref<1x2x128xi32, #tpu.memory_space<hbm>>
      %dma_wait3A_466 = tpu.memref_squeeze %dma_wait3A_465 : memref<1x2x128xi32, #tpu.memory_space<hbm>> -> memref<2x128xi32, #tpu.memory_space<hbm>>
      %dma_wait3A_467 = arith.constant 0 : i32
      %dma_wait3A_468 = arith.constant 0 : i32
      %dma_wait3A_469 = tpu.memref_slice %arg5[%dma_wait3A_458, %dma_wait3A_467, %dma_wait3A_468] : memref<8x2x128xi32, #tpu.memory_space<vmem>> -> memref<1x2x128xi32, #tpu.memory_space<vmem>>
      %dma_wait3A_470 = tpu.memref_squeeze %dma_wait3A_469 : memref<1x2x128xi32, #tpu.memory_space<vmem>> -> memref<2x128xi32, #tpu.memory_space<vmem>>
      %dma_wait3A_471 = arith.constant 0 : i32
      %dma_wait3A_472 = arith.constant 0 : i32
      %dma_wait3A_473 = tpu.memref_slice %arg3[%add3A_457, %dma_wait3A_471, %dma_wait3A_472] : memref<2568x2x128xi32, #tpu.memory_space<hbm>> -> memref<1x2x128xi32, #tpu.memory_space<hbm>>
      %dma_wait3A_474 = tpu.memref_squeeze %dma_wait3A_473 : memref<1x2x128xi32, #tpu.memory_space<hbm>> -> memref<2x128xi32, #tpu.memory_space<hbm>>
      tpu.wait_dma2 semaphore(%arg10 : memref<!tpu.dma_semaphore, #tpu.memory_space<semaphore_mem>>) src(%dma_wait3A_474 : memref<2x128xi32, #tpu.memory_space<hbm>>) dst(%dma_wait3A_470 : memref<2x128xi32, #tpu.memory_space<vmem>>)
      %dma_start3A_475 = arith.constant 2 : i32
      %dma_start3A_476 = arith.constant 0 : i32
      %dma_start3A_477 = arith.constant 0 : i32
      %dma_start3A_478 = arith.constant 0 : i32
      %dma_start3A_479 = arith.constant 0 : i32
      %dma_start3A_480 = tpu.memref_slice %arg6[%dma_start3A_477, %dma_start3A_478, %dma_start3A_479] : memref<2x128x32xf32, #tpu.memory_space<vmem>> -> memref<1x128x32xf32, #tpu.memory_space<vmem>>
      %dma_start3A_481 = tpu.memref_squeeze %dma_start3A_480 : memref<1x128x32xf32, #tpu.memory_space<vmem>> -> memref<128x32xf32, #tpu.memory_space<vmem>>
      %dma_start3A_482 = arith.constant 0 : i32
      %dma_start3A_483 = tpu.memref_slice %arg5[%dma_start3A_475, %dma_start3A_476, %dma_start3A_482] : memref<8x2x128xi32, #tpu.memory_space<vmem>> -> memref<1x1x128xi32, #tpu.memory_space<vmem>>
      %dma_start3A_484 = tpu.memref_squeeze %dma_start3A_483 : memref<1x1x128xi32, #tpu.memory_space<vmem>> -> memref<128xi32, #tpu.memory_space<vmem>>
      %dma_start3A_485 = arith.constant 0 : i32
      %dma_start3A_486 = arith.constant 0 : i32
      %dma_start3A_487 = tpu.memref_slice %arg2[%dma_start3A_485, %dma_start3A_486] : memref<10000x32xf32, #tpu.memory_space<hbm>> -> memref<10000x32xf32, #tpu.memory_space<hbm>>
      tpu.enqueue_indirect_dma source(%dma_start3A_487 : memref<10000x32xf32, #tpu.memory_space<hbm>>) target(%dma_start3A_481 : memref<128x32xf32, #tpu.memory_space<vmem>>) offsets(%dma_start3A_484 : memref<128xi32, #tpu.memory_space<vmem>>) semaphore(%arg16 : memref<!tpu.dma_semaphore, #tpu.memory_space<semaphore_mem>>)
      %sub3A_488 = arith.constant 1 : i32
      %sub3A_489 = arith.subi %add3A_456, %sub3A_488 : i32
      %dma_wait3A_490 = arith.constant 1 : i32
      %dma_wait3A_491 = arith.constant 0 : i32
      %dma_wait3A_492 = arith.constant 1 : i32
      %dma_wait3A_493 = arith.constant 0 : i32
      %dma_wait3A_494 = arith.constant 0 : i32
      %dma_wait3A_495 = tpu.memref_slice %arg6[%dma_wait3A_492, %dma_wait3A_493, %dma_wait3A_494] : memref<2x128x32xf32, #tpu.memory_space<vmem>> -> memref<1x128x32xf32, #tpu.memory_space<vmem>>
      %dma_wait3A_496 = tpu.memref_squeeze %dma_wait3A_495 : memref<1x128x32xf32, #tpu.memory_space<vmem>> -> memref<128x32xf32, #tpu.memory_space<vmem>>
      %dma_wait3A_497 = arith.constant 0 : i32
      %dma_wait3A_498 = tpu.memref_slice %arg5[%dma_wait3A_490, %dma_wait3A_491, %dma_wait3A_497] : memref<8x2x128xi32, #tpu.memory_space<vmem>> -> memref<1x1x128xi32, #tpu.memory_space<vmem>>
      %dma_wait3A_499 = tpu.memref_squeeze %dma_wait3A_498 : memref<1x1x128xi32, #tpu.memory_space<vmem>> -> memref<128xi32, #tpu.memory_space<vmem>>
      %dma_wait3A_500 = arith.constant 0 : i32
      %dma_wait3A_501 = arith.constant 0 : i32
      %dma_wait3A_502 = tpu.memref_slice %arg2[%dma_wait3A_500, %dma_wait3A_501] : memref<10000x32xf32, #tpu.memory_space<hbm>> -> memref<10000x32xf32, #tpu.memory_space<hbm>>
      tpu.wait_indirect_dma semaphore(%arg17 : memref<!tpu.dma_semaphore, #tpu.memory_space<semaphore_mem>>) src(%dma_wait3A_502 : memref<10000x32xf32, #tpu.memory_space<hbm>>) dst(%dma_wait3A_496 : memref<128x32xf32, #tpu.memory_space<vmem>>)
      %run_scoped3A_503 = arith.constant 1 : i32
      %run_scoped3A_504 = arith.constant 1 : i32
      %run_scoped3A_505 = arith.constant 1 : i32
      "tpu.region"() ({
        %run_scoped3A_894 = tpu.sem_alloc : memref<!tpu.dma_semaphore, #tpu.memory_space<semaphore_mem>>
        %dma_start3A_895 = arith.constant 0 : i32
        %dma_start3A_896 = arith.constant 0 : i32
        %dma_start3A_897 = tpu.memref_slice %arg6[%run_scoped3A_503, %dma_start3A_895, %dma_start3A_896] : memref<2x128x32xf32, #tpu.memory_space<vmem>> -> memref<1x128x32xf32, #tpu.memory_space<vmem>>
        %dma_start3A_898 = tpu.memref_squeeze %dma_start3A_897 : memref<1x128x32xf32, #tpu.memory_space<vmem>> -> memref<128x32xf32, #tpu.memory_space<vmem>>
        %dma_start3A_899 = arith.constant 0 : i32
        %dma_start3A_900 = tpu.memref_slice %arg5[%run_scoped3A_504, %run_scoped3A_505, %dma_start3A_899] : memref<8x2x128xi32, #tpu.memory_space<vmem>> -> memref<1x1x128xi32, #tpu.memory_space<vmem>>
        %dma_start3A_901 = tpu.memref_squeeze %dma_start3A_900 : memref<1x1x128xi32, #tpu.memory_space<vmem>> -> memref<128xi32, #tpu.memory_space<vmem>>
        %dma_start3A_902 = arith.constant 0 : i32
        %dma_start3A_903 = arith.constant 0 : i32
        %dma_start3A_904 = tpu.memref_slice %arg7[%dma_start3A_902, %dma_start3A_903] : memref<10008x32xf32, #tpu.memory_space<vmem_shared>> -> memref<10008x32xf32, #tpu.memory_space<vmem_shared>>
        tpu.enqueue_indirect_dma source(%dma_start3A_898 : memref<128x32xf32, #tpu.memory_space<vmem>>) target(%dma_start3A_904 : memref<10008x32xf32, #tpu.memory_space<vmem_shared>>) offsets(%dma_start3A_901 : memref<128xi32, #tpu.memory_space<vmem>>) semaphore(%run_scoped3A_894 : memref<!tpu.dma_semaphore, #tpu.memory_space<semaphore_mem>>) {add = true}
        %dma_wait3A_905 = arith.constant 0 : i32
        %dma_wait3A_906 = arith.constant 0 : i32
        %dma_wait3A_907 = tpu.memref_slice %arg6[%run_scoped3A_503, %dma_wait3A_905, %dma_wait3A_906] : memref<2x128x32xf32, #tpu.memory_space<vmem>> -> memref<1x128x32xf32, #tpu.memory_space<vmem>>
        %dma_wait3A_908 = tpu.memref_squeeze %dma_wait3A_907 : memref<1x128x32xf32, #tpu.memory_space<vmem>> -> memref<128x32xf32, #tpu.memory_space<vmem>>
        %dma_wait3A_909 = arith.constant 0 : i32
        %dma_wait3A_910 = tpu.memref_slice %arg5[%run_scoped3A_504, %run_scoped3A_505, %dma_wait3A_909] : memref<8x2x128xi32, #tpu.memory_space<vmem>> -> memref<1x1x128xi32, #tpu.memory_space<vmem>>
        %dma_wait3A_911 = tpu.memref_squeeze %dma_wait3A_910 : memref<1x1x128xi32, #tpu.memory_space<vmem>> -> memref<128xi32, #tpu.memory_space<vmem>>
        %dma_wait3A_912 = arith.constant 0 : i32
        %dma_wait3A_913 = arith.constant 0 : i32
        %dma_wait3A_914 = tpu.memref_slice %arg7[%dma_wait3A_912, %dma_wait3A_913] : memref<10008x32xf32, #tpu.memory_space<vmem_shared>> -> memref<10008x32xf32, #tpu.memory_space<vmem_shared>>
        tpu.wait_indirect_dma semaphore(%run_scoped3A_894 : memref<!tpu.dma_semaphore, #tpu.memory_space<semaphore_mem>>) src(%dma_wait3A_908 : memref<128x32xf32, #tpu.memory_space<vmem>>) dst(%dma_wait3A_914 : memref<10008x32xf32, #tpu.memory_space<vmem_shared>>)
        tpu.yield
      }) : () -> ()
      %add3A_506 = arith.constant 8 : i32
      %add3A_507 = arith.addi %add3A_456, %add3A_506 : i32
      %sub3A_508 = arith.constant 1 : i32
      %sub3A_509 = arith.subi %add3A_507, %sub3A_508 : i32
      %add3A_510 = arith.addi %mul3A_2, %sub3A_509 : i32
      %dma_start3A_511 = arith.constant 1 : i32
      %dma_start3A_512 = arith.constant 0 : i32
      %dma_start3A_513 = arith.constant 0 : i32
      %dma_start3A_514 = tpu.memref_slice %arg5[%dma_start3A_511, %dma_start3A_512, %dma_start3A_513] : memref<8x2x128xi32, #tpu.memory_space<vmem>> -> memref<1x2x128xi32, #tpu.memory_space<vmem>>
      %dma_start3A_515 = tpu.memref_squeeze %dma_start3A_514 : memref<1x2x128xi32, #tpu.memory_space<vmem>> -> memref<2x128xi32, #tpu.memory_space<vmem>>
      %dma_start3A_516 = arith.constant 0 : i32
      %dma_start3A_517 = arith.constant 0 : i32
      %dma_start3A_518 = tpu.memref_slice %arg3[%add3A_510, %dma_start3A_516, %dma_start3A_517] : memref<2568x2x128xi32, #tpu.memory_space<hbm>> -> memref<1x2x128xi32, #tpu.memory_space<hbm>>
      %dma_start3A_519 = tpu.memref_squeeze %dma_start3A_518 : memref<1x2x128xi32, #tpu.memory_space<hbm>> -> memref<2x128xi32, #tpu.memory_space<hbm>>
      %dma_start3A_520 = arith.constant 0 : i32
      %dma_start3A_521 = arith.constant 0 : i32
      %dma_start3A_522 = tpu.memref_slice %arg5[%dma_start3A_511, %dma_start3A_520, %dma_start3A_521] : memref<8x2x128xi32, #tpu.memory_space<vmem>> -> memref<1x2x128xi32, #tpu.memory_space<vmem>>
      %dma_start3A_523 = tpu.memref_squeeze %dma_start3A_522 : memref<1x2x128xi32, #tpu.memory_space<vmem>> -> memref<2x128xi32, #tpu.memory_space<vmem>>
      %dma_start3A_524 = arith.constant 0 : i32
      %dma_start3A_525 = arith.constant 0 : i32
      %dma_start3A_526 = tpu.memref_slice %arg3[%add3A_510, %dma_start3A_524, %dma_start3A_525] : memref<2568x2x128xi32, #tpu.memory_space<hbm>> -> memref<1x2x128xi32, #tpu.memory_space<hbm>>
      %dma_start3A_527 = tpu.memref_squeeze %dma_start3A_526 : memref<1x2x128xi32, #tpu.memory_space<hbm>> -> memref<2x128xi32, #tpu.memory_space<hbm>>
      tpu.enqueue_dma source(%dma_start3A_527 : memref<2x128xi32, #tpu.memory_space<hbm>>) target(%dma_start3A_523 : memref<2x128xi32, #tpu.memory_space<vmem>>) target_semaphore(%arg9 : memref<!tpu.dma_semaphore, #tpu.memory_space<semaphore_mem>>)
      %add3A_528 = arith.constant 3 : i32
      %add3A_529 = arith.addi %mul3A_323, %add3A_528 : i32
      %add3A_530 = arith.addi %mul3A_2, %add3A_529 : i32
      %dma_wait3A_531 = arith.constant 3 : i32
      %dma_wait3A_532 = arith.constant 0 : i32
      %dma_wait3A_533 = arith.constant 0 : i32
      %dma_wait3A_534 = tpu.memref_slice %arg5[%dma_wait3A_531, %dma_wait3A_532, %dma_wait3A_533] : memref<8x2x128xi32, #tpu.memory_space<vmem>> -> memref<1x2x128xi32, #tpu.memory_space<vmem>>
      %dma_wait3A_535 = tpu.memref_squeeze %dma_wait3A_534 : memref<1x2x128xi32, #tpu.memory_space<vmem>> -> memref<2x128xi32, #tpu.memory_space<vmem>>
      %dma_wait3A_536 = arith.constant 0 : i32
      %dma_wait3A_537 = arith.constant 0 : i32
      %dma_wait3A_538 = tpu.memref_slice %arg3[%add3A_530, %dma_wait3A_536, %dma_wait3A_537] : memref<2568x2x128xi32, #tpu.memory_space<hbm>> -> memref<1x2x128xi32, #tpu.memory_space<hbm>>
      %dma_wait3A_539 = tpu.memref_squeeze %dma_wait3A_538 : memref<1x2x128xi32, #tpu.memory_space<hbm>> -> memref<2x128xi32, #tpu.memory_space<hbm>>
      %dma_wait3A_540 = arith.constant 0 : i32
      %dma_wait3A_541 = arith.constant 0 : i32
      %dma_wait3A_542 = tpu.memref_slice %arg5[%dma_wait3A_531, %dma_wait3A_540, %dma_wait3A_541] : memref<8x2x128xi32, #tpu.memory_space<vmem>> -> memref<1x2x128xi32, #tpu.memory_space<vmem>>
      %dma_wait3A_543 = tpu.memref_squeeze %dma_wait3A_542 : memref<1x2x128xi32, #tpu.memory_space<vmem>> -> memref<2x128xi32, #tpu.memory_space<vmem>>
      %dma_wait3A_544 = arith.constant 0 : i32
      %dma_wait3A_545 = arith.constant 0 : i32
      %dma_wait3A_546 = tpu.memref_slice %arg3[%add3A_530, %dma_wait3A_544, %dma_wait3A_545] : memref<2568x2x128xi32, #tpu.memory_space<hbm>> -> memref<1x2x128xi32, #tpu.memory_space<hbm>>
      %dma_wait3A_547 = tpu.memref_squeeze %dma_wait3A_546 : memref<1x2x128xi32, #tpu.memory_space<hbm>> -> memref<2x128xi32, #tpu.memory_space<hbm>>
      tpu.wait_dma2 semaphore(%arg11 : memref<!tpu.dma_semaphore, #tpu.memory_space<semaphore_mem>>) src(%dma_wait3A_547 : memref<2x128xi32, #tpu.memory_space<hbm>>) dst(%dma_wait3A_543 : memref<2x128xi32, #tpu.memory_space<vmem>>)
      %dma_start3A_548 = arith.constant 3 : i32
      %dma_start3A_549 = arith.constant 0 : i32
      %dma_start3A_550 = arith.constant 1 : i32
      %dma_start3A_551 = arith.constant 0 : i32
      %dma_start3A_552 = arith.constant 0 : i32
      %dma_start3A_553 = tpu.memref_slice %arg6[%dma_start3A_550, %dma_start3A_551, %dma_start3A_552] : memref<2x128x32xf32, #tpu.memory_space<vmem>> -> memref<1x128x32xf32, #tpu.memory_space<vmem>>
      %dma_start3A_554 = tpu.memref_squeeze %dma_start3A_553 : memref<1x128x32xf32, #tpu.memory_space<vmem>> -> memref<128x32xf32, #tpu.memory_space<vmem>>
      %dma_start3A_555 = arith.constant 0 : i32
      %dma_start3A_556 = tpu.memref_slice %arg5[%dma_start3A_548, %dma_start3A_549, %dma_start3A_555] : memref<8x2x128xi32, #tpu.memory_space<vmem>> -> memref<1x1x128xi32, #tpu.memory_space<vmem>>
      %dma_start3A_557 = tpu.memref_squeeze %dma_start3A_556 : memref<1x1x128xi32, #tpu.memory_space<vmem>> -> memref<128xi32, #tpu.memory_space<vmem>>
      %dma_start3A_558 = arith.constant 0 : i32
      %dma_start3A_559 = arith.constant 0 : i32
      %dma_start3A_560 = tpu.memref_slice %arg2[%dma_start3A_558, %dma_start3A_559] : memref<10000x32xf32, #tpu.memory_space<hbm>> -> memref<10000x32xf32, #tpu.memory_space<hbm>>
      tpu.enqueue_indirect_dma source(%dma_start3A_560 : memref<10000x32xf32, #tpu.memory_space<hbm>>) target(%dma_start3A_554 : memref<128x32xf32, #tpu.memory_space<vmem>>) offsets(%dma_start3A_557 : memref<128xi32, #tpu.memory_space<vmem>>) semaphore(%arg17 : memref<!tpu.dma_semaphore, #tpu.memory_space<semaphore_mem>>)
      %sub3A_561 = arith.constant 1 : i32
      %sub3A_562 = arith.subi %add3A_529, %sub3A_561 : i32
      %dma_wait3A_563 = arith.constant 2 : i32
      %dma_wait3A_564 = arith.constant 0 : i32
      %dma_wait3A_565 = arith.constant 0 : i32
      %dma_wait3A_566 = arith.constant 0 : i32
      %dma_wait3A_567 = arith.constant 0 : i32
      %dma_wait3A_568 = tpu.memref_slice %arg6[%dma_wait3A_565, %dma_wait3A_566, %dma_wait3A_567] : memref<2x128x32xf32, #tpu.memory_space<vmem>> -> memref<1x128x32xf32, #tpu.memory_space<vmem>>
      %dma_wait3A_569 = tpu.memref_squeeze %dma_wait3A_568 : memref<1x128x32xf32, #tpu.memory_space<vmem>> -> memref<128x32xf32, #tpu.memory_space<vmem>>
      %dma_wait3A_570 = arith.constant 0 : i32
      %dma_wait3A_571 = tpu.memref_slice %arg5[%dma_wait3A_563, %dma_wait3A_564, %dma_wait3A_570] : memref<8x2x128xi32, #tpu.memory_space<vmem>> -> memref<1x1x128xi32, #tpu.memory_space<vmem>>
      %dma_wait3A_572 = tpu.memref_squeeze %dma_wait3A_571 : memref<1x1x128xi32, #tpu.memory_space<vmem>> -> memref<128xi32, #tpu.memory_space<vmem>>
      %dma_wait3A_573 = arith.constant 0 : i32
      %dma_wait3A_574 = arith.constant 0 : i32
      %dma_wait3A_575 = tpu.memref_slice %arg2[%dma_wait3A_573, %dma_wait3A_574] : memref<10000x32xf32, #tpu.memory_space<hbm>> -> memref<10000x32xf32, #tpu.memory_space<hbm>>
      tpu.wait_indirect_dma semaphore(%arg16 : memref<!tpu.dma_semaphore, #tpu.memory_space<semaphore_mem>>) src(%dma_wait3A_575 : memref<10000x32xf32, #tpu.memory_space<hbm>>) dst(%dma_wait3A_569 : memref<128x32xf32, #tpu.memory_space<vmem>>)
      %run_scoped3A_576 = arith.constant 0 : i32
      %run_scoped3A_577 = arith.constant 2 : i32
      %run_scoped3A_578 = arith.constant 1 : i32
      "tpu.region"() ({
        %run_scoped3A_894 = tpu.sem_alloc : memref<!tpu.dma_semaphore, #tpu.memory_space<semaphore_mem>>
        %dma_start3A_895 = arith.constant 0 : i32
        %dma_start3A_896 = arith.constant 0 : i32
        %dma_start3A_897 = tpu.memref_slice %arg6[%run_scoped3A_576, %dma_start3A_895, %dma_start3A_896] : memref<2x128x32xf32, #tpu.memory_space<vmem>> -> memref<1x128x32xf32, #tpu.memory_space<vmem>>
        %dma_start3A_898 = tpu.memref_squeeze %dma_start3A_897 : memref<1x128x32xf32, #tpu.memory_space<vmem>> -> memref<128x32xf32, #tpu.memory_space<vmem>>
        %dma_start3A_899 = arith.constant 0 : i32
        %dma_start3A_900 = tpu.memref_slice %arg5[%run_scoped3A_577, %run_scoped3A_578, %dma_start3A_899] : memref<8x2x128xi32, #tpu.memory_space<vmem>> -> memref<1x1x128xi32, #tpu.memory_space<vmem>>
        %dma_start3A_901 = tpu.memref_squeeze %dma_start3A_900 : memref<1x1x128xi32, #tpu.memory_space<vmem>> -> memref<128xi32, #tpu.memory_space<vmem>>
        %dma_start3A_902 = arith.constant 0 : i32
        %dma_start3A_903 = arith.constant 0 : i32
        %dma_start3A_904 = tpu.memref_slice %arg7[%dma_start3A_902, %dma_start3A_903] : memref<10008x32xf32, #tpu.memory_space<vmem_shared>> -> memref<10008x32xf32, #tpu.memory_space<vmem_shared>>
        tpu.enqueue_indirect_dma source(%dma_start3A_898 : memref<128x32xf32, #tpu.memory_space<vmem>>) target(%dma_start3A_904 : memref<10008x32xf32, #tpu.memory_space<vmem_shared>>) offsets(%dma_start3A_901 : memref<128xi32, #tpu.memory_space<vmem>>) semaphore(%run_scoped3A_894 : memref<!tpu.dma_semaphore, #tpu.memory_space<semaphore_mem>>) {add = true}
        %dma_wait3A_905 = arith.constant 0 : i32
        %dma_wait3A_906 = arith.constant 0 : i32
        %dma_wait3A_907 = tpu.memref_slice %arg6[%run_scoped3A_576, %dma_wait3A_905, %dma_wait3A_906] : memref<2x128x32xf32, #tpu.memory_space<vmem>> -> memref<1x128x32xf32, #tpu.memory_space<vmem>>
        %dma_wait3A_908 = tpu.memref_squeeze %dma_wait3A_907 : memref<1x128x32xf32, #tpu.memory_space<vmem>> -> memref<128x32xf32, #tpu.memory_space<vmem>>
        %dma_wait3A_909 = arith.constant 0 : i32
        %dma_wait3A_910 = tpu.memref_slice %arg5[%run_scoped3A_577, %run_scoped3A_578, %dma_wait3A_909] : memref<8x2x128xi32, #tpu.memory_space<vmem>> -> memref<1x1x128xi32, #tpu.memory_space<vmem>>
        %dma_wait3A_911 = tpu.memref_squeeze %dma_wait3A_910 : memref<1x1x128xi32, #tpu.memory_space<vmem>> -> memref<128xi32, #tpu.memory_space<vmem>>
        %dma_wait3A_912 = arith.constant 0 : i32
        %dma_wait3A_913 = arith.constant 0 : i32
        %dma_wait3A_914 = tpu.memref_slice %arg7[%dma_wait3A_912, %dma_wait3A_913] : memref<10008x32xf32, #tpu.memory_space<vmem_shared>> -> memref<10008x32xf32, #tpu.memory_space<vmem_shared>>
        tpu.wait_indirect_dma semaphore(%run_scoped3A_894 : memref<!tpu.dma_semaphore, #tpu.memory_space<semaphore_mem>>) src(%dma_wait3A_908 : memref<128x32xf32, #tpu.memory_space<vmem>>) dst(%dma_wait3A_914 : memref<10008x32xf32, #tpu.memory_space<vmem_shared>>)
        tpu.yield
      }) : () -> ()
      %add3A_579 = arith.constant 8 : i32
      %add3A_580 = arith.addi %add3A_529, %add3A_579 : i32
      %sub3A_581 = arith.constant 1 : i32
      %sub3A_582 = arith.subi %add3A_580, %sub3A_581 : i32
      %add3A_583 = arith.addi %mul3A_2, %sub3A_582 : i32
      %dma_start3A_584 = arith.constant 2 : i32
      %dma_start3A_585 = arith.constant 0 : i32
      %dma_start3A_586 = arith.constant 0 : i32
      %dma_start3A_587 = tpu.memref_slice %arg5[%dma_start3A_584, %dma_start3A_585, %dma_start3A_586] : memref<8x2x128xi32, #tpu.memory_space<vmem>> -> memref<1x2x128xi32, #tpu.memory_space<vmem>>
      %dma_start3A_588 = tpu.memref_squeeze %dma_start3A_587 : memref<1x2x128xi32, #tpu.memory_space<vmem>> -> memref<2x128xi32, #tpu.memory_space<vmem>>
      %dma_start3A_589 = arith.constant 0 : i32
      %dma_start3A_590 = arith.constant 0 : i32
      %dma_start3A_591 = tpu.memref_slice %arg3[%add3A_583, %dma_start3A_589, %dma_start3A_590] : memref<2568x2x128xi32, #tpu.memory_space<hbm>> -> memref<1x2x128xi32, #tpu.memory_space<hbm>>
      %dma_start3A_592 = tpu.memref_squeeze %dma_start3A_591 : memref<1x2x128xi32, #tpu.memory_space<hbm>> -> memref<2x128xi32, #tpu.memory_space<hbm>>
      %dma_start3A_593 = arith.constant 0 : i32
      %dma_start3A_594 = arith.constant 0 : i32
      %dma_start3A_595 = tpu.memref_slice %arg5[%dma_start3A_584, %dma_start3A_593, %dma_start3A_594] : memref<8x2x128xi32, #tpu.memory_space<vmem>> -> memref<1x2x128xi32, #tpu.memory_space<vmem>>
      %dma_start3A_596 = tpu.memref_squeeze %dma_start3A_595 : memref<1x2x128xi32, #tpu.memory_space<vmem>> -> memref<2x128xi32, #tpu.memory_space<vmem>>
      %dma_start3A_597 = arith.constant 0 : i32
      %dma_start3A_598 = arith.constant 0 : i32
      %dma_start3A_599 = tpu.memref_slice %arg3[%add3A_583, %dma_start3A_597, %dma_start3A_598] : memref<2568x2x128xi32, #tpu.memory_space<hbm>> -> memref<1x2x128xi32, #tpu.memory_space<hbm>>
      %dma_start3A_600 = tpu.memref_squeeze %dma_start3A_599 : memref<1x2x128xi32, #tpu.memory_space<hbm>> -> memref<2x128xi32, #tpu.memory_space<hbm>>
      tpu.enqueue_dma source(%dma_start3A_600 : memref<2x128xi32, #tpu.memory_space<hbm>>) target(%dma_start3A_596 : memref<2x128xi32, #tpu.memory_space<vmem>>) target_semaphore(%arg10 : memref<!tpu.dma_semaphore, #tpu.memory_space<semaphore_mem>>)
      %add3A_601 = arith.constant 4 : i32
      %add3A_602 = arith.addi %mul3A_323, %add3A_601 : i32
      %add3A_603 = arith.addi %mul3A_2, %add3A_602 : i32
      %dma_wait3A_604 = arith.constant 4 : i32
      %dma_wait3A_605 = arith.constant 0 : i32
      %dma_wait3A_606 = arith.constant 0 : i32
      %dma_wait3A_607 = tpu.memref_slice %arg5[%dma_wait3A_604, %dma_wait3A_605, %dma_wait3A_606] : memref<8x2x128xi32, #tpu.memory_space<vmem>> -> memref<1x2x128xi32, #tpu.memory_space<vmem>>
      %dma_wait3A_608 = tpu.memref_squeeze %dma_wait3A_607 : memref<1x2x128xi32, #tpu.memory_space<vmem>> -> memref<2x128xi32, #tpu.memory_space<vmem>>
      %dma_wait3A_609 = arith.constant 0 : i32
      %dma_wait3A_610 = arith.constant 0 : i32
      %dma_wait3A_611 = tpu.memref_slice %arg3[%add3A_603, %dma_wait3A_609, %dma_wait3A_610] : memref<2568x2x128xi32, #tpu.memory_space<hbm>> -> memref<1x2x128xi32, #tpu.memory_space<hbm>>
      %dma_wait3A_612 = tpu.memref_squeeze %dma_wait3A_611 : memref<1x2x128xi32, #tpu.memory_space<hbm>> -> memref<2x128xi32, #tpu.memory_space<hbm>>
      %dma_wait3A_613 = arith.constant 0 : i32
      %dma_wait3A_614 = arith.constant 0 : i32
      %dma_wait3A_615 = tpu.memref_slice %arg5[%dma_wait3A_604, %dma_wait3A_613, %dma_wait3A_614] : memref<8x2x128xi32, #tpu.memory_space<vmem>> -> memref<1x2x128xi32, #tpu.memory_space<vmem>>
      %dma_wait3A_616 = tpu.memref_squeeze %dma_wait3A_615 : memref<1x2x128xi32, #tpu.memory_space<vmem>> -> memref<2x128xi32, #tpu.memory_space<vmem>>
      %dma_wait3A_617 = arith.constant 0 : i32
      %dma_wait3A_618 = arith.constant 0 : i32
      %dma_wait3A_619 = tpu.memref_slice %arg3[%add3A_603, %dma_wait3A_617, %dma_wait3A_618] : memref<2568x2x128xi32, #tpu.memory_space<hbm>> -> memref<1x2x128xi32, #tpu.memory_space<hbm>>
      %dma_wait3A_620 = tpu.memref_squeeze %dma_wait3A_619 : memref<1x2x128xi32, #tpu.memory_space<hbm>> -> memref<2x128xi32, #tpu.memory_space<hbm>>
      tpu.wait_dma2 semaphore(%arg12 : memref<!tpu.dma_semaphore, #tpu.memory_space<semaphore_mem>>) src(%dma_wait3A_620 : memref<2x128xi32, #tpu.memory_space<hbm>>) dst(%dma_wait3A_616 : memref<2x128xi32, #tpu.memory_space<vmem>>)
      %dma_start3A_621 = arith.constant 4 : i32
      %dma_start3A_622 = arith.constant 0 : i32
      %dma_start3A_623 = arith.constant 0 : i32
      %dma_start3A_624 = arith.constant 0 : i32
      %dma_start3A_625 = arith.constant 0 : i32
      %dma_start3A_626 = tpu.memref_slice %arg6[%dma_start3A_623, %dma_start3A_624, %dma_start3A_625] : memref<2x128x32xf32, #tpu.memory_space<vmem>> -> memref<1x128x32xf32, #tpu.memory_space<vmem>>
      %dma_start3A_627 = tpu.memref_squeeze %dma_start3A_626 : memref<1x128x32xf32, #tpu.memory_space<vmem>> -> memref<128x32xf32, #tpu.memory_space<vmem>>
      %dma_start3A_628 = arith.constant 0 : i32
      %dma_start3A_629 = tpu.memref_slice %arg5[%dma_start3A_621, %dma_start3A_622, %dma_start3A_628] : memref<8x2x128xi32, #tpu.memory_space<vmem>> -> memref<1x1x128xi32, #tpu.memory_space<vmem>>
      %dma_start3A_630 = tpu.memref_squeeze %dma_start3A_629 : memref<1x1x128xi32, #tpu.memory_space<vmem>> -> memref<128xi32, #tpu.memory_space<vmem>>
      %dma_start3A_631 = arith.constant 0 : i32
      %dma_start3A_632 = arith.constant 0 : i32
      %dma_start3A_633 = tpu.memref_slice %arg2[%dma_start3A_631, %dma_start3A_632] : memref<10000x32xf32, #tpu.memory_space<hbm>> -> memref<10000x32xf32, #tpu.memory_space<hbm>>
      tpu.enqueue_indirect_dma source(%dma_start3A_633 : memref<10000x32xf32, #tpu.memory_space<hbm>>) target(%dma_start3A_627 : memref<128x32xf32, #tpu.memory_space<vmem>>) offsets(%dma_start3A_630 : memref<128xi32, #tpu.memory_space<vmem>>) semaphore(%arg16 : memref<!tpu.dma_semaphore, #tpu.memory_space<semaphore_mem>>)
      %sub3A_634 = arith.constant 1 : i32
      %sub3A_635 = arith.subi %add3A_602, %sub3A_634 : i32
      %dma_wait3A_636 = arith.constant 3 : i32
      %dma_wait3A_637 = arith.constant 0 : i32
      %dma_wait3A_638 = arith.constant 1 : i32
      %dma_wait3A_639 = arith.constant 0 : i32
      %dma_wait3A_640 = arith.constant 0 : i32
      %dma_wait3A_641 = tpu.memref_slice %arg6[%dma_wait3A_638, %dma_wait3A_639, %dma_wait3A_640] : memref<2x128x32xf32, #tpu.memory_space<vmem>> -> memref<1x128x32xf32, #tpu.memory_space<vmem>>
      %dma_wait3A_642 = tpu.memref_squeeze %dma_wait3A_641 : memref<1x128x32xf32, #tpu.memory_space<vmem>> -> memref<128x32xf32, #tpu.memory_space<vmem>>
      %dma_wait3A_643 = arith.constant 0 : i32
      %dma_wait3A_644 = tpu.memref_slice %arg5[%dma_wait3A_636, %dma_wait3A_637, %dma_wait3A_643] : memref<8x2x128xi32, #tpu.memory_space<vmem>> -> memref<1x1x128xi32, #tpu.memory_space<vmem>>
      %dma_wait3A_645 = tpu.memref_squeeze %dma_wait3A_644 : memref<1x1x128xi32, #tpu.memory_space<vmem>> -> memref<128xi32, #tpu.memory_space<vmem>>
      %dma_wait3A_646 = arith.constant 0 : i32
      %dma_wait3A_647 = arith.constant 0 : i32
      %dma_wait3A_648 = tpu.memref_slice %arg2[%dma_wait3A_646, %dma_wait3A_647] : memref<10000x32xf32, #tpu.memory_space<hbm>> -> memref<10000x32xf32, #tpu.memory_space<hbm>>
      tpu.wait_indirect_dma semaphore(%arg17 : memref<!tpu.dma_semaphore, #tpu.memory_space<semaphore_mem>>) src(%dma_wait3A_648 : memref<10000x32xf32, #tpu.memory_space<hbm>>) dst(%dma_wait3A_642 : memref<128x32xf32, #tpu.memory_space<vmem>>)
      %run_scoped3A_649 = arith.constant 1 : i32
      %run_scoped3A_650 = arith.constant 3 : i32
      %run_scoped3A_651 = arith.constant 1 : i32
      "tpu.region"() ({
        %run_scoped3A_894 = tpu.sem_alloc : memref<!tpu.dma_semaphore, #tpu.memory_space<semaphore_mem>>
        %dma_start3A_895 = arith.constant 0 : i32
        %dma_start3A_896 = arith.constant 0 : i32
        %dma_start3A_897 = tpu.memref_slice %arg6[%run_scoped3A_649, %dma_start3A_895, %dma_start3A_896] : memref<2x128x32xf32, #tpu.memory_space<vmem>> -> memref<1x128x32xf32, #tpu.memory_space<vmem>>
        %dma_start3A_898 = tpu.memref_squeeze %dma_start3A_897 : memref<1x128x32xf32, #tpu.memory_space<vmem>> -> memref<128x32xf32, #tpu.memory_space<vmem>>
        %dma_start3A_899 = arith.constant 0 : i32
        %dma_start3A_900 = tpu.memref_slice %arg5[%run_scoped3A_650, %run_scoped3A_651, %dma_start3A_899] : memref<8x2x128xi32, #tpu.memory_space<vmem>> -> memref<1x1x128xi32, #tpu.memory_space<vmem>>
        %dma_start3A_901 = tpu.memref_squeeze %dma_start3A_900 : memref<1x1x128xi32, #tpu.memory_space<vmem>> -> memref<128xi32, #tpu.memory_space<vmem>>
        %dma_start3A_902 = arith.constant 0 : i32
        %dma_start3A_903 = arith.constant 0 : i32
        %dma_start3A_904 = tpu.memref_slice %arg7[%dma_start3A_902, %dma_start3A_903] : memref<10008x32xf32, #tpu.memory_space<vmem_shared>> -> memref<10008x32xf32, #tpu.memory_space<vmem_shared>>
        tpu.enqueue_indirect_dma source(%dma_start3A_898 : memref<128x32xf32, #tpu.memory_space<vmem>>) target(%dma_start3A_904 : memref<10008x32xf32, #tpu.memory_space<vmem_shared>>) offsets(%dma_start3A_901 : memref<128xi32, #tpu.memory_space<vmem>>) semaphore(%run_scoped3A_894 : memref<!tpu.dma_semaphore, #tpu.memory_space<semaphore_mem>>) {add = true}
        %dma_wait3A_905 = arith.constant 0 : i32
        %dma_wait3A_906 = arith.constant 0 : i32
        %dma_wait3A_907 = tpu.memref_slice %arg6[%run_scoped3A_649, %dma_wait3A_905, %dma_wait3A_906] : memref<2x128x32xf32, #tpu.memory_space<vmem>> -> memref<1x128x32xf32, #tpu.memory_space<vmem>>
        %dma_wait3A_908 = tpu.memref_squeeze %dma_wait3A_907 : memref<1x128x32xf32, #tpu.memory_space<vmem>> -> memref<128x32xf32, #tpu.memory_space<vmem>>
        %dma_wait3A_909 = arith.constant 0 : i32
        %dma_wait3A_910 = tpu.memref_slice %arg5[%run_scoped3A_650, %run_scoped3A_651, %dma_wait3A_909] : memref<8x2x128xi32, #tpu.memory_space<vmem>> -> memref<1x1x128xi32, #tpu.memory_space<vmem>>
        %dma_wait3A_911 = tpu.memref_squeeze %dma_wait3A_910 : memref<1x1x128xi32, #tpu.memory_space<vmem>> -> memref<128xi32, #tpu.memory_space<vmem>>
        %dma_wait3A_912 = arith.constant 0 : i32
        %dma_wait3A_913 = arith.constant 0 : i32
        %dma_wait3A_914 = tpu.memref_slice %arg7[%dma_wait3A_912, %dma_wait3A_913] : memref<10008x32xf32, #tpu.memory_space<vmem_shared>> -> memref<10008x32xf32, #tpu.memory_space<vmem_shared>>
        tpu.wait_indirect_dma semaphore(%run_scoped3A_894 : memref<!tpu.dma_semaphore, #tpu.memory_space<semaphore_mem>>) src(%dma_wait3A_908 : memref<128x32xf32, #tpu.memory_space<vmem>>) dst(%dma_wait3A_914 : memref<10008x32xf32, #tpu.memory_space<vmem_shared>>)
        tpu.yield
      }) : () -> ()
      %add3A_652 = arith.constant 8 : i32
      %add3A_653 = arith.addi %add3A_602, %add3A_652 : i32
      %sub3A_654 = arith.constant 1 : i32
      %sub3A_655 = arith.subi %add3A_653, %sub3A_654 : i32
      %add3A_656 = arith.addi %mul3A_2, %sub3A_655 : i32
      %dma_start3A_657 = arith.constant 3 : i32
      %dma_start3A_658 = arith.constant 0 : i32
      %dma_start3A_659 = arith.constant 0 : i32
      %dma_start3A_660 = tpu.memref_slice %arg5[%dma_start3A_657, %dma_start3A_658, %dma_start3A_659] : memref<8x2x128xi32, #tpu.memory_space<vmem>> -> memref<1x2x128xi32, #tpu.memory_space<vmem>>
      %dma_start3A_661 = tpu.memref_squeeze %dma_start3A_660 : memref<1x2x128xi32, #tpu.memory_space<vmem>> -> memref<2x128xi32, #tpu.memory_space<vmem>>
      %dma_start3A_662 = arith.constant 0 : i32
      %dma_start3A_663 = arith.constant 0 : i32
      %dma_start3A_664 = tpu.memref_slice %arg3[%add3A_656, %dma_start3A_662, %dma_start3A_663] : memref<2568x2x128xi32, #tpu.memory_space<hbm>> -> memref<1x2x128xi32, #tpu.memory_space<hbm>>
      %dma_start3A_665 = tpu.memref_squeeze %dma_start3A_664 : memref<1x2x128xi32, #tpu.memory_space<hbm>> -> memref<2x128xi32, #tpu.memory_space<hbm>>
      %dma_start3A_666 = arith.constant 0 : i32
      %dma_start3A_667 = arith.constant 0 : i32
      %dma_start3A_668 = tpu.memref_slice %arg5[%dma_start3A_657, %dma_start3A_666, %dma_start3A_667] : memref<8x2x128xi32, #tpu.memory_space<vmem>> -> memref<1x2x128xi32, #tpu.memory_space<vmem>>
      %dma_start3A_669 = tpu.memref_squeeze %dma_start3A_668 : memref<1x2x128xi32, #tpu.memory_space<vmem>> -> memref<2x128xi32, #tpu.memory_space<vmem>>
      %dma_start3A_670 = arith.constant 0 : i32
      %dma_start3A_671 = arith.constant 0 : i32
      %dma_start3A_672 = tpu.memref_slice %arg3[%add3A_656, %dma_start3A_670, %dma_start3A_671] : memref<2568x2x128xi32, #tpu.memory_space<hbm>> -> memref<1x2x128xi32, #tpu.memory_space<hbm>>
      %dma_start3A_673 = tpu.memref_squeeze %dma_start3A_672 : memref<1x2x128xi32, #tpu.memory_space<hbm>> -> memref<2x128xi32, #tpu.memory_space<hbm>>
      tpu.enqueue_dma source(%dma_start3A_673 : memref<2x128xi32, #tpu.memory_space<hbm>>) target(%dma_start3A_669 : memref<2x128xi32, #tpu.memory_space<vmem>>) target_semaphore(%arg11 : memref<!tpu.dma_semaphore, #tpu.memory_space<semaphore_mem>>)
      %add3A_674 = arith.constant 5 : i32
      %add3A_675 = arith.addi %mul3A_323, %add3A_674 : i32
      %add3A_676 = arith.addi %mul3A_2, %add3A_675 : i32
      %dma_wait3A_677 = arith.constant 5 : i32
      %dma_wait3A_678 = arith.constant 0 : i32
      %dma_wait3A_679 = arith.constant 0 : i32
      %dma_wait3A_680 = tpu.memref_slice %arg5[%dma_wait3A_677, %dma_wait3A_678, %dma_wait3A_679] : memref<8x2x128xi32, #tpu.memory_space<vmem>> -> memref<1x2x128xi32, #tpu.memory_space<vmem>>
      %dma_wait3A_681 = tpu.memref_squeeze %dma_wait3A_680 : memref<1x2x128xi32, #tpu.memory_space<vmem>> -> memref<2x128xi32, #tpu.memory_space<vmem>>
      %dma_wait3A_682 = arith.constant 0 : i32
      %dma_wait3A_683 = arith.constant 0 : i32
      %dma_wait3A_684 = tpu.memref_slice %arg3[%add3A_676, %dma_wait3A_682, %dma_wait3A_683] : memref<2568x2x128xi32, #tpu.memory_space<hbm>> -> memref<1x2x128xi32, #tpu.memory_space<hbm>>
      %dma_wait3A_685 = tpu.memref_squeeze %dma_wait3A_684 : memref<1x2x128xi32, #tpu.memory_space<hbm>> -> memref<2x128xi32, #tpu.memory_space<hbm>>
      %dma_wait3A_686 = arith.constant 0 : i32
      %dma_wait3A_687 = arith.constant 0 : i32
      %dma_wait3A_688 = tpu.memref_slice %arg5[%dma_wait3A_677, %dma_wait3A_686, %dma_wait3A_687] : memref<8x2x128xi32, #tpu.memory_space<vmem>> -> memref<1x2x128xi32, #tpu.memory_space<vmem>>
      %dma_wait3A_689 = tpu.memref_squeeze %dma_wait3A_688 : memref<1x2x128xi32, #tpu.memory_space<vmem>> -> memref<2x128xi32, #tpu.memory_space<vmem>>
      %dma_wait3A_690 = arith.constant 0 : i32
      %dma_wait3A_691 = arith.constant 0 : i32
      %dma_wait3A_692 = tpu.memref_slice %arg3[%add3A_676, %dma_wait3A_690, %dma_wait3A_691] : memref<2568x2x128xi32, #tpu.memory_space<hbm>> -> memref<1x2x128xi32, #tpu.memory_space<hbm>>
      %dma_wait3A_693 = tpu.memref_squeeze %dma_wait3A_692 : memref<1x2x128xi32, #tpu.memory_space<hbm>> -> memref<2x128xi32, #tpu.memory_space<hbm>>
      tpu.wait_dma2 semaphore(%arg13 : memref<!tpu.dma_semaphore, #tpu.memory_space<semaphore_mem>>) src(%dma_wait3A_693 : memref<2x128xi32, #tpu.memory_space<hbm>>) dst(%dma_wait3A_689 : memref<2x128xi32, #tpu.memory_space<vmem>>)
      %dma_start3A_694 = arith.constant 5 : i32
      %dma_start3A_695 = arith.constant 0 : i32
      %dma_start3A_696 = arith.constant 1 : i32
      %dma_start3A_697 = arith.constant 0 : i32
      %dma_start3A_698 = arith.constant 0 : i32
      %dma_start3A_699 = tpu.memref_slice %arg6[%dma_start3A_696, %dma_start3A_697, %dma_start3A_698] : memref<2x128x32xf32, #tpu.memory_space<vmem>> -> memref<1x128x32xf32, #tpu.memory_space<vmem>>
      %dma_start3A_700 = tpu.memref_squeeze %dma_start3A_699 : memref<1x128x32xf32, #tpu.memory_space<vmem>> -> memref<128x32xf32, #tpu.memory_space<vmem>>
      %dma_start3A_701 = arith.constant 0 : i32
      %dma_start3A_702 = tpu.memref_slice %arg5[%dma_start3A_694, %dma_start3A_695, %dma_start3A_701] : memref<8x2x128xi32, #tpu.memory_space<vmem>> -> memref<1x1x128xi32, #tpu.memory_space<vmem>>
      %dma_start3A_703 = tpu.memref_squeeze %dma_start3A_702 : memref<1x1x128xi32, #tpu.memory_space<vmem>> -> memref<128xi32, #tpu.memory_space<vmem>>
      %dma_start3A_704 = arith.constant 0 : i32
      %dma_start3A_705 = arith.constant 0 : i32
      %dma_start3A_706 = tpu.memref_slice %arg2[%dma_start3A_704, %dma_start3A_705] : memref<10000x32xf32, #tpu.memory_space<hbm>> -> memref<10000x32xf32, #tpu.memory_space<hbm>>
      tpu.enqueue_indirect_dma source(%dma_start3A_706 : memref<10000x32xf32, #tpu.memory_space<hbm>>) target(%dma_start3A_700 : memref<128x32xf32, #tpu.memory_space<vmem>>) offsets(%dma_start3A_703 : memref<128xi32, #tpu.memory_space<vmem>>) semaphore(%arg17 : memref<!tpu.dma_semaphore, #tpu.memory_space<semaphore_mem>>)
      %sub3A_707 = arith.constant 1 : i32
      %sub3A_708 = arith.subi %add3A_675, %sub3A_707 : i32
      %dma_wait3A_709 = arith.constant 4 : i32
      %dma_wait3A_710 = arith.constant 0 : i32
      %dma_wait3A_711 = arith.constant 0 : i32
      %dma_wait3A_712 = arith.constant 0 : i32
      %dma_wait3A_713 = arith.constant 0 : i32
      %dma_wait3A_714 = tpu.memref_slice %arg6[%dma_wait3A_711, %dma_wait3A_712, %dma_wait3A_713] : memref<2x128x32xf32, #tpu.memory_space<vmem>> -> memref<1x128x32xf32, #tpu.memory_space<vmem>>
      %dma_wait3A_715 = tpu.memref_squeeze %dma_wait3A_714 : memref<1x128x32xf32, #tpu.memory_space<vmem>> -> memref<128x32xf32, #tpu.memory_space<vmem>>
      %dma_wait3A_716 = arith.constant 0 : i32
      %dma_wait3A_717 = tpu.memref_slice %arg5[%dma_wait3A_709, %dma_wait3A_710, %dma_wait3A_716] : memref<8x2x128xi32, #tpu.memory_space<vmem>> -> memref<1x1x128xi32, #tpu.memory_space<vmem>>
      %dma_wait3A_718 = tpu.memref_squeeze %dma_wait3A_717 : memref<1x1x128xi32, #tpu.memory_space<vmem>> -> memref<128xi32, #tpu.memory_space<vmem>>
      %dma_wait3A_719 = arith.constant 0 : i32
      %dma_wait3A_720 = arith.constant 0 : i32
      %dma_wait3A_721 = tpu.memref_slice %arg2[%dma_wait3A_719, %dma_wait3A_720] : memref<10000x32xf32, #tpu.memory_space<hbm>> -> memref<10000x32xf32, #tpu.memory_space<hbm>>
      tpu.wait_indirect_dma semaphore(%arg16 : memref<!tpu.dma_semaphore, #tpu.memory_space<semaphore_mem>>) src(%dma_wait3A_721 : memref<10000x32xf32, #tpu.memory_space<hbm>>) dst(%dma_wait3A_715 : memref<128x32xf32, #tpu.memory_space<vmem>>)
      %run_scoped3A_722 = arith.constant 0 : i32
      %run_scoped3A_723 = arith.constant 4 : i32
      %run_scoped3A_724 = arith.constant 1 : i32
      "tpu.region"() ({
        %run_scoped3A_894 = tpu.sem_alloc : memref<!tpu.dma_semaphore, #tpu.memory_space<semaphore_mem>>
        %dma_start3A_895 = arith.constant 0 : i32
        %dma_start3A_896 = arith.constant 0 : i32
        %dma_start3A_897 = tpu.memref_slice %arg6[%run_scoped3A_722, %dma_start3A_895, %dma_start3A_896] : memref<2x128x32xf32, #tpu.memory_space<vmem>> -> memref<1x128x32xf32, #tpu.memory_space<vmem>>
        %dma_start3A_898 = tpu.memref_squeeze %dma_start3A_897 : memref<1x128x32xf32, #tpu.memory_space<vmem>> -> memref<128x32xf32, #tpu.memory_space<vmem>>
        %dma_start3A_899 = arith.constant 0 : i32
        %dma_start3A_900 = tpu.memref_slice %arg5[%run_scoped3A_723, %run_scoped3A_724, %dma_start3A_899] : memref<8x2x128xi32, #tpu.memory_space<vmem>> -> memref<1x1x128xi32, #tpu.memory_space<vmem>>
        %dma_start3A_901 = tpu.memref_squeeze %dma_start3A_900 : memref<1x1x128xi32, #tpu.memory_space<vmem>> -> memref<128xi32, #tpu.memory_space<vmem>>
        %dma_start3A_902 = arith.constant 0 : i32
        %dma_start3A_903 = arith.constant 0 : i32
        %dma_start3A_904 = tpu.memref_slice %arg7[%dma_start3A_902, %dma_start3A_903] : memref<10008x32xf32, #tpu.memory_space<vmem_shared>> -> memref<10008x32xf32, #tpu.memory_space<vmem_shared>>
        tpu.enqueue_indirect_dma source(%dma_start3A_898 : memref<128x32xf32, #tpu.memory_space<vmem>>) target(%dma_start3A_904 : memref<10008x32xf32, #tpu.memory_space<vmem_shared>>) offsets(%dma_start3A_901 : memref<128xi32, #tpu.memory_space<vmem>>) semaphore(%run_scoped3A_894 : memref<!tpu.dma_semaphore, #tpu.memory_space<semaphore_mem>>) {add = true}
        %dma_wait3A_905 = arith.constant 0 : i32
        %dma_wait3A_906 = arith.constant 0 : i32
        %dma_wait3A_907 = tpu.memref_slice %arg6[%run_scoped3A_722, %dma_wait3A_905, %dma_wait3A_906] : memref<2x128x32xf32, #tpu.memory_space<vmem>> -> memref<1x128x32xf32, #tpu.memory_space<vmem>>
        %dma_wait3A_908 = tpu.memref_squeeze %dma_wait3A_907 : memref<1x128x32xf32, #tpu.memory_space<vmem>> -> memref<128x32xf32, #tpu.memory_space<vmem>>
        %dma_wait3A_909 = arith.constant 0 : i32
        %dma_wait3A_910 = tpu.memref_slice %arg5[%run_scoped3A_723, %run_scoped3A_724, %dma_wait3A_909] : memref<8x2x128xi32, #tpu.memory_space<vmem>> -> memref<1x1x128xi32, #tpu.memory_space<vmem>>
        %dma_wait3A_911 = tpu.memref_squeeze %dma_wait3A_910 : memref<1x1x128xi32, #tpu.memory_space<vmem>> -> memref<128xi32, #tpu.memory_space<vmem>>
        %dma_wait3A_912 = arith.constant 0 : i32
        %dma_wait3A_913 = arith.constant 0 : i32
        %dma_wait3A_914 = tpu.memref_slice %arg7[%dma_wait3A_912, %dma_wait3A_913] : memref<10008x32xf32, #tpu.memory_space<vmem_shared>> -> memref<10008x32xf32, #tpu.memory_space<vmem_shared>>
        tpu.wait_indirect_dma semaphore(%run_scoped3A_894 : memref<!tpu.dma_semaphore, #tpu.memory_space<semaphore_mem>>) src(%dma_wait3A_908 : memref<128x32xf32, #tpu.memory_space<vmem>>) dst(%dma_wait3A_914 : memref<10008x32xf32, #tpu.memory_space<vmem_shared>>)
        tpu.yield
      }) : () -> ()
      %add3A_725 = arith.constant 8 : i32
      %add3A_726 = arith.addi %add3A_675, %add3A_725 : i32
      %sub3A_727 = arith.constant 1 : i32
      %sub3A_728 = arith.subi %add3A_726, %sub3A_727 : i32
      %add3A_729 = arith.addi %mul3A_2, %sub3A_728 : i32
      %dma_start3A_730 = arith.constant 4 : i32
      %dma_start3A_731 = arith.constant 0 : i32
      %dma_start3A_732 = arith.constant 0 : i32
      %dma_start3A_733 = tpu.memref_slice %arg5[%dma_start3A_730, %dma_start3A_731, %dma_start3A_732] : memref<8x2x128xi32, #tpu.memory_space<vmem>> -> memref<1x2x128xi32, #tpu.memory_space<vmem>>
      %dma_start3A_734 = tpu.memref_squeeze %dma_start3A_733 : memref<1x2x128xi32, #tpu.memory_space<vmem>> -> memref<2x128xi32, #tpu.memory_space<vmem>>
      %dma_start3A_735 = arith.constant 0 : i32
      %dma_start3A_736 = arith.constant 0 : i32
      %dma_start3A_737 = tpu.memref_slice %arg3[%add3A_729, %dma_start3A_735, %dma_start3A_736] : memref<2568x2x128xi32, #tpu.memory_space<hbm>> -> memref<1x2x128xi32, #tpu.memory_space<hbm>>
      %dma_start3A_738 = tpu.memref_squeeze %dma_start3A_737 : memref<1x2x128xi32, #tpu.memory_space<hbm>> -> memref<2x128xi32, #tpu.memory_space<hbm>>
      %dma_start3A_739 = arith.constant 0 : i32
      %dma_start3A_740 = arith.constant 0 : i32
      %dma_start3A_741 = tpu.memref_slice %arg5[%dma_start3A_730, %dma_start3A_739, %dma_start3A_740] : memref<8x2x128xi32, #tpu.memory_space<vmem>> -> memref<1x2x128xi32, #tpu.memory_space<vmem>>
      %dma_start3A_742 = tpu.memref_squeeze %dma_start3A_741 : memref<1x2x128xi32, #tpu.memory_space<vmem>> -> memref<2x128xi32, #tpu.memory_space<vmem>>
      %dma_start3A_743 = arith.constant 0 : i32
      %dma_start3A_744 = arith.constant 0 : i32
      %dma_start3A_745 = tpu.memref_slice %arg3[%add3A_729, %dma_start3A_743, %dma_start3A_744] : memref<2568x2x128xi32, #tpu.memory_space<hbm>> -> memref<1x2x128xi32, #tpu.memory_space<hbm>>
      %dma_start3A_746 = tpu.memref_squeeze %dma_start3A_745 : memref<1x2x128xi32, #tpu.memory_space<hbm>> -> memref<2x128xi32, #tpu.memory_space<hbm>>
      tpu.enqueue_dma source(%dma_start3A_746 : memref<2x128xi32, #tpu.memory_space<hbm>>) target(%dma_start3A_742 : memref<2x128xi32, #tpu.memory_space<vmem>>) target_semaphore(%arg12 : memref<!tpu.dma_semaphore, #tpu.memory_space<semaphore_mem>>)
      %add3A_747 = arith.constant 6 : i32
      %add3A_748 = arith.addi %mul3A_323, %add3A_747 : i32
      %add3A_749 = arith.addi %mul3A_2, %add3A_748 : i32
      %dma_wait3A_750 = arith.constant 6 : i32
      %dma_wait3A_751 = arith.constant 0 : i32
      %dma_wait3A_752 = arith.constant 0 : i32
      %dma_wait3A_753 = tpu.memref_slice %arg5[%dma_wait3A_750, %dma_wait3A_751, %dma_wait3A_752] : memref<8x2x128xi32, #tpu.memory_space<vmem>> -> memref<1x2x128xi32, #tpu.memory_space<vmem>>
      %dma_wait3A_754 = tpu.memref_squeeze %dma_wait3A_753 : memref<1x2x128xi32, #tpu.memory_space<vmem>> -> memref<2x128xi32, #tpu.memory_space<vmem>>
      %dma_wait3A_755 = arith.constant 0 : i32
      %dma_wait3A_756 = arith.constant 0 : i32
      %dma_wait3A_757 = tpu.memref_slice %arg3[%add3A_749, %dma_wait3A_755, %dma_wait3A_756] : memref<2568x2x128xi32, #tpu.memory_space<hbm>> -> memref<1x2x128xi32, #tpu.memory_space<hbm>>
      %dma_wait3A_758 = tpu.memref_squeeze %dma_wait3A_757 : memref<1x2x128xi32, #tpu.memory_space<hbm>> -> memref<2x128xi32, #tpu.memory_space<hbm>>
      %dma_wait3A_759 = arith.constant 0 : i32
      %dma_wait3A_760 = arith.constant 0 : i32
      %dma_wait3A_761 = tpu.memref_slice %arg5[%dma_wait3A_750, %dma_wait3A_759, %dma_wait3A_760] : memref<8x2x128xi32, #tpu.memory_space<vmem>> -> memref<1x2x128xi32, #tpu.memory_space<vmem>>
      %dma_wait3A_762 = tpu.memref_squeeze %dma_wait3A_761 : memref<1x2x128xi32, #tpu.memory_space<vmem>> -> memref<2x128xi32, #tpu.memory_space<vmem>>
      %dma_wait3A_763 = arith.constant 0 : i32
      %dma_wait3A_764 = arith.constant 0 : i32
      %dma_wait3A_765 = tpu.memref_slice %arg3[%add3A_749, %dma_wait3A_763, %dma_wait3A_764] : memref<2568x2x128xi32, #tpu.memory_space<hbm>> -> memref<1x2x128xi32, #tpu.memory_space<hbm>>
      %dma_wait3A_766 = tpu.memref_squeeze %dma_wait3A_765 : memref<1x2x128xi32, #tpu.memory_space<hbm>> -> memref<2x128xi32, #tpu.memory_space<hbm>>
      tpu.wait_dma2 semaphore(%arg14 : memref<!tpu.dma_semaphore, #tpu.memory_space<semaphore_mem>>) src(%dma_wait3A_766 : memref<2x128xi32, #tpu.memory_space<hbm>>) dst(%dma_wait3A_762 : memref<2x128xi32, #tpu.memory_space<vmem>>)
      %dma_start3A_767 = arith.constant 6 : i32
      %dma_start3A_768 = arith.constant 0 : i32
      %dma_start3A_769 = arith.constant 0 : i32
      %dma_start3A_770 = arith.constant 0 : i32
      %dma_start3A_771 = arith.constant 0 : i32
      %dma_start3A_772 = tpu.memref_slice %arg6[%dma_start3A_769, %dma_start3A_770, %dma_start3A_771] : memref<2x128x32xf32, #tpu.memory_space<vmem>> -> memref<1x128x32xf32, #tpu.memory_space<vmem>>
      %dma_start3A_773 = tpu.memref_squeeze %dma_start3A_772 : memref<1x128x32xf32, #tpu.memory_space<vmem>> -> memref<128x32xf32, #tpu.memory_space<vmem>>
      %dma_start3A_774 = arith.constant 0 : i32
      %dma_start3A_775 = tpu.memref_slice %arg5[%dma_start3A_767, %dma_start3A_768, %dma_start3A_774] : memref<8x2x128xi32, #tpu.memory_space<vmem>> -> memref<1x1x128xi32, #tpu.memory_space<vmem>>
      %dma_start3A_776 = tpu.memref_squeeze %dma_start3A_775 : memref<1x1x128xi32, #tpu.memory_space<vmem>> -> memref<128xi32, #tpu.memory_space<vmem>>
      %dma_start3A_777 = arith.constant 0 : i32
      %dma_start3A_778 = arith.constant 0 : i32
      %dma_start3A_779 = tpu.memref_slice %arg2[%dma_start3A_777, %dma_start3A_778] : memref<10000x32xf32, #tpu.memory_space<hbm>> -> memref<10000x32xf32, #tpu.memory_space<hbm>>
      tpu.enqueue_indirect_dma source(%dma_start3A_779 : memref<10000x32xf32, #tpu.memory_space<hbm>>) target(%dma_start3A_773 : memref<128x32xf32, #tpu.memory_space<vmem>>) offsets(%dma_start3A_776 : memref<128xi32, #tpu.memory_space<vmem>>) semaphore(%arg16 : memref<!tpu.dma_semaphore, #tpu.memory_space<semaphore_mem>>)
      %sub3A_780 = arith.constant 1 : i32
      %sub3A_781 = arith.subi %add3A_748, %sub3A_780 : i32
      %dma_wait3A_782 = arith.constant 5 : i32
      %dma_wait3A_783 = arith.constant 0 : i32
      %dma_wait3A_784 = arith.constant 1 : i32
      %dma_wait3A_785 = arith.constant 0 : i32
      %dma_wait3A_786 = arith.constant 0 : i32
      %dma_wait3A_787 = tpu.memref_slice %arg6[%dma_wait3A_784, %dma_wait3A_785, %dma_wait3A_786] : memref<2x128x32xf32, #tpu.memory_space<vmem>> -> memref<1x128x32xf32, #tpu.memory_space<vmem>>
      %dma_wait3A_788 = tpu.memref_squeeze %dma_wait3A_787 : memref<1x128x32xf32, #tpu.memory_space<vmem>> -> memref<128x32xf32, #tpu.memory_space<vmem>>
      %dma_wait3A_789 = arith.constant 0 : i32
      %dma_wait3A_790 = tpu.memref_slice %arg5[%dma_wait3A_782, %dma_wait3A_783, %dma_wait3A_789] : memref<8x2x128xi32, #tpu.memory_space<vmem>> -> memref<1x1x128xi32, #tpu.memory_space<vmem>>
      %dma_wait3A_791 = tpu.memref_squeeze %dma_wait3A_790 : memref<1x1x128xi32, #tpu.memory_space<vmem>> -> memref<128xi32, #tpu.memory_space<vmem>>
      %dma_wait3A_792 = arith.constant 0 : i32
      %dma_wait3A_793 = arith.constant 0 : i32
      %dma_wait3A_794 = tpu.memref_slice %arg2[%dma_wait3A_792, %dma_wait3A_793] : memref<10000x32xf32, #tpu.memory_space<hbm>> -> memref<10000x32xf32, #tpu.memory_space<hbm>>
      tpu.wait_indirect_dma semaphore(%arg17 : memref<!tpu.dma_semaphore, #tpu.memory_space<semaphore_mem>>) src(%dma_wait3A_794 : memref<10000x32xf32, #tpu.memory_space<hbm>>) dst(%dma_wait3A_788 : memref<128x32xf32, #tpu.memory_space<vmem>>)
      %run_scoped3A_795 = arith.constant 1 : i32
      %run_scoped3A_796 = arith.constant 5 : i32
      %run_scoped3A_797 = arith.constant 1 : i32
      "tpu.region"() ({
        %run_scoped3A_894 = tpu.sem_alloc : memref<!tpu.dma_semaphore, #tpu.memory_space<semaphore_mem>>
        %dma_start3A_895 = arith.constant 0 : i32
        %dma_start3A_896 = arith.constant 0 : i32
        %dma_start3A_897 = tpu.memref_slice %arg6[%run_scoped3A_795, %dma_start3A_895, %dma_start3A_896] : memref<2x128x32xf32, #tpu.memory_space<vmem>> -> memref<1x128x32xf32, #tpu.memory_space<vmem>>
        %dma_start3A_898 = tpu.memref_squeeze %dma_start3A_897 : memref<1x128x32xf32, #tpu.memory_space<vmem>> -> memref<128x32xf32, #tpu.memory_space<vmem>>
        %dma_start3A_899 = arith.constant 0 : i32
        %dma_start3A_900 = tpu.memref_slice %arg5[%run_scoped3A_796, %run_scoped3A_797, %dma_start3A_899] : memref<8x2x128xi32, #tpu.memory_space<vmem>> -> memref<1x1x128xi32, #tpu.memory_space<vmem>>
        %dma_start3A_901 = tpu.memref_squeeze %dma_start3A_900 : memref<1x1x128xi32, #tpu.memory_space<vmem>> -> memref<128xi32, #tpu.memory_space<vmem>>
        %dma_start3A_902 = arith.constant 0 : i32
        %dma_start3A_903 = arith.constant 0 : i32
        %dma_start3A_904 = tpu.memref_slice %arg7[%dma_start3A_902, %dma_start3A_903] : memref<10008x32xf32, #tpu.memory_space<vmem_shared>> -> memref<10008x32xf32, #tpu.memory_space<vmem_shared>>
        tpu.enqueue_indirect_dma source(%dma_start3A_898 : memref<128x32xf32, #tpu.memory_space<vmem>>) target(%dma_start3A_904 : memref<10008x32xf32, #tpu.memory_space<vmem_shared>>) offsets(%dma_start3A_901 : memref<128xi32, #tpu.memory_space<vmem>>) semaphore(%run_scoped3A_894 : memref<!tpu.dma_semaphore, #tpu.memory_space<semaphore_mem>>) {add = true}
        %dma_wait3A_905 = arith.constant 0 : i32
        %dma_wait3A_906 = arith.constant 0 : i32
        %dma_wait3A_907 = tpu.memref_slice %arg6[%run_scoped3A_795, %dma_wait3A_905, %dma_wait3A_906] : memref<2x128x32xf32, #tpu.memory_space<vmem>> -> memref<1x128x32xf32, #tpu.memory_space<vmem>>
        %dma_wait3A_908 = tpu.memref_squeeze %dma_wait3A_907 : memref<1x128x32xf32, #tpu.memory_space<vmem>> -> memref<128x32xf32, #tpu.memory_space<vmem>>
        %dma_wait3A_909 = arith.constant 0 : i32
        %dma_wait3A_910 = tpu.memref_slice %arg5[%run_scoped3A_796, %run_scoped3A_797, %dma_wait3A_909] : memref<8x2x128xi32, #tpu.memory_space<vmem>> -> memref<1x1x128xi32, #tpu.memory_space<vmem>>
        %dma_wait3A_911 = tpu.memref_squeeze %dma_wait3A_910 : memref<1x1x128xi32, #tpu.memory_space<vmem>> -> memref<128xi32, #tpu.memory_space<vmem>>
        %dma_wait3A_912 = arith.constant 0 : i32
        %dma_wait3A_913 = arith.constant 0 : i32
        %dma_wait3A_914 = tpu.memref_slice %arg7[%dma_wait3A_912, %dma_wait3A_913] : memref<10008x32xf32, #tpu.memory_space<vmem_shared>> -> memref<10008x32xf32, #tpu.memory_space<vmem_shared>>
        tpu.wait_indirect_dma semaphore(%run_scoped3A_894 : memref<!tpu.dma_semaphore, #tpu.memory_space<semaphore_mem>>) src(%dma_wait3A_908 : memref<128x32xf32, #tpu.memory_space<vmem>>) dst(%dma_wait3A_914 : memref<10008x32xf32, #tpu.memory_space<vmem_shared>>)
        tpu.yield
      }) : () -> ()
      %add3A_798 = arith.constant 8 : i32
      %add3A_799 = arith.addi %add3A_748, %add3A_798 : i32
      %sub3A_800 = arith.constant 1 : i32
      %sub3A_801 = arith.subi %add3A_799, %sub3A_800 : i32
      %add3A_802 = arith.addi %mul3A_2, %sub3A_801 : i32
      %dma_start3A_803 = arith.constant 5 : i32
      %dma_start3A_804 = arith.constant 0 : i32
      %dma_start3A_805 = arith.constant 0 : i32
      %dma_start3A_806 = tpu.memref_slice %arg5[%dma_start3A_803, %dma_start3A_804, %dma_start3A_805] : memref<8x2x128xi32, #tpu.memory_space<vmem>> -> memref<1x2x128xi32, #tpu.memory_space<vmem>>
      %dma_start3A_807 = tpu.memref_squeeze %dma_start3A_806 : memref<1x2x128xi32, #tpu.memory_space<vmem>> -> memref<2x128xi32, #tpu.memory_space<vmem>>
      %dma_start3A_808 = arith.constant 0 : i32
      %dma_start3A_809 = arith.constant 0 : i32
      %dma_start3A_810 = tpu.memref_slice %arg3[%add3A_802, %dma_start3A_808, %dma_start3A_809] : memref<2568x2x128xi32, #tpu.memory_space<hbm>> -> memref<1x2x128xi32, #tpu.memory_space<hbm>>
      %dma_start3A_811 = tpu.memref_squeeze %dma_start3A_810 : memref<1x2x128xi32, #tpu.memory_space<hbm>> -> memref<2x128xi32, #tpu.memory_space<hbm>>
      %dma_start3A_812 = arith.constant 0 : i32
      %dma_start3A_813 = arith.constant 0 : i32
      %dma_start3A_814 = tpu.memref_slice %arg5[%dma_start3A_803, %dma_start3A_812, %dma_start3A_813] : memref<8x2x128xi32, #tpu.memory_space<vmem>> -> memref<1x2x128xi32, #tpu.memory_space<vmem>>
      %dma_start3A_815 = tpu.memref_squeeze %dma_start3A_814 : memref<1x2x128xi32, #tpu.memory_space<vmem>> -> memref<2x128xi32, #tpu.memory_space<vmem>>
      %dma_start3A_816 = arith.constant 0 : i32
      %dma_start3A_817 = arith.constant 0 : i32
      %dma_start3A_818 = tpu.memref_slice %arg3[%add3A_802, %dma_start3A_816, %dma_start3A_817] : memref<2568x2x128xi32, #tpu.memory_space<hbm>> -> memref<1x2x128xi32, #tpu.memory_space<hbm>>
      %dma_start3A_819 = tpu.memref_squeeze %dma_start3A_818 : memref<1x2x128xi32, #tpu.memory_space<hbm>> -> memref<2x128xi32, #tpu.memory_space<hbm>>
      tpu.enqueue_dma source(%dma_start3A_819 : memref<2x128xi32, #tpu.memory_space<hbm>>) target(%dma_start3A_815 : memref<2x128xi32, #tpu.memory_space<vmem>>) target_semaphore(%arg13 : memref<!tpu.dma_semaphore, #tpu.memory_space<semaphore_mem>>)
      %add3A_820 = arith.constant 7 : i32
      %add3A_821 = arith.addi %mul3A_323, %add3A_820 : i32
      %add3A_822 = arith.addi %mul3A_2, %add3A_821 : i32
      %dma_wait3A_823 = arith.constant 7 : i32
      %dma_wait3A_824 = arith.constant 0 : i32
      %dma_wait3A_825 = arith.constant 0 : i32
      %dma_wait3A_826 = tpu.memref_slice %arg5[%dma_wait3A_823, %dma_wait3A_824, %dma_wait3A_825] : memref<8x2x128xi32, #tpu.memory_space<vmem>> -> memref<1x2x128xi32, #tpu.memory_space<vmem>>
      %dma_wait3A_827 = tpu.memref_squeeze %dma_wait3A_826 : memref<1x2x128xi32, #tpu.memory_space<vmem>> -> memref<2x128xi32, #tpu.memory_space<vmem>>
      %dma_wait3A_828 = arith.constant 0 : i32
      %dma_wait3A_829 = arith.constant 0 : i32
      %dma_wait3A_830 = tpu.memref_slice %arg3[%add3A_822, %dma_wait3A_828, %dma_wait3A_829] : memref<2568x2x128xi32, #tpu.memory_space<hbm>> -> memref<1x2x128xi32, #tpu.memory_space<hbm>>
      %dma_wait3A_831 = tpu.memref_squeeze %dma_wait3A_830 : memref<1x2x128xi32, #tpu.memory_space<hbm>> -> memref<2x128xi32, #tpu.memory_space<hbm>>
      %dma_wait3A_832 = arith.constant 0 : i32
      %dma_wait3A_833 = arith.constant 0 : i32
      %dma_wait3A_834 = tpu.memref_slice %arg5[%dma_wait3A_823, %dma_wait3A_832, %dma_wait3A_833] : memref<8x2x128xi32, #tpu.memory_space<vmem>> -> memref<1x2x128xi32, #tpu.memory_space<vmem>>
      %dma_wait3A_835 = tpu.memref_squeeze %dma_wait3A_834 : memref<1x2x128xi32, #tpu.memory_space<vmem>> -> memref<2x128xi32, #tpu.memory_space<vmem>>
      %dma_wait3A_836 = arith.constant 0 : i32
      %dma_wait3A_837 = arith.constant 0 : i32
      %dma_wait3A_838 = tpu.memref_slice %arg3[%add3A_822, %dma_wait3A_836, %dma_wait3A_837] : memref<2568x2x128xi32, #tpu.memory_space<hbm>> -> memref<1x2x128xi32, #tpu.memory_space<hbm>>
      %dma_wait3A_839 = tpu.memref_squeeze %dma_wait3A_838 : memref<1x2x128xi32, #tpu.memory_space<hbm>> -> memref<2x128xi32, #tpu.memory_space<hbm>>
      tpu.wait_dma2 semaphore(%arg15 : memref<!tpu.dma_semaphore, #tpu.memory_space<semaphore_mem>>) src(%dma_wait3A_839 : memref<2x128xi32, #tpu.memory_space<hbm>>) dst(%dma_wait3A_835 : memref<2x128xi32, #tpu.memory_space<vmem>>)
      %dma_start3A_840 = arith.constant 7 : i32
      %dma_start3A_841 = arith.constant 0 : i32
      %dma_start3A_842 = arith.constant 1 : i32
      %dma_start3A_843 = arith.constant 0 : i32
      %dma_start3A_844 = arith.constant 0 : i32
      %dma_start3A_845 = tpu.memref_slice %arg6[%dma_start3A_842, %dma_start3A_843, %dma_start3A_844] : memref<2x128x32xf32, #tpu.memory_space<vmem>> -> memref<1x128x32xf32, #tpu.memory_space<vmem>>
      %dma_start3A_846 = tpu.memref_squeeze %dma_start3A_845 : memref<1x128x32xf32, #tpu.memory_space<vmem>> -> memref<128x32xf32, #tpu.memory_space<vmem>>
      %dma_start3A_847 = arith.constant 0 : i32
      %dma_start3A_848 = tpu.memref_slice %arg5[%dma_start3A_840, %dma_start3A_841, %dma_start3A_847] : memref<8x2x128xi32, #tpu.memory_space<vmem>> -> memref<1x1x128xi32, #tpu.memory_space<vmem>>
      %dma_start3A_849 = tpu.memref_squeeze %dma_start3A_848 : memref<1x1x128xi32, #tpu.memory_space<vmem>> -> memref<128xi32, #tpu.memory_space<vmem>>
      %dma_start3A_850 = arith.constant 0 : i32
      %dma_start3A_851 = arith.constant 0 : i32
      %dma_start3A_852 = tpu.memref_slice %arg2[%dma_start3A_850, %dma_start3A_851] : memref<10000x32xf32, #tpu.memory_space<hbm>> -> memref<10000x32xf32, #tpu.memory_space<hbm>>
      tpu.enqueue_indirect_dma source(%dma_start3A_852 : memref<10000x32xf32, #tpu.memory_space<hbm>>) target(%dma_start3A_846 : memref<128x32xf32, #tpu.memory_space<vmem>>) offsets(%dma_start3A_849 : memref<128xi32, #tpu.memory_space<vmem>>) semaphore(%arg17 : memref<!tpu.dma_semaphore, #tpu.memory_space<semaphore_mem>>)
      %sub3A_853 = arith.constant 1 : i32
      %sub3A_854 = arith.subi %add3A_821, %sub3A_853 : i32
      %dma_wait3A_855 = arith.constant 6 : i32
      %dma_wait3A_856 = arith.constant 0 : i32
      %dma_wait3A_857 = arith.constant 0 : i32
      %dma_wait3A_858 = arith.constant 0 : i32
      %dma_wait3A_859 = arith.constant 0 : i32
      %dma_wait3A_860 = tpu.memref_slice %arg6[%dma_wait3A_857, %dma_wait3A_858, %dma_wait3A_859] : memref<2x128x32xf32, #tpu.memory_space<vmem>> -> memref<1x128x32xf32, #tpu.memory_space<vmem>>
      %dma_wait3A_861 = tpu.memref_squeeze %dma_wait3A_860 : memref<1x128x32xf32, #tpu.memory_space<vmem>> -> memref<128x32xf32, #tpu.memory_space<vmem>>
      %dma_wait3A_862 = arith.constant 0 : i32
      %dma_wait3A_863 = tpu.memref_slice %arg5[%dma_wait3A_855, %dma_wait3A_856, %dma_wait3A_862] : memref<8x2x128xi32, #tpu.memory_space<vmem>> -> memref<1x1x128xi32, #tpu.memory_space<vmem>>
      %dma_wait3A_864 = tpu.memref_squeeze %dma_wait3A_863 : memref<1x1x128xi32, #tpu.memory_space<vmem>> -> memref<128xi32, #tpu.memory_space<vmem>>
      %dma_wait3A_865 = arith.constant 0 : i32
      %dma_wait3A_866 = arith.constant 0 : i32
      %dma_wait3A_867 = tpu.memref_slice %arg2[%dma_wait3A_865, %dma_wait3A_866] : memref<10000x32xf32, #tpu.memory_space<hbm>> -> memref<10000x32xf32, #tpu.memory_space<hbm>>
      tpu.wait_indirect_dma semaphore(%arg16 : memref<!tpu.dma_semaphore, #tpu.memory_space<semaphore_mem>>) src(%dma_wait3A_867 : memref<10000x32xf32, #tpu.memory_space<hbm>>) dst(%dma_wait3A_861 : memref<128x32xf32, #tpu.memory_space<vmem>>)
      %run_scoped3A_868 = arith.constant 0 : i32
      %run_scoped3A_869 = arith.constant 6 : i32
      %run_scoped3A_870 = arith.constant 1 : i32
      "tpu.region"() ({
        %run_scoped3A_894 = tpu.sem_alloc : memref<!tpu.dma_semaphore, #tpu.memory_space<semaphore_mem>>
        %dma_start3A_895 = arith.constant 0 : i32
        %dma_start3A_896 = arith.constant 0 : i32
        %dma_start3A_897 = tpu.memref_slice %arg6[%run_scoped3A_868, %dma_start3A_895, %dma_start3A_896] : memref<2x128x32xf32, #tpu.memory_space<vmem>> -> memref<1x128x32xf32, #tpu.memory_space<vmem>>
        %dma_start3A_898 = tpu.memref_squeeze %dma_start3A_897 : memref<1x128x32xf32, #tpu.memory_space<vmem>> -> memref<128x32xf32, #tpu.memory_space<vmem>>
        %dma_start3A_899 = arith.constant 0 : i32
        %dma_start3A_900 = tpu.memref_slice %arg5[%run_scoped3A_869, %run_scoped3A_870, %dma_start3A_899] : memref<8x2x128xi32, #tpu.memory_space<vmem>> -> memref<1x1x128xi32, #tpu.memory_space<vmem>>
        %dma_start3A_901 = tpu.memref_squeeze %dma_start3A_900 : memref<1x1x128xi32, #tpu.memory_space<vmem>> -> memref<128xi32, #tpu.memory_space<vmem>>
        %dma_start3A_902 = arith.constant 0 : i32
        %dma_start3A_903 = arith.constant 0 : i32
        %dma_start3A_904 = tpu.memref_slice %arg7[%dma_start3A_902, %dma_start3A_903] : memref<10008x32xf32, #tpu.memory_space<vmem_shared>> -> memref<10008x32xf32, #tpu.memory_space<vmem_shared>>
        tpu.enqueue_indirect_dma source(%dma_start3A_898 : memref<128x32xf32, #tpu.memory_space<vmem>>) target(%dma_start3A_904 : memref<10008x32xf32, #tpu.memory_space<vmem_shared>>) offsets(%dma_start3A_901 : memref<128xi32, #tpu.memory_space<vmem>>) semaphore(%run_scoped3A_894 : memref<!tpu.dma_semaphore, #tpu.memory_space<semaphore_mem>>) {add = true}
        %dma_wait3A_905 = arith.constant 0 : i32
        %dma_wait3A_906 = arith.constant 0 : i32
        %dma_wait3A_907 = tpu.memref_slice %arg6[%run_scoped3A_868, %dma_wait3A_905, %dma_wait3A_906] : memref<2x128x32xf32, #tpu.memory_space<vmem>> -> memref<1x128x32xf32, #tpu.memory_space<vmem>>
        %dma_wait3A_908 = tpu.memref_squeeze %dma_wait3A_907 : memref<1x128x32xf32, #tpu.memory_space<vmem>> -> memref<128x32xf32, #tpu.memory_space<vmem>>
        %dma_wait3A_909 = arith.constant 0 : i32
        %dma_wait3A_910 = tpu.memref_slice %arg5[%run_scoped3A_869, %run_scoped3A_870, %dma_wait3A_909] : memref<8x2x128xi32, #tpu.memory_space<vmem>> -> memref<1x1x128xi32, #tpu.memory_space<vmem>>
        %dma_wait3A_911 = tpu.memref_squeeze %dma_wait3A_910 : memref<1x1x128xi32, #tpu.memory_space<vmem>> -> memref<128xi32, #tpu.memory_space<vmem>>
        %dma_wait3A_912 = arith.constant 0 : i32
        %dma_wait3A_913 = arith.constant 0 : i32
        %dma_wait3A_914 = tpu.memref_slice %arg7[%dma_wait3A_912, %dma_wait3A_913] : memref<10008x32xf32, #tpu.memory_space<vmem_shared>> -> memref<10008x32xf32, #tpu.memory_space<vmem_shared>>
        tpu.wait_indirect_dma semaphore(%run_scoped3A_894 : memref<!tpu.dma_semaphore, #tpu.memory_space<semaphore_mem>>) src(%dma_wait3A_908 : memref<128x32xf32, #tpu.memory_space<vmem>>) dst(%dma_wait3A_914 : memref<10008x32xf32, #tpu.memory_space<vmem_shared>>)
        tpu.yield
      }) : () -> ()
      %add3A_871 = arith.constant 8 : i32
      %add3A_872 = arith.addi %add3A_821, %add3A_871 : i32
      %sub3A_873 = arith.constant 1 : i32
      %sub3A_874 = arith.subi %add3A_872, %sub3A_873 : i32
      %add3A_875 = arith.addi %mul3A_2, %sub3A_874 : i32
      %dma_start3A_876 = arith.constant 6 : i32
      %dma_start3A_877 = arith.constant 0 : i32
      %dma_start3A_878 = arith.constant 0 : i32
      %dma_start3A_879 = tpu.memref_slice %arg5[%dma_start3A_876, %dma_start3A_877, %dma_start3A_878] : memref<8x2x128xi32, #tpu.memory_space<vmem>> -> memref<1x2x128xi32, #tpu.memory_space<vmem>>
      %dma_start3A_880 = tpu.memref_squeeze %dma_start3A_879 : memref<1x2x128xi32, #tpu.memory_space<vmem>> -> memref<2x128xi32, #tpu.memory_space<vmem>>
      %dma_start3A_881 = arith.constant 0 : i32
      %dma_start3A_882 = arith.constant 0 : i32
      %dma_start3A_883 = tpu.memref_slice %arg3[%add3A_875, %dma_start3A_881, %dma_start3A_882] : memref<2568x2x128xi32, #tpu.memory_space<hbm>> -> memref<1x2x128xi32, #tpu.memory_space<hbm>>
      %dma_start3A_884 = tpu.memref_squeeze %dma_start3A_883 : memref<1x2x128xi32, #tpu.memory_space<hbm>> -> memref<2x128xi32, #tpu.memory_space<hbm>>
      %dma_start3A_885 = arith.constant 0 : i32
      %dma_start3A_886 = arith.constant 0 : i32
      %dma_start3A_887 = tpu.memref_slice %arg5[%dma_start3A_876, %dma_start3A_885, %dma_start3A_886] : memref<8x2x128xi32, #tpu.memory_space<vmem>> -> memref<1x2x128xi32, #tpu.memory_space<vmem>>
      %dma_start3A_888 = tpu.memref_squeeze %dma_start3A_887 : memref<1x2x128xi32, #tpu.memory_space<vmem>> -> memref<2x128xi32, #tpu.memory_space<vmem>>
      %dma_start3A_889 = arith.constant 0 : i32
      %dma_start3A_890 = arith.constant 0 : i32
      %dma_start3A_891 = tpu.memref_slice %arg3[%add3A_875, %dma_start3A_889, %dma_start3A_890] : memref<2568x2x128xi32, #tpu.memory_space<hbm>> -> memref<1x2x128xi32, #tpu.memory_space<hbm>>
      %dma_start3A_892 = tpu.memref_squeeze %dma_start3A_891 : memref<1x2x128xi32, #tpu.memory_space<hbm>> -> memref<2x128xi32, #tpu.memory_space<hbm>>
      tpu.enqueue_dma source(%dma_start3A_892 : memref<2x128xi32, #tpu.memory_space<hbm>>) target(%dma_start3A_888 : memref<2x128xi32, #tpu.memory_space<vmem>>) target_semaphore(%arg14 : memref<!tpu.dma_semaphore, #tpu.memory_space<semaphore_mem>>)
      %scan3A_893 = arith.constant 0 : i32
      scf.yield %scan3A_893 : i32
    }
    %scan3A_165 = arith.constant 10 : i32
    %dma_wait3A = arith.constant 7 : i32
    %dma_wait3A_166 = arith.constant 0 : i32
    %dma_wait3A_167 = arith.constant 1 : i32
    %dma_wait3A_168 = arith.constant 0 : i32
    %dma_wait3A_169 = arith.constant 0 : i32
    %dma_wait3A_170 = tpu.memref_slice %arg6[%dma_wait3A_167, %dma_wait3A_168, %dma_wait3A_169] : memref<2x128x32xf32, #tpu.memory_space<vmem>> -> memref<1x128x32xf32, #tpu.memory_space<vmem>>
    %dma_wait3A_171 = tpu.memref_squeeze %dma_wait3A_170 : memref<1x128x32xf32, #tpu.memory_space<vmem>> -> memref<128x32xf32, #tpu.memory_space<vmem>>
    %dma_wait3A_172 = arith.constant 0 : i32
    %dma_wait3A_173 = tpu.memref_slice %arg5[%dma_wait3A, %dma_wait3A_166, %dma_wait3A_172] : memref<8x2x128xi32, #tpu.memory_space<vmem>> -> memref<1x1x128xi32, #tpu.memory_space<vmem>>
    %dma_wait3A_174 = tpu.memref_squeeze %dma_wait3A_173 : memref<1x1x128xi32, #tpu.memory_space<vmem>> -> memref<128xi32, #tpu.memory_space<vmem>>
    %dma_wait3A_175 = arith.constant 0 : i32
    %dma_wait3A_176 = arith.constant 0 : i32
    %dma_wait3A_177 = tpu.memref_slice %arg2[%dma_wait3A_175, %dma_wait3A_176] : memref<10000x32xf32, #tpu.memory_space<hbm>> -> memref<10000x32xf32, #tpu.memory_space<hbm>>
    tpu.wait_indirect_dma semaphore(%arg17 : memref<!tpu.dma_semaphore, #tpu.memory_space<semaphore_mem>>) src(%dma_wait3A_177 : memref<10000x32xf32, #tpu.memory_space<hbm>>) dst(%dma_wait3A_171 : memref<128x32xf32, #tpu.memory_space<vmem>>)
    %run_scoped3A_178 = arith.constant 1 : i32
    %run_scoped3A_179 = arith.constant 7 : i32
    %run_scoped3A_180 = arith.constant 1 : i32
    "tpu.region"() ({
      %run_scoped3A_320 = tpu.sem_alloc : memref<!tpu.dma_semaphore, #tpu.memory_space<semaphore_mem>>
      %dma_start3A_321 = arith.constant 0 : i32
      %dma_start3A_322 = arith.constant 0 : i32
      %dma_start3A_323 = tpu.memref_slice %arg6[%run_scoped3A_178, %dma_start3A_321, %dma_start3A_322] : memref<2x128x32xf32, #tpu.memory_space<vmem>> -> memref<1x128x32xf32, #tpu.memory_space<vmem>>
      %dma_start3A_324 = tpu.memref_squeeze %dma_start3A_323 : memref<1x128x32xf32, #tpu.memory_space<vmem>> -> memref<128x32xf32, #tpu.memory_space<vmem>>
      %dma_start3A_325 = arith.constant 0 : i32
      %dma_start3A_326 = tpu.memref_slice %arg5[%run_scoped3A_179, %run_scoped3A_180, %dma_start3A_325] : memref<8x2x128xi32, #tpu.memory_space<vmem>> -> memref<1x1x128xi32, #tpu.memory_space<vmem>>
      %dma_start3A_327 = tpu.memref_squeeze %dma_start3A_326 : memref<1x1x128xi32, #tpu.memory_space<vmem>> -> memref<128xi32, #tpu.memory_space<vmem>>
      %dma_start3A_328 = arith.constant 0 : i32
      %dma_start3A_329 = arith.constant 0 : i32
      %dma_start3A_330 = tpu.memref_slice %arg7[%dma_start3A_328, %dma_start3A_329] : memref<10008x32xf32, #tpu.memory_space<vmem_shared>> -> memref<10008x32xf32, #tpu.memory_space<vmem_shared>>
      tpu.enqueue_indirect_dma source(%dma_start3A_324 : memref<128x32xf32, #tpu.memory_space<vmem>>) target(%dma_start3A_330 : memref<10008x32xf32, #tpu.memory_space<vmem_shared>>) offsets(%dma_start3A_327 : memref<128xi32, #tpu.memory_space<vmem>>) semaphore(%run_scoped3A_320 : memref<!tpu.dma_semaphore, #tpu.memory_space<semaphore_mem>>) {add = true}
      %dma_wait3A_331 = arith.constant 0 : i32
      %dma_wait3A_332 = arith.constant 0 : i32
      %dma_wait3A_333 = tpu.memref_slice %arg6[%run_scoped3A_178, %dma_wait3A_331, %dma_wait3A_332] : memref<2x128x32xf32, #tpu.memory_space<vmem>> -> memref<1x128x32xf32, #tpu.memory_space<vmem>>
      %dma_wait3A_334 = tpu.memref_squeeze %dma_wait3A_333 : memref<1x128x32xf32, #tpu.memory_space<vmem>> -> memref<128x32xf32, #tpu.memory_space<vmem>>
      %dma_wait3A_335 = arith.constant 0 : i32
      %dma_wait3A_336 = tpu.memref_slice %arg5[%run_scoped3A_179, %run_scoped3A_180, %dma_wait3A_335] : memref<8x2x128xi32, #tpu.memory_space<vmem>> -> memref<1x1x128xi32, #tpu.memory_space<vmem>>
      %dma_wait3A_337 = tpu.memref_squeeze %dma_wait3A_336 : memref<1x1x128xi32, #tpu.memory_space<vmem>> -> memref<128xi32, #tpu.memory_space<vmem>>
      %dma_wait3A_338 = arith.constant 0 : i32
      %dma_wait3A_339 = arith.constant 0 : i32
      %dma_wait3A_340 = tpu.memref_slice %arg7[%dma_wait3A_338, %dma_wait3A_339] : memref<10008x32xf32, #tpu.memory_space<vmem_shared>> -> memref<10008x32xf32, #tpu.memory_space<vmem_shared>>
      tpu.wait_indirect_dma semaphore(%run_scoped3A_320 : memref<!tpu.dma_semaphore, #tpu.memory_space<semaphore_mem>>) src(%dma_wait3A_334 : memref<128x32xf32, #tpu.memory_space<vmem>>) dst(%dma_wait3A_340 : memref<10008x32xf32, #tpu.memory_space<vmem_shared>>)
      tpu.yield
    }) : () -> ()
    %add3A_181 = arith.constant 80 : i32
    %add3A_182 = arith.addi %mul3A_2, %add3A_181 : i32
    %dma_wait3A_183 = arith.constant 0 : i32
    %dma_wait3A_184 = arith.constant 0 : i32
    %dma_wait3A_185 = arith.constant 0 : i32
    %dma_wait3A_186 = tpu.memref_slice %arg5[%dma_wait3A_183, %dma_wait3A_184, %dma_wait3A_185] : memref<8x2x128xi32, #tpu.memory_space<vmem>> -> memref<1x2x128xi32, #tpu.memory_space<vmem>>
    %dma_wait3A_187 = tpu.memref_squeeze %dma_wait3A_186 : memref<1x2x128xi32, #tpu.memory_space<vmem>> -> memref<2x128xi32, #tpu.memory_space<vmem>>
    %dma_wait3A_188 = arith.constant 0 : i32
    %dma_wait3A_189 = arith.constant 0 : i32
    %dma_wait3A_190 = tpu.memref_slice %arg3[%add3A_182, %dma_wait3A_188, %dma_wait3A_189] : memref<2568x2x128xi32, #tpu.memory_space<hbm>> -> memref<1x2x128xi32, #tpu.memory_space<hbm>>
    %dma_wait3A_191 = tpu.memref_squeeze %dma_wait3A_190 : memref<1x2x128xi32, #tpu.memory_space<hbm>> -> memref<2x128xi32, #tpu.memory_space<hbm>>
    %dma_wait3A_192 = arith.constant 0 : i32
    %dma_wait3A_193 = arith.constant 0 : i32
    %dma_wait3A_194 = tpu.memref_slice %arg5[%dma_wait3A_183, %dma_wait3A_192, %dma_wait3A_193] : memref<8x2x128xi32, #tpu.memory_space<vmem>> -> memref<1x2x128xi32, #tpu.memory_space<vmem>>
    %dma_wait3A_195 = tpu.memref_squeeze %dma_wait3A_194 : memref<1x2x128xi32, #tpu.memory_space<vmem>> -> memref<2x128xi32, #tpu.memory_space<vmem>>
    %dma_wait3A_196 = arith.constant 0 : i32
    %dma_wait3A_197 = arith.constant 0 : i32
    %dma_wait3A_198 = tpu.memref_slice %arg3[%add3A_182, %dma_wait3A_196, %dma_wait3A_197] : memref<2568x2x128xi32, #tpu.memory_space<hbm>> -> memref<1x2x128xi32, #tpu.memory_space<hbm>>
    %dma_wait3A_199 = tpu.memref_squeeze %dma_wait3A_198 : memref<1x2x128xi32, #tpu.memory_space<hbm>> -> memref<2x128xi32, #tpu.memory_space<hbm>>
    tpu.wait_dma2 semaphore(%arg8 : memref<!tpu.dma_semaphore, #tpu.memory_space<semaphore_mem>>) src(%dma_wait3A_199 : memref<2x128xi32, #tpu.memory_space<hbm>>) dst(%dma_wait3A_195 : memref<2x128xi32, #tpu.memory_space<vmem>>)
    %add3A_200 = arith.constant 81 : i32
    %add3A_201 = arith.addi %mul3A_2, %add3A_200 : i32
    %dma_wait3A_202 = arith.constant 1 : i32
    %dma_wait3A_203 = arith.constant 0 : i32
    %dma_wait3A_204 = arith.constant 0 : i32
    %dma_wait3A_205 = tpu.memref_slice %arg5[%dma_wait3A_202, %dma_wait3A_203, %dma_wait3A_204] : memref<8x2x128xi32, #tpu.memory_space<vmem>> -> memref<1x2x128xi32, #tpu.memory_space<vmem>>
    %dma_wait3A_206 = tpu.memref_squeeze %dma_wait3A_205 : memref<1x2x128xi32, #tpu.memory_space<vmem>> -> memref<2x128xi32, #tpu.memory_space<vmem>>
    %dma_wait3A_207 = arith.constant 0 : i32
    %dma_wait3A_208 = arith.constant 0 : i32
    %dma_wait3A_209 = tpu.memref_slice %arg3[%add3A_201, %dma_wait3A_207, %dma_wait3A_208] : memref<2568x2x128xi32, #tpu.memory_space<hbm>> -> memref<1x2x128xi32, #tpu.memory_space<hbm>>
    %dma_wait3A_210 = tpu.memref_squeeze %dma_wait3A_209 : memref<1x2x128xi32, #tpu.memory_space<hbm>> -> memref<2x128xi32, #tpu.memory_space<hbm>>
    %dma_wait3A_211 = arith.constant 0 : i32
    %dma_wait3A_212 = arith.constant 0 : i32
    %dma_wait3A_213 = tpu.memref_slice %arg5[%dma_wait3A_202, %dma_wait3A_211, %dma_wait3A_212] : memref<8x2x128xi32, #tpu.memory_space<vmem>> -> memref<1x2x128xi32, #tpu.memory_space<vmem>>
    %dma_wait3A_214 = tpu.memref_squeeze %dma_wait3A_213 : memref<1x2x128xi32, #tpu.memory_space<vmem>> -> memref<2x128xi32, #tpu.memory_space<vmem>>
    %dma_wait3A_215 = arith.constant 0 : i32
    %dma_wait3A_216 = arith.constant 0 : i32
    %dma_wait3A_217 = tpu.memref_slice %arg3[%add3A_201, %dma_wait3A_215, %dma_wait3A_216] : memref<2568x2x128xi32, #tpu.memory_space<hbm>> -> memref<1x2x128xi32, #tpu.memory_space<hbm>>
    %dma_wait3A_218 = tpu.memref_squeeze %dma_wait3A_217 : memref<1x2x128xi32, #tpu.memory_space<hbm>> -> memref<2x128xi32, #tpu.memory_space<hbm>>
    tpu.wait_dma2 semaphore(%arg9 : memref<!tpu.dma_semaphore, #tpu.memory_space<semaphore_mem>>) src(%dma_wait3A_218 : memref<2x128xi32, #tpu.memory_space<hbm>>) dst(%dma_wait3A_214 : memref<2x128xi32, #tpu.memory_space<vmem>>)
    %add3A_219 = arith.constant 82 : i32
    %add3A_220 = arith.addi %mul3A_2, %add3A_219 : i32
    %dma_wait3A_221 = arith.constant 2 : i32
    %dma_wait3A_222 = arith.constant 0 : i32
    %dma_wait3A_223 = arith.constant 0 : i32
    %dma_wait3A_224 = tpu.memref_slice %arg5[%dma_wait3A_221, %dma_wait3A_222, %dma_wait3A_223] : memref<8x2x128xi32, #tpu.memory_space<vmem>> -> memref<1x2x128xi32, #tpu.memory_space<vmem>>
    %dma_wait3A_225 = tpu.memref_squeeze %dma_wait3A_224 : memref<1x2x128xi32, #tpu.memory_space<vmem>> -> memref<2x128xi32, #tpu.memory_space<vmem>>
    %dma_wait3A_226 = arith.constant 0 : i32
    %dma_wait3A_227 = arith.constant 0 : i32
    %dma_wait3A_228 = tpu.memref_slice %arg3[%add3A_220, %dma_wait3A_226, %dma_wait3A_227] : memref<2568x2x128xi32, #tpu.memory_space<hbm>> -> memref<1x2x128xi32, #tpu.memory_space<hbm>>
    %dma_wait3A_229 = tpu.memref_squeeze %dma_wait3A_228 : memref<1x2x128xi32, #tpu.memory_space<hbm>> -> memref<2x128xi32, #tpu.memory_space<hbm>>
    %dma_wait3A_230 = arith.constant 0 : i32
    %dma_wait3A_231 = arith.constant 0 : i32
    %dma_wait3A_232 = tpu.memref_slice %arg5[%dma_wait3A_221, %dma_wait3A_230, %dma_wait3A_231] : memref<8x2x128xi32, #tpu.memory_space<vmem>> -> memref<1x2x128xi32, #tpu.memory_space<vmem>>
    %dma_wait3A_233 = tpu.memref_squeeze %dma_wait3A_232 : memref<1x2x128xi32, #tpu.memory_space<vmem>> -> memref<2x128xi32, #tpu.memory_space<vmem>>
    %dma_wait3A_234 = arith.constant 0 : i32
    %dma_wait3A_235 = arith.constant 0 : i32
    %dma_wait3A_236 = tpu.memref_slice %arg3[%add3A_220, %dma_wait3A_234, %dma_wait3A_235] : memref<2568x2x128xi32, #tpu.memory_space<hbm>> -> memref<1x2x128xi32, #tpu.memory_space<hbm>>
    %dma_wait3A_237 = tpu.memref_squeeze %dma_wait3A_236 : memref<1x2x128xi32, #tpu.memory_space<hbm>> -> memref<2x128xi32, #tpu.memory_space<hbm>>
    tpu.wait_dma2 semaphore(%arg10 : memref<!tpu.dma_semaphore, #tpu.memory_space<semaphore_mem>>) src(%dma_wait3A_237 : memref<2x128xi32, #tpu.memory_space<hbm>>) dst(%dma_wait3A_233 : memref<2x128xi32, #tpu.memory_space<vmem>>)
    %add3A_238 = arith.constant 83 : i32
    %add3A_239 = arith.addi %mul3A_2, %add3A_238 : i32
    %dma_wait3A_240 = arith.constant 3 : i32
    %dma_wait3A_241 = arith.constant 0 : i32
    %dma_wait3A_242 = arith.constant 0 : i32
    %dma_wait3A_243 = tpu.memref_slice %arg5[%dma_wait3A_240, %dma_wait3A_241, %dma_wait3A_242] : memref<8x2x128xi32, #tpu.memory_space<vmem>> -> memref<1x2x128xi32, #tpu.memory_space<vmem>>
    %dma_wait3A_244 = tpu.memref_squeeze %dma_wait3A_243 : memref<1x2x128xi32, #tpu.memory_space<vmem>> -> memref<2x128xi32, #tpu.memory_space<vmem>>
    %dma_wait3A_245 = arith.constant 0 : i32
    %dma_wait3A_246 = arith.constant 0 : i32
    %dma_wait3A_247 = tpu.memref_slice %arg3[%add3A_239, %dma_wait3A_245, %dma_wait3A_246] : memref<2568x2x128xi32, #tpu.memory_space<hbm>> -> memref<1x2x128xi32, #tpu.memory_space<hbm>>
    %dma_wait3A_248 = tpu.memref_squeeze %dma_wait3A_247 : memref<1x2x128xi32, #tpu.memory_space<hbm>> -> memref<2x128xi32, #tpu.memory_space<hbm>>
    %dma_wait3A_249 = arith.constant 0 : i32
    %dma_wait3A_250 = arith.constant 0 : i32
    %dma_wait3A_251 = tpu.memref_slice %arg5[%dma_wait3A_240, %dma_wait3A_249, %dma_wait3A_250] : memref<8x2x128xi32, #tpu.memory_space<vmem>> -> memref<1x2x128xi32, #tpu.memory_space<vmem>>
    %dma_wait3A_252 = tpu.memref_squeeze %dma_wait3A_251 : memref<1x2x128xi32, #tpu.memory_space<vmem>> -> memref<2x128xi32, #tpu.memory_space<vmem>>
    %dma_wait3A_253 = arith.constant 0 : i32
    %dma_wait3A_254 = arith.constant 0 : i32
    %dma_wait3A_255 = tpu.memref_slice %arg3[%add3A_239, %dma_wait3A_253, %dma_wait3A_254] : memref<2568x2x128xi32, #tpu.memory_space<hbm>> -> memref<1x2x128xi32, #tpu.memory_space<hbm>>
    %dma_wait3A_256 = tpu.memref_squeeze %dma_wait3A_255 : memref<1x2x128xi32, #tpu.memory_space<hbm>> -> memref<2x128xi32, #tpu.memory_space<hbm>>
    tpu.wait_dma2 semaphore(%arg11 : memref<!tpu.dma_semaphore, #tpu.memory_space<semaphore_mem>>) src(%dma_wait3A_256 : memref<2x128xi32, #tpu.memory_space<hbm>>) dst(%dma_wait3A_252 : memref<2x128xi32, #tpu.memory_space<vmem>>)
    %add3A_257 = arith.constant 84 : i32
    %add3A_258 = arith.addi %mul3A_2, %add3A_257 : i32
    %dma_wait3A_259 = arith.constant 4 : i32
    %dma_wait3A_260 = arith.constant 0 : i32
    %dma_wait3A_261 = arith.constant 0 : i32
    %dma_wait3A_262 = tpu.memref_slice %arg5[%dma_wait3A_259, %dma_wait3A_260, %dma_wait3A_261] : memref<8x2x128xi32, #tpu.memory_space<vmem>> -> memref<1x2x128xi32, #tpu.memory_space<vmem>>
    %dma_wait3A_263 = tpu.memref_squeeze %dma_wait3A_262 : memref<1x2x128xi32, #tpu.memory_space<vmem>> -> memref<2x128xi32, #tpu.memory_space<vmem>>
    %dma_wait3A_264 = arith.constant 0 : i32
    %dma_wait3A_265 = arith.constant 0 : i32
    %dma_wait3A_266 = tpu.memref_slice %arg3[%add3A_258, %dma_wait3A_264, %dma_wait3A_265] : memref<2568x2x128xi32, #tpu.memory_space<hbm>> -> memref<1x2x128xi32, #tpu.memory_space<hbm>>
    %dma_wait3A_267 = tpu.memref_squeeze %dma_wait3A_266 : memref<1x2x128xi32, #tpu.memory_space<hbm>> -> memref<2x128xi32, #tpu.memory_space<hbm>>
    %dma_wait3A_268 = arith.constant 0 : i32
    %dma_wait3A_269 = arith.constant 0 : i32
    %dma_wait3A_270 = tpu.memref_slice %arg5[%dma_wait3A_259, %dma_wait3A_268, %dma_wait3A_269] : memref<8x2x128xi32, #tpu.memory_space<vmem>> -> memref<1x2x128xi32, #tpu.memory_space<vmem>>
    %dma_wait3A_271 = tpu.memref_squeeze %dma_wait3A_270 : memref<1x2x128xi32, #tpu.memory_space<vmem>> -> memref<2x128xi32, #tpu.memory_space<vmem>>
    %dma_wait3A_272 = arith.constant 0 : i32
    %dma_wait3A_273 = arith.constant 0 : i32
    %dma_wait3A_274 = tpu.memref_slice %arg3[%add3A_258, %dma_wait3A_272, %dma_wait3A_273] : memref<2568x2x128xi32, #tpu.memory_space<hbm>> -> memref<1x2x128xi32, #tpu.memory_space<hbm>>
    %dma_wait3A_275 = tpu.memref_squeeze %dma_wait3A_274 : memref<1x2x128xi32, #tpu.memory_space<hbm>> -> memref<2x128xi32, #tpu.memory_space<hbm>>
    tpu.wait_dma2 semaphore(%arg12 : memref<!tpu.dma_semaphore, #tpu.memory_space<semaphore_mem>>) src(%dma_wait3A_275 : memref<2x128xi32, #tpu.memory_space<hbm>>) dst(%dma_wait3A_271 : memref<2x128xi32, #tpu.memory_space<vmem>>)
    %add3A_276 = arith.constant 85 : i32
    %add3A_277 = arith.addi %mul3A_2, %add3A_276 : i32
    %dma_wait3A_278 = arith.constant 5 : i32
    %dma_wait3A_279 = arith.constant 0 : i32
    %dma_wait3A_280 = arith.constant 0 : i32
    %dma_wait3A_281 = tpu.memref_slice %arg5[%dma_wait3A_278, %dma_wait3A_279, %dma_wait3A_280] : memref<8x2x128xi32, #tpu.memory_space<vmem>> -> memref<1x2x128xi32, #tpu.memory_space<vmem>>
    %dma_wait3A_282 = tpu.memref_squeeze %dma_wait3A_281 : memref<1x2x128xi32, #tpu.memory_space<vmem>> -> memref<2x128xi32, #tpu.memory_space<vmem>>
    %dma_wait3A_283 = arith.constant 0 : i32
    %dma_wait3A_284 = arith.constant 0 : i32
    %dma_wait3A_285 = tpu.memref_slice %arg3[%add3A_277, %dma_wait3A_283, %dma_wait3A_284] : memref<2568x2x128xi32, #tpu.memory_space<hbm>> -> memref<1x2x128xi32, #tpu.memory_space<hbm>>
    %dma_wait3A_286 = tpu.memref_squeeze %dma_wait3A_285 : memref<1x2x128xi32, #tpu.memory_space<hbm>> -> memref<2x128xi32, #tpu.memory_space<hbm>>
    %dma_wait3A_287 = arith.constant 0 : i32
    %dma_wait3A_288 = arith.constant 0 : i32
    %dma_wait3A_289 = tpu.memref_slice %arg5[%dma_wait3A_278, %dma_wait3A_287, %dma_wait3A_288] : memref<8x2x128xi32, #tpu.memory_space<vmem>> -> memref<1x2x128xi32, #tpu.memory_space<vmem>>
    %dma_wait3A_290 = tpu.memref_squeeze %dma_wait3A_289 : memref<1x2x128xi32, #tpu.memory_space<vmem>> -> memref<2x128xi32, #tpu.memory_space<vmem>>
    %dma_wait3A_291 = arith.constant 0 : i32
    %dma_wait3A_292 = arith.constant 0 : i32
    %dma_wait3A_293 = tpu.memref_slice %arg3[%add3A_277, %dma_wait3A_291, %dma_wait3A_292] : memref<2568x2x128xi32, #tpu.memory_space<hbm>> -> memref<1x2x128xi32, #tpu.memory_space<hbm>>
    %dma_wait3A_294 = tpu.memref_squeeze %dma_wait3A_293 : memref<1x2x128xi32, #tpu.memory_space<hbm>> -> memref<2x128xi32, #tpu.memory_space<hbm>>
    tpu.wait_dma2 semaphore(%arg13 : memref<!tpu.dma_semaphore, #tpu.memory_space<semaphore_mem>>) src(%dma_wait3A_294 : memref<2x128xi32, #tpu.memory_space<hbm>>) dst(%dma_wait3A_290 : memref<2x128xi32, #tpu.memory_space<vmem>>)
    %add3A_295 = arith.constant 86 : i32
    %add3A_296 = arith.addi %mul3A_2, %add3A_295 : i32
    %dma_wait3A_297 = arith.constant 6 : i32
    %dma_wait3A_298 = arith.constant 0 : i32
    %dma_wait3A_299 = arith.constant 0 : i32
    %dma_wait3A_300 = tpu.memref_slice %arg5[%dma_wait3A_297, %dma_wait3A_298, %dma_wait3A_299] : memref<8x2x128xi32, #tpu.memory_space<vmem>> -> memref<1x2x128xi32, #tpu.memory_space<vmem>>
    %dma_wait3A_301 = tpu.memref_squeeze %dma_wait3A_300 : memref<1x2x128xi32, #tpu.memory_space<vmem>> -> memref<2x128xi32, #tpu.memory_space<vmem>>
    %dma_wait3A_302 = arith.constant 0 : i32
    %dma_wait3A_303 = arith.constant 0 : i32
    %dma_wait3A_304 = tpu.memref_slice %arg3[%add3A_296, %dma_wait3A_302, %dma_wait3A_303] : memref<2568x2x128xi32, #tpu.memory_space<hbm>> -> memref<1x2x128xi32, #tpu.memory_space<hbm>>
    %dma_wait3A_305 = tpu.memref_squeeze %dma_wait3A_304 : memref<1x2x128xi32, #tpu.memory_space<hbm>> -> memref<2x128xi32, #tpu.memory_space<hbm>>
    %dma_wait3A_306 = arith.constant 0 : i32
    %dma_wait3A_307 = arith.constant 0 : i32
    %dma_wait3A_308 = tpu.memref_slice %arg5[%dma_wait3A_297, %dma_wait3A_306, %dma_wait3A_307] : memref<8x2x128xi32, #tpu.memory_space<vmem>> -> memref<1x2x128xi32, #tpu.memory_space<vmem>>
    %dma_wait3A_309 = tpu.memref_squeeze %dma_wait3A_308 : memref<1x2x128xi32, #tpu.memory_space<vmem>> -> memref<2x128xi32, #tpu.memory_space<vmem>>
    %dma_wait3A_310 = arith.constant 0 : i32
    %dma_wait3A_311 = arith.constant 0 : i32
    %dma_wait3A_312 = tpu.memref_slice %arg3[%add3A_296, %dma_wait3A_310, %dma_wait3A_311] : memref<2568x2x128xi32, #tpu.memory_space<hbm>> -> memref<1x2x128xi32, #tpu.memory_space<hbm>>
    %dma_wait3A_313 = tpu.memref_squeeze %dma_wait3A_312 : memref<1x2x128xi32, #tpu.memory_space<hbm>> -> memref<2x128xi32, #tpu.memory_space<hbm>>
    tpu.wait_dma2 semaphore(%arg14 : memref<!tpu.dma_semaphore, #tpu.memory_space<semaphore_mem>>) src(%dma_wait3A_313 : memref<2x128xi32, #tpu.memory_space<hbm>>) dst(%dma_wait3A_309 : memref<2x128xi32, #tpu.memory_space<vmem>>)
    %barrier3A_314 = arith.constant 0 : index
    tpu.barrier barrier_id(%barrier3A_314)
    "tpu.region"() ({
      %run_scoped3A_320 = tpu.sem_alloc : memref<!tpu.dma_semaphore, #tpu.memory_space<semaphore_mem>>
      %dma_start3A_321 = arith.constant 0 : i32
      %dma_start3A_322 = tpu.memref_slice %arg4[%arg0, %mul3A_10, %dma_start3A_321] : memref<2x10000x32xf32, #tpu.memory_space<hbm>> -> memref<1x624x32xf32, #tpu.memory_space<hbm>>
      %dma_start3A_323 = tpu.memref_squeeze %dma_start3A_322 : memref<1x624x32xf32, #tpu.memory_space<hbm>> -> memref<624x32xf32, #tpu.memory_space<hbm>>
      %dma_start3A_324 = arith.constant 0 : i32
      %dma_start3A_325 = tpu.memref_slice %arg7[%mul3A_10, %dma_start3A_324] : memref<10008x32xf32, #tpu.memory_space<vmem_shared>> -> memref<624x32xf32, #tpu.memory_space<vmem_shared>>
      tpu.enqueue_dma source(%dma_start3A_325 : memref<624x32xf32, #tpu.memory_space<vmem_shared>>) target(%dma_start3A_323 : memref<624x32xf32, #tpu.memory_space<hbm>>) target_semaphore(%run_scoped3A_320 : memref<!tpu.dma_semaphore, #tpu.memory_space<semaphore_mem>>)
      %dma_wait3A_326 = arith.constant 0 : i32
      %dma_wait3A_327 = tpu.memref_slice %arg4[%arg0, %mul3A_10, %dma_wait3A_326] : memref<2x10000x32xf32, #tpu.memory_space<hbm>> -> memref<1x624x32xf32, #tpu.memory_space<hbm>>
      %dma_wait3A_328 = tpu.memref_squeeze %dma_wait3A_327 : memref<1x624x32xf32, #tpu.memory_space<hbm>> -> memref<624x32xf32, #tpu.memory_space<hbm>>
      %dma_wait3A_329 = arith.constant 0 : i32
      %dma_wait3A_330 = tpu.memref_slice %arg7[%mul3A_10, %dma_wait3A_329] : memref<10008x32xf32, #tpu.memory_space<vmem_shared>> -> memref<624x32xf32, #tpu.memory_space<vmem_shared>>
      tpu.wait_dma2 semaphore(%run_scoped3A_320 : memref<!tpu.dma_semaphore, #tpu.memory_space<semaphore_mem>>) src(%dma_wait3A_330 : memref<624x32xf32, #tpu.memory_space<vmem_shared>>) dst(%dma_wait3A_328 : memref<624x32xf32, #tpu.memory_space<hbm>>)
      tpu.yield
    }) : () -> ()
    %eq3A_315 = arith.constant 15 : i32
    %eq3A_316 = arith.cmpi eq, %arg1, %eq3A_315 : i32
    %convert_element_type3A_317 = arith.extui %eq3A_316 : i1 to i32
    %cond3A_318 = arith.constant 0 : i32
    %cond3A_319 = arith.cmpi ne, %convert_element_type3A_317, %cond3A_318 : i32
    scf.if %cond3A_319 {
      "tpu.region"() ({
        %run_scoped3A_320 = tpu.sem_alloc : memref<!tpu.dma_semaphore, #tpu.memory_space<semaphore_mem>>
        %dma_start3A_321 = arith.constant 9984 : i32
        %dma_start3A_322 = arith.constant 0 : i32
        %dma_start3A_323 = tpu.memref_slice %arg4[%arg0, %dma_start3A_321, %dma_start3A_322] : memref<2x10000x32xf32, #tpu.memory_space<hbm>> -> memref<1x16x32xf32, #tpu.memory_space<hbm>>
        %dma_start3A_324 = tpu.memref_squeeze %dma_start3A_323 : memref<1x16x32xf32, #tpu.memory_space<hbm>> -> memref<16x32xf32, #tpu.memory_space<hbm>>
        %dma_start3A_325 = arith.constant 9984 : i32
        %dma_start3A_326 = arith.constant 0 : i32
        %dma_start3A_327 = tpu.memref_slice %arg7[%dma_start3A_325, %dma_start3A_326] : memref<10008x32xf32, #tpu.memory_space<vmem_shared>> -> memref<16x32xf32, #tpu.memory_space<vmem_shared>>
        tpu.enqueue_dma source(%dma_start3A_327 : memref<16x32xf32, #tpu.memory_space<vmem_shared>>) target(%dma_start3A_324 : memref<16x32xf32, #tpu.memory_space<hbm>>) target_semaphore(%run_scoped3A_320 : memref<!tpu.dma_semaphore, #tpu.memory_space<semaphore_mem>>)
        %dma_wait3A_328 = arith.constant 9984 : i32
        %dma_wait3A_329 = arith.constant 0 : i32
        %dma_wait3A_330 = tpu.memref_slice %arg4[%arg0, %dma_wait3A_328, %dma_wait3A_329] : memref<2x10000x32xf32, #tpu.memory_space<hbm>> -> memref<1x16x32xf32, #tpu.memory_space<hbm>>
        %dma_wait3A_331 = tpu.memref_squeeze %dma_wait3A_330 : memref<1x16x32xf32, #tpu.memory_space<hbm>> -> memref<16x32xf32, #tpu.memory_space<hbm>>
        %dma_wait3A_332 = arith.constant 9984 : i32
        %dma_wait3A_333 = arith.constant 0 : i32
        %dma_wait3A_334 = tpu.memref_slice %arg7[%dma_wait3A_332, %dma_wait3A_333] : memref<10008x32xf32, #tpu.memory_space<vmem_shared>> -> memref<16x32xf32, #tpu.memory_space<vmem_shared>>
        tpu.wait_dma2 semaphore(%run_scoped3A_320 : memref<!tpu.dma_semaphore, #tpu.memory_space<semaphore_mem>>) src(%dma_wait3A_334 : memref<16x32xf32, #tpu.memory_space<vmem_shared>>) dst(%dma_wait3A_331 : memref<16x32xf32, #tpu.memory_space<hbm>>)
        tpu.yield
      }) : () -> ()
    } else {
    }
    return
  }
}

#map = affine_map<(d0, d1) -> (0, 0)>
#map1 = affine_map<(d0, d1) -> (0, 0, 0)>
module attributes {stable_mosaic.version = 14 : i64} {
  func.func @agg(%arg0: i32, %arg1: i32, %arg2: memref<10000x128xf32, #tpu.memory_space<hbm>>, %arg3: memref<2568x2x128xi32, #tpu.memory_space<hbm>>, %arg4: memref<2x10000x128xf32, #tpu.memory_space<hbm>>, %arg5: memref<8x2x128xi32, #tpu.memory_space<vmem>>, %arg6: memref<2x128x128xf32, #tpu.memory_space<vmem>>, %arg7: memref<10008x128xf32, #tpu.memory_space<vmem_shared>>, %arg8: memref<!tpu.dma_semaphore, #tpu.memory_space<semaphore_mem>>, %arg9: memref<!tpu.dma_semaphore, #tpu.memory_space<semaphore_mem>>, %arg10: memref<!tpu.dma_semaphore, #tpu.memory_space<semaphore_mem>>, %arg11: memref<!tpu.dma_semaphore, #tpu.memory_space<semaphore_mem>>, %arg12: memref<!tpu.dma_semaphore, #tpu.memory_space<semaphore_mem>>, %arg13: memref<!tpu.dma_semaphore, #tpu.memory_space<semaphore_mem>>, %arg14: memref<!tpu.dma_semaphore, #tpu.memory_space<semaphore_mem>>, %arg15: memref<!tpu.dma_semaphore, #tpu.memory_space<semaphore_mem>>, %arg16: memref<!tpu.dma_semaphore, #tpu.memory_space<semaphore_mem>>, %arg17: memref<!tpu.dma_semaphore, #tpu.memory_space<semaphore_mem>>) attributes {dimension_semantics = [#tpu.dimension_semantics<core_parallel>, #tpu.dimension_semantics<subcore_parallel>], iteration_bounds = array<i64: 2, 16>, scalar_prefetch = 0 : i64, scratch_operands = 13 : i64, tpu.core_type = #tpu.core_type<sc_vector_subcore>, window_params = [{transform_indices = #map}, {transform_indices = #map1}, {transform_indices = #map1}]} {
    %mul3A = arith.constant 16 : i32
    %mul3A_0 = arith.muli %arg0, %mul3A : i32
    %add3A = arith.addi %mul3A_0, %arg1 : i32
    %mul3A_1 = arith.constant 80 : i32
    %mul3A_2 = arith.muli %add3A, %mul3A_1 : i32
    %scan3A = arith.constant 0 : i32
    %scan3A_3 = arith.constant 0 : i32
    %scan3A_4 = arith.constant 128 : i32
    %scan3A_5 = arith.addi %scan3A_3, %scan3A_4 : i32
    %scan3A_6 = arith.constant 1 : i32
    %scan3A_7 = scf.for %scan3A_320 = %scan3A_3 to %scan3A_5 step %scan3A_6 iter_args(%scan3A_321 = %scan3A) -> (i32)  : i32 {
      %scan3A_322 = arith.constant 0 : i32
      %scan3A_323 = arith.constant 0 : i32
      %scan3A_324 = arith.constant 8 : i32
      %scan3A_325 = arith.addi %scan3A_323, %scan3A_324 : i32
      %scan3A_326 = arith.constant 1 : i32
      %scan3A_327 = scf.for %scan3A_329 = %scan3A_323 to %scan3A_325 step %scan3A_326 iter_args(%scan3A_330 = %scan3A_322) -> (i32)  : i32 {
        %broadcast_in_dim3A = arith.constant 0.000000e+00 : f32
        %broadcast_in_dim3A_331 = vector.broadcast %broadcast_in_dim3A : f32 to vector<16xf32>
        %mul3A_332 = arith.constant 16 : i32
        %mul3A_333 = arith.muli %scan3A_329, %mul3A_332 : i32
        %swap3A = arith.constant 0 : i32
        %swap3A_334 = arith.index_cast %swap3A : i32 to index
        %swap3A_335 = arith.index_cast %scan3A_320 : i32 to index
        %swap3A_336 = arith.index_cast %mul3A_333 : i32 to index
        %swap3A_337 = tpu.vector_load %arg6[%swap3A_334, %swap3A_335, %swap3A_336] {strides = array<i32>} : memref<2x128x128xf32, #tpu.memory_space<vmem>>, vector<1x1x16xf32>,
        %swap3A_338 = vector.shape_cast %swap3A_337 : vector<1x1x16xf32> to vector<16xf32>
        %swap3A_339 = vector.shape_cast %broadcast_in_dim3A_331 : vector<16xf32> to vector<1x1x16xf32>
        tpu.vector_store %arg6[%swap3A_334, %swap3A_335, %swap3A_336], %swap3A_339 {strides = array<i32>} : memref<2x128x128xf32, #tpu.memory_space<vmem>>, vector<1x1x16xf32>,
        %scan3A_340 = arith.constant 0 : i32
        scf.yield %scan3A_340 : i32
      }
      %scan3A_328 = arith.constant 8 : i32
      scf.yield %scan3A_327 : i32
    }
    %scan3A_8 = arith.constant 128 : i32
    %mul3A_9 = arith.constant 624 : i32
    %mul3A_10 = arith.muli %arg1, %mul3A_9 : i32
    %add3A_11 = arith.constant 0 : i32
    %add3A_12 = arith.addi %mul3A_10, %add3A_11 : i32
    %run_scoped3A = arith.constant 0 : i32
    "tpu.region"() ({
      %run_scoped3A_320 = tpu.sem_alloc : memref<!tpu.dma_semaphore, #tpu.memory_space<semaphore_mem>>
      %dma_start3A_321 = arith.constant 0 : i32
      %dma_start3A_322 = arith.constant 0 : i32
      %dma_start3A_323 = tpu.memref_slice %arg6[%run_scoped3A, %dma_start3A_321, %dma_start3A_322] : memref<2x128x128xf32, #tpu.memory_space<vmem>> -> memref<1x128x128xf32, #tpu.memory_space<vmem>>
      %dma_start3A_324 = tpu.memref_squeeze %dma_start3A_323 : memref<1x128x128xf32, #tpu.memory_space<vmem>> -> memref<128x128xf32, #tpu.memory_space<vmem>>
      %dma_start3A_325 = arith.constant 0 : i32
      %dma_start3A_326 = tpu.memref_slice %arg7[%add3A_12, %dma_start3A_325] : memref<10008x128xf32, #tpu.memory_space<vmem_shared>> -> memref<128x128xf32, #tpu.memory_space<vmem_shared>>
      %dma_start3A_327 = arith.constant 0 : i32
      %dma_start3A_328 = tpu.memref_slice %arg7[%add3A_12, %dma_start3A_327] : memref<10008x128xf32, #tpu.memory_space<vmem_shared>> -> memref<128x128xf32, #tpu.memory_space<vmem_shared>>
      %dma_start3A_329 = arith.constant 0 : i32
      %dma_start3A_330 = arith.constant 0 : i32
      %dma_start3A_331 = tpu.memref_slice %arg6[%run_scoped3A, %dma_start3A_329, %dma_start3A_330] : memref<2x128x128xf32, #tpu.memory_space<vmem>> -> memref<1x128x128xf32, #tpu.memory_space<vmem>>
      %dma_start3A_332 = tpu.memref_squeeze %dma_start3A_331 : memref<1x128x128xf32, #tpu.memory_space<vmem>> -> memref<128x128xf32, #tpu.memory_space<vmem>>
      tpu.enqueue_dma source(%dma_start3A_332 : memref<128x128xf32, #tpu.memory_space<vmem>>) target(%dma_start3A_328 : memref<128x128xf32, #tpu.memory_space<vmem_shared>>) target_semaphore(%run_scoped3A_320 : memref<!tpu.dma_semaphore, #tpu.memory_space<semaphore_mem>>)
      %dma_wait3A_333 = arith.constant 0 : i32
      %dma_wait3A_334 = arith.constant 0 : i32
      %dma_wait3A_335 = tpu.memref_slice %arg6[%run_scoped3A, %dma_wait3A_333, %dma_wait3A_334] : memref<2x128x128xf32, #tpu.memory_space<vmem>> -> memref<1x128x128xf32, #tpu.memory_space<vmem>>
      %dma_wait3A_336 = tpu.memref_squeeze %dma_wait3A_335 : memref<1x128x128xf32, #tpu.memory_space<vmem>> -> memref<128x128xf32, #tpu.memory_space<vmem>>
      %dma_wait3A_337 = arith.constant 0 : i32
      %dma_wait3A_338 = tpu.memref_slice %arg7[%add3A_12, %dma_wait3A_337] : memref<10008x128xf32, #tpu.memory_space<vmem_shared>> -> memref<128x128xf32, #tpu.memory_space<vmem_shared>>
      %dma_wait3A_339 = arith.constant 0 : i32
      %dma_wait3A_340 = tpu.memref_slice %arg7[%add3A_12, %dma_wait3A_339] : memref<10008x128xf32, #tpu.memory_space<vmem_shared>> -> memref<128x128xf32, #tpu.memory_space<vmem_shared>>
      %dma_wait3A_341 = arith.constant 0 : i32
      %dma_wait3A_342 = arith.constant 0 : i32
      %dma_wait3A_343 = tpu.memref_slice %arg6[%run_scoped3A, %dma_wait3A_341, %dma_wait3A_342] : memref<2x128x128xf32, #tpu.memory_space<vmem>> -> memref<1x128x128xf32, #tpu.memory_space<vmem>>
      %dma_wait3A_344 = tpu.memref_squeeze %dma_wait3A_343 : memref<1x128x128xf32, #tpu.memory_space<vmem>> -> memref<128x128xf32, #tpu.memory_space<vmem>>
      tpu.wait_dma2 semaphore(%run_scoped3A_320 : memref<!tpu.dma_semaphore, #tpu.memory_space<semaphore_mem>>) src(%dma_wait3A_344 : memref<128x128xf32, #tpu.memory_space<vmem>>) dst(%dma_wait3A_340 : memref<128x128xf32, #tpu.memory_space<vmem_shared>>)
      tpu.yield
    }) : () -> ()
    %add3A_13 = arith.constant 128 : i32
    %add3A_14 = arith.addi %mul3A_10, %add3A_13 : i32
    %run_scoped3A_15 = arith.constant 0 : i32
    "tpu.region"() ({
      %run_scoped3A_320 = tpu.sem_alloc : memref<!tpu.dma_semaphore, #tpu.memory_space<semaphore_mem>>
      %dma_start3A_321 = arith.constant 0 : i32
      %dma_start3A_322 = arith.constant 0 : i32
      %dma_start3A_323 = tpu.memref_slice %arg6[%run_scoped3A_15, %dma_start3A_321, %dma_start3A_322] : memref<2x128x128xf32, #tpu.memory_space<vmem>> -> memref<1x128x128xf32, #tpu.memory_space<vmem>>
      %dma_start3A_324 = tpu.memref_squeeze %dma_start3A_323 : memref<1x128x128xf32, #tpu.memory_space<vmem>> -> memref<128x128xf32, #tpu.memory_space<vmem>>
      %dma_start3A_325 = arith.constant 0 : i32
      %dma_start3A_326 = tpu.memref_slice %arg7[%add3A_14, %dma_start3A_325] : memref<10008x128xf32, #tpu.memory_space<vmem_shared>> -> memref<128x128xf32, #tpu.memory_space<vmem_shared>>
      %dma_start3A_327 = arith.constant 0 : i32
      %dma_start3A_328 = tpu.memref_slice %arg7[%add3A_14, %dma_start3A_327] : memref<10008x128xf32, #tpu.memory_space<vmem_shared>> -> memref<128x128xf32, #tpu.memory_space<vmem_shared>>
      %dma_start3A_329 = arith.constant 0 : i32
      %dma_start3A_330 = arith.constant 0 : i32
      %dma_start3A_331 = tpu.memref_slice %arg6[%run_scoped3A_15, %dma_start3A_329, %dma_start3A_330] : memref<2x128x128xf32, #tpu.memory_space<vmem>> -> memref<1x128x128xf32, #tpu.memory_space<vmem>>
      %dma_start3A_332 = tpu.memref_squeeze %dma_start3A_331 : memref<1x128x128xf32, #tpu.memory_space<vmem>> -> memref<128x128xf32, #tpu.memory_space<vmem>>
      tpu.enqueue_dma source(%dma_start3A_332 : memref<128x128xf32, #tpu.memory_space<vmem>>) target(%dma_start3A_328 : memref<128x128xf32, #tpu.memory_space<vmem_shared>>) target_semaphore(%run_scoped3A_320 : memref<!tpu.dma_semaphore, #tpu.memory_space<semaphore_mem>>)
      %dma_wait3A_333 = arith.constant 0 : i32
      %dma_wait3A_334 = arith.constant 0 : i32
      %dma_wait3A_335 = tpu.memref_slice %arg6[%run_scoped3A_15, %dma_wait3A_333, %dma_wait3A_334] : memref<2x128x128xf32, #tpu.memory_space<vmem>> -> memref<1x128x128xf32, #tpu.memory_space<vmem>>
      %dma_wait3A_336 = tpu.memref_squeeze %dma_wait3A_335 : memref<1x128x128xf32, #tpu.memory_space<vmem>> -> memref<128x128xf32, #tpu.memory_space<vmem>>
      %dma_wait3A_337 = arith.constant 0 : i32
      %dma_wait3A_338 = tpu.memref_slice %arg7[%add3A_14, %dma_wait3A_337] : memref<10008x128xf32, #tpu.memory_space<vmem_shared>> -> memref<128x128xf32, #tpu.memory_space<vmem_shared>>
      %dma_wait3A_339 = arith.constant 0 : i32
      %dma_wait3A_340 = tpu.memref_slice %arg7[%add3A_14, %dma_wait3A_339] : memref<10008x128xf32, #tpu.memory_space<vmem_shared>> -> memref<128x128xf32, #tpu.memory_space<vmem_shared>>
      %dma_wait3A_341 = arith.constant 0 : i32
      %dma_wait3A_342 = arith.constant 0 : i32
      %dma_wait3A_343 = tpu.memref_slice %arg6[%run_scoped3A_15, %dma_wait3A_341, %dma_wait3A_342] : memref<2x128x128xf32, #tpu.memory_space<vmem>> -> memref<1x128x128xf32, #tpu.memory_space<vmem>>
      %dma_wait3A_344 = tpu.memref_squeeze %dma_wait3A_343 : memref<1x128x128xf32, #tpu.memory_space<vmem>> -> memref<128x128xf32, #tpu.memory_space<vmem>>
      tpu.wait_dma2 semaphore(%run_scoped3A_320 : memref<!tpu.dma_semaphore, #tpu.memory_space<semaphore_mem>>) src(%dma_wait3A_344 : memref<128x128xf32, #tpu.memory_space<vmem>>) dst(%dma_wait3A_340 : memref<128x128xf32, #tpu.memory_space<vmem_shared>>)
      tpu.yield
    }) : () -> ()
    %add3A_16 = arith.constant 256 : i32
    %add3A_17 = arith.addi %mul3A_10, %add3A_16 : i32
    %run_scoped3A_18 = arith.constant 0 : i32
    "tpu.region"() ({
      %run_scoped3A_320 = tpu.sem_alloc : memref<!tpu.dma_semaphore, #tpu.memory_space<semaphore_mem>>
      %dma_start3A_321 = arith.constant 0 : i32
      %dma_start3A_322 = arith.constant 0 : i32
      %dma_start3A_323 = tpu.memref_slice %arg6[%run_scoped3A_18, %dma_start3A_321, %dma_start3A_322] : memref<2x128x128xf32, #tpu.memory_space<vmem>> -> memref<1x128x128xf32, #tpu.memory_space<vmem>>
      %dma_start3A_324 = tpu.memref_squeeze %dma_start3A_323 : memref<1x128x128xf32, #tpu.memory_space<vmem>> -> memref<128x128xf32, #tpu.memory_space<vmem>>
      %dma_start3A_325 = arith.constant 0 : i32
      %dma_start3A_326 = tpu.memref_slice %arg7[%add3A_17, %dma_start3A_325] : memref<10008x128xf32, #tpu.memory_space<vmem_shared>> -> memref<128x128xf32, #tpu.memory_space<vmem_shared>>
      %dma_start3A_327 = arith.constant 0 : i32
      %dma_start3A_328 = tpu.memref_slice %arg7[%add3A_17, %dma_start3A_327] : memref<10008x128xf32, #tpu.memory_space<vmem_shared>> -> memref<128x128xf32, #tpu.memory_space<vmem_shared>>
      %dma_start3A_329 = arith.constant 0 : i32
      %dma_start3A_330 = arith.constant 0 : i32
      %dma_start3A_331 = tpu.memref_slice %arg6[%run_scoped3A_18, %dma_start3A_329, %dma_start3A_330] : memref<2x128x128xf32, #tpu.memory_space<vmem>> -> memref<1x128x128xf32, #tpu.memory_space<vmem>>
      %dma_start3A_332 = tpu.memref_squeeze %dma_start3A_331 : memref<1x128x128xf32, #tpu.memory_space<vmem>> -> memref<128x128xf32, #tpu.memory_space<vmem>>
      tpu.enqueue_dma source(%dma_start3A_332 : memref<128x128xf32, #tpu.memory_space<vmem>>) target(%dma_start3A_328 : memref<128x128xf32, #tpu.memory_space<vmem_shared>>) target_semaphore(%run_scoped3A_320 : memref<!tpu.dma_semaphore, #tpu.memory_space<semaphore_mem>>)
      %dma_wait3A_333 = arith.constant 0 : i32
      %dma_wait3A_334 = arith.constant 0 : i32
      %dma_wait3A_335 = tpu.memref_slice %arg6[%run_scoped3A_18, %dma_wait3A_333, %dma_wait3A_334] : memref<2x128x128xf32, #tpu.memory_space<vmem>> -> memref<1x128x128xf32, #tpu.memory_space<vmem>>
      %dma_wait3A_336 = tpu.memref_squeeze %dma_wait3A_335 : memref<1x128x128xf32, #tpu.memory_space<vmem>> -> memref<128x128xf32, #tpu.memory_space<vmem>>
      %dma_wait3A_337 = arith.constant 0 : i32
      %dma_wait3A_338 = tpu.memref_slice %arg7[%add3A_17, %dma_wait3A_337] : memref<10008x128xf32, #tpu.memory_space<vmem_shared>> -> memref<128x128xf32, #tpu.memory_space<vmem_shared>>
      %dma_wait3A_339 = arith.constant 0 : i32
      %dma_wait3A_340 = tpu.memref_slice %arg7[%add3A_17, %dma_wait3A_339] : memref<10008x128xf32, #tpu.memory_space<vmem_shared>> -> memref<128x128xf32, #tpu.memory_space<vmem_shared>>
      %dma_wait3A_341 = arith.constant 0 : i32
      %dma_wait3A_342 = arith.constant 0 : i32
      %dma_wait3A_343 = tpu.memref_slice %arg6[%run_scoped3A_18, %dma_wait3A_341, %dma_wait3A_342] : memref<2x128x128xf32, #tpu.memory_space<vmem>> -> memref<1x128x128xf32, #tpu.memory_space<vmem>>
      %dma_wait3A_344 = tpu.memref_squeeze %dma_wait3A_343 : memref<1x128x128xf32, #tpu.memory_space<vmem>> -> memref<128x128xf32, #tpu.memory_space<vmem>>
      tpu.wait_dma2 semaphore(%run_scoped3A_320 : memref<!tpu.dma_semaphore, #tpu.memory_space<semaphore_mem>>) src(%dma_wait3A_344 : memref<128x128xf32, #tpu.memory_space<vmem>>) dst(%dma_wait3A_340 : memref<128x128xf32, #tpu.memory_space<vmem_shared>>)
      tpu.yield
    }) : () -> ()
    %add3A_19 = arith.constant 384 : i32
    %add3A_20 = arith.addi %mul3A_10, %add3A_19 : i32
    %run_scoped3A_21 = arith.constant 0 : i32
    "tpu.region"() ({
      %run_scoped3A_320 = tpu.sem_alloc : memref<!tpu.dma_semaphore, #tpu.memory_space<semaphore_mem>>
      %dma_start3A_321 = arith.constant 0 : i32
      %dma_start3A_322 = arith.constant 0 : i32
      %dma_start3A_323 = tpu.memref_slice %arg6[%run_scoped3A_21, %dma_start3A_321, %dma_start3A_322] : memref<2x128x128xf32, #tpu.memory_space<vmem>> -> memref<1x128x128xf32, #tpu.memory_space<vmem>>
      %dma_start3A_324 = tpu.memref_squeeze %dma_start3A_323 : memref<1x128x128xf32, #tpu.memory_space<vmem>> -> memref<128x128xf32, #tpu.memory_space<vmem>>
      %dma_start3A_325 = arith.constant 0 : i32
      %dma_start3A_326 = tpu.memref_slice %arg7[%add3A_20, %dma_start3A_325] : memref<10008x128xf32, #tpu.memory_space<vmem_shared>> -> memref<128x128xf32, #tpu.memory_space<vmem_shared>>
      %dma_start3A_327 = arith.constant 0 : i32
      %dma_start3A_328 = tpu.memref_slice %arg7[%add3A_20, %dma_start3A_327] : memref<10008x128xf32, #tpu.memory_space<vmem_shared>> -> memref<128x128xf32, #tpu.memory_space<vmem_shared>>
      %dma_start3A_329 = arith.constant 0 : i32
      %dma_start3A_330 = arith.constant 0 : i32
      %dma_start3A_331 = tpu.memref_slice %arg6[%run_scoped3A_21, %dma_start3A_329, %dma_start3A_330] : memref<2x128x128xf32, #tpu.memory_space<vmem>> -> memref<1x128x128xf32, #tpu.memory_space<vmem>>
      %dma_start3A_332 = tpu.memref_squeeze %dma_start3A_331 : memref<1x128x128xf32, #tpu.memory_space<vmem>> -> memref<128x128xf32, #tpu.memory_space<vmem>>
      tpu.enqueue_dma source(%dma_start3A_332 : memref<128x128xf32, #tpu.memory_space<vmem>>) target(%dma_start3A_328 : memref<128x128xf32, #tpu.memory_space<vmem_shared>>) target_semaphore(%run_scoped3A_320 : memref<!tpu.dma_semaphore, #tpu.memory_space<semaphore_mem>>)
      %dma_wait3A_333 = arith.constant 0 : i32
      %dma_wait3A_334 = arith.constant 0 : i32
      %dma_wait3A_335 = tpu.memref_slice %arg6[%run_scoped3A_21, %dma_wait3A_333, %dma_wait3A_334] : memref<2x128x128xf32, #tpu.memory_space<vmem>> -> memref<1x128x128xf32, #tpu.memory_space<vmem>>
      %dma_wait3A_336 = tpu.memref_squeeze %dma_wait3A_335 : memref<1x128x128xf32, #tpu.memory_space<vmem>> -> memref<128x128xf32, #tpu.memory_space<vmem>>
      %dma_wait3A_337 = arith.constant 0 : i32
      %dma_wait3A_338 = tpu.memref_slice %arg7[%add3A_20, %dma_wait3A_337] : memref<10008x128xf32, #tpu.memory_space<vmem_shared>> -> memref<128x128xf32, #tpu.memory_space<vmem_shared>>
      %dma_wait3A_339 = arith.constant 0 : i32
      %dma_wait3A_340 = tpu.memref_slice %arg7[%add3A_20, %dma_wait3A_339] : memref<10008x128xf32, #tpu.memory_space<vmem_shared>> -> memref<128x128xf32, #tpu.memory_space<vmem_shared>>
      %dma_wait3A_341 = arith.constant 0 : i32
      %dma_wait3A_342 = arith.constant 0 : i32
      %dma_wait3A_343 = tpu.memref_slice %arg6[%run_scoped3A_21, %dma_wait3A_341, %dma_wait3A_342] : memref<2x128x128xf32, #tpu.memory_space<vmem>> -> memref<1x128x128xf32, #tpu.memory_space<vmem>>
      %dma_wait3A_344 = tpu.memref_squeeze %dma_wait3A_343 : memref<1x128x128xf32, #tpu.memory_space<vmem>> -> memref<128x128xf32, #tpu.memory_space<vmem>>
      tpu.wait_dma2 semaphore(%run_scoped3A_320 : memref<!tpu.dma_semaphore, #tpu.memory_space<semaphore_mem>>) src(%dma_wait3A_344 : memref<128x128xf32, #tpu.memory_space<vmem>>) dst(%dma_wait3A_340 : memref<128x128xf32, #tpu.memory_space<vmem_shared>>)
      tpu.yield
    }) : () -> ()
    %add3A_22 = arith.constant 512 : i32
    %add3A_23 = arith.addi %mul3A_10, %add3A_22 : i32
    %run_scoped3A_24 = arith.constant 0 : i32
    "tpu.region"() ({
      %run_scoped3A_320 = tpu.sem_alloc : memref<!tpu.dma_semaphore, #tpu.memory_space<semaphore_mem>>
      %dma_start3A_321 = arith.constant 0 : i32
      %dma_start3A_322 = arith.constant 0 : i32
      %dma_start3A_323 = tpu.memref_slice %arg6[%run_scoped3A_24, %dma_start3A_321, %dma_start3A_322] : memref<2x128x128xf32, #tpu.memory_space<vmem>> -> memref<1x112x128xf32, #tpu.memory_space<vmem>>
      %dma_start3A_324 = tpu.memref_squeeze %dma_start3A_323 : memref<1x112x128xf32, #tpu.memory_space<vmem>> -> memref<112x128xf32, #tpu.memory_space<vmem>>
      %dma_start3A_325 = arith.constant 0 : i32
      %dma_start3A_326 = tpu.memref_slice %arg7[%add3A_23, %dma_start3A_325] : memref<10008x128xf32, #tpu.memory_space<vmem_shared>> -> memref<112x128xf32, #tpu.memory_space<vmem_shared>>
      %dma_start3A_327 = arith.constant 0 : i32
      %dma_start3A_328 = tpu.memref_slice %arg7[%add3A_23, %dma_start3A_327] : memref<10008x128xf32, #tpu.memory_space<vmem_shared>> -> memref<112x128xf32, #tpu.memory_space<vmem_shared>>
      %dma_start3A_329 = arith.constant 0 : i32
      %dma_start3A_330 = arith.constant 0 : i32
      %dma_start3A_331 = tpu.memref_slice %arg6[%run_scoped3A_24, %dma_start3A_329, %dma_start3A_330] : memref<2x128x128xf32, #tpu.memory_space<vmem>> -> memref<1x112x128xf32, #tpu.memory_space<vmem>>
      %dma_start3A_332 = tpu.memref_squeeze %dma_start3A_331 : memref<1x112x128xf32, #tpu.memory_space<vmem>> -> memref<112x128xf32, #tpu.memory_space<vmem>>
      tpu.enqueue_dma source(%dma_start3A_332 : memref<112x128xf32, #tpu.memory_space<vmem>>) target(%dma_start3A_328 : memref<112x128xf32, #tpu.memory_space<vmem_shared>>) target_semaphore(%run_scoped3A_320 : memref<!tpu.dma_semaphore, #tpu.memory_space<semaphore_mem>>)
      %dma_wait3A_333 = arith.constant 0 : i32
      %dma_wait3A_334 = arith.constant 0 : i32
      %dma_wait3A_335 = tpu.memref_slice %arg6[%run_scoped3A_24, %dma_wait3A_333, %dma_wait3A_334] : memref<2x128x128xf32, #tpu.memory_space<vmem>> -> memref<1x112x128xf32, #tpu.memory_space<vmem>>
      %dma_wait3A_336 = tpu.memref_squeeze %dma_wait3A_335 : memref<1x112x128xf32, #tpu.memory_space<vmem>> -> memref<112x128xf32, #tpu.memory_space<vmem>>
      %dma_wait3A_337 = arith.constant 0 : i32
      %dma_wait3A_338 = tpu.memref_slice %arg7[%add3A_23, %dma_wait3A_337] : memref<10008x128xf32, #tpu.memory_space<vmem_shared>> -> memref<112x128xf32, #tpu.memory_space<vmem_shared>>
      %dma_wait3A_339 = arith.constant 0 : i32
      %dma_wait3A_340 = tpu.memref_slice %arg7[%add3A_23, %dma_wait3A_339] : memref<10008x128xf32, #tpu.memory_space<vmem_shared>> -> memref<112x128xf32, #tpu.memory_space<vmem_shared>>
      %dma_wait3A_341 = arith.constant 0 : i32
      %dma_wait3A_342 = arith.constant 0 : i32
      %dma_wait3A_343 = tpu.memref_slice %arg6[%run_scoped3A_24, %dma_wait3A_341, %dma_wait3A_342] : memref<2x128x128xf32, #tpu.memory_space<vmem>> -> memref<1x112x128xf32, #tpu.memory_space<vmem>>
      %dma_wait3A_344 = tpu.memref_squeeze %dma_wait3A_343 : memref<1x112x128xf32, #tpu.memory_space<vmem>> -> memref<112x128xf32, #tpu.memory_space<vmem>>
      tpu.wait_dma2 semaphore(%run_scoped3A_320 : memref<!tpu.dma_semaphore, #tpu.memory_space<semaphore_mem>>) src(%dma_wait3A_344 : memref<112x128xf32, #tpu.memory_space<vmem>>) dst(%dma_wait3A_340 : memref<112x128xf32, #tpu.memory_space<vmem_shared>>)
      tpu.yield
    }) : () -> ()
    %eq3A = arith.constant 15 : i32
    %eq3A_25 = arith.cmpi eq, %arg1, %eq3A : i32
    %convert_element_type3A = arith.extui %eq3A_25 : i1 to i32
    %cond3A = arith.constant 0 : i32
    %cond3A_26 = arith.cmpi ne, %convert_element_type3A, %cond3A : i32
    scf.if %cond3A_26 {
      %run_scoped3A_320 = arith.constant 0 : i32
      "tpu.region"() ({
        %run_scoped3A_321 = tpu.sem_alloc : memref<!tpu.dma_semaphore, #tpu.memory_space<semaphore_mem>>
        %dma_start3A_322 = arith.constant 0 : i32
        %dma_start3A_323 = arith.constant 0 : i32
        %dma_start3A_324 = tpu.memref_slice %arg6[%run_scoped3A_320, %dma_start3A_322, %dma_start3A_323] : memref<2x128x128xf32, #tpu.memory_space<vmem>> -> memref<1x16x128xf32, #tpu.memory_space<vmem>>
        %dma_start3A_325 = tpu.memref_squeeze %dma_start3A_324 : memref<1x16x128xf32, #tpu.memory_space<vmem>> -> memref<16x128xf32, #tpu.memory_space<vmem>>
        %dma_start3A_326 = arith.constant 9984 : i32
        %dma_start3A_327 = arith.constant 0 : i32
        %dma_start3A_328 = tpu.memref_slice %arg7[%dma_start3A_326, %dma_start3A_327] : memref<10008x128xf32, #tpu.memory_space<vmem_shared>> -> memref<16x128xf32, #tpu.memory_space<vmem_shared>>
        %dma_start3A_329 = arith.constant 9984 : i32
        %dma_start3A_330 = arith.constant 0 : i32
        %dma_start3A_331 = tpu.memref_slice %arg7[%dma_start3A_329, %dma_start3A_330] : memref<10008x128xf32, #tpu.memory_space<vmem_shared>> -> memref<16x128xf32, #tpu.memory_space<vmem_shared>>
        %dma_start3A_332 = arith.constant 0 : i32
        %dma_start3A_333 = arith.constant 0 : i32
        %dma_start3A_334 = tpu.memref_slice %arg6[%run_scoped3A_320, %dma_start3A_332, %dma_start3A_333] : memref<2x128x128xf32, #tpu.memory_space<vmem>> -> memref<1x16x128xf32, #tpu.memory_space<vmem>>
        %dma_start3A_335 = tpu.memref_squeeze %dma_start3A_334 : memref<1x16x128xf32, #tpu.memory_space<vmem>> -> memref<16x128xf32, #tpu.memory_space<vmem>>
        tpu.enqueue_dma source(%dma_start3A_335 : memref<16x128xf32, #tpu.memory_space<vmem>>) target(%dma_start3A_331 : memref<16x128xf32, #tpu.memory_space<vmem_shared>>) target_semaphore(%run_scoped3A_321 : memref<!tpu.dma_semaphore, #tpu.memory_space<semaphore_mem>>)
        %dma_wait3A_336 = arith.constant 0 : i32
        %dma_wait3A_337 = arith.constant 0 : i32
        %dma_wait3A_338 = tpu.memref_slice %arg6[%run_scoped3A_320, %dma_wait3A_336, %dma_wait3A_337] : memref<2x128x128xf32, #tpu.memory_space<vmem>> -> memref<1x16x128xf32, #tpu.memory_space<vmem>>
        %dma_wait3A_339 = tpu.memref_squeeze %dma_wait3A_338 : memref<1x16x128xf32, #tpu.memory_space<vmem>> -> memref<16x128xf32, #tpu.memory_space<vmem>>
        %dma_wait3A_340 = arith.constant 9984 : i32
        %dma_wait3A_341 = arith.constant 0 : i32
        %dma_wait3A_342 = tpu.memref_slice %arg7[%dma_wait3A_340, %dma_wait3A_341] : memref<10008x128xf32, #tpu.memory_space<vmem_shared>> -> memref<16x128xf32, #tpu.memory_space<vmem_shared>>
        %dma_wait3A_343 = arith.constant 9984 : i32
        %dma_wait3A_344 = arith.constant 0 : i32
        %dma_wait3A_345 = tpu.memref_slice %arg7[%dma_wait3A_343, %dma_wait3A_344] : memref<10008x128xf32, #tpu.memory_space<vmem_shared>> -> memref<16x128xf32, #tpu.memory_space<vmem_shared>>
        %dma_wait3A_346 = arith.constant 0 : i32
        %dma_wait3A_347 = arith.constant 0 : i32
        %dma_wait3A_348 = tpu.memref_slice %arg6[%run_scoped3A_320, %dma_wait3A_346, %dma_wait3A_347] : memref<2x128x128xf32, #tpu.memory_space<vmem>> -> memref<1x16x128xf32, #tpu.memory_space<vmem>>
        %dma_wait3A_349 = tpu.memref_squeeze %dma_wait3A_348 : memref<1x16x128xf32, #tpu.memory_space<vmem>> -> memref<16x128xf32, #tpu.memory_space<vmem>>
        tpu.wait_dma2 semaphore(%run_scoped3A_321 : memref<!tpu.dma_semaphore, #tpu.memory_space<semaphore_mem>>) src(%dma_wait3A_349 : memref<16x128xf32, #tpu.memory_space<vmem>>) dst(%dma_wait3A_345 : memref<16x128xf32, #tpu.memory_space<vmem_shared>>)
        tpu.yield
      }) : () -> ()
    } else {
    }
    %barrier3A = arith.constant 0 : index
    tpu.barrier barrier_id(%barrier3A)
    %add3A_27 = arith.constant 0 : i32
    %add3A_28 = arith.addi %mul3A_2, %add3A_27 : i32
    %dma_start3A = arith.constant 0 : i32
    %dma_start3A_29 = arith.constant 0 : i32
    %dma_start3A_30 = arith.constant 0 : i32
    %dma_start3A_31 = tpu.memref_slice %arg5[%dma_start3A, %dma_start3A_29, %dma_start3A_30] : memref<8x2x128xi32, #tpu.memory_space<vmem>> -> memref<1x2x128xi32, #tpu.memory_space<vmem>>
    %dma_start3A_32 = tpu.memref_squeeze %dma_start3A_31 : memref<1x2x128xi32, #tpu.memory_space<vmem>> -> memref<2x128xi32, #tpu.memory_space<vmem>>
    %dma_start3A_33 = arith.constant 0 : i32
    %dma_start3A_34 = arith.constant 0 : i32
    %dma_start3A_35 = tpu.memref_slice %arg3[%add3A_28, %dma_start3A_33, %dma_start3A_34] : memref<2568x2x128xi32, #tpu.memory_space<hbm>> -> memref<1x2x128xi32, #tpu.memory_space<hbm>>
    %dma_start3A_36 = tpu.memref_squeeze %dma_start3A_35 : memref<1x2x128xi32, #tpu.memory_space<hbm>> -> memref<2x128xi32, #tpu.memory_space<hbm>>
    %dma_start3A_37 = arith.constant 0 : i32
    %dma_start3A_38 = arith.constant 0 : i32
    %dma_start3A_39 = tpu.memref_slice %arg5[%dma_start3A, %dma_start3A_37, %dma_start3A_38] : memref<8x2x128xi32, #tpu.memory_space<vmem>> -> memref<1x2x128xi32, #tpu.memory_space<vmem>>
    %dma_start3A_40 = tpu.memref_squeeze %dma_start3A_39 : memref<1x2x128xi32, #tpu.memory_space<vmem>> -> memref<2x128xi32, #tpu.memory_space<vmem>>
    %dma_start3A_41 = arith.constant 0 : i32
    %dma_start3A_42 = arith.constant 0 : i32
    %dma_start3A_43 = tpu.memref_slice %arg3[%add3A_28, %dma_start3A_41, %dma_start3A_42] : memref<2568x2x128xi32, #tpu.memory_space<hbm>> -> memref<1x2x128xi32, #tpu.memory_space<hbm>>
    %dma_start3A_44 = tpu.memref_squeeze %dma_start3A_43 : memref<1x2x128xi32, #tpu.memory_space<hbm>> -> memref<2x128xi32, #tpu.memory_space<hbm>>
    tpu.enqueue_dma source(%dma_start3A_44 : memref<2x128xi32, #tpu.memory_space<hbm>>) target(%dma_start3A_40 : memref<2x128xi32, #tpu.memory_space<vmem>>) target_semaphore(%arg8 : memref<!tpu.dma_semaphore, #tpu.memory_space<semaphore_mem>>)
    %add3A_45 = arith.constant 1 : i32
    %add3A_46 = arith.addi %mul3A_2, %add3A_45 : i32
    %dma_start3A_47 = arith.constant 1 : i32
    %dma_start3A_48 = arith.constant 0 : i32
    %dma_start3A_49 = arith.constant 0 : i32
    %dma_start3A_50 = tpu.memref_slice %arg5[%dma_start3A_47, %dma_start3A_48, %dma_start3A_49] : memref<8x2x128xi32, #tpu.memory_space<vmem>> -> memref<1x2x128xi32, #tpu.memory_space<vmem>>
    %dma_start3A_51 = tpu.memref_squeeze %dma_start3A_50 : memref<1x2x128xi32, #tpu.memory_space<vmem>> -> memref<2x128xi32, #tpu.memory_space<vmem>>
    %dma_start3A_52 = arith.constant 0 : i32
    %dma_start3A_53 = arith.constant 0 : i32
    %dma_start3A_54 = tpu.memref_slice %arg3[%add3A_46, %dma_start3A_52, %dma_start3A_53] : memref<2568x2x128xi32, #tpu.memory_space<hbm>> -> memref<1x2x128xi32, #tpu.memory_space<hbm>>
    %dma_start3A_55 = tpu.memref_squeeze %dma_start3A_54 : memref<1x2x128xi32, #tpu.memory_space<hbm>> -> memref<2x128xi32, #tpu.memory_space<hbm>>
    %dma_start3A_56 = arith.constant 0 : i32
    %dma_start3A_57 = arith.constant 0 : i32
    %dma_start3A_58 = tpu.memref_slice %arg5[%dma_start3A_47, %dma_start3A_56, %dma_start3A_57] : memref<8x2x128xi32, #tpu.memory_space<vmem>> -> memref<1x2x128xi32, #tpu.memory_space<vmem>>
    %dma_start3A_59 = tpu.memref_squeeze %dma_start3A_58 : memref<1x2x128xi32, #tpu.memory_space<vmem>> -> memref<2x128xi32, #tpu.memory_space<vmem>>
    %dma_start3A_60 = arith.constant 0 : i32
    %dma_start3A_61 = arith.constant 0 : i32
    %dma_start3A_62 = tpu.memref_slice %arg3[%add3A_46, %dma_start3A_60, %dma_start3A_61] : memref<2568x2x128xi32, #tpu.memory_space<hbm>> -> memref<1x2x128xi32, #tpu.memory_space<hbm>>
    %dma_start3A_63 = tpu.memref_squeeze %dma_start3A_62 : memref<1x2x128xi32, #tpu.memory_space<hbm>> -> memref<2x128xi32, #tpu.memory_space<hbm>>
    tpu.enqueue_dma source(%dma_start3A_63 : memref<2x128xi32, #tpu.memory_space<hbm>>) target(%dma_start3A_59 : memref<2x128xi32, #tpu.memory_space<vmem>>) target_semaphore(%arg9 : memref<!tpu.dma_semaphore, #tpu.memory_space<semaphore_mem>>)
    %add3A_64 = arith.constant 2 : i32
    %add3A_65 = arith.addi %mul3A_2, %add3A_64 : i32
    %dma_start3A_66 = arith.constant 2 : i32
    %dma_start3A_67 = arith.constant 0 : i32
    %dma_start3A_68 = arith.constant 0 : i32
    %dma_start3A_69 = tpu.memref_slice %arg5[%dma_start3A_66, %dma_start3A_67, %dma_start3A_68] : memref<8x2x128xi32, #tpu.memory_space<vmem>> -> memref<1x2x128xi32, #tpu.memory_space<vmem>>
    %dma_start3A_70 = tpu.memref_squeeze %dma_start3A_69 : memref<1x2x128xi32, #tpu.memory_space<vmem>> -> memref<2x128xi32, #tpu.memory_space<vmem>>
    %dma_start3A_71 = arith.constant 0 : i32
    %dma_start3A_72 = arith.constant 0 : i32
    %dma_start3A_73 = tpu.memref_slice %arg3[%add3A_65, %dma_start3A_71, %dma_start3A_72] : memref<2568x2x128xi32, #tpu.memory_space<hbm>> -> memref<1x2x128xi32, #tpu.memory_space<hbm>>
    %dma_start3A_74 = tpu.memref_squeeze %dma_start3A_73 : memref<1x2x128xi32, #tpu.memory_space<hbm>> -> memref<2x128xi32, #tpu.memory_space<hbm>>
    %dma_start3A_75 = arith.constant 0 : i32
    %dma_start3A_76 = arith.constant 0 : i32
    %dma_start3A_77 = tpu.memref_slice %arg5[%dma_start3A_66, %dma_start3A_75, %dma_start3A_76] : memref<8x2x128xi32, #tpu.memory_space<vmem>> -> memref<1x2x128xi32, #tpu.memory_space<vmem>>
    %dma_start3A_78 = tpu.memref_squeeze %dma_start3A_77 : memref<1x2x128xi32, #tpu.memory_space<vmem>> -> memref<2x128xi32, #tpu.memory_space<vmem>>
    %dma_start3A_79 = arith.constant 0 : i32
    %dma_start3A_80 = arith.constant 0 : i32
    %dma_start3A_81 = tpu.memref_slice %arg3[%add3A_65, %dma_start3A_79, %dma_start3A_80] : memref<2568x2x128xi32, #tpu.memory_space<hbm>> -> memref<1x2x128xi32, #tpu.memory_space<hbm>>
    %dma_start3A_82 = tpu.memref_squeeze %dma_start3A_81 : memref<1x2x128xi32, #tpu.memory_space<hbm>> -> memref<2x128xi32, #tpu.memory_space<hbm>>
    tpu.enqueue_dma source(%dma_start3A_82 : memref<2x128xi32, #tpu.memory_space<hbm>>) target(%dma_start3A_78 : memref<2x128xi32, #tpu.memory_space<vmem>>) target_semaphore(%arg10 : memref<!tpu.dma_semaphore, #tpu.memory_space<semaphore_mem>>)
    %add3A_83 = arith.constant 3 : i32
    %add3A_84 = arith.addi %mul3A_2, %add3A_83 : i32
    %dma_start3A_85 = arith.constant 3 : i32
    %dma_start3A_86 = arith.constant 0 : i32
    %dma_start3A_87 = arith.constant 0 : i32
    %dma_start3A_88 = tpu.memref_slice %arg5[%dma_start3A_85, %dma_start3A_86, %dma_start3A_87] : memref<8x2x128xi32, #tpu.memory_space<vmem>> -> memref<1x2x128xi32, #tpu.memory_space<vmem>>
    %dma_start3A_89 = tpu.memref_squeeze %dma_start3A_88 : memref<1x2x128xi32, #tpu.memory_space<vmem>> -> memref<2x128xi32, #tpu.memory_space<vmem>>
    %dma_start3A_90 = arith.constant 0 : i32
    %dma_start3A_91 = arith.constant 0 : i32
    %dma_start3A_92 = tpu.memref_slice %arg3[%add3A_84, %dma_start3A_90, %dma_start3A_91] : memref<2568x2x128xi32, #tpu.memory_space<hbm>> -> memref<1x2x128xi32, #tpu.memory_space<hbm>>
    %dma_start3A_93 = tpu.memref_squeeze %dma_start3A_92 : memref<1x2x128xi32, #tpu.memory_space<hbm>> -> memref<2x128xi32, #tpu.memory_space<hbm>>
    %dma_start3A_94 = arith.constant 0 : i32
    %dma_start3A_95 = arith.constant 0 : i32
    %dma_start3A_96 = tpu.memref_slice %arg5[%dma_start3A_85, %dma_start3A_94, %dma_start3A_95] : memref<8x2x128xi32, #tpu.memory_space<vmem>> -> memref<1x2x128xi32, #tpu.memory_space<vmem>>
    %dma_start3A_97 = tpu.memref_squeeze %dma_start3A_96 : memref<1x2x128xi32, #tpu.memory_space<vmem>> -> memref<2x128xi32, #tpu.memory_space<vmem>>
    %dma_start3A_98 = arith.constant 0 : i32
    %dma_start3A_99 = arith.constant 0 : i32
    %dma_start3A_100 = tpu.memref_slice %arg3[%add3A_84, %dma_start3A_98, %dma_start3A_99] : memref<2568x2x128xi32, #tpu.memory_space<hbm>> -> memref<1x2x128xi32, #tpu.memory_space<hbm>>
    %dma_start3A_101 = tpu.memref_squeeze %dma_start3A_100 : memref<1x2x128xi32, #tpu.memory_space<hbm>> -> memref<2x128xi32, #tpu.memory_space<hbm>>
    tpu.enqueue_dma source(%dma_start3A_101 : memref<2x128xi32, #tpu.memory_space<hbm>>) target(%dma_start3A_97 : memref<2x128xi32, #tpu.memory_space<vmem>>) target_semaphore(%arg11 : memref<!tpu.dma_semaphore, #tpu.memory_space<semaphore_mem>>)
    %add3A_102 = arith.constant 4 : i32
    %add3A_103 = arith.addi %mul3A_2, %add3A_102 : i32
    %dma_start3A_104 = arith.constant 4 : i32
    %dma_start3A_105 = arith.constant 0 : i32
    %dma_start3A_106 = arith.constant 0 : i32
    %dma_start3A_107 = tpu.memref_slice %arg5[%dma_start3A_104, %dma_start3A_105, %dma_start3A_106] : memref<8x2x128xi32, #tpu.memory_space<vmem>> -> memref<1x2x128xi32, #tpu.memory_space<vmem>>
    %dma_start3A_108 = tpu.memref_squeeze %dma_start3A_107 : memref<1x2x128xi32, #tpu.memory_space<vmem>> -> memref<2x128xi32, #tpu.memory_space<vmem>>
    %dma_start3A_109 = arith.constant 0 : i32
    %dma_start3A_110 = arith.constant 0 : i32
    %dma_start3A_111 = tpu.memref_slice %arg3[%add3A_103, %dma_start3A_109, %dma_start3A_110] : memref<2568x2x128xi32, #tpu.memory_space<hbm>> -> memref<1x2x128xi32, #tpu.memory_space<hbm>>
    %dma_start3A_112 = tpu.memref_squeeze %dma_start3A_111 : memref<1x2x128xi32, #tpu.memory_space<hbm>> -> memref<2x128xi32, #tpu.memory_space<hbm>>
    %dma_start3A_113 = arith.constant 0 : i32
    %dma_start3A_114 = arith.constant 0 : i32
    %dma_start3A_115 = tpu.memref_slice %arg5[%dma_start3A_104, %dma_start3A_113, %dma_start3A_114] : memref<8x2x128xi32, #tpu.memory_space<vmem>> -> memref<1x2x128xi32, #tpu.memory_space<vmem>>
    %dma_start3A_116 = tpu.memref_squeeze %dma_start3A_115 : memref<1x2x128xi32, #tpu.memory_space<vmem>> -> memref<2x128xi32, #tpu.memory_space<vmem>>
    %dma_start3A_117 = arith.constant 0 : i32
    %dma_start3A_118 = arith.constant 0 : i32
    %dma_start3A_119 = tpu.memref_slice %arg3[%add3A_103, %dma_start3A_117, %dma_start3A_118] : memref<2568x2x128xi32, #tpu.memory_space<hbm>> -> memref<1x2x128xi32, #tpu.memory_space<hbm>>
    %dma_start3A_120 = tpu.memref_squeeze %dma_start3A_119 : memref<1x2x128xi32, #tpu.memory_space<hbm>> -> memref<2x128xi32, #tpu.memory_space<hbm>>
    tpu.enqueue_dma source(%dma_start3A_120 : memref<2x128xi32, #tpu.memory_space<hbm>>) target(%dma_start3A_116 : memref<2x128xi32, #tpu.memory_space<vmem>>) target_semaphore(%arg12 : memref<!tpu.dma_semaphore, #tpu.memory_space<semaphore_mem>>)
    %add3A_121 = arith.constant 5 : i32
    %add3A_122 = arith.addi %mul3A_2, %add3A_121 : i32
    %dma_start3A_123 = arith.constant 5 : i32
    %dma_start3A_124 = arith.constant 0 : i32
    %dma_start3A_125 = arith.constant 0 : i32
    %dma_start3A_126 = tpu.memref_slice %arg5[%dma_start3A_123, %dma_start3A_124, %dma_start3A_125] : memref<8x2x128xi32, #tpu.memory_space<vmem>> -> memref<1x2x128xi32, #tpu.memory_space<vmem>>
    %dma_start3A_127 = tpu.memref_squeeze %dma_start3A_126 : memref<1x2x128xi32, #tpu.memory_space<vmem>> -> memref<2x128xi32, #tpu.memory_space<vmem>>
    %dma_start3A_128 = arith.constant 0 : i32
    %dma_start3A_129 = arith.constant 0 : i32
    %dma_start3A_130 = tpu.memref_slice %arg3[%add3A_122, %dma_start3A_128, %dma_start3A_129] : memref<2568x2x128xi32, #tpu.memory_space<hbm>> -> memref<1x2x128xi32, #tpu.memory_space<hbm>>
    %dma_start3A_131 = tpu.memref_squeeze %dma_start3A_130 : memref<1x2x128xi32, #tpu.memory_space<hbm>> -> memref<2x128xi32, #tpu.memory_space<hbm>>
    %dma_start3A_132 = arith.constant 0 : i32
    %dma_start3A_133 = arith.constant 0 : i32
    %dma_start3A_134 = tpu.memref_slice %arg5[%dma_start3A_123, %dma_start3A_132, %dma_start3A_133] : memref<8x2x128xi32, #tpu.memory_space<vmem>> -> memref<1x2x128xi32, #tpu.memory_space<vmem>>
    %dma_start3A_135 = tpu.memref_squeeze %dma_start3A_134 : memref<1x2x128xi32, #tpu.memory_space<vmem>> -> memref<2x128xi32, #tpu.memory_space<vmem>>
    %dma_start3A_136 = arith.constant 0 : i32
    %dma_start3A_137 = arith.constant 0 : i32
    %dma_start3A_138 = tpu.memref_slice %arg3[%add3A_122, %dma_start3A_136, %dma_start3A_137] : memref<2568x2x128xi32, #tpu.memory_space<hbm>> -> memref<1x2x128xi32, #tpu.memory_space<hbm>>
    %dma_start3A_139 = tpu.memref_squeeze %dma_start3A_138 : memref<1x2x128xi32, #tpu.memory_space<hbm>> -> memref<2x128xi32, #tpu.memory_space<hbm>>
    tpu.enqueue_dma source(%dma_start3A_139 : memref<2x128xi32, #tpu.memory_space<hbm>>) target(%dma_start3A_135 : memref<2x128xi32, #tpu.memory_space<vmem>>) target_semaphore(%arg13 : memref<!tpu.dma_semaphore, #tpu.memory_space<semaphore_mem>>)
    %add3A_140 = arith.constant 6 : i32
    %add3A_141 = arith.addi %mul3A_2, %add3A_140 : i32
    %dma_start3A_142 = arith.constant 6 : i32
    %dma_start3A_143 = arith.constant 0 : i32
    %dma_start3A_144 = arith.constant 0 : i32
    %dma_start3A_145 = tpu.memref_slice %arg5[%dma_start3A_142, %dma_start3A_143, %dma_start3A_144] : memref<8x2x128xi32, #tpu.memory_space<vmem>> -> memref<1x2x128xi32, #tpu.memory_space<vmem>>
    %dma_start3A_146 = tpu.memref_squeeze %dma_start3A_145 : memref<1x2x128xi32, #tpu.memory_space<vmem>> -> memref<2x128xi32, #tpu.memory_space<vmem>>
    %dma_start3A_147 = arith.constant 0 : i32
    %dma_start3A_148 = arith.constant 0 : i32
    %dma_start3A_149 = tpu.memref_slice %arg3[%add3A_141, %dma_start3A_147, %dma_start3A_148] : memref<2568x2x128xi32, #tpu.memory_space<hbm>> -> memref<1x2x128xi32, #tpu.memory_space<hbm>>
    %dma_start3A_150 = tpu.memref_squeeze %dma_start3A_149 : memref<1x2x128xi32, #tpu.memory_space<hbm>> -> memref<2x128xi32, #tpu.memory_space<hbm>>
    %dma_start3A_151 = arith.constant 0 : i32
    %dma_start3A_152 = arith.constant 0 : i32
    %dma_start3A_153 = tpu.memref_slice %arg5[%dma_start3A_142, %dma_start3A_151, %dma_start3A_152] : memref<8x2x128xi32, #tpu.memory_space<vmem>> -> memref<1x2x128xi32, #tpu.memory_space<vmem>>
    %dma_start3A_154 = tpu.memref_squeeze %dma_start3A_153 : memref<1x2x128xi32, #tpu.memory_space<vmem>> -> memref<2x128xi32, #tpu.memory_space<vmem>>
    %dma_start3A_155 = arith.constant 0 : i32
    %dma_start3A_156 = arith.constant 0 : i32
    %dma_start3A_157 = tpu.memref_slice %arg3[%add3A_141, %dma_start3A_155, %dma_start3A_156] : memref<2568x2x128xi32, #tpu.memory_space<hbm>> -> memref<1x2x128xi32, #tpu.memory_space<hbm>>
    %dma_start3A_158 = tpu.memref_squeeze %dma_start3A_157 : memref<1x2x128xi32, #tpu.memory_space<hbm>> -> memref<2x128xi32, #tpu.memory_space<hbm>>
    tpu.enqueue_dma source(%dma_start3A_158 : memref<2x128xi32, #tpu.memory_space<hbm>>) target(%dma_start3A_154 : memref<2x128xi32, #tpu.memory_space<vmem>>) target_semaphore(%arg14 : memref<!tpu.dma_semaphore, #tpu.memory_space<semaphore_mem>>)
    %scan3A_159 = arith.constant 0 : i32
    %scan3A_160 = arith.constant 0 : i32
    %scan3A_161 = arith.constant 10 : i32
    %scan3A_162 = arith.addi %scan3A_160, %scan3A_161 : i32
    %scan3A_163 = arith.constant 1 : i32
    %scan3A_164 = scf.for %scan3A_320 = %scan3A_160 to %scan3A_162 step %scan3A_163 iter_args(%scan3A_321 = %scan3A_159) -> (i32)  : i32 {
      %mul3A_322 = arith.constant 8 : i32
      %mul3A_323 = arith.muli %scan3A_320, %mul3A_322 : i32
      %add3A_324 = arith.constant 0 : i32
      %add3A_325 = arith.addi %mul3A_323, %add3A_324 : i32
      %add3A_326 = arith.addi %mul3A_2, %add3A_325 : i32
      %dma_wait3A_327 = arith.constant 0 : i32
      %dma_wait3A_328 = arith.constant 0 : i32
      %dma_wait3A_329 = arith.constant 0 : i32
      %dma_wait3A_330 = tpu.memref_slice %arg5[%dma_wait3A_327, %dma_wait3A_328, %dma_wait3A_329] : memref<8x2x128xi32, #tpu.memory_space<vmem>> -> memref<1x2x128xi32, #tpu.memory_space<vmem>>
      %dma_wait3A_331 = tpu.memref_squeeze %dma_wait3A_330 : memref<1x2x128xi32, #tpu.memory_space<vmem>> -> memref<2x128xi32, #tpu.memory_space<vmem>>
      %dma_wait3A_332 = arith.constant 0 : i32
      %dma_wait3A_333 = arith.constant 0 : i32
      %dma_wait3A_334 = tpu.memref_slice %arg3[%add3A_326, %dma_wait3A_332, %dma_wait3A_333] : memref<2568x2x128xi32, #tpu.memory_space<hbm>> -> memref<1x2x128xi32, #tpu.memory_space<hbm>>
      %dma_wait3A_335 = tpu.memref_squeeze %dma_wait3A_334 : memref<1x2x128xi32, #tpu.memory_space<hbm>> -> memref<2x128xi32, #tpu.memory_space<hbm>>
      %dma_wait3A_336 = arith.constant 0 : i32
      %dma_wait3A_337 = arith.constant 0 : i32
      %dma_wait3A_338 = tpu.memref_slice %arg5[%dma_wait3A_327, %dma_wait3A_336, %dma_wait3A_337] : memref<8x2x128xi32, #tpu.memory_space<vmem>> -> memref<1x2x128xi32, #tpu.memory_space<vmem>>
      %dma_wait3A_339 = tpu.memref_squeeze %dma_wait3A_338 : memref<1x2x128xi32, #tpu.memory_space<vmem>> -> memref<2x128xi32, #tpu.memory_space<vmem>>
      %dma_wait3A_340 = arith.constant 0 : i32
      %dma_wait3A_341 = arith.constant 0 : i32
      %dma_wait3A_342 = tpu.memref_slice %arg3[%add3A_326, %dma_wait3A_340, %dma_wait3A_341] : memref<2568x2x128xi32, #tpu.memory_space<hbm>> -> memref<1x2x128xi32, #tpu.memory_space<hbm>>
      %dma_wait3A_343 = tpu.memref_squeeze %dma_wait3A_342 : memref<1x2x128xi32, #tpu.memory_space<hbm>> -> memref<2x128xi32, #tpu.memory_space<hbm>>
      tpu.wait_dma2 semaphore(%arg8 : memref<!tpu.dma_semaphore, #tpu.memory_space<semaphore_mem>>) src(%dma_wait3A_343 : memref<2x128xi32, #tpu.memory_space<hbm>>) dst(%dma_wait3A_339 : memref<2x128xi32, #tpu.memory_space<vmem>>)
      %dma_start3A_344 = arith.constant 0 : i32
      %dma_start3A_345 = arith.constant 0 : i32
      %dma_start3A_346 = arith.constant 0 : i32
      %dma_start3A_347 = arith.constant 0 : i32
      %dma_start3A_348 = arith.constant 0 : i32
      %dma_start3A_349 = tpu.memref_slice %arg6[%dma_start3A_346, %dma_start3A_347, %dma_start3A_348] : memref<2x128x128xf32, #tpu.memory_space<vmem>> -> memref<1x128x128xf32, #tpu.memory_space<vmem>>
      %dma_start3A_350 = tpu.memref_squeeze %dma_start3A_349 : memref<1x128x128xf32, #tpu.memory_space<vmem>> -> memref<128x128xf32, #tpu.memory_space<vmem>>
      %dma_start3A_351 = arith.constant 0 : i32
      %dma_start3A_352 = tpu.memref_slice %arg5[%dma_start3A_344, %dma_start3A_345, %dma_start3A_351] : memref<8x2x128xi32, #tpu.memory_space<vmem>> -> memref<1x1x128xi32, #tpu.memory_space<vmem>>
      %dma_start3A_353 = tpu.memref_squeeze %dma_start3A_352 : memref<1x1x128xi32, #tpu.memory_space<vmem>> -> memref<128xi32, #tpu.memory_space<vmem>>
      %dma_start3A_354 = arith.constant 0 : i32
      %dma_start3A_355 = arith.constant 0 : i32
      %dma_start3A_356 = tpu.memref_slice %arg2[%dma_start3A_354, %dma_start3A_355] : memref<10000x128xf32, #tpu.memory_space<hbm>> -> memref<10000x128xf32, #tpu.memory_space<hbm>>
      tpu.enqueue_indirect_dma source(%dma_start3A_356 : memref<10000x128xf32, #tpu.memory_space<hbm>>) target(%dma_start3A_350 : memref<128x128xf32, #tpu.memory_space<vmem>>) offsets(%dma_start3A_353 : memref<128xi32, #tpu.memory_space<vmem>>) semaphore(%arg16 : memref<!tpu.dma_semaphore, #tpu.memory_space<semaphore_mem>>)
      %ge3A = arith.constant 1 : i32
      %ge3A_357 = arith.cmpi sge, %add3A_325, %ge3A : i32
      %convert_element_type3A_358 = arith.extui %ge3A_357 : i1 to i32
      %cond3A_359 = arith.constant 0 : i32
      %cond3A_360 = arith.cmpi ne, %convert_element_type3A_358, %cond3A_359 : i32
      scf.if %cond3A_360 {
        %sub3A_894 = arith.constant 1 : i32
        %sub3A_895 = arith.subi %add3A_325, %sub3A_894 : i32
        %dma_wait3A_896 = arith.constant 7 : i32
        %dma_wait3A_897 = arith.constant 0 : i32
        %dma_wait3A_898 = arith.constant 1 : i32
        %dma_wait3A_899 = arith.constant 0 : i32
        %dma_wait3A_900 = arith.constant 0 : i32
        %dma_wait3A_901 = tpu.memref_slice %arg6[%dma_wait3A_898, %dma_wait3A_899, %dma_wait3A_900] : memref<2x128x128xf32, #tpu.memory_space<vmem>> -> memref<1x128x128xf32, #tpu.memory_space<vmem>>
        %dma_wait3A_902 = tpu.memref_squeeze %dma_wait3A_901 : memref<1x128x128xf32, #tpu.memory_space<vmem>> -> memref<128x128xf32, #tpu.memory_space<vmem>>
        %dma_wait3A_903 = arith.constant 0 : i32
        %dma_wait3A_904 = tpu.memref_slice %arg5[%dma_wait3A_896, %dma_wait3A_897, %dma_wait3A_903] : memref<8x2x128xi32, #tpu.memory_space<vmem>> -> memref<1x1x128xi32, #tpu.memory_space<vmem>>
        %dma_wait3A_905 = tpu.memref_squeeze %dma_wait3A_904 : memref<1x1x128xi32, #tpu.memory_space<vmem>> -> memref<128xi32, #tpu.memory_space<vmem>>
        %dma_wait3A_906 = arith.constant 0 : i32
        %dma_wait3A_907 = arith.constant 0 : i32
        %dma_wait3A_908 = tpu.memref_slice %arg2[%dma_wait3A_906, %dma_wait3A_907] : memref<10000x128xf32, #tpu.memory_space<hbm>> -> memref<10000x128xf32, #tpu.memory_space<hbm>>
        tpu.wait_indirect_dma semaphore(%arg17 : memref<!tpu.dma_semaphore, #tpu.memory_space<semaphore_mem>>) src(%dma_wait3A_908 : memref<10000x128xf32, #tpu.memory_space<hbm>>) dst(%dma_wait3A_902 : memref<128x128xf32, #tpu.memory_space<vmem>>)
        %run_scoped3A_909 = arith.constant 1 : i32
        %run_scoped3A_910 = arith.constant 7 : i32
        %run_scoped3A_911 = arith.constant 1 : i32
        "tpu.region"() ({
          %run_scoped3A_912 = tpu.sem_alloc : memref<!tpu.dma_semaphore, #tpu.memory_space<semaphore_mem>>
          %dma_start3A_913 = arith.constant 0 : i32
          %dma_start3A_914 = arith.constant 0 : i32
          %dma_start3A_915 = tpu.memref_slice %arg6[%run_scoped3A_909, %dma_start3A_913, %dma_start3A_914] : memref<2x128x128xf32, #tpu.memory_space<vmem>> -> memref<1x128x128xf32, #tpu.memory_space<vmem>>
          %dma_start3A_916 = tpu.memref_squeeze %dma_start3A_915 : memref<1x128x128xf32, #tpu.memory_space<vmem>> -> memref<128x128xf32, #tpu.memory_space<vmem>>
          %dma_start3A_917 = arith.constant 0 : i32
          %dma_start3A_918 = tpu.memref_slice %arg5[%run_scoped3A_910, %run_scoped3A_911, %dma_start3A_917] : memref<8x2x128xi32, #tpu.memory_space<vmem>> -> memref<1x1x128xi32, #tpu.memory_space<vmem>>
          %dma_start3A_919 = tpu.memref_squeeze %dma_start3A_918 : memref<1x1x128xi32, #tpu.memory_space<vmem>> -> memref<128xi32, #tpu.memory_space<vmem>>
          %dma_start3A_920 = arith.constant 0 : i32
          %dma_start3A_921 = arith.constant 0 : i32
          %dma_start3A_922 = tpu.memref_slice %arg7[%dma_start3A_920, %dma_start3A_921] : memref<10008x128xf32, #tpu.memory_space<vmem_shared>> -> memref<10008x128xf32, #tpu.memory_space<vmem_shared>>
          tpu.enqueue_indirect_dma source(%dma_start3A_916 : memref<128x128xf32, #tpu.memory_space<vmem>>) target(%dma_start3A_922 : memref<10008x128xf32, #tpu.memory_space<vmem_shared>>) offsets(%dma_start3A_919 : memref<128xi32, #tpu.memory_space<vmem>>) semaphore(%run_scoped3A_912 : memref<!tpu.dma_semaphore, #tpu.memory_space<semaphore_mem>>) {add = true}
          %dma_wait3A_923 = arith.constant 0 : i32
          %dma_wait3A_924 = arith.constant 0 : i32
          %dma_wait3A_925 = tpu.memref_slice %arg6[%run_scoped3A_909, %dma_wait3A_923, %dma_wait3A_924] : memref<2x128x128xf32, #tpu.memory_space<vmem>> -> memref<1x128x128xf32, #tpu.memory_space<vmem>>
          %dma_wait3A_926 = tpu.memref_squeeze %dma_wait3A_925 : memref<1x128x128xf32, #tpu.memory_space<vmem>> -> memref<128x128xf32, #tpu.memory_space<vmem>>
          %dma_wait3A_927 = arith.constant 0 : i32
          %dma_wait3A_928 = tpu.memref_slice %arg5[%run_scoped3A_910, %run_scoped3A_911, %dma_wait3A_927] : memref<8x2x128xi32, #tpu.memory_space<vmem>> -> memref<1x1x128xi32, #tpu.memory_space<vmem>>
          %dma_wait3A_929 = tpu.memref_squeeze %dma_wait3A_928 : memref<1x1x128xi32, #tpu.memory_space<vmem>> -> memref<128xi32, #tpu.memory_space<vmem>>
          %dma_wait3A_930 = arith.constant 0 : i32
          %dma_wait3A_931 = arith.constant 0 : i32
          %dma_wait3A_932 = tpu.memref_slice %arg7[%dma_wait3A_930, %dma_wait3A_931] : memref<10008x128xf32, #tpu.memory_space<vmem_shared>> -> memref<10008x128xf32, #tpu.memory_space<vmem_shared>>
          tpu.wait_indirect_dma semaphore(%run_scoped3A_912 : memref<!tpu.dma_semaphore, #tpu.memory_space<semaphore_mem>>) src(%dma_wait3A_926 : memref<128x128xf32, #tpu.memory_space<vmem>>) dst(%dma_wait3A_932 : memref<10008x128xf32, #tpu.memory_space<vmem_shared>>)
          tpu.yield
        }) : () -> ()
      } else {
      }
      %add3A_361 = arith.constant 8 : i32
      %add3A_362 = arith.addi %add3A_325, %add3A_361 : i32
      %sub3A = arith.constant 1 : i32
      %sub3A_363 = arith.subi %add3A_362, %sub3A : i32
      %add3A_364 = arith.addi %mul3A_2, %sub3A_363 : i32
      %dma_start3A_365 = arith.constant 7 : i32
      %dma_start3A_366 = arith.constant 0 : i32
      %dma_start3A_367 = arith.constant 0 : i32
      %dma_start3A_368 = tpu.memref_slice %arg5[%dma_start3A_365, %dma_start3A_366, %dma_start3A_367] : memref<8x2x128xi32, #tpu.memory_space<vmem>> -> memref<1x2x128xi32, #tpu.memory_space<vmem>>
      %dma_start3A_369 = tpu.memref_squeeze %dma_start3A_368 : memref<1x2x128xi32, #tpu.memory_space<vmem>> -> memref<2x128xi32, #tpu.memory_space<vmem>>
      %dma_start3A_370 = arith.constant 0 : i32
      %dma_start3A_371 = arith.constant 0 : i32
      %dma_start3A_372 = tpu.memref_slice %arg3[%add3A_364, %dma_start3A_370, %dma_start3A_371] : memref<2568x2x128xi32, #tpu.memory_space<hbm>> -> memref<1x2x128xi32, #tpu.memory_space<hbm>>
      %dma_start3A_373 = tpu.memref_squeeze %dma_start3A_372 : memref<1x2x128xi32, #tpu.memory_space<hbm>> -> memref<2x128xi32, #tpu.memory_space<hbm>>
      %dma_start3A_374 = arith.constant 0 : i32
      %dma_start3A_375 = arith.constant 0 : i32
      %dma_start3A_376 = tpu.memref_slice %arg5[%dma_start3A_365, %dma_start3A_374, %dma_start3A_375] : memref<8x2x128xi32, #tpu.memory_space<vmem>> -> memref<1x2x128xi32, #tpu.memory_space<vmem>>
      %dma_start3A_377 = tpu.memref_squeeze %dma_start3A_376 : memref<1x2x128xi32, #tpu.memory_space<vmem>> -> memref<2x128xi32, #tpu.memory_space<vmem>>
      %dma_start3A_378 = arith.constant 0 : i32
      %dma_start3A_379 = arith.constant 0 : i32
      %dma_start3A_380 = tpu.memref_slice %arg3[%add3A_364, %dma_start3A_378, %dma_start3A_379] : memref<2568x2x128xi32, #tpu.memory_space<hbm>> -> memref<1x2x128xi32, #tpu.memory_space<hbm>>
      %dma_start3A_381 = tpu.memref_squeeze %dma_start3A_380 : memref<1x2x128xi32, #tpu.memory_space<hbm>> -> memref<2x128xi32, #tpu.memory_space<hbm>>
      tpu.enqueue_dma source(%dma_start3A_381 : memref<2x128xi32, #tpu.memory_space<hbm>>) target(%dma_start3A_377 : memref<2x128xi32, #tpu.memory_space<vmem>>) target_semaphore(%arg15 : memref<!tpu.dma_semaphore, #tpu.memory_space<semaphore_mem>>)
      %add3A_382 = arith.constant 1 : i32
      %add3A_383 = arith.addi %mul3A_323, %add3A_382 : i32
      %add3A_384 = arith.addi %mul3A_2, %add3A_383 : i32
      %dma_wait3A_385 = arith.constant 1 : i32
      %dma_wait3A_386 = arith.constant 0 : i32
      %dma_wait3A_387 = arith.constant 0 : i32
      %dma_wait3A_388 = tpu.memref_slice %arg5[%dma_wait3A_385, %dma_wait3A_386, %dma_wait3A_387] : memref<8x2x128xi32, #tpu.memory_space<vmem>> -> memref<1x2x128xi32, #tpu.memory_space<vmem>>
      %dma_wait3A_389 = tpu.memref_squeeze %dma_wait3A_388 : memref<1x2x128xi32, #tpu.memory_space<vmem>> -> memref<2x128xi32, #tpu.memory_space<vmem>>
      %dma_wait3A_390 = arith.constant 0 : i32
      %dma_wait3A_391 = arith.constant 0 : i32
      %dma_wait3A_392 = tpu.memref_slice %arg3[%add3A_384, %dma_wait3A_390, %dma_wait3A_391] : memref<2568x2x128xi32, #tpu.memory_space<hbm>> -> memref<1x2x128xi32, #tpu.memory_space<hbm>>
      %dma_wait3A_393 = tpu.memref_squeeze %dma_wait3A_392 : memref<1x2x128xi32, #tpu.memory_space<hbm>> -> memref<2x128xi32, #tpu.memory_space<hbm>>
      %dma_wait3A_394 = arith.constant 0 : i32
      %dma_wait3A_395 = arith.constant 0 : i32
      %dma_wait3A_396 = tpu.memref_slice %arg5[%dma_wait3A_385, %dma_wait3A_394, %dma_wait3A_395] : memref<8x2x128xi32, #tpu.memory_space<vmem>> -> memref<1x2x128xi32, #tpu.memory_space<vmem>>
      %dma_wait3A_397 = tpu.memref_squeeze %dma_wait3A_396 : memref<1x2x128xi32, #tpu.memory_space<vmem>> -> memref<2x128xi32, #tpu.memory_space<vmem>>
      %dma_wait3A_398 = arith.constant 0 : i32
      %dma_wait3A_399 = arith.constant 0 : i32
      %dma_wait3A_400 = tpu.memref_slice %arg3[%add3A_384, %dma_wait3A_398, %dma_wait3A_399] : memref<2568x2x128xi32, #tpu.memory_space<hbm>> -> memref<1x2x128xi32, #tpu.memory_space<hbm>>
      %dma_wait3A_401 = tpu.memref_squeeze %dma_wait3A_400 : memref<1x2x128xi32, #tpu.memory_space<hbm>> -> memref<2x128xi32, #tpu.memory_space<hbm>>
      tpu.wait_dma2 semaphore(%arg9 : memref<!tpu.dma_semaphore, #tpu.memory_space<semaphore_mem>>) src(%dma_wait3A_401 : memref<2x128xi32, #tpu.memory_space<hbm>>) dst(%dma_wait3A_397 : memref<2x128xi32, #tpu.memory_space<vmem>>)
      %dma_start3A_402 = arith.constant 1 : i32
      %dma_start3A_403 = arith.constant 0 : i32
      %dma_start3A_404 = arith.constant 1 : i32
      %dma_start3A_405 = arith.constant 0 : i32
      %dma_start3A_406 = arith.constant 0 : i32
      %dma_start3A_407 = tpu.memref_slice %arg6[%dma_start3A_404, %dma_start3A_405, %dma_start3A_406] : memref<2x128x128xf32, #tpu.memory_space<vmem>> -> memref<1x128x128xf32, #tpu.memory_space<vmem>>
      %dma_start3A_408 = tpu.memref_squeeze %dma_start3A_407 : memref<1x128x128xf32, #tpu.memory_space<vmem>> -> memref<128x128xf32, #tpu.memory_space<vmem>>
      %dma_start3A_409 = arith.constant 0 : i32
      %dma_start3A_410 = tpu.memref_slice %arg5[%dma_start3A_402, %dma_start3A_403, %dma_start3A_409] : memref<8x2x128xi32, #tpu.memory_space<vmem>> -> memref<1x1x128xi32, #tpu.memory_space<vmem>>
      %dma_start3A_411 = tpu.memref_squeeze %dma_start3A_410 : memref<1x1x128xi32, #tpu.memory_space<vmem>> -> memref<128xi32, #tpu.memory_space<vmem>>
      %dma_start3A_412 = arith.constant 0 : i32
      %dma_start3A_413 = arith.constant 0 : i32
      %dma_start3A_414 = tpu.memref_slice %arg2[%dma_start3A_412, %dma_start3A_413] : memref<10000x128xf32, #tpu.memory_space<hbm>> -> memref<10000x128xf32, #tpu.memory_space<hbm>>
      tpu.enqueue_indirect_dma source(%dma_start3A_414 : memref<10000x128xf32, #tpu.memory_space<hbm>>) target(%dma_start3A_408 : memref<128x128xf32, #tpu.memory_space<vmem>>) offsets(%dma_start3A_411 : memref<128xi32, #tpu.memory_space<vmem>>) semaphore(%arg17 : memref<!tpu.dma_semaphore, #tpu.memory_space<semaphore_mem>>)
      %sub3A_415 = arith.constant 1 : i32
      %sub3A_416 = arith.subi %add3A_383, %sub3A_415 : i32
      %dma_wait3A_417 = arith.constant 0 : i32
      %dma_wait3A_418 = arith.constant 0 : i32
      %dma_wait3A_419 = arith.constant 0 : i32
      %dma_wait3A_420 = arith.constant 0 : i32
      %dma_wait3A_421 = arith.constant 0 : i32
      %dma_wait3A_422 = tpu.memref_slice %arg6[%dma_wait3A_419, %dma_wait3A_420, %dma_wait3A_421] : memref<2x128x128xf32, #tpu.memory_space<vmem>> -> memref<1x128x128xf32, #tpu.memory_space<vmem>>
      %dma_wait3A_423 = tpu.memref_squeeze %dma_wait3A_422 : memref<1x128x128xf32, #tpu.memory_space<vmem>> -> memref<128x128xf32, #tpu.memory_space<vmem>>
      %dma_wait3A_424 = arith.constant 0 : i32
      %dma_wait3A_425 = tpu.memref_slice %arg5[%dma_wait3A_417, %dma_wait3A_418, %dma_wait3A_424] : memref<8x2x128xi32, #tpu.memory_space<vmem>> -> memref<1x1x128xi32, #tpu.memory_space<vmem>>
      %dma_wait3A_426 = tpu.memref_squeeze %dma_wait3A_425 : memref<1x1x128xi32, #tpu.memory_space<vmem>> -> memref<128xi32, #tpu.memory_space<vmem>>
      %dma_wait3A_427 = arith.constant 0 : i32
      %dma_wait3A_428 = arith.constant 0 : i32
      %dma_wait3A_429 = tpu.memref_slice %arg2[%dma_wait3A_427, %dma_wait3A_428] : memref<10000x128xf32, #tpu.memory_space<hbm>> -> memref<10000x128xf32, #tpu.memory_space<hbm>>
      tpu.wait_indirect_dma semaphore(%arg16 : memref<!tpu.dma_semaphore, #tpu.memory_space<semaphore_mem>>) src(%dma_wait3A_429 : memref<10000x128xf32, #tpu.memory_space<hbm>>) dst(%dma_wait3A_423 : memref<128x128xf32, #tpu.memory_space<vmem>>)
      %run_scoped3A_430 = arith.constant 0 : i32
      %run_scoped3A_431 = arith.constant 0 : i32
      %run_scoped3A_432 = arith.constant 1 : i32
      "tpu.region"() ({
        %run_scoped3A_894 = tpu.sem_alloc : memref<!tpu.dma_semaphore, #tpu.memory_space<semaphore_mem>>
        %dma_start3A_895 = arith.constant 0 : i32
        %dma_start3A_896 = arith.constant 0 : i32
        %dma_start3A_897 = tpu.memref_slice %arg6[%run_scoped3A_430, %dma_start3A_895, %dma_start3A_896] : memref<2x128x128xf32, #tpu.memory_space<vmem>> -> memref<1x128x128xf32, #tpu.memory_space<vmem>>
        %dma_start3A_898 = tpu.memref_squeeze %dma_start3A_897 : memref<1x128x128xf32, #tpu.memory_space<vmem>> -> memref<128x128xf32, #tpu.memory_space<vmem>>
        %dma_start3A_899 = arith.constant 0 : i32
        %dma_start3A_900 = tpu.memref_slice %arg5[%run_scoped3A_431, %run_scoped3A_432, %dma_start3A_899] : memref<8x2x128xi32, #tpu.memory_space<vmem>> -> memref<1x1x128xi32, #tpu.memory_space<vmem>>
        %dma_start3A_901 = tpu.memref_squeeze %dma_start3A_900 : memref<1x1x128xi32, #tpu.memory_space<vmem>> -> memref<128xi32, #tpu.memory_space<vmem>>
        %dma_start3A_902 = arith.constant 0 : i32
        %dma_start3A_903 = arith.constant 0 : i32
        %dma_start3A_904 = tpu.memref_slice %arg7[%dma_start3A_902, %dma_start3A_903] : memref<10008x128xf32, #tpu.memory_space<vmem_shared>> -> memref<10008x128xf32, #tpu.memory_space<vmem_shared>>
        tpu.enqueue_indirect_dma source(%dma_start3A_898 : memref<128x128xf32, #tpu.memory_space<vmem>>) target(%dma_start3A_904 : memref<10008x128xf32, #tpu.memory_space<vmem_shared>>) offsets(%dma_start3A_901 : memref<128xi32, #tpu.memory_space<vmem>>) semaphore(%run_scoped3A_894 : memref<!tpu.dma_semaphore, #tpu.memory_space<semaphore_mem>>) {add = true}
        %dma_wait3A_905 = arith.constant 0 : i32
        %dma_wait3A_906 = arith.constant 0 : i32
        %dma_wait3A_907 = tpu.memref_slice %arg6[%run_scoped3A_430, %dma_wait3A_905, %dma_wait3A_906] : memref<2x128x128xf32, #tpu.memory_space<vmem>> -> memref<1x128x128xf32, #tpu.memory_space<vmem>>
        %dma_wait3A_908 = tpu.memref_squeeze %dma_wait3A_907 : memref<1x128x128xf32, #tpu.memory_space<vmem>> -> memref<128x128xf32, #tpu.memory_space<vmem>>
        %dma_wait3A_909 = arith.constant 0 : i32
        %dma_wait3A_910 = tpu.memref_slice %arg5[%run_scoped3A_431, %run_scoped3A_432, %dma_wait3A_909] : memref<8x2x128xi32, #tpu.memory_space<vmem>> -> memref<1x1x128xi32, #tpu.memory_space<vmem>>
        %dma_wait3A_911 = tpu.memref_squeeze %dma_wait3A_910 : memref<1x1x128xi32, #tpu.memory_space<vmem>> -> memref<128xi32, #tpu.memory_space<vmem>>
        %dma_wait3A_912 = arith.constant 0 : i32
        %dma_wait3A_913 = arith.constant 0 : i32
        %dma_wait3A_914 = tpu.memref_slice %arg7[%dma_wait3A_912, %dma_wait3A_913] : memref<10008x128xf32, #tpu.memory_space<vmem_shared>> -> memref<10008x128xf32, #tpu.memory_space<vmem_shared>>
        tpu.wait_indirect_dma semaphore(%run_scoped3A_894 : memref<!tpu.dma_semaphore, #tpu.memory_space<semaphore_mem>>) src(%dma_wait3A_908 : memref<128x128xf32, #tpu.memory_space<vmem>>) dst(%dma_wait3A_914 : memref<10008x128xf32, #tpu.memory_space<vmem_shared>>)
        tpu.yield
      }) : () -> ()
      %add3A_433 = arith.constant 8 : i32
      %add3A_434 = arith.addi %add3A_383, %add3A_433 : i32
      %sub3A_435 = arith.constant 1 : i32
      %sub3A_436 = arith.subi %add3A_434, %sub3A_435 : i32
      %add3A_437 = arith.addi %mul3A_2, %sub3A_436 : i32
      %dma_start3A_438 = arith.constant 0 : i32
      %dma_start3A_439 = arith.constant 0 : i32
      %dma_start3A_440 = arith.constant 0 : i32
      %dma_start3A_441 = tpu.memref_slice %arg5[%dma_start3A_438, %dma_start3A_439, %dma_start3A_440] : memref<8x2x128xi32, #tpu.memory_space<vmem>> -> memref<1x2x128xi32, #tpu.memory_space<vmem>>
      %dma_start3A_442 = tpu.memref_squeeze %dma_start3A_441 : memref<1x2x128xi32, #tpu.memory_space<vmem>> -> memref<2x128xi32, #tpu.memory_space<vmem>>
      %dma_start3A_443 = arith.constant 0 : i32
      %dma_start3A_444 = arith.constant 0 : i32
      %dma_start3A_445 = tpu.memref_slice %arg3[%add3A_437, %dma_start3A_443, %dma_start3A_444] : memref<2568x2x128xi32, #tpu.memory_space<hbm>> -> memref<1x2x128xi32, #tpu.memory_space<hbm>>
      %dma_start3A_446 = tpu.memref_squeeze %dma_start3A_445 : memref<1x2x128xi32, #tpu.memory_space<hbm>> -> memref<2x128xi32, #tpu.memory_space<hbm>>
      %dma_start3A_447 = arith.constant 0 : i32
      %dma_start3A_448 = arith.constant 0 : i32
      %dma_start3A_449 = tpu.memref_slice %arg5[%dma_start3A_438, %dma_start3A_447, %dma_start3A_448] : memref<8x2x128xi32, #tpu.memory_space<vmem>> -> memref<1x2x128xi32, #tpu.memory_space<vmem>>
      %dma_start3A_450 = tpu.memref_squeeze %dma_start3A_449 : memref<1x2x128xi32, #tpu.memory_space<vmem>> -> memref<2x128xi32, #tpu.memory_space<vmem>>
      %dma_start3A_451 = arith.constant 0 : i32
      %dma_start3A_452 = arith.constant 0 : i32
      %dma_start3A_453 = tpu.memref_slice %arg3[%add3A_437, %dma_start3A_451, %dma_start3A_452] : memref<2568x2x128xi32, #tpu.memory_space<hbm>> -> memref<1x2x128xi32, #tpu.memory_space<hbm>>
      %dma_start3A_454 = tpu.memref_squeeze %dma_start3A_453 : memref<1x2x128xi32, #tpu.memory_space<hbm>> -> memref<2x128xi32, #tpu.memory_space<hbm>>
      tpu.enqueue_dma source(%dma_start3A_454 : memref<2x128xi32, #tpu.memory_space<hbm>>) target(%dma_start3A_450 : memref<2x128xi32, #tpu.memory_space<vmem>>) target_semaphore(%arg8 : memref<!tpu.dma_semaphore, #tpu.memory_space<semaphore_mem>>)
      %add3A_455 = arith.constant 2 : i32
      %add3A_456 = arith.addi %mul3A_323, %add3A_455 : i32
      %add3A_457 = arith.addi %mul3A_2, %add3A_456 : i32
      %dma_wait3A_458 = arith.constant 2 : i32
      %dma_wait3A_459 = arith.constant 0 : i32
      %dma_wait3A_460 = arith.constant 0 : i32
      %dma_wait3A_461 = tpu.memref_slice %arg5[%dma_wait3A_458, %dma_wait3A_459, %dma_wait3A_460] : memref<8x2x128xi32, #tpu.memory_space<vmem>> -> memref<1x2x128xi32, #tpu.memory_space<vmem>>
      %dma_wait3A_462 = tpu.memref_squeeze %dma_wait3A_461 : memref<1x2x128xi32, #tpu.memory_space<vmem>> -> memref<2x128xi32, #tpu.memory_space<vmem>>
      %dma_wait3A_463 = arith.constant 0 : i32
      %dma_wait3A_464 = arith.constant 0 : i32
      %dma_wait3A_465 = tpu.memref_slice %arg3[%add3A_457, %dma_wait3A_463, %dma_wait3A_464] : memref<2568x2x128xi32, #tpu.memory_space<hbm>> -> memref<1x2x128xi32, #tpu.memory_space<hbm>>
      %dma_wait3A_466 = tpu.memref_squeeze %dma_wait3A_465 : memref<1x2x128xi32, #tpu.memory_space<hbm>> -> memref<2x128xi32, #tpu.memory_space<hbm>>
      %dma_wait3A_467 = arith.constant 0 : i32
      %dma_wait3A_468 = arith.constant 0 : i32
      %dma_wait3A_469 = tpu.memref_slice %arg5[%dma_wait3A_458, %dma_wait3A_467, %dma_wait3A_468] : memref<8x2x128xi32, #tpu.memory_space<vmem>> -> memref<1x2x128xi32, #tpu.memory_space<vmem>>
      %dma_wait3A_470 = tpu.memref_squeeze %dma_wait3A_469 : memref<1x2x128xi32, #tpu.memory_space<vmem>> -> memref<2x128xi32, #tpu.memory_space<vmem>>
      %dma_wait3A_471 = arith.constant 0 : i32
      %dma_wait3A_472 = arith.constant 0 : i32
      %dma_wait3A_473 = tpu.memref_slice %arg3[%add3A_457, %dma_wait3A_471, %dma_wait3A_472] : memref<2568x2x128xi32, #tpu.memory_space<hbm>> -> memref<1x2x128xi32, #tpu.memory_space<hbm>>
      %dma_wait3A_474 = tpu.memref_squeeze %dma_wait3A_473 : memref<1x2x128xi32, #tpu.memory_space<hbm>> -> memref<2x128xi32, #tpu.memory_space<hbm>>
      tpu.wait_dma2 semaphore(%arg10 : memref<!tpu.dma_semaphore, #tpu.memory_space<semaphore_mem>>) src(%dma_wait3A_474 : memref<2x128xi32, #tpu.memory_space<hbm>>) dst(%dma_wait3A_470 : memref<2x128xi32, #tpu.memory_space<vmem>>)
      %dma_start3A_475 = arith.constant 2 : i32
      %dma_start3A_476 = arith.constant 0 : i32
      %dma_start3A_477 = arith.constant 0 : i32
      %dma_start3A_478 = arith.constant 0 : i32
      %dma_start3A_479 = arith.constant 0 : i32
      %dma_start3A_480 = tpu.memref_slice %arg6[%dma_start3A_477, %dma_start3A_478, %dma_start3A_479] : memref<2x128x128xf32, #tpu.memory_space<vmem>> -> memref<1x128x128xf32, #tpu.memory_space<vmem>>
      %dma_start3A_481 = tpu.memref_squeeze %dma_start3A_480 : memref<1x128x128xf32, #tpu.memory_space<vmem>> -> memref<128x128xf32, #tpu.memory_space<vmem>>
      %dma_start3A_482 = arith.constant 0 : i32
      %dma_start3A_483 = tpu.memref_slice %arg5[%dma_start3A_475, %dma_start3A_476, %dma_start3A_482] : memref<8x2x128xi32, #tpu.memory_space<vmem>> -> memref<1x1x128xi32, #tpu.memory_space<vmem>>
      %dma_start3A_484 = tpu.memref_squeeze %dma_start3A_483 : memref<1x1x128xi32, #tpu.memory_space<vmem>> -> memref<128xi32, #tpu.memory_space<vmem>>
      %dma_start3A_485 = arith.constant 0 : i32
      %dma_start3A_486 = arith.constant 0 : i32
      %dma_start3A_487 = tpu.memref_slice %arg2[%dma_start3A_485, %dma_start3A_486] : memref<10000x128xf32, #tpu.memory_space<hbm>> -> memref<10000x128xf32, #tpu.memory_space<hbm>>
      tpu.enqueue_indirect_dma source(%dma_start3A_487 : memref<10000x128xf32, #tpu.memory_space<hbm>>) target(%dma_start3A_481 : memref<128x128xf32, #tpu.memory_space<vmem>>) offsets(%dma_start3A_484 : memref<128xi32, #tpu.memory_space<vmem>>) semaphore(%arg16 : memref<!tpu.dma_semaphore, #tpu.memory_space<semaphore_mem>>)
      %sub3A_488 = arith.constant 1 : i32
      %sub3A_489 = arith.subi %add3A_456, %sub3A_488 : i32
      %dma_wait3A_490 = arith.constant 1 : i32
      %dma_wait3A_491 = arith.constant 0 : i32
      %dma_wait3A_492 = arith.constant 1 : i32
      %dma_wait3A_493 = arith.constant 0 : i32
      %dma_wait3A_494 = arith.constant 0 : i32
      %dma_wait3A_495 = tpu.memref_slice %arg6[%dma_wait3A_492, %dma_wait3A_493, %dma_wait3A_494] : memref<2x128x128xf32, #tpu.memory_space<vmem>> -> memref<1x128x128xf32, #tpu.memory_space<vmem>>
      %dma_wait3A_496 = tpu.memref_squeeze %dma_wait3A_495 : memref<1x128x128xf32, #tpu.memory_space<vmem>> -> memref<128x128xf32, #tpu.memory_space<vmem>>
      %dma_wait3A_497 = arith.constant 0 : i32
      %dma_wait3A_498 = tpu.memref_slice %arg5[%dma_wait3A_490, %dma_wait3A_491, %dma_wait3A_497] : memref<8x2x128xi32, #tpu.memory_space<vmem>> -> memref<1x1x128xi32, #tpu.memory_space<vmem>>
      %dma_wait3A_499 = tpu.memref_squeeze %dma_wait3A_498 : memref<1x1x128xi32, #tpu.memory_space<vmem>> -> memref<128xi32, #tpu.memory_space<vmem>>
      %dma_wait3A_500 = arith.constant 0 : i32
      %dma_wait3A_501 = arith.constant 0 : i32
      %dma_wait3A_502 = tpu.memref_slice %arg2[%dma_wait3A_500, %dma_wait3A_501] : memref<10000x128xf32, #tpu.memory_space<hbm>> -> memref<10000x128xf32, #tpu.memory_space<hbm>>
      tpu.wait_indirect_dma semaphore(%arg17 : memref<!tpu.dma_semaphore, #tpu.memory_space<semaphore_mem>>) src(%dma_wait3A_502 : memref<10000x128xf32, #tpu.memory_space<hbm>>) dst(%dma_wait3A_496 : memref<128x128xf32, #tpu.memory_space<vmem>>)
      %run_scoped3A_503 = arith.constant 1 : i32
      %run_scoped3A_504 = arith.constant 1 : i32
      %run_scoped3A_505 = arith.constant 1 : i32
      "tpu.region"() ({
        %run_scoped3A_894 = tpu.sem_alloc : memref<!tpu.dma_semaphore, #tpu.memory_space<semaphore_mem>>
        %dma_start3A_895 = arith.constant 0 : i32
        %dma_start3A_896 = arith.constant 0 : i32
        %dma_start3A_897 = tpu.memref_slice %arg6[%run_scoped3A_503, %dma_start3A_895, %dma_start3A_896] : memref<2x128x128xf32, #tpu.memory_space<vmem>> -> memref<1x128x128xf32, #tpu.memory_space<vmem>>
        %dma_start3A_898 = tpu.memref_squeeze %dma_start3A_897 : memref<1x128x128xf32, #tpu.memory_space<vmem>> -> memref<128x128xf32, #tpu.memory_space<vmem>>
        %dma_start3A_899 = arith.constant 0 : i32
        %dma_start3A_900 = tpu.memref_slice %arg5[%run_scoped3A_504, %run_scoped3A_505, %dma_start3A_899] : memref<8x2x128xi32, #tpu.memory_space<vmem>> -> memref<1x1x128xi32, #tpu.memory_space<vmem>>
        %dma_start3A_901 = tpu.memref_squeeze %dma_start3A_900 : memref<1x1x128xi32, #tpu.memory_space<vmem>> -> memref<128xi32, #tpu.memory_space<vmem>>
        %dma_start3A_902 = arith.constant 0 : i32
        %dma_start3A_903 = arith.constant 0 : i32
        %dma_start3A_904 = tpu.memref_slice %arg7[%dma_start3A_902, %dma_start3A_903] : memref<10008x128xf32, #tpu.memory_space<vmem_shared>> -> memref<10008x128xf32, #tpu.memory_space<vmem_shared>>
        tpu.enqueue_indirect_dma source(%dma_start3A_898 : memref<128x128xf32, #tpu.memory_space<vmem>>) target(%dma_start3A_904 : memref<10008x128xf32, #tpu.memory_space<vmem_shared>>) offsets(%dma_start3A_901 : memref<128xi32, #tpu.memory_space<vmem>>) semaphore(%run_scoped3A_894 : memref<!tpu.dma_semaphore, #tpu.memory_space<semaphore_mem>>) {add = true}
        %dma_wait3A_905 = arith.constant 0 : i32
        %dma_wait3A_906 = arith.constant 0 : i32
        %dma_wait3A_907 = tpu.memref_slice %arg6[%run_scoped3A_503, %dma_wait3A_905, %dma_wait3A_906] : memref<2x128x128xf32, #tpu.memory_space<vmem>> -> memref<1x128x128xf32, #tpu.memory_space<vmem>>
        %dma_wait3A_908 = tpu.memref_squeeze %dma_wait3A_907 : memref<1x128x128xf32, #tpu.memory_space<vmem>> -> memref<128x128xf32, #tpu.memory_space<vmem>>
        %dma_wait3A_909 = arith.constant 0 : i32
        %dma_wait3A_910 = tpu.memref_slice %arg5[%run_scoped3A_504, %run_scoped3A_505, %dma_wait3A_909] : memref<8x2x128xi32, #tpu.memory_space<vmem>> -> memref<1x1x128xi32, #tpu.memory_space<vmem>>
        %dma_wait3A_911 = tpu.memref_squeeze %dma_wait3A_910 : memref<1x1x128xi32, #tpu.memory_space<vmem>> -> memref<128xi32, #tpu.memory_space<vmem>>
        %dma_wait3A_912 = arith.constant 0 : i32
        %dma_wait3A_913 = arith.constant 0 : i32
        %dma_wait3A_914 = tpu.memref_slice %arg7[%dma_wait3A_912, %dma_wait3A_913] : memref<10008x128xf32, #tpu.memory_space<vmem_shared>> -> memref<10008x128xf32, #tpu.memory_space<vmem_shared>>
        tpu.wait_indirect_dma semaphore(%run_scoped3A_894 : memref<!tpu.dma_semaphore, #tpu.memory_space<semaphore_mem>>) src(%dma_wait3A_908 : memref<128x128xf32, #tpu.memory_space<vmem>>) dst(%dma_wait3A_914 : memref<10008x128xf32, #tpu.memory_space<vmem_shared>>)
        tpu.yield
      }) : () -> ()
      %add3A_506 = arith.constant 8 : i32
      %add3A_507 = arith.addi %add3A_456, %add3A_506 : i32
      %sub3A_508 = arith.constant 1 : i32
      %sub3A_509 = arith.subi %add3A_507, %sub3A_508 : i32
      %add3A_510 = arith.addi %mul3A_2, %sub3A_509 : i32
      %dma_start3A_511 = arith.constant 1 : i32
      %dma_start3A_512 = arith.constant 0 : i32
      %dma_start3A_513 = arith.constant 0 : i32
      %dma_start3A_514 = tpu.memref_slice %arg5[%dma_start3A_511, %dma_start3A_512, %dma_start3A_513] : memref<8x2x128xi32, #tpu.memory_space<vmem>> -> memref<1x2x128xi32, #tpu.memory_space<vmem>>
      %dma_start3A_515 = tpu.memref_squeeze %dma_start3A_514 : memref<1x2x128xi32, #tpu.memory_space<vmem>> -> memref<2x128xi32, #tpu.memory_space<vmem>>
      %dma_start3A_516 = arith.constant 0 : i32
      %dma_start3A_517 = arith.constant 0 : i32
      %dma_start3A_518 = tpu.memref_slice %arg3[%add3A_510, %dma_start3A_516, %dma_start3A_517] : memref<2568x2x128xi32, #tpu.memory_space<hbm>> -> memref<1x2x128xi32, #tpu.memory_space<hbm>>
      %dma_start3A_519 = tpu.memref_squeeze %dma_start3A_518 : memref<1x2x128xi32, #tpu.memory_space<hbm>> -> memref<2x128xi32, #tpu.memory_space<hbm>>
      %dma_start3A_520 = arith.constant 0 : i32
      %dma_start3A_521 = arith.constant 0 : i32
      %dma_start3A_522 = tpu.memref_slice %arg5[%dma_start3A_511, %dma_start3A_520, %dma_start3A_521] : memref<8x2x128xi32, #tpu.memory_space<vmem>> -> memref<1x2x128xi32, #tpu.memory_space<vmem>>
      %dma_start3A_523 = tpu.memref_squeeze %dma_start3A_522 : memref<1x2x128xi32, #tpu.memory_space<vmem>> -> memref<2x128xi32, #tpu.memory_space<vmem>>
      %dma_start3A_524 = arith.constant 0 : i32
      %dma_start3A_525 = arith.constant 0 : i32
      %dma_start3A_526 = tpu.memref_slice %arg3[%add3A_510, %dma_start3A_524, %dma_start3A_525] : memref<2568x2x128xi32, #tpu.memory_space<hbm>> -> memref<1x2x128xi32, #tpu.memory_space<hbm>>
      %dma_start3A_527 = tpu.memref_squeeze %dma_start3A_526 : memref<1x2x128xi32, #tpu.memory_space<hbm>> -> memref<2x128xi32, #tpu.memory_space<hbm>>
      tpu.enqueue_dma source(%dma_start3A_527 : memref<2x128xi32, #tpu.memory_space<hbm>>) target(%dma_start3A_523 : memref<2x128xi32, #tpu.memory_space<vmem>>) target_semaphore(%arg9 : memref<!tpu.dma_semaphore, #tpu.memory_space<semaphore_mem>>)
      %add3A_528 = arith.constant 3 : i32
      %add3A_529 = arith.addi %mul3A_323, %add3A_528 : i32
      %add3A_530 = arith.addi %mul3A_2, %add3A_529 : i32
      %dma_wait3A_531 = arith.constant 3 : i32
      %dma_wait3A_532 = arith.constant 0 : i32
      %dma_wait3A_533 = arith.constant 0 : i32
      %dma_wait3A_534 = tpu.memref_slice %arg5[%dma_wait3A_531, %dma_wait3A_532, %dma_wait3A_533] : memref<8x2x128xi32, #tpu.memory_space<vmem>> -> memref<1x2x128xi32, #tpu.memory_space<vmem>>
      %dma_wait3A_535 = tpu.memref_squeeze %dma_wait3A_534 : memref<1x2x128xi32, #tpu.memory_space<vmem>> -> memref<2x128xi32, #tpu.memory_space<vmem>>
      %dma_wait3A_536 = arith.constant 0 : i32
      %dma_wait3A_537 = arith.constant 0 : i32
      %dma_wait3A_538 = tpu.memref_slice %arg3[%add3A_530, %dma_wait3A_536, %dma_wait3A_537] : memref<2568x2x128xi32, #tpu.memory_space<hbm>> -> memref<1x2x128xi32, #tpu.memory_space<hbm>>
      %dma_wait3A_539 = tpu.memref_squeeze %dma_wait3A_538 : memref<1x2x128xi32, #tpu.memory_space<hbm>> -> memref<2x128xi32, #tpu.memory_space<hbm>>
      %dma_wait3A_540 = arith.constant 0 : i32
      %dma_wait3A_541 = arith.constant 0 : i32
      %dma_wait3A_542 = tpu.memref_slice %arg5[%dma_wait3A_531, %dma_wait3A_540, %dma_wait3A_541] : memref<8x2x128xi32, #tpu.memory_space<vmem>> -> memref<1x2x128xi32, #tpu.memory_space<vmem>>
      %dma_wait3A_543 = tpu.memref_squeeze %dma_wait3A_542 : memref<1x2x128xi32, #tpu.memory_space<vmem>> -> memref<2x128xi32, #tpu.memory_space<vmem>>
      %dma_wait3A_544 = arith.constant 0 : i32
      %dma_wait3A_545 = arith.constant 0 : i32
      %dma_wait3A_546 = tpu.memref_slice %arg3[%add3A_530, %dma_wait3A_544, %dma_wait3A_545] : memref<2568x2x128xi32, #tpu.memory_space<hbm>> -> memref<1x2x128xi32, #tpu.memory_space<hbm>>
      %dma_wait3A_547 = tpu.memref_squeeze %dma_wait3A_546 : memref<1x2x128xi32, #tpu.memory_space<hbm>> -> memref<2x128xi32, #tpu.memory_space<hbm>>
      tpu.wait_dma2 semaphore(%arg11 : memref<!tpu.dma_semaphore, #tpu.memory_space<semaphore_mem>>) src(%dma_wait3A_547 : memref<2x128xi32, #tpu.memory_space<hbm>>) dst(%dma_wait3A_543 : memref<2x128xi32, #tpu.memory_space<vmem>>)
      %dma_start3A_548 = arith.constant 3 : i32
      %dma_start3A_549 = arith.constant 0 : i32
      %dma_start3A_550 = arith.constant 1 : i32
      %dma_start3A_551 = arith.constant 0 : i32
      %dma_start3A_552 = arith.constant 0 : i32
      %dma_start3A_553 = tpu.memref_slice %arg6[%dma_start3A_550, %dma_start3A_551, %dma_start3A_552] : memref<2x128x128xf32, #tpu.memory_space<vmem>> -> memref<1x128x128xf32, #tpu.memory_space<vmem>>
      %dma_start3A_554 = tpu.memref_squeeze %dma_start3A_553 : memref<1x128x128xf32, #tpu.memory_space<vmem>> -> memref<128x128xf32, #tpu.memory_space<vmem>>
      %dma_start3A_555 = arith.constant 0 : i32
      %dma_start3A_556 = tpu.memref_slice %arg5[%dma_start3A_548, %dma_start3A_549, %dma_start3A_555] : memref<8x2x128xi32, #tpu.memory_space<vmem>> -> memref<1x1x128xi32, #tpu.memory_space<vmem>>
      %dma_start3A_557 = tpu.memref_squeeze %dma_start3A_556 : memref<1x1x128xi32, #tpu.memory_space<vmem>> -> memref<128xi32, #tpu.memory_space<vmem>>
      %dma_start3A_558 = arith.constant 0 : i32
      %dma_start3A_559 = arith.constant 0 : i32
      %dma_start3A_560 = tpu.memref_slice %arg2[%dma_start3A_558, %dma_start3A_559] : memref<10000x128xf32, #tpu.memory_space<hbm>> -> memref<10000x128xf32, #tpu.memory_space<hbm>>
      tpu.enqueue_indirect_dma source(%dma_start3A_560 : memref<10000x128xf32, #tpu.memory_space<hbm>>) target(%dma_start3A_554 : memref<128x128xf32, #tpu.memory_space<vmem>>) offsets(%dma_start3A_557 : memref<128xi32, #tpu.memory_space<vmem>>) semaphore(%arg17 : memref<!tpu.dma_semaphore, #tpu.memory_space<semaphore_mem>>)
      %sub3A_561 = arith.constant 1 : i32
      %sub3A_562 = arith.subi %add3A_529, %sub3A_561 : i32
      %dma_wait3A_563 = arith.constant 2 : i32
      %dma_wait3A_564 = arith.constant 0 : i32
      %dma_wait3A_565 = arith.constant 0 : i32
      %dma_wait3A_566 = arith.constant 0 : i32
      %dma_wait3A_567 = arith.constant 0 : i32
      %dma_wait3A_568 = tpu.memref_slice %arg6[%dma_wait3A_565, %dma_wait3A_566, %dma_wait3A_567] : memref<2x128x128xf32, #tpu.memory_space<vmem>> -> memref<1x128x128xf32, #tpu.memory_space<vmem>>
      %dma_wait3A_569 = tpu.memref_squeeze %dma_wait3A_568 : memref<1x128x128xf32, #tpu.memory_space<vmem>> -> memref<128x128xf32, #tpu.memory_space<vmem>>
      %dma_wait3A_570 = arith.constant 0 : i32
      %dma_wait3A_571 = tpu.memref_slice %arg5[%dma_wait3A_563, %dma_wait3A_564, %dma_wait3A_570] : memref<8x2x128xi32, #tpu.memory_space<vmem>> -> memref<1x1x128xi32, #tpu.memory_space<vmem>>
      %dma_wait3A_572 = tpu.memref_squeeze %dma_wait3A_571 : memref<1x1x128xi32, #tpu.memory_space<vmem>> -> memref<128xi32, #tpu.memory_space<vmem>>
      %dma_wait3A_573 = arith.constant 0 : i32
      %dma_wait3A_574 = arith.constant 0 : i32
      %dma_wait3A_575 = tpu.memref_slice %arg2[%dma_wait3A_573, %dma_wait3A_574] : memref<10000x128xf32, #tpu.memory_space<hbm>> -> memref<10000x128xf32, #tpu.memory_space<hbm>>
      tpu.wait_indirect_dma semaphore(%arg16 : memref<!tpu.dma_semaphore, #tpu.memory_space<semaphore_mem>>) src(%dma_wait3A_575 : memref<10000x128xf32, #tpu.memory_space<hbm>>) dst(%dma_wait3A_569 : memref<128x128xf32, #tpu.memory_space<vmem>>)
      %run_scoped3A_576 = arith.constant 0 : i32
      %run_scoped3A_577 = arith.constant 2 : i32
      %run_scoped3A_578 = arith.constant 1 : i32
      "tpu.region"() ({
        %run_scoped3A_894 = tpu.sem_alloc : memref<!tpu.dma_semaphore, #tpu.memory_space<semaphore_mem>>
        %dma_start3A_895 = arith.constant 0 : i32
        %dma_start3A_896 = arith.constant 0 : i32
        %dma_start3A_897 = tpu.memref_slice %arg6[%run_scoped3A_576, %dma_start3A_895, %dma_start3A_896] : memref<2x128x128xf32, #tpu.memory_space<vmem>> -> memref<1x128x128xf32, #tpu.memory_space<vmem>>
        %dma_start3A_898 = tpu.memref_squeeze %dma_start3A_897 : memref<1x128x128xf32, #tpu.memory_space<vmem>> -> memref<128x128xf32, #tpu.memory_space<vmem>>
        %dma_start3A_899 = arith.constant 0 : i32
        %dma_start3A_900 = tpu.memref_slice %arg5[%run_scoped3A_577, %run_scoped3A_578, %dma_start3A_899] : memref<8x2x128xi32, #tpu.memory_space<vmem>> -> memref<1x1x128xi32, #tpu.memory_space<vmem>>
        %dma_start3A_901 = tpu.memref_squeeze %dma_start3A_900 : memref<1x1x128xi32, #tpu.memory_space<vmem>> -> memref<128xi32, #tpu.memory_space<vmem>>
        %dma_start3A_902 = arith.constant 0 : i32
        %dma_start3A_903 = arith.constant 0 : i32
        %dma_start3A_904 = tpu.memref_slice %arg7[%dma_start3A_902, %dma_start3A_903] : memref<10008x128xf32, #tpu.memory_space<vmem_shared>> -> memref<10008x128xf32, #tpu.memory_space<vmem_shared>>
        tpu.enqueue_indirect_dma source(%dma_start3A_898 : memref<128x128xf32, #tpu.memory_space<vmem>>) target(%dma_start3A_904 : memref<10008x128xf32, #tpu.memory_space<vmem_shared>>) offsets(%dma_start3A_901 : memref<128xi32, #tpu.memory_space<vmem>>) semaphore(%run_scoped3A_894 : memref<!tpu.dma_semaphore, #tpu.memory_space<semaphore_mem>>) {add = true}
        %dma_wait3A_905 = arith.constant 0 : i32
        %dma_wait3A_906 = arith.constant 0 : i32
        %dma_wait3A_907 = tpu.memref_slice %arg6[%run_scoped3A_576, %dma_wait3A_905, %dma_wait3A_906] : memref<2x128x128xf32, #tpu.memory_space<vmem>> -> memref<1x128x128xf32, #tpu.memory_space<vmem>>
        %dma_wait3A_908 = tpu.memref_squeeze %dma_wait3A_907 : memref<1x128x128xf32, #tpu.memory_space<vmem>> -> memref<128x128xf32, #tpu.memory_space<vmem>>
        %dma_wait3A_909 = arith.constant 0 : i32
        %dma_wait3A_910 = tpu.memref_slice %arg5[%run_scoped3A_577, %run_scoped3A_578, %dma_wait3A_909] : memref<8x2x128xi32, #tpu.memory_space<vmem>> -> memref<1x1x128xi32, #tpu.memory_space<vmem>>
        %dma_wait3A_911 = tpu.memref_squeeze %dma_wait3A_910 : memref<1x1x128xi32, #tpu.memory_space<vmem>> -> memref<128xi32, #tpu.memory_space<vmem>>
        %dma_wait3A_912 = arith.constant 0 : i32
        %dma_wait3A_913 = arith.constant 0 : i32
        %dma_wait3A_914 = tpu.memref_slice %arg7[%dma_wait3A_912, %dma_wait3A_913] : memref<10008x128xf32, #tpu.memory_space<vmem_shared>> -> memref<10008x128xf32, #tpu.memory_space<vmem_shared>>
        tpu.wait_indirect_dma semaphore(%run_scoped3A_894 : memref<!tpu.dma_semaphore, #tpu.memory_space<semaphore_mem>>) src(%dma_wait3A_908 : memref<128x128xf32, #tpu.memory_space<vmem>>) dst(%dma_wait3A_914 : memref<10008x128xf32, #tpu.memory_space<vmem_shared>>)
        tpu.yield
      }) : () -> ()
      %add3A_579 = arith.constant 8 : i32
      %add3A_580 = arith.addi %add3A_529, %add3A_579 : i32
      %sub3A_581 = arith.constant 1 : i32
      %sub3A_582 = arith.subi %add3A_580, %sub3A_581 : i32
      %add3A_583 = arith.addi %mul3A_2, %sub3A_582 : i32
      %dma_start3A_584 = arith.constant 2 : i32
      %dma_start3A_585 = arith.constant 0 : i32
      %dma_start3A_586 = arith.constant 0 : i32
      %dma_start3A_587 = tpu.memref_slice %arg5[%dma_start3A_584, %dma_start3A_585, %dma_start3A_586] : memref<8x2x128xi32, #tpu.memory_space<vmem>> -> memref<1x2x128xi32, #tpu.memory_space<vmem>>
      %dma_start3A_588 = tpu.memref_squeeze %dma_start3A_587 : memref<1x2x128xi32, #tpu.memory_space<vmem>> -> memref<2x128xi32, #tpu.memory_space<vmem>>
      %dma_start3A_589 = arith.constant 0 : i32
      %dma_start3A_590 = arith.constant 0 : i32
      %dma_start3A_591 = tpu.memref_slice %arg3[%add3A_583, %dma_start3A_589, %dma_start3A_590] : memref<2568x2x128xi32, #tpu.memory_space<hbm>> -> memref<1x2x128xi32, #tpu.memory_space<hbm>>
      %dma_start3A_592 = tpu.memref_squeeze %dma_start3A_591 : memref<1x2x128xi32, #tpu.memory_space<hbm>> -> memref<2x128xi32, #tpu.memory_space<hbm>>
      %dma_start3A_593 = arith.constant 0 : i32
      %dma_start3A_594 = arith.constant 0 : i32
      %dma_start3A_595 = tpu.memref_slice %arg5[%dma_start3A_584, %dma_start3A_593, %dma_start3A_594] : memref<8x2x128xi32, #tpu.memory_space<vmem>> -> memref<1x2x128xi32, #tpu.memory_space<vmem>>
      %dma_start3A_596 = tpu.memref_squeeze %dma_start3A_595 : memref<1x2x128xi32, #tpu.memory_space<vmem>> -> memref<2x128xi32, #tpu.memory_space<vmem>>
      %dma_start3A_597 = arith.constant 0 : i32
      %dma_start3A_598 = arith.constant 0 : i32
      %dma_start3A_599 = tpu.memref_slice %arg3[%add3A_583, %dma_start3A_597, %dma_start3A_598] : memref<2568x2x128xi32, #tpu.memory_space<hbm>> -> memref<1x2x128xi32, #tpu.memory_space<hbm>>
      %dma_start3A_600 = tpu.memref_squeeze %dma_start3A_599 : memref<1x2x128xi32, #tpu.memory_space<hbm>> -> memref<2x128xi32, #tpu.memory_space<hbm>>
      tpu.enqueue_dma source(%dma_start3A_600 : memref<2x128xi32, #tpu.memory_space<hbm>>) target(%dma_start3A_596 : memref<2x128xi32, #tpu.memory_space<vmem>>) target_semaphore(%arg10 : memref<!tpu.dma_semaphore, #tpu.memory_space<semaphore_mem>>)
      %add3A_601 = arith.constant 4 : i32
      %add3A_602 = arith.addi %mul3A_323, %add3A_601 : i32
      %add3A_603 = arith.addi %mul3A_2, %add3A_602 : i32
      %dma_wait3A_604 = arith.constant 4 : i32
      %dma_wait3A_605 = arith.constant 0 : i32
      %dma_wait3A_606 = arith.constant 0 : i32
      %dma_wait3A_607 = tpu.memref_slice %arg5[%dma_wait3A_604, %dma_wait3A_605, %dma_wait3A_606] : memref<8x2x128xi32, #tpu.memory_space<vmem>> -> memref<1x2x128xi32, #tpu.memory_space<vmem>>
      %dma_wait3A_608 = tpu.memref_squeeze %dma_wait3A_607 : memref<1x2x128xi32, #tpu.memory_space<vmem>> -> memref<2x128xi32, #tpu.memory_space<vmem>>
      %dma_wait3A_609 = arith.constant 0 : i32
      %dma_wait3A_610 = arith.constant 0 : i32
      %dma_wait3A_611 = tpu.memref_slice %arg3[%add3A_603, %dma_wait3A_609, %dma_wait3A_610] : memref<2568x2x128xi32, #tpu.memory_space<hbm>> -> memref<1x2x128xi32, #tpu.memory_space<hbm>>
      %dma_wait3A_612 = tpu.memref_squeeze %dma_wait3A_611 : memref<1x2x128xi32, #tpu.memory_space<hbm>> -> memref<2x128xi32, #tpu.memory_space<hbm>>
      %dma_wait3A_613 = arith.constant 0 : i32
      %dma_wait3A_614 = arith.constant 0 : i32
      %dma_wait3A_615 = tpu.memref_slice %arg5[%dma_wait3A_604, %dma_wait3A_613, %dma_wait3A_614] : memref<8x2x128xi32, #tpu.memory_space<vmem>> -> memref<1x2x128xi32, #tpu.memory_space<vmem>>
      %dma_wait3A_616 = tpu.memref_squeeze %dma_wait3A_615 : memref<1x2x128xi32, #tpu.memory_space<vmem>> -> memref<2x128xi32, #tpu.memory_space<vmem>>
      %dma_wait3A_617 = arith.constant 0 : i32
      %dma_wait3A_618 = arith.constant 0 : i32
      %dma_wait3A_619 = tpu.memref_slice %arg3[%add3A_603, %dma_wait3A_617, %dma_wait3A_618] : memref<2568x2x128xi32, #tpu.memory_space<hbm>> -> memref<1x2x128xi32, #tpu.memory_space<hbm>>
      %dma_wait3A_620 = tpu.memref_squeeze %dma_wait3A_619 : memref<1x2x128xi32, #tpu.memory_space<hbm>> -> memref<2x128xi32, #tpu.memory_space<hbm>>
      tpu.wait_dma2 semaphore(%arg12 : memref<!tpu.dma_semaphore, #tpu.memory_space<semaphore_mem>>) src(%dma_wait3A_620 : memref<2x128xi32, #tpu.memory_space<hbm>>) dst(%dma_wait3A_616 : memref<2x128xi32, #tpu.memory_space<vmem>>)
      %dma_start3A_621 = arith.constant 4 : i32
      %dma_start3A_622 = arith.constant 0 : i32
      %dma_start3A_623 = arith.constant 0 : i32
      %dma_start3A_624 = arith.constant 0 : i32
      %dma_start3A_625 = arith.constant 0 : i32
      %dma_start3A_626 = tpu.memref_slice %arg6[%dma_start3A_623, %dma_start3A_624, %dma_start3A_625] : memref<2x128x128xf32, #tpu.memory_space<vmem>> -> memref<1x128x128xf32, #tpu.memory_space<vmem>>
      %dma_start3A_627 = tpu.memref_squeeze %dma_start3A_626 : memref<1x128x128xf32, #tpu.memory_space<vmem>> -> memref<128x128xf32, #tpu.memory_space<vmem>>
      %dma_start3A_628 = arith.constant 0 : i32
      %dma_start3A_629 = tpu.memref_slice %arg5[%dma_start3A_621, %dma_start3A_622, %dma_start3A_628] : memref<8x2x128xi32, #tpu.memory_space<vmem>> -> memref<1x1x128xi32, #tpu.memory_space<vmem>>
      %dma_start3A_630 = tpu.memref_squeeze %dma_start3A_629 : memref<1x1x128xi32, #tpu.memory_space<vmem>> -> memref<128xi32, #tpu.memory_space<vmem>>
      %dma_start3A_631 = arith.constant 0 : i32
      %dma_start3A_632 = arith.constant 0 : i32
      %dma_start3A_633 = tpu.memref_slice %arg2[%dma_start3A_631, %dma_start3A_632] : memref<10000x128xf32, #tpu.memory_space<hbm>> -> memref<10000x128xf32, #tpu.memory_space<hbm>>
      tpu.enqueue_indirect_dma source(%dma_start3A_633 : memref<10000x128xf32, #tpu.memory_space<hbm>>) target(%dma_start3A_627 : memref<128x128xf32, #tpu.memory_space<vmem>>) offsets(%dma_start3A_630 : memref<128xi32, #tpu.memory_space<vmem>>) semaphore(%arg16 : memref<!tpu.dma_semaphore, #tpu.memory_space<semaphore_mem>>)
      %sub3A_634 = arith.constant 1 : i32
      %sub3A_635 = arith.subi %add3A_602, %sub3A_634 : i32
      %dma_wait3A_636 = arith.constant 3 : i32
      %dma_wait3A_637 = arith.constant 0 : i32
      %dma_wait3A_638 = arith.constant 1 : i32
      %dma_wait3A_639 = arith.constant 0 : i32
      %dma_wait3A_640 = arith.constant 0 : i32
      %dma_wait3A_641 = tpu.memref_slice %arg6[%dma_wait3A_638, %dma_wait3A_639, %dma_wait3A_640] : memref<2x128x128xf32, #tpu.memory_space<vmem>> -> memref<1x128x128xf32, #tpu.memory_space<vmem>>
      %dma_wait3A_642 = tpu.memref_squeeze %dma_wait3A_641 : memref<1x128x128xf32, #tpu.memory_space<vmem>> -> memref<128x128xf32, #tpu.memory_space<vmem>>
      %dma_wait3A_643 = arith.constant 0 : i32
      %dma_wait3A_644 = tpu.memref_slice %arg5[%dma_wait3A_636, %dma_wait3A_637, %dma_wait3A_643] : memref<8x2x128xi32, #tpu.memory_space<vmem>> -> memref<1x1x128xi32, #tpu.memory_space<vmem>>
      %dma_wait3A_645 = tpu.memref_squeeze %dma_wait3A_644 : memref<1x1x128xi32, #tpu.memory_space<vmem>> -> memref<128xi32, #tpu.memory_space<vmem>>
      %dma_wait3A_646 = arith.constant 0 : i32
      %dma_wait3A_647 = arith.constant 0 : i32
      %dma_wait3A_648 = tpu.memref_slice %arg2[%dma_wait3A_646, %dma_wait3A_647] : memref<10000x128xf32, #tpu.memory_space<hbm>> -> memref<10000x128xf32, #tpu.memory_space<hbm>>
      tpu.wait_indirect_dma semaphore(%arg17 : memref<!tpu.dma_semaphore, #tpu.memory_space<semaphore_mem>>) src(%dma_wait3A_648 : memref<10000x128xf32, #tpu.memory_space<hbm>>) dst(%dma_wait3A_642 : memref<128x128xf32, #tpu.memory_space<vmem>>)
      %run_scoped3A_649 = arith.constant 1 : i32
      %run_scoped3A_650 = arith.constant 3 : i32
      %run_scoped3A_651 = arith.constant 1 : i32
      "tpu.region"() ({
        %run_scoped3A_894 = tpu.sem_alloc : memref<!tpu.dma_semaphore, #tpu.memory_space<semaphore_mem>>
        %dma_start3A_895 = arith.constant 0 : i32
        %dma_start3A_896 = arith.constant 0 : i32
        %dma_start3A_897 = tpu.memref_slice %arg6[%run_scoped3A_649, %dma_start3A_895, %dma_start3A_896] : memref<2x128x128xf32, #tpu.memory_space<vmem>> -> memref<1x128x128xf32, #tpu.memory_space<vmem>>
        %dma_start3A_898 = tpu.memref_squeeze %dma_start3A_897 : memref<1x128x128xf32, #tpu.memory_space<vmem>> -> memref<128x128xf32, #tpu.memory_space<vmem>>
        %dma_start3A_899 = arith.constant 0 : i32
        %dma_start3A_900 = tpu.memref_slice %arg5[%run_scoped3A_650, %run_scoped3A_651, %dma_start3A_899] : memref<8x2x128xi32, #tpu.memory_space<vmem>> -> memref<1x1x128xi32, #tpu.memory_space<vmem>>
        %dma_start3A_901 = tpu.memref_squeeze %dma_start3A_900 : memref<1x1x128xi32, #tpu.memory_space<vmem>> -> memref<128xi32, #tpu.memory_space<vmem>>
        %dma_start3A_902 = arith.constant 0 : i32
        %dma_start3A_903 = arith.constant 0 : i32
        %dma_start3A_904 = tpu.memref_slice %arg7[%dma_start3A_902, %dma_start3A_903] : memref<10008x128xf32, #tpu.memory_space<vmem_shared>> -> memref<10008x128xf32, #tpu.memory_space<vmem_shared>>
        tpu.enqueue_indirect_dma source(%dma_start3A_898 : memref<128x128xf32, #tpu.memory_space<vmem>>) target(%dma_start3A_904 : memref<10008x128xf32, #tpu.memory_space<vmem_shared>>) offsets(%dma_start3A_901 : memref<128xi32, #tpu.memory_space<vmem>>) semaphore(%run_scoped3A_894 : memref<!tpu.dma_semaphore, #tpu.memory_space<semaphore_mem>>) {add = true}
        %dma_wait3A_905 = arith.constant 0 : i32
        %dma_wait3A_906 = arith.constant 0 : i32
        %dma_wait3A_907 = tpu.memref_slice %arg6[%run_scoped3A_649, %dma_wait3A_905, %dma_wait3A_906] : memref<2x128x128xf32, #tpu.memory_space<vmem>> -> memref<1x128x128xf32, #tpu.memory_space<vmem>>
        %dma_wait3A_908 = tpu.memref_squeeze %dma_wait3A_907 : memref<1x128x128xf32, #tpu.memory_space<vmem>> -> memref<128x128xf32, #tpu.memory_space<vmem>>
        %dma_wait3A_909 = arith.constant 0 : i32
        %dma_wait3A_910 = tpu.memref_slice %arg5[%run_scoped3A_650, %run_scoped3A_651, %dma_wait3A_909] : memref<8x2x128xi32, #tpu.memory_space<vmem>> -> memref<1x1x128xi32, #tpu.memory_space<vmem>>
        %dma_wait3A_911 = tpu.memref_squeeze %dma_wait3A_910 : memref<1x1x128xi32, #tpu.memory_space<vmem>> -> memref<128xi32, #tpu.memory_space<vmem>>
        %dma_wait3A_912 = arith.constant 0 : i32
        %dma_wait3A_913 = arith.constant 0 : i32
        %dma_wait3A_914 = tpu.memref_slice %arg7[%dma_wait3A_912, %dma_wait3A_913] : memref<10008x128xf32, #tpu.memory_space<vmem_shared>> -> memref<10008x128xf32, #tpu.memory_space<vmem_shared>>
        tpu.wait_indirect_dma semaphore(%run_scoped3A_894 : memref<!tpu.dma_semaphore, #tpu.memory_space<semaphore_mem>>) src(%dma_wait3A_908 : memref<128x128xf32, #tpu.memory_space<vmem>>) dst(%dma_wait3A_914 : memref<10008x128xf32, #tpu.memory_space<vmem_shared>>)
        tpu.yield
      }) : () -> ()
      %add3A_652 = arith.constant 8 : i32
      %add3A_653 = arith.addi %add3A_602, %add3A_652 : i32
      %sub3A_654 = arith.constant 1 : i32
      %sub3A_655 = arith.subi %add3A_653, %sub3A_654 : i32
      %add3A_656 = arith.addi %mul3A_2, %sub3A_655 : i32
      %dma_start3A_657 = arith.constant 3 : i32
      %dma_start3A_658 = arith.constant 0 : i32
      %dma_start3A_659 = arith.constant 0 : i32
      %dma_start3A_660 = tpu.memref_slice %arg5[%dma_start3A_657, %dma_start3A_658, %dma_start3A_659] : memref<8x2x128xi32, #tpu.memory_space<vmem>> -> memref<1x2x128xi32, #tpu.memory_space<vmem>>
      %dma_start3A_661 = tpu.memref_squeeze %dma_start3A_660 : memref<1x2x128xi32, #tpu.memory_space<vmem>> -> memref<2x128xi32, #tpu.memory_space<vmem>>
      %dma_start3A_662 = arith.constant 0 : i32
      %dma_start3A_663 = arith.constant 0 : i32
      %dma_start3A_664 = tpu.memref_slice %arg3[%add3A_656, %dma_start3A_662, %dma_start3A_663] : memref<2568x2x128xi32, #tpu.memory_space<hbm>> -> memref<1x2x128xi32, #tpu.memory_space<hbm>>
      %dma_start3A_665 = tpu.memref_squeeze %dma_start3A_664 : memref<1x2x128xi32, #tpu.memory_space<hbm>> -> memref<2x128xi32, #tpu.memory_space<hbm>>
      %dma_start3A_666 = arith.constant 0 : i32
      %dma_start3A_667 = arith.constant 0 : i32
      %dma_start3A_668 = tpu.memref_slice %arg5[%dma_start3A_657, %dma_start3A_666, %dma_start3A_667] : memref<8x2x128xi32, #tpu.memory_space<vmem>> -> memref<1x2x128xi32, #tpu.memory_space<vmem>>
      %dma_start3A_669 = tpu.memref_squeeze %dma_start3A_668 : memref<1x2x128xi32, #tpu.memory_space<vmem>> -> memref<2x128xi32, #tpu.memory_space<vmem>>
      %dma_start3A_670 = arith.constant 0 : i32
      %dma_start3A_671 = arith.constant 0 : i32
      %dma_start3A_672 = tpu.memref_slice %arg3[%add3A_656, %dma_start3A_670, %dma_start3A_671] : memref<2568x2x128xi32, #tpu.memory_space<hbm>> -> memref<1x2x128xi32, #tpu.memory_space<hbm>>
      %dma_start3A_673 = tpu.memref_squeeze %dma_start3A_672 : memref<1x2x128xi32, #tpu.memory_space<hbm>> -> memref<2x128xi32, #tpu.memory_space<hbm>>
      tpu.enqueue_dma source(%dma_start3A_673 : memref<2x128xi32, #tpu.memory_space<hbm>>) target(%dma_start3A_669 : memref<2x128xi32, #tpu.memory_space<vmem>>) target_semaphore(%arg11 : memref<!tpu.dma_semaphore, #tpu.memory_space<semaphore_mem>>)
      %add3A_674 = arith.constant 5 : i32
      %add3A_675 = arith.addi %mul3A_323, %add3A_674 : i32
      %add3A_676 = arith.addi %mul3A_2, %add3A_675 : i32
      %dma_wait3A_677 = arith.constant 5 : i32
      %dma_wait3A_678 = arith.constant 0 : i32
      %dma_wait3A_679 = arith.constant 0 : i32
      %dma_wait3A_680 = tpu.memref_slice %arg5[%dma_wait3A_677, %dma_wait3A_678, %dma_wait3A_679] : memref<8x2x128xi32, #tpu.memory_space<vmem>> -> memref<1x2x128xi32, #tpu.memory_space<vmem>>
      %dma_wait3A_681 = tpu.memref_squeeze %dma_wait3A_680 : memref<1x2x128xi32, #tpu.memory_space<vmem>> -> memref<2x128xi32, #tpu.memory_space<vmem>>
      %dma_wait3A_682 = arith.constant 0 : i32
      %dma_wait3A_683 = arith.constant 0 : i32
      %dma_wait3A_684 = tpu.memref_slice %arg3[%add3A_676, %dma_wait3A_682, %dma_wait3A_683] : memref<2568x2x128xi32, #tpu.memory_space<hbm>> -> memref<1x2x128xi32, #tpu.memory_space<hbm>>
      %dma_wait3A_685 = tpu.memref_squeeze %dma_wait3A_684 : memref<1x2x128xi32, #tpu.memory_space<hbm>> -> memref<2x128xi32, #tpu.memory_space<hbm>>
      %dma_wait3A_686 = arith.constant 0 : i32
      %dma_wait3A_687 = arith.constant 0 : i32
      %dma_wait3A_688 = tpu.memref_slice %arg5[%dma_wait3A_677, %dma_wait3A_686, %dma_wait3A_687] : memref<8x2x128xi32, #tpu.memory_space<vmem>> -> memref<1x2x128xi32, #tpu.memory_space<vmem>>
      %dma_wait3A_689 = tpu.memref_squeeze %dma_wait3A_688 : memref<1x2x128xi32, #tpu.memory_space<vmem>> -> memref<2x128xi32, #tpu.memory_space<vmem>>
      %dma_wait3A_690 = arith.constant 0 : i32
      %dma_wait3A_691 = arith.constant 0 : i32
      %dma_wait3A_692 = tpu.memref_slice %arg3[%add3A_676, %dma_wait3A_690, %dma_wait3A_691] : memref<2568x2x128xi32, #tpu.memory_space<hbm>> -> memref<1x2x128xi32, #tpu.memory_space<hbm>>
      %dma_wait3A_693 = tpu.memref_squeeze %dma_wait3A_692 : memref<1x2x128xi32, #tpu.memory_space<hbm>> -> memref<2x128xi32, #tpu.memory_space<hbm>>
      tpu.wait_dma2 semaphore(%arg13 : memref<!tpu.dma_semaphore, #tpu.memory_space<semaphore_mem>>) src(%dma_wait3A_693 : memref<2x128xi32, #tpu.memory_space<hbm>>) dst(%dma_wait3A_689 : memref<2x128xi32, #tpu.memory_space<vmem>>)
      %dma_start3A_694 = arith.constant 5 : i32
      %dma_start3A_695 = arith.constant 0 : i32
      %dma_start3A_696 = arith.constant 1 : i32
      %dma_start3A_697 = arith.constant 0 : i32
      %dma_start3A_698 = arith.constant 0 : i32
      %dma_start3A_699 = tpu.memref_slice %arg6[%dma_start3A_696, %dma_start3A_697, %dma_start3A_698] : memref<2x128x128xf32, #tpu.memory_space<vmem>> -> memref<1x128x128xf32, #tpu.memory_space<vmem>>
      %dma_start3A_700 = tpu.memref_squeeze %dma_start3A_699 : memref<1x128x128xf32, #tpu.memory_space<vmem>> -> memref<128x128xf32, #tpu.memory_space<vmem>>
      %dma_start3A_701 = arith.constant 0 : i32
      %dma_start3A_702 = tpu.memref_slice %arg5[%dma_start3A_694, %dma_start3A_695, %dma_start3A_701] : memref<8x2x128xi32, #tpu.memory_space<vmem>> -> memref<1x1x128xi32, #tpu.memory_space<vmem>>
      %dma_start3A_703 = tpu.memref_squeeze %dma_start3A_702 : memref<1x1x128xi32, #tpu.memory_space<vmem>> -> memref<128xi32, #tpu.memory_space<vmem>>
      %dma_start3A_704 = arith.constant 0 : i32
      %dma_start3A_705 = arith.constant 0 : i32
      %dma_start3A_706 = tpu.memref_slice %arg2[%dma_start3A_704, %dma_start3A_705] : memref<10000x128xf32, #tpu.memory_space<hbm>> -> memref<10000x128xf32, #tpu.memory_space<hbm>>
      tpu.enqueue_indirect_dma source(%dma_start3A_706 : memref<10000x128xf32, #tpu.memory_space<hbm>>) target(%dma_start3A_700 : memref<128x128xf32, #tpu.memory_space<vmem>>) offsets(%dma_start3A_703 : memref<128xi32, #tpu.memory_space<vmem>>) semaphore(%arg17 : memref<!tpu.dma_semaphore, #tpu.memory_space<semaphore_mem>>)
      %sub3A_707 = arith.constant 1 : i32
      %sub3A_708 = arith.subi %add3A_675, %sub3A_707 : i32
      %dma_wait3A_709 = arith.constant 4 : i32
      %dma_wait3A_710 = arith.constant 0 : i32
      %dma_wait3A_711 = arith.constant 0 : i32
      %dma_wait3A_712 = arith.constant 0 : i32
      %dma_wait3A_713 = arith.constant 0 : i32
      %dma_wait3A_714 = tpu.memref_slice %arg6[%dma_wait3A_711, %dma_wait3A_712, %dma_wait3A_713] : memref<2x128x128xf32, #tpu.memory_space<vmem>> -> memref<1x128x128xf32, #tpu.memory_space<vmem>>
      %dma_wait3A_715 = tpu.memref_squeeze %dma_wait3A_714 : memref<1x128x128xf32, #tpu.memory_space<vmem>> -> memref<128x128xf32, #tpu.memory_space<vmem>>
      %dma_wait3A_716 = arith.constant 0 : i32
      %dma_wait3A_717 = tpu.memref_slice %arg5[%dma_wait3A_709, %dma_wait3A_710, %dma_wait3A_716] : memref<8x2x128xi32, #tpu.memory_space<vmem>> -> memref<1x1x128xi32, #tpu.memory_space<vmem>>
      %dma_wait3A_718 = tpu.memref_squeeze %dma_wait3A_717 : memref<1x1x128xi32, #tpu.memory_space<vmem>> -> memref<128xi32, #tpu.memory_space<vmem>>
      %dma_wait3A_719 = arith.constant 0 : i32
      %dma_wait3A_720 = arith.constant 0 : i32
      %dma_wait3A_721 = tpu.memref_slice %arg2[%dma_wait3A_719, %dma_wait3A_720] : memref<10000x128xf32, #tpu.memory_space<hbm>> -> memref<10000x128xf32, #tpu.memory_space<hbm>>
      tpu.wait_indirect_dma semaphore(%arg16 : memref<!tpu.dma_semaphore, #tpu.memory_space<semaphore_mem>>) src(%dma_wait3A_721 : memref<10000x128xf32, #tpu.memory_space<hbm>>) dst(%dma_wait3A_715 : memref<128x128xf32, #tpu.memory_space<vmem>>)
      %run_scoped3A_722 = arith.constant 0 : i32
      %run_scoped3A_723 = arith.constant 4 : i32
      %run_scoped3A_724 = arith.constant 1 : i32
      "tpu.region"() ({
        %run_scoped3A_894 = tpu.sem_alloc : memref<!tpu.dma_semaphore, #tpu.memory_space<semaphore_mem>>
        %dma_start3A_895 = arith.constant 0 : i32
        %dma_start3A_896 = arith.constant 0 : i32
        %dma_start3A_897 = tpu.memref_slice %arg6[%run_scoped3A_722, %dma_start3A_895, %dma_start3A_896] : memref<2x128x128xf32, #tpu.memory_space<vmem>> -> memref<1x128x128xf32, #tpu.memory_space<vmem>>
        %dma_start3A_898 = tpu.memref_squeeze %dma_start3A_897 : memref<1x128x128xf32, #tpu.memory_space<vmem>> -> memref<128x128xf32, #tpu.memory_space<vmem>>
        %dma_start3A_899 = arith.constant 0 : i32
        %dma_start3A_900 = tpu.memref_slice %arg5[%run_scoped3A_723, %run_scoped3A_724, %dma_start3A_899] : memref<8x2x128xi32, #tpu.memory_space<vmem>> -> memref<1x1x128xi32, #tpu.memory_space<vmem>>
        %dma_start3A_901 = tpu.memref_squeeze %dma_start3A_900 : memref<1x1x128xi32, #tpu.memory_space<vmem>> -> memref<128xi32, #tpu.memory_space<vmem>>
        %dma_start3A_902 = arith.constant 0 : i32
        %dma_start3A_903 = arith.constant 0 : i32
        %dma_start3A_904 = tpu.memref_slice %arg7[%dma_start3A_902, %dma_start3A_903] : memref<10008x128xf32, #tpu.memory_space<vmem_shared>> -> memref<10008x128xf32, #tpu.memory_space<vmem_shared>>
        tpu.enqueue_indirect_dma source(%dma_start3A_898 : memref<128x128xf32, #tpu.memory_space<vmem>>) target(%dma_start3A_904 : memref<10008x128xf32, #tpu.memory_space<vmem_shared>>) offsets(%dma_start3A_901 : memref<128xi32, #tpu.memory_space<vmem>>) semaphore(%run_scoped3A_894 : memref<!tpu.dma_semaphore, #tpu.memory_space<semaphore_mem>>) {add = true}
        %dma_wait3A_905 = arith.constant 0 : i32
        %dma_wait3A_906 = arith.constant 0 : i32
        %dma_wait3A_907 = tpu.memref_slice %arg6[%run_scoped3A_722, %dma_wait3A_905, %dma_wait3A_906] : memref<2x128x128xf32, #tpu.memory_space<vmem>> -> memref<1x128x128xf32, #tpu.memory_space<vmem>>
        %dma_wait3A_908 = tpu.memref_squeeze %dma_wait3A_907 : memref<1x128x128xf32, #tpu.memory_space<vmem>> -> memref<128x128xf32, #tpu.memory_space<vmem>>
        %dma_wait3A_909 = arith.constant 0 : i32
        %dma_wait3A_910 = tpu.memref_slice %arg5[%run_scoped3A_723, %run_scoped3A_724, %dma_wait3A_909] : memref<8x2x128xi32, #tpu.memory_space<vmem>> -> memref<1x1x128xi32, #tpu.memory_space<vmem>>
        %dma_wait3A_911 = tpu.memref_squeeze %dma_wait3A_910 : memref<1x1x128xi32, #tpu.memory_space<vmem>> -> memref<128xi32, #tpu.memory_space<vmem>>
        %dma_wait3A_912 = arith.constant 0 : i32
        %dma_wait3A_913 = arith.constant 0 : i32
        %dma_wait3A_914 = tpu.memref_slice %arg7[%dma_wait3A_912, %dma_wait3A_913] : memref<10008x128xf32, #tpu.memory_space<vmem_shared>> -> memref<10008x128xf32, #tpu.memory_space<vmem_shared>>
        tpu.wait_indirect_dma semaphore(%run_scoped3A_894 : memref<!tpu.dma_semaphore, #tpu.memory_space<semaphore_mem>>) src(%dma_wait3A_908 : memref<128x128xf32, #tpu.memory_space<vmem>>) dst(%dma_wait3A_914 : memref<10008x128xf32, #tpu.memory_space<vmem_shared>>)
        tpu.yield
      }) : () -> ()
      %add3A_725 = arith.constant 8 : i32
      %add3A_726 = arith.addi %add3A_675, %add3A_725 : i32
      %sub3A_727 = arith.constant 1 : i32
      %sub3A_728 = arith.subi %add3A_726, %sub3A_727 : i32
      %add3A_729 = arith.addi %mul3A_2, %sub3A_728 : i32
      %dma_start3A_730 = arith.constant 4 : i32
      %dma_start3A_731 = arith.constant 0 : i32
      %dma_start3A_732 = arith.constant 0 : i32
      %dma_start3A_733 = tpu.memref_slice %arg5[%dma_start3A_730, %dma_start3A_731, %dma_start3A_732] : memref<8x2x128xi32, #tpu.memory_space<vmem>> -> memref<1x2x128xi32, #tpu.memory_space<vmem>>
      %dma_start3A_734 = tpu.memref_squeeze %dma_start3A_733 : memref<1x2x128xi32, #tpu.memory_space<vmem>> -> memref<2x128xi32, #tpu.memory_space<vmem>>
      %dma_start3A_735 = arith.constant 0 : i32
      %dma_start3A_736 = arith.constant 0 : i32
      %dma_start3A_737 = tpu.memref_slice %arg3[%add3A_729, %dma_start3A_735, %dma_start3A_736] : memref<2568x2x128xi32, #tpu.memory_space<hbm>> -> memref<1x2x128xi32, #tpu.memory_space<hbm>>
      %dma_start3A_738 = tpu.memref_squeeze %dma_start3A_737 : memref<1x2x128xi32, #tpu.memory_space<hbm>> -> memref<2x128xi32, #tpu.memory_space<hbm>>
      %dma_start3A_739 = arith.constant 0 : i32
      %dma_start3A_740 = arith.constant 0 : i32
      %dma_start3A_741 = tpu.memref_slice %arg5[%dma_start3A_730, %dma_start3A_739, %dma_start3A_740] : memref<8x2x128xi32, #tpu.memory_space<vmem>> -> memref<1x2x128xi32, #tpu.memory_space<vmem>>
      %dma_start3A_742 = tpu.memref_squeeze %dma_start3A_741 : memref<1x2x128xi32, #tpu.memory_space<vmem>> -> memref<2x128xi32, #tpu.memory_space<vmem>>
      %dma_start3A_743 = arith.constant 0 : i32
      %dma_start3A_744 = arith.constant 0 : i32
      %dma_start3A_745 = tpu.memref_slice %arg3[%add3A_729, %dma_start3A_743, %dma_start3A_744] : memref<2568x2x128xi32, #tpu.memory_space<hbm>> -> memref<1x2x128xi32, #tpu.memory_space<hbm>>
      %dma_start3A_746 = tpu.memref_squeeze %dma_start3A_745 : memref<1x2x128xi32, #tpu.memory_space<hbm>> -> memref<2x128xi32, #tpu.memory_space<hbm>>
      tpu.enqueue_dma source(%dma_start3A_746 : memref<2x128xi32, #tpu.memory_space<hbm>>) target(%dma_start3A_742 : memref<2x128xi32, #tpu.memory_space<vmem>>) target_semaphore(%arg12 : memref<!tpu.dma_semaphore, #tpu.memory_space<semaphore_mem>>)
      %add3A_747 = arith.constant 6 : i32
      %add3A_748 = arith.addi %mul3A_323, %add3A_747 : i32
      %add3A_749 = arith.addi %mul3A_2, %add3A_748 : i32
      %dma_wait3A_750 = arith.constant 6 : i32
      %dma_wait3A_751 = arith.constant 0 : i32
      %dma_wait3A_752 = arith.constant 0 : i32
      %dma_wait3A_753 = tpu.memref_slice %arg5[%dma_wait3A_750, %dma_wait3A_751, %dma_wait3A_752] : memref<8x2x128xi32, #tpu.memory_space<vmem>> -> memref<1x2x128xi32, #tpu.memory_space<vmem>>
      %dma_wait3A_754 = tpu.memref_squeeze %dma_wait3A_753 : memref<1x2x128xi32, #tpu.memory_space<vmem>> -> memref<2x128xi32, #tpu.memory_space<vmem>>
      %dma_wait3A_755 = arith.constant 0 : i32
      %dma_wait3A_756 = arith.constant 0 : i32
      %dma_wait3A_757 = tpu.memref_slice %arg3[%add3A_749, %dma_wait3A_755, %dma_wait3A_756] : memref<2568x2x128xi32, #tpu.memory_space<hbm>> -> memref<1x2x128xi32, #tpu.memory_space<hbm>>
      %dma_wait3A_758 = tpu.memref_squeeze %dma_wait3A_757 : memref<1x2x128xi32, #tpu.memory_space<hbm>> -> memref<2x128xi32, #tpu.memory_space<hbm>>
      %dma_wait3A_759 = arith.constant 0 : i32
      %dma_wait3A_760 = arith.constant 0 : i32
      %dma_wait3A_761 = tpu.memref_slice %arg5[%dma_wait3A_750, %dma_wait3A_759, %dma_wait3A_760] : memref<8x2x128xi32, #tpu.memory_space<vmem>> -> memref<1x2x128xi32, #tpu.memory_space<vmem>>
      %dma_wait3A_762 = tpu.memref_squeeze %dma_wait3A_761 : memref<1x2x128xi32, #tpu.memory_space<vmem>> -> memref<2x128xi32, #tpu.memory_space<vmem>>
      %dma_wait3A_763 = arith.constant 0 : i32
      %dma_wait3A_764 = arith.constant 0 : i32
      %dma_wait3A_765 = tpu.memref_slice %arg3[%add3A_749, %dma_wait3A_763, %dma_wait3A_764] : memref<2568x2x128xi32, #tpu.memory_space<hbm>> -> memref<1x2x128xi32, #tpu.memory_space<hbm>>
      %dma_wait3A_766 = tpu.memref_squeeze %dma_wait3A_765 : memref<1x2x128xi32, #tpu.memory_space<hbm>> -> memref<2x128xi32, #tpu.memory_space<hbm>>
      tpu.wait_dma2 semaphore(%arg14 : memref<!tpu.dma_semaphore, #tpu.memory_space<semaphore_mem>>) src(%dma_wait3A_766 : memref<2x128xi32, #tpu.memory_space<hbm>>) dst(%dma_wait3A_762 : memref<2x128xi32, #tpu.memory_space<vmem>>)
      %dma_start3A_767 = arith.constant 6 : i32
      %dma_start3A_768 = arith.constant 0 : i32
      %dma_start3A_769 = arith.constant 0 : i32
      %dma_start3A_770 = arith.constant 0 : i32
      %dma_start3A_771 = arith.constant 0 : i32
      %dma_start3A_772 = tpu.memref_slice %arg6[%dma_start3A_769, %dma_start3A_770, %dma_start3A_771] : memref<2x128x128xf32, #tpu.memory_space<vmem>> -> memref<1x128x128xf32, #tpu.memory_space<vmem>>
      %dma_start3A_773 = tpu.memref_squeeze %dma_start3A_772 : memref<1x128x128xf32, #tpu.memory_space<vmem>> -> memref<128x128xf32, #tpu.memory_space<vmem>>
      %dma_start3A_774 = arith.constant 0 : i32
      %dma_start3A_775 = tpu.memref_slice %arg5[%dma_start3A_767, %dma_start3A_768, %dma_start3A_774] : memref<8x2x128xi32, #tpu.memory_space<vmem>> -> memref<1x1x128xi32, #tpu.memory_space<vmem>>
      %dma_start3A_776 = tpu.memref_squeeze %dma_start3A_775 : memref<1x1x128xi32, #tpu.memory_space<vmem>> -> memref<128xi32, #tpu.memory_space<vmem>>
      %dma_start3A_777 = arith.constant 0 : i32
      %dma_start3A_778 = arith.constant 0 : i32
      %dma_start3A_779 = tpu.memref_slice %arg2[%dma_start3A_777, %dma_start3A_778] : memref<10000x128xf32, #tpu.memory_space<hbm>> -> memref<10000x128xf32, #tpu.memory_space<hbm>>
      tpu.enqueue_indirect_dma source(%dma_start3A_779 : memref<10000x128xf32, #tpu.memory_space<hbm>>) target(%dma_start3A_773 : memref<128x128xf32, #tpu.memory_space<vmem>>) offsets(%dma_start3A_776 : memref<128xi32, #tpu.memory_space<vmem>>) semaphore(%arg16 : memref<!tpu.dma_semaphore, #tpu.memory_space<semaphore_mem>>)
      %sub3A_780 = arith.constant 1 : i32
      %sub3A_781 = arith.subi %add3A_748, %sub3A_780 : i32
      %dma_wait3A_782 = arith.constant 5 : i32
      %dma_wait3A_783 = arith.constant 0 : i32
      %dma_wait3A_784 = arith.constant 1 : i32
      %dma_wait3A_785 = arith.constant 0 : i32
      %dma_wait3A_786 = arith.constant 0 : i32
      %dma_wait3A_787 = tpu.memref_slice %arg6[%dma_wait3A_784, %dma_wait3A_785, %dma_wait3A_786] : memref<2x128x128xf32, #tpu.memory_space<vmem>> -> memref<1x128x128xf32, #tpu.memory_space<vmem>>
      %dma_wait3A_788 = tpu.memref_squeeze %dma_wait3A_787 : memref<1x128x128xf32, #tpu.memory_space<vmem>> -> memref<128x128xf32, #tpu.memory_space<vmem>>
      %dma_wait3A_789 = arith.constant 0 : i32
      %dma_wait3A_790 = tpu.memref_slice %arg5[%dma_wait3A_782, %dma_wait3A_783, %dma_wait3A_789] : memref<8x2x128xi32, #tpu.memory_space<vmem>> -> memref<1x1x128xi32, #tpu.memory_space<vmem>>
      %dma_wait3A_791 = tpu.memref_squeeze %dma_wait3A_790 : memref<1x1x128xi32, #tpu.memory_space<vmem>> -> memref<128xi32, #tpu.memory_space<vmem>>
      %dma_wait3A_792 = arith.constant 0 : i32
      %dma_wait3A_793 = arith.constant 0 : i32
      %dma_wait3A_794 = tpu.memref_slice %arg2[%dma_wait3A_792, %dma_wait3A_793] : memref<10000x128xf32, #tpu.memory_space<hbm>> -> memref<10000x128xf32, #tpu.memory_space<hbm>>
      tpu.wait_indirect_dma semaphore(%arg17 : memref<!tpu.dma_semaphore, #tpu.memory_space<semaphore_mem>>) src(%dma_wait3A_794 : memref<10000x128xf32, #tpu.memory_space<hbm>>) dst(%dma_wait3A_788 : memref<128x128xf32, #tpu.memory_space<vmem>>)
      %run_scoped3A_795 = arith.constant 1 : i32
      %run_scoped3A_796 = arith.constant 5 : i32
      %run_scoped3A_797 = arith.constant 1 : i32
      "tpu.region"() ({
        %run_scoped3A_894 = tpu.sem_alloc : memref<!tpu.dma_semaphore, #tpu.memory_space<semaphore_mem>>
        %dma_start3A_895 = arith.constant 0 : i32
        %dma_start3A_896 = arith.constant 0 : i32
        %dma_start3A_897 = tpu.memref_slice %arg6[%run_scoped3A_795, %dma_start3A_895, %dma_start3A_896] : memref<2x128x128xf32, #tpu.memory_space<vmem>> -> memref<1x128x128xf32, #tpu.memory_space<vmem>>
        %dma_start3A_898 = tpu.memref_squeeze %dma_start3A_897 : memref<1x128x128xf32, #tpu.memory_space<vmem>> -> memref<128x128xf32, #tpu.memory_space<vmem>>
        %dma_start3A_899 = arith.constant 0 : i32
        %dma_start3A_900 = tpu.memref_slice %arg5[%run_scoped3A_796, %run_scoped3A_797, %dma_start3A_899] : memref<8x2x128xi32, #tpu.memory_space<vmem>> -> memref<1x1x128xi32, #tpu.memory_space<vmem>>
        %dma_start3A_901 = tpu.memref_squeeze %dma_start3A_900 : memref<1x1x128xi32, #tpu.memory_space<vmem>> -> memref<128xi32, #tpu.memory_space<vmem>>
        %dma_start3A_902 = arith.constant 0 : i32
        %dma_start3A_903 = arith.constant 0 : i32
        %dma_start3A_904 = tpu.memref_slice %arg7[%dma_start3A_902, %dma_start3A_903] : memref<10008x128xf32, #tpu.memory_space<vmem_shared>> -> memref<10008x128xf32, #tpu.memory_space<vmem_shared>>
        tpu.enqueue_indirect_dma source(%dma_start3A_898 : memref<128x128xf32, #tpu.memory_space<vmem>>) target(%dma_start3A_904 : memref<10008x128xf32, #tpu.memory_space<vmem_shared>>) offsets(%dma_start3A_901 : memref<128xi32, #tpu.memory_space<vmem>>) semaphore(%run_scoped3A_894 : memref<!tpu.dma_semaphore, #tpu.memory_space<semaphore_mem>>) {add = true}
        %dma_wait3A_905 = arith.constant 0 : i32
        %dma_wait3A_906 = arith.constant 0 : i32
        %dma_wait3A_907 = tpu.memref_slice %arg6[%run_scoped3A_795, %dma_wait3A_905, %dma_wait3A_906] : memref<2x128x128xf32, #tpu.memory_space<vmem>> -> memref<1x128x128xf32, #tpu.memory_space<vmem>>
        %dma_wait3A_908 = tpu.memref_squeeze %dma_wait3A_907 : memref<1x128x128xf32, #tpu.memory_space<vmem>> -> memref<128x128xf32, #tpu.memory_space<vmem>>
        %dma_wait3A_909 = arith.constant 0 : i32
        %dma_wait3A_910 = tpu.memref_slice %arg5[%run_scoped3A_796, %run_scoped3A_797, %dma_wait3A_909] : memref<8x2x128xi32, #tpu.memory_space<vmem>> -> memref<1x1x128xi32, #tpu.memory_space<vmem>>
        %dma_wait3A_911 = tpu.memref_squeeze %dma_wait3A_910 : memref<1x1x128xi32, #tpu.memory_space<vmem>> -> memref<128xi32, #tpu.memory_space<vmem>>
        %dma_wait3A_912 = arith.constant 0 : i32
        %dma_wait3A_913 = arith.constant 0 : i32
        %dma_wait3A_914 = tpu.memref_slice %arg7[%dma_wait3A_912, %dma_wait3A_913] : memref<10008x128xf32, #tpu.memory_space<vmem_shared>> -> memref<10008x128xf32, #tpu.memory_space<vmem_shared>>
        tpu.wait_indirect_dma semaphore(%run_scoped3A_894 : memref<!tpu.dma_semaphore, #tpu.memory_space<semaphore_mem>>) src(%dma_wait3A_908 : memref<128x128xf32, #tpu.memory_space<vmem>>) dst(%dma_wait3A_914 : memref<10008x128xf32, #tpu.memory_space<vmem_shared>>)
        tpu.yield
      }) : () -> ()
      %add3A_798 = arith.constant 8 : i32
      %add3A_799 = arith.addi %add3A_748, %add3A_798 : i32
      %sub3A_800 = arith.constant 1 : i32
      %sub3A_801 = arith.subi %add3A_799, %sub3A_800 : i32
      %add3A_802 = arith.addi %mul3A_2, %sub3A_801 : i32
      %dma_start3A_803 = arith.constant 5 : i32
      %dma_start3A_804 = arith.constant 0 : i32
      %dma_start3A_805 = arith.constant 0 : i32
      %dma_start3A_806 = tpu.memref_slice %arg5[%dma_start3A_803, %dma_start3A_804, %dma_start3A_805] : memref<8x2x128xi32, #tpu.memory_space<vmem>> -> memref<1x2x128xi32, #tpu.memory_space<vmem>>
      %dma_start3A_807 = tpu.memref_squeeze %dma_start3A_806 : memref<1x2x128xi32, #tpu.memory_space<vmem>> -> memref<2x128xi32, #tpu.memory_space<vmem>>
      %dma_start3A_808 = arith.constant 0 : i32
      %dma_start3A_809 = arith.constant 0 : i32
      %dma_start3A_810 = tpu.memref_slice %arg3[%add3A_802, %dma_start3A_808, %dma_start3A_809] : memref<2568x2x128xi32, #tpu.memory_space<hbm>> -> memref<1x2x128xi32, #tpu.memory_space<hbm>>
      %dma_start3A_811 = tpu.memref_squeeze %dma_start3A_810 : memref<1x2x128xi32, #tpu.memory_space<hbm>> -> memref<2x128xi32, #tpu.memory_space<hbm>>
      %dma_start3A_812 = arith.constant 0 : i32
      %dma_start3A_813 = arith.constant 0 : i32
      %dma_start3A_814 = tpu.memref_slice %arg5[%dma_start3A_803, %dma_start3A_812, %dma_start3A_813] : memref<8x2x128xi32, #tpu.memory_space<vmem>> -> memref<1x2x128xi32, #tpu.memory_space<vmem>>
      %dma_start3A_815 = tpu.memref_squeeze %dma_start3A_814 : memref<1x2x128xi32, #tpu.memory_space<vmem>> -> memref<2x128xi32, #tpu.memory_space<vmem>>
      %dma_start3A_816 = arith.constant 0 : i32
      %dma_start3A_817 = arith.constant 0 : i32
      %dma_start3A_818 = tpu.memref_slice %arg3[%add3A_802, %dma_start3A_816, %dma_start3A_817] : memref<2568x2x128xi32, #tpu.memory_space<hbm>> -> memref<1x2x128xi32, #tpu.memory_space<hbm>>
      %dma_start3A_819 = tpu.memref_squeeze %dma_start3A_818 : memref<1x2x128xi32, #tpu.memory_space<hbm>> -> memref<2x128xi32, #tpu.memory_space<hbm>>
      tpu.enqueue_dma source(%dma_start3A_819 : memref<2x128xi32, #tpu.memory_space<hbm>>) target(%dma_start3A_815 : memref<2x128xi32, #tpu.memory_space<vmem>>) target_semaphore(%arg13 : memref<!tpu.dma_semaphore, #tpu.memory_space<semaphore_mem>>)
      %add3A_820 = arith.constant 7 : i32
      %add3A_821 = arith.addi %mul3A_323, %add3A_820 : i32
      %add3A_822 = arith.addi %mul3A_2, %add3A_821 : i32
      %dma_wait3A_823 = arith.constant 7 : i32
      %dma_wait3A_824 = arith.constant 0 : i32
      %dma_wait3A_825 = arith.constant 0 : i32
      %dma_wait3A_826 = tpu.memref_slice %arg5[%dma_wait3A_823, %dma_wait3A_824, %dma_wait3A_825] : memref<8x2x128xi32, #tpu.memory_space<vmem>> -> memref<1x2x128xi32, #tpu.memory_space<vmem>>
      %dma_wait3A_827 = tpu.memref_squeeze %dma_wait3A_826 : memref<1x2x128xi32, #tpu.memory_space<vmem>> -> memref<2x128xi32, #tpu.memory_space<vmem>>
      %dma_wait3A_828 = arith.constant 0 : i32
      %dma_wait3A_829 = arith.constant 0 : i32
      %dma_wait3A_830 = tpu.memref_slice %arg3[%add3A_822, %dma_wait3A_828, %dma_wait3A_829] : memref<2568x2x128xi32, #tpu.memory_space<hbm>> -> memref<1x2x128xi32, #tpu.memory_space<hbm>>
      %dma_wait3A_831 = tpu.memref_squeeze %dma_wait3A_830 : memref<1x2x128xi32, #tpu.memory_space<hbm>> -> memref<2x128xi32, #tpu.memory_space<hbm>>
      %dma_wait3A_832 = arith.constant 0 : i32
      %dma_wait3A_833 = arith.constant 0 : i32
      %dma_wait3A_834 = tpu.memref_slice %arg5[%dma_wait3A_823, %dma_wait3A_832, %dma_wait3A_833] : memref<8x2x128xi32, #tpu.memory_space<vmem>> -> memref<1x2x128xi32, #tpu.memory_space<vmem>>
      %dma_wait3A_835 = tpu.memref_squeeze %dma_wait3A_834 : memref<1x2x128xi32, #tpu.memory_space<vmem>> -> memref<2x128xi32, #tpu.memory_space<vmem>>
      %dma_wait3A_836 = arith.constant 0 : i32
      %dma_wait3A_837 = arith.constant 0 : i32
      %dma_wait3A_838 = tpu.memref_slice %arg3[%add3A_822, %dma_wait3A_836, %dma_wait3A_837] : memref<2568x2x128xi32, #tpu.memory_space<hbm>> -> memref<1x2x128xi32, #tpu.memory_space<hbm>>
      %dma_wait3A_839 = tpu.memref_squeeze %dma_wait3A_838 : memref<1x2x128xi32, #tpu.memory_space<hbm>> -> memref<2x128xi32, #tpu.memory_space<hbm>>
      tpu.wait_dma2 semaphore(%arg15 : memref<!tpu.dma_semaphore, #tpu.memory_space<semaphore_mem>>) src(%dma_wait3A_839 : memref<2x128xi32, #tpu.memory_space<hbm>>) dst(%dma_wait3A_835 : memref<2x128xi32, #tpu.memory_space<vmem>>)
      %dma_start3A_840 = arith.constant 7 : i32
      %dma_start3A_841 = arith.constant 0 : i32
      %dma_start3A_842 = arith.constant 1 : i32
      %dma_start3A_843 = arith.constant 0 : i32
      %dma_start3A_844 = arith.constant 0 : i32
      %dma_start3A_845 = tpu.memref_slice %arg6[%dma_start3A_842, %dma_start3A_843, %dma_start3A_844] : memref<2x128x128xf32, #tpu.memory_space<vmem>> -> memref<1x128x128xf32, #tpu.memory_space<vmem>>
      %dma_start3A_846 = tpu.memref_squeeze %dma_start3A_845 : memref<1x128x128xf32, #tpu.memory_space<vmem>> -> memref<128x128xf32, #tpu.memory_space<vmem>>
      %dma_start3A_847 = arith.constant 0 : i32
      %dma_start3A_848 = tpu.memref_slice %arg5[%dma_start3A_840, %dma_start3A_841, %dma_start3A_847] : memref<8x2x128xi32, #tpu.memory_space<vmem>> -> memref<1x1x128xi32, #tpu.memory_space<vmem>>
      %dma_start3A_849 = tpu.memref_squeeze %dma_start3A_848 : memref<1x1x128xi32, #tpu.memory_space<vmem>> -> memref<128xi32, #tpu.memory_space<vmem>>
      %dma_start3A_850 = arith.constant 0 : i32
      %dma_start3A_851 = arith.constant 0 : i32
      %dma_start3A_852 = tpu.memref_slice %arg2[%dma_start3A_850, %dma_start3A_851] : memref<10000x128xf32, #tpu.memory_space<hbm>> -> memref<10000x128xf32, #tpu.memory_space<hbm>>
      tpu.enqueue_indirect_dma source(%dma_start3A_852 : memref<10000x128xf32, #tpu.memory_space<hbm>>) target(%dma_start3A_846 : memref<128x128xf32, #tpu.memory_space<vmem>>) offsets(%dma_start3A_849 : memref<128xi32, #tpu.memory_space<vmem>>) semaphore(%arg17 : memref<!tpu.dma_semaphore, #tpu.memory_space<semaphore_mem>>)
      %sub3A_853 = arith.constant 1 : i32
      %sub3A_854 = arith.subi %add3A_821, %sub3A_853 : i32
      %dma_wait3A_855 = arith.constant 6 : i32
      %dma_wait3A_856 = arith.constant 0 : i32
      %dma_wait3A_857 = arith.constant 0 : i32
      %dma_wait3A_858 = arith.constant 0 : i32
      %dma_wait3A_859 = arith.constant 0 : i32
      %dma_wait3A_860 = tpu.memref_slice %arg6[%dma_wait3A_857, %dma_wait3A_858, %dma_wait3A_859] : memref<2x128x128xf32, #tpu.memory_space<vmem>> -> memref<1x128x128xf32, #tpu.memory_space<vmem>>
      %dma_wait3A_861 = tpu.memref_squeeze %dma_wait3A_860 : memref<1x128x128xf32, #tpu.memory_space<vmem>> -> memref<128x128xf32, #tpu.memory_space<vmem>>
      %dma_wait3A_862 = arith.constant 0 : i32
      %dma_wait3A_863 = tpu.memref_slice %arg5[%dma_wait3A_855, %dma_wait3A_856, %dma_wait3A_862] : memref<8x2x128xi32, #tpu.memory_space<vmem>> -> memref<1x1x128xi32, #tpu.memory_space<vmem>>
      %dma_wait3A_864 = tpu.memref_squeeze %dma_wait3A_863 : memref<1x1x128xi32, #tpu.memory_space<vmem>> -> memref<128xi32, #tpu.memory_space<vmem>>
      %dma_wait3A_865 = arith.constant 0 : i32
      %dma_wait3A_866 = arith.constant 0 : i32
      %dma_wait3A_867 = tpu.memref_slice %arg2[%dma_wait3A_865, %dma_wait3A_866] : memref<10000x128xf32, #tpu.memory_space<hbm>> -> memref<10000x128xf32, #tpu.memory_space<hbm>>
      tpu.wait_indirect_dma semaphore(%arg16 : memref<!tpu.dma_semaphore, #tpu.memory_space<semaphore_mem>>) src(%dma_wait3A_867 : memref<10000x128xf32, #tpu.memory_space<hbm>>) dst(%dma_wait3A_861 : memref<128x128xf32, #tpu.memory_space<vmem>>)
      %run_scoped3A_868 = arith.constant 0 : i32
      %run_scoped3A_869 = arith.constant 6 : i32
      %run_scoped3A_870 = arith.constant 1 : i32
      "tpu.region"() ({
        %run_scoped3A_894 = tpu.sem_alloc : memref<!tpu.dma_semaphore, #tpu.memory_space<semaphore_mem>>
        %dma_start3A_895 = arith.constant 0 : i32
        %dma_start3A_896 = arith.constant 0 : i32
        %dma_start3A_897 = tpu.memref_slice %arg6[%run_scoped3A_868, %dma_start3A_895, %dma_start3A_896] : memref<2x128x128xf32, #tpu.memory_space<vmem>> -> memref<1x128x128xf32, #tpu.memory_space<vmem>>
        %dma_start3A_898 = tpu.memref_squeeze %dma_start3A_897 : memref<1x128x128xf32, #tpu.memory_space<vmem>> -> memref<128x128xf32, #tpu.memory_space<vmem>>
        %dma_start3A_899 = arith.constant 0 : i32
        %dma_start3A_900 = tpu.memref_slice %arg5[%run_scoped3A_869, %run_scoped3A_870, %dma_start3A_899] : memref<8x2x128xi32, #tpu.memory_space<vmem>> -> memref<1x1x128xi32, #tpu.memory_space<vmem>>
        %dma_start3A_901 = tpu.memref_squeeze %dma_start3A_900 : memref<1x1x128xi32, #tpu.memory_space<vmem>> -> memref<128xi32, #tpu.memory_space<vmem>>
        %dma_start3A_902 = arith.constant 0 : i32
        %dma_start3A_903 = arith.constant 0 : i32
        %dma_start3A_904 = tpu.memref_slice %arg7[%dma_start3A_902, %dma_start3A_903] : memref<10008x128xf32, #tpu.memory_space<vmem_shared>> -> memref<10008x128xf32, #tpu.memory_space<vmem_shared>>
        tpu.enqueue_indirect_dma source(%dma_start3A_898 : memref<128x128xf32, #tpu.memory_space<vmem>>) target(%dma_start3A_904 : memref<10008x128xf32, #tpu.memory_space<vmem_shared>>) offsets(%dma_start3A_901 : memref<128xi32, #tpu.memory_space<vmem>>) semaphore(%run_scoped3A_894 : memref<!tpu.dma_semaphore, #tpu.memory_space<semaphore_mem>>) {add = true}
        %dma_wait3A_905 = arith.constant 0 : i32
        %dma_wait3A_906 = arith.constant 0 : i32
        %dma_wait3A_907 = tpu.memref_slice %arg6[%run_scoped3A_868, %dma_wait3A_905, %dma_wait3A_906] : memref<2x128x128xf32, #tpu.memory_space<vmem>> -> memref<1x128x128xf32, #tpu.memory_space<vmem>>
        %dma_wait3A_908 = tpu.memref_squeeze %dma_wait3A_907 : memref<1x128x128xf32, #tpu.memory_space<vmem>> -> memref<128x128xf32, #tpu.memory_space<vmem>>
        %dma_wait3A_909 = arith.constant 0 : i32
        %dma_wait3A_910 = tpu.memref_slice %arg5[%run_scoped3A_869, %run_scoped3A_870, %dma_wait3A_909] : memref<8x2x128xi32, #tpu.memory_space<vmem>> -> memref<1x1x128xi32, #tpu.memory_space<vmem>>
        %dma_wait3A_911 = tpu.memref_squeeze %dma_wait3A_910 : memref<1x1x128xi32, #tpu.memory_space<vmem>> -> memref<128xi32, #tpu.memory_space<vmem>>
        %dma_wait3A_912 = arith.constant 0 : i32
        %dma_wait3A_913 = arith.constant 0 : i32
        %dma_wait3A_914 = tpu.memref_slice %arg7[%dma_wait3A_912, %dma_wait3A_913] : memref<10008x128xf32, #tpu.memory_space<vmem_shared>> -> memref<10008x128xf32, #tpu.memory_space<vmem_shared>>
        tpu.wait_indirect_dma semaphore(%run_scoped3A_894 : memref<!tpu.dma_semaphore, #tpu.memory_space<semaphore_mem>>) src(%dma_wait3A_908 : memref<128x128xf32, #tpu.memory_space<vmem>>) dst(%dma_wait3A_914 : memref<10008x128xf32, #tpu.memory_space<vmem_shared>>)
        tpu.yield
      }) : () -> ()
      %add3A_871 = arith.constant 8 : i32
      %add3A_872 = arith.addi %add3A_821, %add3A_871 : i32
      %sub3A_873 = arith.constant 1 : i32
      %sub3A_874 = arith.subi %add3A_872, %sub3A_873 : i32
      %add3A_875 = arith.addi %mul3A_2, %sub3A_874 : i32
      %dma_start3A_876 = arith.constant 6 : i32
      %dma_start3A_877 = arith.constant 0 : i32
      %dma_start3A_878 = arith.constant 0 : i32
      %dma_start3A_879 = tpu.memref_slice %arg5[%dma_start3A_876, %dma_start3A_877, %dma_start3A_878] : memref<8x2x128xi32, #tpu.memory_space<vmem>> -> memref<1x2x128xi32, #tpu.memory_space<vmem>>
      %dma_start3A_880 = tpu.memref_squeeze %dma_start3A_879 : memref<1x2x128xi32, #tpu.memory_space<vmem>> -> memref<2x128xi32, #tpu.memory_space<vmem>>
      %dma_start3A_881 = arith.constant 0 : i32
      %dma_start3A_882 = arith.constant 0 : i32
      %dma_start3A_883 = tpu.memref_slice %arg3[%add3A_875, %dma_start3A_881, %dma_start3A_882] : memref<2568x2x128xi32, #tpu.memory_space<hbm>> -> memref<1x2x128xi32, #tpu.memory_space<hbm>>
      %dma_start3A_884 = tpu.memref_squeeze %dma_start3A_883 : memref<1x2x128xi32, #tpu.memory_space<hbm>> -> memref<2x128xi32, #tpu.memory_space<hbm>>
      %dma_start3A_885 = arith.constant 0 : i32
      %dma_start3A_886 = arith.constant 0 : i32
      %dma_start3A_887 = tpu.memref_slice %arg5[%dma_start3A_876, %dma_start3A_885, %dma_start3A_886] : memref<8x2x128xi32, #tpu.memory_space<vmem>> -> memref<1x2x128xi32, #tpu.memory_space<vmem>>
      %dma_start3A_888 = tpu.memref_squeeze %dma_start3A_887 : memref<1x2x128xi32, #tpu.memory_space<vmem>> -> memref<2x128xi32, #tpu.memory_space<vmem>>
      %dma_start3A_889 = arith.constant 0 : i32
      %dma_start3A_890 = arith.constant 0 : i32
      %dma_start3A_891 = tpu.memref_slice %arg3[%add3A_875, %dma_start3A_889, %dma_start3A_890] : memref<2568x2x128xi32, #tpu.memory_space<hbm>> -> memref<1x2x128xi32, #tpu.memory_space<hbm>>
      %dma_start3A_892 = tpu.memref_squeeze %dma_start3A_891 : memref<1x2x128xi32, #tpu.memory_space<hbm>> -> memref<2x128xi32, #tpu.memory_space<hbm>>
      tpu.enqueue_dma source(%dma_start3A_892 : memref<2x128xi32, #tpu.memory_space<hbm>>) target(%dma_start3A_888 : memref<2x128xi32, #tpu.memory_space<vmem>>) target_semaphore(%arg14 : memref<!tpu.dma_semaphore, #tpu.memory_space<semaphore_mem>>)
      %scan3A_893 = arith.constant 0 : i32
      scf.yield %scan3A_893 : i32
    }
    %scan3A_165 = arith.constant 10 : i32
    %dma_wait3A = arith.constant 7 : i32
    %dma_wait3A_166 = arith.constant 0 : i32
    %dma_wait3A_167 = arith.constant 1 : i32
    %dma_wait3A_168 = arith.constant 0 : i32
    %dma_wait3A_169 = arith.constant 0 : i32
    %dma_wait3A_170 = tpu.memref_slice %arg6[%dma_wait3A_167, %dma_wait3A_168, %dma_wait3A_169] : memref<2x128x128xf32, #tpu.memory_space<vmem>> -> memref<1x128x128xf32, #tpu.memory_space<vmem>>
    %dma_wait3A_171 = tpu.memref_squeeze %dma_wait3A_170 : memref<1x128x128xf32, #tpu.memory_space<vmem>> -> memref<128x128xf32, #tpu.memory_space<vmem>>
    %dma_wait3A_172 = arith.constant 0 : i32
    %dma_wait3A_173 = tpu.memref_slice %arg5[%dma_wait3A, %dma_wait3A_166, %dma_wait3A_172] : memref<8x2x128xi32, #tpu.memory_space<vmem>> -> memref<1x1x128xi32, #tpu.memory_space<vmem>>
    %dma_wait3A_174 = tpu.memref_squeeze %dma_wait3A_173 : memref<1x1x128xi32, #tpu.memory_space<vmem>> -> memref<128xi32, #tpu.memory_space<vmem>>
    %dma_wait3A_175 = arith.constant 0 : i32
    %dma_wait3A_176 = arith.constant 0 : i32
    %dma_wait3A_177 = tpu.memref_slice %arg2[%dma_wait3A_175, %dma_wait3A_176] : memref<10000x128xf32, #tpu.memory_space<hbm>> -> memref<10000x128xf32, #tpu.memory_space<hbm>>
    tpu.wait_indirect_dma semaphore(%arg17 : memref<!tpu.dma_semaphore, #tpu.memory_space<semaphore_mem>>) src(%dma_wait3A_177 : memref<10000x128xf32, #tpu.memory_space<hbm>>) dst(%dma_wait3A_171 : memref<128x128xf32, #tpu.memory_space<vmem>>)
    %run_scoped3A_178 = arith.constant 1 : i32
    %run_scoped3A_179 = arith.constant 7 : i32
    %run_scoped3A_180 = arith.constant 1 : i32
    "tpu.region"() ({
      %run_scoped3A_320 = tpu.sem_alloc : memref<!tpu.dma_semaphore, #tpu.memory_space<semaphore_mem>>
      %dma_start3A_321 = arith.constant 0 : i32
      %dma_start3A_322 = arith.constant 0 : i32
      %dma_start3A_323 = tpu.memref_slice %arg6[%run_scoped3A_178, %dma_start3A_321, %dma_start3A_322] : memref<2x128x128xf32, #tpu.memory_space<vmem>> -> memref<1x128x128xf32, #tpu.memory_space<vmem>>
      %dma_start3A_324 = tpu.memref_squeeze %dma_start3A_323 : memref<1x128x128xf32, #tpu.memory_space<vmem>> -> memref<128x128xf32, #tpu.memory_space<vmem>>
      %dma_start3A_325 = arith.constant 0 : i32
      %dma_start3A_326 = tpu.memref_slice %arg5[%run_scoped3A_179, %run_scoped3A_180, %dma_start3A_325] : memref<8x2x128xi32, #tpu.memory_space<vmem>> -> memref<1x1x128xi32, #tpu.memory_space<vmem>>
      %dma_start3A_327 = tpu.memref_squeeze %dma_start3A_326 : memref<1x1x128xi32, #tpu.memory_space<vmem>> -> memref<128xi32, #tpu.memory_space<vmem>>
      %dma_start3A_328 = arith.constant 0 : i32
      %dma_start3A_329 = arith.constant 0 : i32
      %dma_start3A_330 = tpu.memref_slice %arg7[%dma_start3A_328, %dma_start3A_329] : memref<10008x128xf32, #tpu.memory_space<vmem_shared>> -> memref<10008x128xf32, #tpu.memory_space<vmem_shared>>
      tpu.enqueue_indirect_dma source(%dma_start3A_324 : memref<128x128xf32, #tpu.memory_space<vmem>>) target(%dma_start3A_330 : memref<10008x128xf32, #tpu.memory_space<vmem_shared>>) offsets(%dma_start3A_327 : memref<128xi32, #tpu.memory_space<vmem>>) semaphore(%run_scoped3A_320 : memref<!tpu.dma_semaphore, #tpu.memory_space<semaphore_mem>>) {add = true}
      %dma_wait3A_331 = arith.constant 0 : i32
      %dma_wait3A_332 = arith.constant 0 : i32
      %dma_wait3A_333 = tpu.memref_slice %arg6[%run_scoped3A_178, %dma_wait3A_331, %dma_wait3A_332] : memref<2x128x128xf32, #tpu.memory_space<vmem>> -> memref<1x128x128xf32, #tpu.memory_space<vmem>>
      %dma_wait3A_334 = tpu.memref_squeeze %dma_wait3A_333 : memref<1x128x128xf32, #tpu.memory_space<vmem>> -> memref<128x128xf32, #tpu.memory_space<vmem>>
      %dma_wait3A_335 = arith.constant 0 : i32
      %dma_wait3A_336 = tpu.memref_slice %arg5[%run_scoped3A_179, %run_scoped3A_180, %dma_wait3A_335] : memref<8x2x128xi32, #tpu.memory_space<vmem>> -> memref<1x1x128xi32, #tpu.memory_space<vmem>>
      %dma_wait3A_337 = tpu.memref_squeeze %dma_wait3A_336 : memref<1x1x128xi32, #tpu.memory_space<vmem>> -> memref<128xi32, #tpu.memory_space<vmem>>
      %dma_wait3A_338 = arith.constant 0 : i32
      %dma_wait3A_339 = arith.constant 0 : i32
      %dma_wait3A_340 = tpu.memref_slice %arg7[%dma_wait3A_338, %dma_wait3A_339] : memref<10008x128xf32, #tpu.memory_space<vmem_shared>> -> memref<10008x128xf32, #tpu.memory_space<vmem_shared>>
      tpu.wait_indirect_dma semaphore(%run_scoped3A_320 : memref<!tpu.dma_semaphore, #tpu.memory_space<semaphore_mem>>) src(%dma_wait3A_334 : memref<128x128xf32, #tpu.memory_space<vmem>>) dst(%dma_wait3A_340 : memref<10008x128xf32, #tpu.memory_space<vmem_shared>>)
      tpu.yield
    }) : () -> ()
    %add3A_181 = arith.constant 80 : i32
    %add3A_182 = arith.addi %mul3A_2, %add3A_181 : i32
    %dma_wait3A_183 = arith.constant 0 : i32
    %dma_wait3A_184 = arith.constant 0 : i32
    %dma_wait3A_185 = arith.constant 0 : i32
    %dma_wait3A_186 = tpu.memref_slice %arg5[%dma_wait3A_183, %dma_wait3A_184, %dma_wait3A_185] : memref<8x2x128xi32, #tpu.memory_space<vmem>> -> memref<1x2x128xi32, #tpu.memory_space<vmem>>
    %dma_wait3A_187 = tpu.memref_squeeze %dma_wait3A_186 : memref<1x2x128xi32, #tpu.memory_space<vmem>> -> memref<2x128xi32, #tpu.memory_space<vmem>>
    %dma_wait3A_188 = arith.constant 0 : i32
    %dma_wait3A_189 = arith.constant 0 : i32
    %dma_wait3A_190 = tpu.memref_slice %arg3[%add3A_182, %dma_wait3A_188, %dma_wait3A_189] : memref<2568x2x128xi32, #tpu.memory_space<hbm>> -> memref<1x2x128xi32, #tpu.memory_space<hbm>>
    %dma_wait3A_191 = tpu.memref_squeeze %dma_wait3A_190 : memref<1x2x128xi32, #tpu.memory_space<hbm>> -> memref<2x128xi32, #tpu.memory_space<hbm>>
    %dma_wait3A_192 = arith.constant 0 : i32
    %dma_wait3A_193 = arith.constant 0 : i32
    %dma_wait3A_194 = tpu.memref_slice %arg5[%dma_wait3A_183, %dma_wait3A_192, %dma_wait3A_193] : memref<8x2x128xi32, #tpu.memory_space<vmem>> -> memref<1x2x128xi32, #tpu.memory_space<vmem>>
    %dma_wait3A_195 = tpu.memref_squeeze %dma_wait3A_194 : memref<1x2x128xi32, #tpu.memory_space<vmem>> -> memref<2x128xi32, #tpu.memory_space<vmem>>
    %dma_wait3A_196 = arith.constant 0 : i32
    %dma_wait3A_197 = arith.constant 0 : i32
    %dma_wait3A_198 = tpu.memref_slice %arg3[%add3A_182, %dma_wait3A_196, %dma_wait3A_197] : memref<2568x2x128xi32, #tpu.memory_space<hbm>> -> memref<1x2x128xi32, #tpu.memory_space<hbm>>
    %dma_wait3A_199 = tpu.memref_squeeze %dma_wait3A_198 : memref<1x2x128xi32, #tpu.memory_space<hbm>> -> memref<2x128xi32, #tpu.memory_space<hbm>>
    tpu.wait_dma2 semaphore(%arg8 : memref<!tpu.dma_semaphore, #tpu.memory_space<semaphore_mem>>) src(%dma_wait3A_199 : memref<2x128xi32, #tpu.memory_space<hbm>>) dst(%dma_wait3A_195 : memref<2x128xi32, #tpu.memory_space<vmem>>)
    %add3A_200 = arith.constant 81 : i32
    %add3A_201 = arith.addi %mul3A_2, %add3A_200 : i32
    %dma_wait3A_202 = arith.constant 1 : i32
    %dma_wait3A_203 = arith.constant 0 : i32
    %dma_wait3A_204 = arith.constant 0 : i32
    %dma_wait3A_205 = tpu.memref_slice %arg5[%dma_wait3A_202, %dma_wait3A_203, %dma_wait3A_204] : memref<8x2x128xi32, #tpu.memory_space<vmem>> -> memref<1x2x128xi32, #tpu.memory_space<vmem>>
    %dma_wait3A_206 = tpu.memref_squeeze %dma_wait3A_205 : memref<1x2x128xi32, #tpu.memory_space<vmem>> -> memref<2x128xi32, #tpu.memory_space<vmem>>
    %dma_wait3A_207 = arith.constant 0 : i32
    %dma_wait3A_208 = arith.constant 0 : i32
    %dma_wait3A_209 = tpu.memref_slice %arg3[%add3A_201, %dma_wait3A_207, %dma_wait3A_208] : memref<2568x2x128xi32, #tpu.memory_space<hbm>> -> memref<1x2x128xi32, #tpu.memory_space<hbm>>
    %dma_wait3A_210 = tpu.memref_squeeze %dma_wait3A_209 : memref<1x2x128xi32, #tpu.memory_space<hbm>> -> memref<2x128xi32, #tpu.memory_space<hbm>>
    %dma_wait3A_211 = arith.constant 0 : i32
    %dma_wait3A_212 = arith.constant 0 : i32
    %dma_wait3A_213 = tpu.memref_slice %arg5[%dma_wait3A_202, %dma_wait3A_211, %dma_wait3A_212] : memref<8x2x128xi32, #tpu.memory_space<vmem>> -> memref<1x2x128xi32, #tpu.memory_space<vmem>>
    %dma_wait3A_214 = tpu.memref_squeeze %dma_wait3A_213 : memref<1x2x128xi32, #tpu.memory_space<vmem>> -> memref<2x128xi32, #tpu.memory_space<vmem>>
    %dma_wait3A_215 = arith.constant 0 : i32
    %dma_wait3A_216 = arith.constant 0 : i32
    %dma_wait3A_217 = tpu.memref_slice %arg3[%add3A_201, %dma_wait3A_215, %dma_wait3A_216] : memref<2568x2x128xi32, #tpu.memory_space<hbm>> -> memref<1x2x128xi32, #tpu.memory_space<hbm>>
    %dma_wait3A_218 = tpu.memref_squeeze %dma_wait3A_217 : memref<1x2x128xi32, #tpu.memory_space<hbm>> -> memref<2x128xi32, #tpu.memory_space<hbm>>
    tpu.wait_dma2 semaphore(%arg9 : memref<!tpu.dma_semaphore, #tpu.memory_space<semaphore_mem>>) src(%dma_wait3A_218 : memref<2x128xi32, #tpu.memory_space<hbm>>) dst(%dma_wait3A_214 : memref<2x128xi32, #tpu.memory_space<vmem>>)
    %add3A_219 = arith.constant 82 : i32
    %add3A_220 = arith.addi %mul3A_2, %add3A_219 : i32
    %dma_wait3A_221 = arith.constant 2 : i32
    %dma_wait3A_222 = arith.constant 0 : i32
    %dma_wait3A_223 = arith.constant 0 : i32
    %dma_wait3A_224 = tpu.memref_slice %arg5[%dma_wait3A_221, %dma_wait3A_222, %dma_wait3A_223] : memref<8x2x128xi32, #tpu.memory_space<vmem>> -> memref<1x2x128xi32, #tpu.memory_space<vmem>>
    %dma_wait3A_225 = tpu.memref_squeeze %dma_wait3A_224 : memref<1x2x128xi32, #tpu.memory_space<vmem>> -> memref<2x128xi32, #tpu.memory_space<vmem>>
    %dma_wait3A_226 = arith.constant 0 : i32
    %dma_wait3A_227 = arith.constant 0 : i32
    %dma_wait3A_228 = tpu.memref_slice %arg3[%add3A_220, %dma_wait3A_226, %dma_wait3A_227] : memref<2568x2x128xi32, #tpu.memory_space<hbm>> -> memref<1x2x128xi32, #tpu.memory_space<hbm>>
    %dma_wait3A_229 = tpu.memref_squeeze %dma_wait3A_228 : memref<1x2x128xi32, #tpu.memory_space<hbm>> -> memref<2x128xi32, #tpu.memory_space<hbm>>
    %dma_wait3A_230 = arith.constant 0 : i32
    %dma_wait3A_231 = arith.constant 0 : i32
    %dma_wait3A_232 = tpu.memref_slice %arg5[%dma_wait3A_221, %dma_wait3A_230, %dma_wait3A_231] : memref<8x2x128xi32, #tpu.memory_space<vmem>> -> memref<1x2x128xi32, #tpu.memory_space<vmem>>
    %dma_wait3A_233 = tpu.memref_squeeze %dma_wait3A_232 : memref<1x2x128xi32, #tpu.memory_space<vmem>> -> memref<2x128xi32, #tpu.memory_space<vmem>>
    %dma_wait3A_234 = arith.constant 0 : i32
    %dma_wait3A_235 = arith.constant 0 : i32
    %dma_wait3A_236 = tpu.memref_slice %arg3[%add3A_220, %dma_wait3A_234, %dma_wait3A_235] : memref<2568x2x128xi32, #tpu.memory_space<hbm>> -> memref<1x2x128xi32, #tpu.memory_space<hbm>>
    %dma_wait3A_237 = tpu.memref_squeeze %dma_wait3A_236 : memref<1x2x128xi32, #tpu.memory_space<hbm>> -> memref<2x128xi32, #tpu.memory_space<hbm>>
    tpu.wait_dma2 semaphore(%arg10 : memref<!tpu.dma_semaphore, #tpu.memory_space<semaphore_mem>>) src(%dma_wait3A_237 : memref<2x128xi32, #tpu.memory_space<hbm>>) dst(%dma_wait3A_233 : memref<2x128xi32, #tpu.memory_space<vmem>>)
    %add3A_238 = arith.constant 83 : i32
    %add3A_239 = arith.addi %mul3A_2, %add3A_238 : i32
    %dma_wait3A_240 = arith.constant 3 : i32
    %dma_wait3A_241 = arith.constant 0 : i32
    %dma_wait3A_242 = arith.constant 0 : i32
    %dma_wait3A_243 = tpu.memref_slice %arg5[%dma_wait3A_240, %dma_wait3A_241, %dma_wait3A_242] : memref<8x2x128xi32, #tpu.memory_space<vmem>> -> memref<1x2x128xi32, #tpu.memory_space<vmem>>
    %dma_wait3A_244 = tpu.memref_squeeze %dma_wait3A_243 : memref<1x2x128xi32, #tpu.memory_space<vmem>> -> memref<2x128xi32, #tpu.memory_space<vmem>>
    %dma_wait3A_245 = arith.constant 0 : i32
    %dma_wait3A_246 = arith.constant 0 : i32
    %dma_wait3A_247 = tpu.memref_slice %arg3[%add3A_239, %dma_wait3A_245, %dma_wait3A_246] : memref<2568x2x128xi32, #tpu.memory_space<hbm>> -> memref<1x2x128xi32, #tpu.memory_space<hbm>>
    %dma_wait3A_248 = tpu.memref_squeeze %dma_wait3A_247 : memref<1x2x128xi32, #tpu.memory_space<hbm>> -> memref<2x128xi32, #tpu.memory_space<hbm>>
    %dma_wait3A_249 = arith.constant 0 : i32
    %dma_wait3A_250 = arith.constant 0 : i32
    %dma_wait3A_251 = tpu.memref_slice %arg5[%dma_wait3A_240, %dma_wait3A_249, %dma_wait3A_250] : memref<8x2x128xi32, #tpu.memory_space<vmem>> -> memref<1x2x128xi32, #tpu.memory_space<vmem>>
    %dma_wait3A_252 = tpu.memref_squeeze %dma_wait3A_251 : memref<1x2x128xi32, #tpu.memory_space<vmem>> -> memref<2x128xi32, #tpu.memory_space<vmem>>
    %dma_wait3A_253 = arith.constant 0 : i32
    %dma_wait3A_254 = arith.constant 0 : i32
    %dma_wait3A_255 = tpu.memref_slice %arg3[%add3A_239, %dma_wait3A_253, %dma_wait3A_254] : memref<2568x2x128xi32, #tpu.memory_space<hbm>> -> memref<1x2x128xi32, #tpu.memory_space<hbm>>
    %dma_wait3A_256 = tpu.memref_squeeze %dma_wait3A_255 : memref<1x2x128xi32, #tpu.memory_space<hbm>> -> memref<2x128xi32, #tpu.memory_space<hbm>>
    tpu.wait_dma2 semaphore(%arg11 : memref<!tpu.dma_semaphore, #tpu.memory_space<semaphore_mem>>) src(%dma_wait3A_256 : memref<2x128xi32, #tpu.memory_space<hbm>>) dst(%dma_wait3A_252 : memref<2x128xi32, #tpu.memory_space<vmem>>)
    %add3A_257 = arith.constant 84 : i32
    %add3A_258 = arith.addi %mul3A_2, %add3A_257 : i32
    %dma_wait3A_259 = arith.constant 4 : i32
    %dma_wait3A_260 = arith.constant 0 : i32
    %dma_wait3A_261 = arith.constant 0 : i32
    %dma_wait3A_262 = tpu.memref_slice %arg5[%dma_wait3A_259, %dma_wait3A_260, %dma_wait3A_261] : memref<8x2x128xi32, #tpu.memory_space<vmem>> -> memref<1x2x128xi32, #tpu.memory_space<vmem>>
    %dma_wait3A_263 = tpu.memref_squeeze %dma_wait3A_262 : memref<1x2x128xi32, #tpu.memory_space<vmem>> -> memref<2x128xi32, #tpu.memory_space<vmem>>
    %dma_wait3A_264 = arith.constant 0 : i32
    %dma_wait3A_265 = arith.constant 0 : i32
    %dma_wait3A_266 = tpu.memref_slice %arg3[%add3A_258, %dma_wait3A_264, %dma_wait3A_265] : memref<2568x2x128xi32, #tpu.memory_space<hbm>> -> memref<1x2x128xi32, #tpu.memory_space<hbm>>
    %dma_wait3A_267 = tpu.memref_squeeze %dma_wait3A_266 : memref<1x2x128xi32, #tpu.memory_space<hbm>> -> memref<2x128xi32, #tpu.memory_space<hbm>>
    %dma_wait3A_268 = arith.constant 0 : i32
    %dma_wait3A_269 = arith.constant 0 : i32
    %dma_wait3A_270 = tpu.memref_slice %arg5[%dma_wait3A_259, %dma_wait3A_268, %dma_wait3A_269] : memref<8x2x128xi32, #tpu.memory_space<vmem>> -> memref<1x2x128xi32, #tpu.memory_space<vmem>>
    %dma_wait3A_271 = tpu.memref_squeeze %dma_wait3A_270 : memref<1x2x128xi32, #tpu.memory_space<vmem>> -> memref<2x128xi32, #tpu.memory_space<vmem>>
    %dma_wait3A_272 = arith.constant 0 : i32
    %dma_wait3A_273 = arith.constant 0 : i32
    %dma_wait3A_274 = tpu.memref_slice %arg3[%add3A_258, %dma_wait3A_272, %dma_wait3A_273] : memref<2568x2x128xi32, #tpu.memory_space<hbm>> -> memref<1x2x128xi32, #tpu.memory_space<hbm>>
    %dma_wait3A_275 = tpu.memref_squeeze %dma_wait3A_274 : memref<1x2x128xi32, #tpu.memory_space<hbm>> -> memref<2x128xi32, #tpu.memory_space<hbm>>
    tpu.wait_dma2 semaphore(%arg12 : memref<!tpu.dma_semaphore, #tpu.memory_space<semaphore_mem>>) src(%dma_wait3A_275 : memref<2x128xi32, #tpu.memory_space<hbm>>) dst(%dma_wait3A_271 : memref<2x128xi32, #tpu.memory_space<vmem>>)
    %add3A_276 = arith.constant 85 : i32
    %add3A_277 = arith.addi %mul3A_2, %add3A_276 : i32
    %dma_wait3A_278 = arith.constant 5 : i32
    %dma_wait3A_279 = arith.constant 0 : i32
    %dma_wait3A_280 = arith.constant 0 : i32
    %dma_wait3A_281 = tpu.memref_slice %arg5[%dma_wait3A_278, %dma_wait3A_279, %dma_wait3A_280] : memref<8x2x128xi32, #tpu.memory_space<vmem>> -> memref<1x2x128xi32, #tpu.memory_space<vmem>>
    %dma_wait3A_282 = tpu.memref_squeeze %dma_wait3A_281 : memref<1x2x128xi32, #tpu.memory_space<vmem>> -> memref<2x128xi32, #tpu.memory_space<vmem>>
    %dma_wait3A_283 = arith.constant 0 : i32
    %dma_wait3A_284 = arith.constant 0 : i32
    %dma_wait3A_285 = tpu.memref_slice %arg3[%add3A_277, %dma_wait3A_283, %dma_wait3A_284] : memref<2568x2x128xi32, #tpu.memory_space<hbm>> -> memref<1x2x128xi32, #tpu.memory_space<hbm>>
    %dma_wait3A_286 = tpu.memref_squeeze %dma_wait3A_285 : memref<1x2x128xi32, #tpu.memory_space<hbm>> -> memref<2x128xi32, #tpu.memory_space<hbm>>
    %dma_wait3A_287 = arith.constant 0 : i32
    %dma_wait3A_288 = arith.constant 0 : i32
    %dma_wait3A_289 = tpu.memref_slice %arg5[%dma_wait3A_278, %dma_wait3A_287, %dma_wait3A_288] : memref<8x2x128xi32, #tpu.memory_space<vmem>> -> memref<1x2x128xi32, #tpu.memory_space<vmem>>
    %dma_wait3A_290 = tpu.memref_squeeze %dma_wait3A_289 : memref<1x2x128xi32, #tpu.memory_space<vmem>> -> memref<2x128xi32, #tpu.memory_space<vmem>>
    %dma_wait3A_291 = arith.constant 0 : i32
    %dma_wait3A_292 = arith.constant 0 : i32
    %dma_wait3A_293 = tpu.memref_slice %arg3[%add3A_277, %dma_wait3A_291, %dma_wait3A_292] : memref<2568x2x128xi32, #tpu.memory_space<hbm>> -> memref<1x2x128xi32, #tpu.memory_space<hbm>>
    %dma_wait3A_294 = tpu.memref_squeeze %dma_wait3A_293 : memref<1x2x128xi32, #tpu.memory_space<hbm>> -> memref<2x128xi32, #tpu.memory_space<hbm>>
    tpu.wait_dma2 semaphore(%arg13 : memref<!tpu.dma_semaphore, #tpu.memory_space<semaphore_mem>>) src(%dma_wait3A_294 : memref<2x128xi32, #tpu.memory_space<hbm>>) dst(%dma_wait3A_290 : memref<2x128xi32, #tpu.memory_space<vmem>>)
    %add3A_295 = arith.constant 86 : i32
    %add3A_296 = arith.addi %mul3A_2, %add3A_295 : i32
    %dma_wait3A_297 = arith.constant 6 : i32
    %dma_wait3A_298 = arith.constant 0 : i32
    %dma_wait3A_299 = arith.constant 0 : i32
    %dma_wait3A_300 = tpu.memref_slice %arg5[%dma_wait3A_297, %dma_wait3A_298, %dma_wait3A_299] : memref<8x2x128xi32, #tpu.memory_space<vmem>> -> memref<1x2x128xi32, #tpu.memory_space<vmem>>
    %dma_wait3A_301 = tpu.memref_squeeze %dma_wait3A_300 : memref<1x2x128xi32, #tpu.memory_space<vmem>> -> memref<2x128xi32, #tpu.memory_space<vmem>>
    %dma_wait3A_302 = arith.constant 0 : i32
    %dma_wait3A_303 = arith.constant 0 : i32
    %dma_wait3A_304 = tpu.memref_slice %arg3[%add3A_296, %dma_wait3A_302, %dma_wait3A_303] : memref<2568x2x128xi32, #tpu.memory_space<hbm>> -> memref<1x2x128xi32, #tpu.memory_space<hbm>>
    %dma_wait3A_305 = tpu.memref_squeeze %dma_wait3A_304 : memref<1x2x128xi32, #tpu.memory_space<hbm>> -> memref<2x128xi32, #tpu.memory_space<hbm>>
    %dma_wait3A_306 = arith.constant 0 : i32
    %dma_wait3A_307 = arith.constant 0 : i32
    %dma_wait3A_308 = tpu.memref_slice %arg5[%dma_wait3A_297, %dma_wait3A_306, %dma_wait3A_307] : memref<8x2x128xi32, #tpu.memory_space<vmem>> -> memref<1x2x128xi32, #tpu.memory_space<vmem>>
    %dma_wait3A_309 = tpu.memref_squeeze %dma_wait3A_308 : memref<1x2x128xi32, #tpu.memory_space<vmem>> -> memref<2x128xi32, #tpu.memory_space<vmem>>
    %dma_wait3A_310 = arith.constant 0 : i32
    %dma_wait3A_311 = arith.constant 0 : i32
    %dma_wait3A_312 = tpu.memref_slice %arg3[%add3A_296, %dma_wait3A_310, %dma_wait3A_311] : memref<2568x2x128xi32, #tpu.memory_space<hbm>> -> memref<1x2x128xi32, #tpu.memory_space<hbm>>
    %dma_wait3A_313 = tpu.memref_squeeze %dma_wait3A_312 : memref<1x2x128xi32, #tpu.memory_space<hbm>> -> memref<2x128xi32, #tpu.memory_space<hbm>>
    tpu.wait_dma2 semaphore(%arg14 : memref<!tpu.dma_semaphore, #tpu.memory_space<semaphore_mem>>) src(%dma_wait3A_313 : memref<2x128xi32, #tpu.memory_space<hbm>>) dst(%dma_wait3A_309 : memref<2x128xi32, #tpu.memory_space<vmem>>)
    %barrier3A_314 = arith.constant 0 : index
    tpu.barrier barrier_id(%barrier3A_314)
    "tpu.region"() ({
      %run_scoped3A_320 = tpu.sem_alloc : memref<!tpu.dma_semaphore, #tpu.memory_space<semaphore_mem>>
      %dma_start3A_321 = arith.constant 0 : i32
      %dma_start3A_322 = tpu.memref_slice %arg4[%arg0, %mul3A_10, %dma_start3A_321] : memref<2x10000x128xf32, #tpu.memory_space<hbm>> -> memref<1x624x128xf32, #tpu.memory_space<hbm>>
      %dma_start3A_323 = tpu.memref_squeeze %dma_start3A_322 : memref<1x624x128xf32, #tpu.memory_space<hbm>> -> memref<624x128xf32, #tpu.memory_space<hbm>>
      %dma_start3A_324 = arith.constant 0 : i32
      %dma_start3A_325 = tpu.memref_slice %arg7[%mul3A_10, %dma_start3A_324] : memref<10008x128xf32, #tpu.memory_space<vmem_shared>> -> memref<624x128xf32, #tpu.memory_space<vmem_shared>>
      tpu.enqueue_dma source(%dma_start3A_325 : memref<624x128xf32, #tpu.memory_space<vmem_shared>>) target(%dma_start3A_323 : memref<624x128xf32, #tpu.memory_space<hbm>>) target_semaphore(%run_scoped3A_320 : memref<!tpu.dma_semaphore, #tpu.memory_space<semaphore_mem>>)
      %dma_wait3A_326 = arith.constant 0 : i32
      %dma_wait3A_327 = tpu.memref_slice %arg4[%arg0, %mul3A_10, %dma_wait3A_326] : memref<2x10000x128xf32, #tpu.memory_space<hbm>> -> memref<1x624x128xf32, #tpu.memory_space<hbm>>
      %dma_wait3A_328 = tpu.memref_squeeze %dma_wait3A_327 : memref<1x624x128xf32, #tpu.memory_space<hbm>> -> memref<624x128xf32, #tpu.memory_space<hbm>>
      %dma_wait3A_329 = arith.constant 0 : i32
      %dma_wait3A_330 = tpu.memref_slice %arg7[%mul3A_10, %dma_wait3A_329] : memref<10008x128xf32, #tpu.memory_space<vmem_shared>> -> memref<624x128xf32, #tpu.memory_space<vmem_shared>>
      tpu.wait_dma2 semaphore(%run_scoped3A_320 : memref<!tpu.dma_semaphore, #tpu.memory_space<semaphore_mem>>) src(%dma_wait3A_330 : memref<624x128xf32, #tpu.memory_space<vmem_shared>>) dst(%dma_wait3A_328 : memref<624x128xf32, #tpu.memory_space<hbm>>)
      tpu.yield
    }) : () -> ()
    %eq3A_315 = arith.constant 15 : i32
    %eq3A_316 = arith.cmpi eq, %arg1, %eq3A_315 : i32
    %convert_element_type3A_317 = arith.extui %eq3A_316 : i1 to i32
    %cond3A_318 = arith.constant 0 : i32
    %cond3A_319 = arith.cmpi ne, %convert_element_type3A_317, %cond3A_318 : i32
    scf.if %cond3A_319 {
      "tpu.region"() ({
        %run_scoped3A_320 = tpu.sem_alloc : memref<!tpu.dma_semaphore, #tpu.memory_space<semaphore_mem>>
        %dma_start3A_321 = arith.constant 9984 : i32
        %dma_start3A_322 = arith.constant 0 : i32
        %dma_start3A_323 = tpu.memref_slice %arg4[%arg0, %dma_start3A_321, %dma_start3A_322] : memref<2x10000x128xf32, #tpu.memory_space<hbm>> -> memref<1x16x128xf32, #tpu.memory_space<hbm>>
        %dma_start3A_324 = tpu.memref_squeeze %dma_start3A_323 : memref<1x16x128xf32, #tpu.memory_space<hbm>> -> memref<16x128xf32, #tpu.memory_space<hbm>>
        %dma_start3A_325 = arith.constant 9984 : i32
        %dma_start3A_326 = arith.constant 0 : i32
        %dma_start3A_327 = tpu.memref_slice %arg7[%dma_start3A_325, %dma_start3A_326] : memref<10008x128xf32, #tpu.memory_space<vmem_shared>> -> memref<16x128xf32, #tpu.memory_space<vmem_shared>>
        tpu.enqueue_dma source(%dma_start3A_327 : memref<16x128xf32, #tpu.memory_space<vmem_shared>>) target(%dma_start3A_324 : memref<16x128xf32, #tpu.memory_space<hbm>>) target_semaphore(%run_scoped3A_320 : memref<!tpu.dma_semaphore, #tpu.memory_space<semaphore_mem>>)
        %dma_wait3A_328 = arith.constant 9984 : i32
        %dma_wait3A_329 = arith.constant 0 : i32
        %dma_wait3A_330 = tpu.memref_slice %arg4[%arg0, %dma_wait3A_328, %dma_wait3A_329] : memref<2x10000x128xf32, #tpu.memory_space<hbm>> -> memref<1x16x128xf32, #tpu.memory_space<hbm>>
        %dma_wait3A_331 = tpu.memref_squeeze %dma_wait3A_330 : memref<1x16x128xf32, #tpu.memory_space<hbm>> -> memref<16x128xf32, #tpu.memory_space<hbm>>
        %dma_wait3A_332 = arith.constant 9984 : i32
        %dma_wait3A_333 = arith.constant 0 : i32
        %dma_wait3A_334 = tpu.memref_slice %arg7[%dma_wait3A_332, %dma_wait3A_333] : memref<10008x128xf32, #tpu.memory_space<vmem_shared>> -> memref<16x128xf32, #tpu.memory_space<vmem_shared>>
        tpu.wait_dma2 semaphore(%run_scoped3A_320 : memref<!tpu.dma_semaphore, #tpu.memory_space<semaphore_mem>>) src(%dma_wait3A_334 : memref<16x128xf32, #tpu.memory_space<vmem_shared>>) dst(%dma_wait3A_331 : memref<16x128xf32, #tpu.memory_space<hbm>>)
        tpu.yield
      }) : () -> ()
    } else {
    }
    return
  }
}

module attributes {stable_mosaic.version = 14 : i64} {
  func.func @_tc1_body(%arg0: memref<2x10000x128xf32, #tpu.memory_space<vmem>>, %arg1: memref<10000x128xf32, #tpu.memory_space<vmem>>, %arg2: memref<128x128xf32, #tpu.memory_space<vmem>>, %arg3: memref<1x128xf32, #tpu.memory_space<vmem>>, %arg4: memref<128x128xf32, #tpu.memory_space<vmem>>, %arg5: memref<1x128xf32, #tpu.memory_space<vmem>>, %arg6: memref<1x128xf32, #tpu.memory_space<vmem>>, %arg7: memref<32x128xf32, #tpu.memory_space<vmem>>, %arg8: memref<32x128xf32, #tpu.memory_space<vmem>>, %arg9: memref<10000x32xf32, #tpu.memory_space<vmem>>, %arg10: memref<10000x32xf32, #tpu.memory_space<vmem>>) attributes {dimension_semantics = [], scalar_prefetch = 0 : i64, scratch_operands = 0 : i64, tpu.core_type = #tpu.core_type<tc>} {
    %get3A = arith.constant 0 : index
    %get3A_0 = arith.constant 0 : index
    %get3A_1 = arith.constant 0 : index
    %get3A_2 = vector.load %arg0[%get3A, %get3A_0, %get3A_1] : memref<2x10000x128xf32, #tpu.memory_space<vmem>>, vector<1x10000x128xf32>
    %get3A_3 = vector.shape_cast %get3A_2 : vector<1x10000x128xf32> to vector<10000x128xf32>
    %get3A_4 = arith.constant 1 : index
    %get3A_5 = arith.constant 0 : index
    %get3A_6 = arith.constant 0 : index
    %get3A_7 = vector.load %arg0[%get3A_4, %get3A_5, %get3A_6] : memref<2x10000x128xf32, #tpu.memory_space<vmem>>, vector<1x10000x128xf32>
    %get3A_8 = vector.shape_cast %get3A_7 : vector<1x10000x128xf32> to vector<10000x128xf32>
    %add3A = arith.addf %get3A_3, %get3A_8 : vector<10000x128xf32>
    %get3A_9 = arith.constant 0 : index
    %get3A_10 = arith.constant 0 : index
    %get3A_11 = vector.load %arg2[%get3A_9, %get3A_10] : memref<128x128xf32, #tpu.memory_space<vmem>>, vector<128x128xf32>
    %dot_general3A = arith.constant dense<0.000000e+00> : vector<10000x128xf32>
    %dot_general3A_12 = tpu.matmul %add3A, %get3A_11, %dot_general3A {dimension_numbers = #tpu.dot_dimension_numbers<[1], [1], [0], [0], [0, 0, 1, 0], [], []>, transpose_lhs_hint = false} : vector<10000x128xf32>, vector<128x128xf32>, vector<10000x128xf32> -> vector<10000x128xf32>
    %get3A_13 = arith.constant 0 : index
    %get3A_14 = arith.constant 0 : index
    %get3A_15 = vector.load %arg1[%get3A_13, %get3A_14] : memref<10000x128xf32, #tpu.memory_space<vmem>>, vector<10000x128xf32>
    %get3A_16 = arith.constant 0 : index
    %get3A_17 = arith.constant 0 : index
    %get3A_18 = vector.load %arg4[%get3A_16, %get3A_17] : memref<128x128xf32, #tpu.memory_space<vmem>>, vector<128x128xf32>
    %dot_general3A_19 = arith.constant dense<0.000000e+00> : vector<10000x128xf32>
    %dot_general3A_20 = tpu.matmul %get3A_15, %get3A_18, %dot_general3A_19 {dimension_numbers = #tpu.dot_dimension_numbers<[1], [1], [0], [0], [0, 0, 1, 0], [], []>, transpose_lhs_hint = false} : vector<10000x128xf32>, vector<128x128xf32>, vector<10000x128xf32> -> vector<10000x128xf32>
    %add3A_21 = arith.addf %dot_general3A_12, %dot_general3A_20 : vector<10000x128xf32>
    %get3A_22 = arith.constant 0 : index
    %get3A_23 = arith.constant 0 : index
    %get3A_24 = vector.load %arg3[%get3A_22, %get3A_23] : memref<1x128xf32, #tpu.memory_space<vmem>>, vector<1x128xf32>
    %add3A_25 = vector.broadcast %get3A_24 : vector<1x128xf32> to vector<10000x128xf32>
    %add3A_26 = arith.addf %add3A_21, %add3A_25 : vector<10000x128xf32>
    %reduce_sum3A = arith.constant dense<0.000000e+00> : vector<128xf32>
    %reduce_sum3A_27 = vector.multi_reduction <add>, %add3A_26, %reduce_sum3A [0] : vector<10000x128xf32> to vector<128xf32>
    %broadcast_in_dim3A = vector.shape_cast %reduce_sum3A_27 : vector<128xf32> to vector<1x128xf32>
    %div3A = arith.constant 1.000000e+04 : f32
    %div3A_28 = vector.broadcast %div3A : f32 to vector<1x128xf32>
    %div3A_29 = arith.divf %broadcast_in_dim3A, %div3A_28 : vector<1x128xf32>
    %sub3A = vector.broadcast %div3A_29 : vector<1x128xf32> to vector<10000x128xf32>
    %sub3A_30 = arith.subf %add3A_26, %sub3A : vector<10000x128xf32>
    %mul3A = arith.mulf %sub3A_30, %sub3A_30 : vector<10000x128xf32>
    %reduce_sum3A_31 = arith.constant dense<0.000000e+00> : vector<128xf32>
    %reduce_sum3A_32 = vector.multi_reduction <add>, %mul3A, %reduce_sum3A_31 [0] : vector<10000x128xf32> to vector<128xf32>
    %broadcast_in_dim3A_33 = vector.shape_cast %reduce_sum3A_32 : vector<128xf32> to vector<1x128xf32>
    %div3A_34 = arith.constant 1.000000e+04 : f32
    %div3A_35 = vector.broadcast %div3A_34 : f32 to vector<1x128xf32>
    %div3A_36 = arith.divf %broadcast_in_dim3A_33, %div3A_35 : vector<1x128xf32>
    %add3A_37 = arith.constant 9.99999974E-6 : f32
    %add3A_38 = vector.broadcast %add3A_37 : f32 to vector<1x128xf32>
    %add3A_39 = arith.addf %div3A_36, %add3A_38 : vector<1x128xf32>
    %rsqrt3A = math.rsqrt %add3A_39 : vector<1x128xf32>
    %mul3A_40 = vector.broadcast %rsqrt3A : vector<1x128xf32> to vector<10000x128xf32>
    %mul3A_41 = arith.mulf %sub3A_30, %mul3A_40 : vector<10000x128xf32>
    %get3A_42 = arith.constant 0 : index
    %get3A_43 = arith.constant 0 : index
    %get3A_44 = vector.load %arg5[%get3A_42, %get3A_43] : memref<1x128xf32, #tpu.memory_space<vmem>>, vector<1x128xf32>
    %mul3A_45 = vector.broadcast %get3A_44 : vector<1x128xf32> to vector<10000x128xf32>
    %mul3A_46 = arith.mulf %mul3A_41, %mul3A_45 : vector<10000x128xf32>
    %get3A_47 = arith.constant 0 : index
    %get3A_48 = arith.constant 0 : index
    %get3A_49 = vector.load %arg6[%get3A_47, %get3A_48] : memref<1x128xf32, #tpu.memory_space<vmem>>, vector<1x128xf32>
    %add3A_50 = vector.broadcast %get3A_49 : vector<1x128xf32> to vector<10000x128xf32>
    %add3A_51 = arith.addf %mul3A_46, %add3A_50 : vector<10000x128xf32>
    %max3A = arith.constant 0.000000e+00 : f32
    %max3A_52 = vector.broadcast %max3A : f32 to vector<10000x128xf32>
    %max3A_53 = arith.maximumf %add3A_51, %max3A_52 : vector<10000x128xf32>
    %get3A_54 = arith.constant 0 : index
    %get3A_55 = arith.constant 0 : index
    %get3A_56 = vector.load %arg7[%get3A_54, %get3A_55] : memref<32x128xf32, #tpu.memory_space<vmem>>, vector<32x128xf32>
    %dot_general3A_57 = arith.constant dense<0.000000e+00> : vector<10000x32xf32>
    %dot_general3A_58 = tpu.matmul %max3A_53, %get3A_56, %dot_general3A_57 {dimension_numbers = #tpu.dot_dimension_numbers<[1], [1], [0], [0], [0, 0, 1, 0], [], []>, transpose_lhs_hint = false} : vector<10000x128xf32>, vector<32x128xf32>, vector<10000x32xf32> -> vector<10000x32xf32>
    %swap3A = arith.constant 0 : index
    %swap3A_59 = arith.constant 0 : index
    %swap3A_60 = vector.load %arg9[%swap3A, %swap3A_59] : memref<10000x32xf32, #tpu.memory_space<vmem>>, vector<10000x32xf32>
    tpu.vector_store %arg9[%swap3A, %swap3A_59], %dot_general3A_58 {strides = array<i32>} : memref<10000x32xf32, #tpu.memory_space<vmem>>, vector<10000x32xf32>,
    %get3A_61 = arith.constant 0 : index
    %get3A_62 = arith.constant 0 : index
    %get3A_63 = vector.load %arg8[%get3A_61, %get3A_62] : memref<32x128xf32, #tpu.memory_space<vmem>>, vector<32x128xf32>
    %dot_general3A_64 = arith.constant dense<0.000000e+00> : vector<10000x32xf32>
    %dot_general3A_65 = tpu.matmul %max3A_53, %get3A_63, %dot_general3A_64 {dimension_numbers = #tpu.dot_dimension_numbers<[1], [1], [0], [0], [0, 0, 1, 0], [], []>, transpose_lhs_hint = false} : vector<10000x128xf32>, vector<32x128xf32>, vector<10000x32xf32> -> vector<10000x32xf32>
    %swap3A_66 = arith.constant 0 : index
    %swap3A_67 = arith.constant 0 : index
    %swap3A_68 = vector.load %arg10[%swap3A_66, %swap3A_67] : memref<10000x32xf32, #tpu.memory_space<vmem>>, vector<10000x32xf32>
    tpu.vector_store %arg10[%swap3A_66, %swap3A_67], %dot_general3A_65 {strides = array<i32>} : memref<10000x32xf32, #tpu.memory_space<vmem>>, vector<10000x32xf32>,
    return
  }
}

module attributes {stable_mosaic.version = 14 : i64} {
  func.func @_tc2_body(%arg0: memref<2x10000x32xf32, #tpu.memory_space<vmem>>, %arg1: memref<10000x32xf32, #tpu.memory_space<vmem>>, %arg2: memref<1x32xf32, #tpu.memory_space<vmem>>, %arg3: memref<1x32xf32, #tpu.memory_space<vmem>>, %arg4: memref<1x32xf32, #tpu.memory_space<vmem>>, %arg5: memref<10000x32xf32, #tpu.memory_space<vmem>>) attributes {dimension_semantics = [], scalar_prefetch = 0 : i64, scratch_operands = 0 : i64, tpu.core_type = #tpu.core_type<tc>} {
    %get3A = arith.constant 0 : index
    %get3A_0 = arith.constant 0 : index
    %get3A_1 = arith.constant 0 : index
    %get3A_2 = vector.load %arg0[%get3A, %get3A_0, %get3A_1] : memref<2x10000x32xf32, #tpu.memory_space<vmem>>, vector<1x10000x32xf32>
    %get3A_3 = vector.shape_cast %get3A_2 : vector<1x10000x32xf32> to vector<10000x32xf32>
    %get3A_4 = arith.constant 1 : index
    %get3A_5 = arith.constant 0 : index
    %get3A_6 = arith.constant 0 : index
    %get3A_7 = vector.load %arg0[%get3A_4, %get3A_5, %get3A_6] : memref<2x10000x32xf32, #tpu.memory_space<vmem>>, vector<1x10000x32xf32>
    %get3A_8 = vector.shape_cast %get3A_7 : vector<1x10000x32xf32> to vector<10000x32xf32>
    %add3A = arith.addf %get3A_3, %get3A_8 : vector<10000x32xf32>
    %get3A_9 = arith.constant 0 : index
    %get3A_10 = arith.constant 0 : index
    %get3A_11 = vector.load %arg1[%get3A_9, %get3A_10] : memref<10000x32xf32, #tpu.memory_space<vmem>>, vector<10000x32xf32>
    %add3A_12 = arith.addf %add3A, %get3A_11 : vector<10000x32xf32>
    %get3A_13 = arith.constant 0 : index
    %get3A_14 = arith.constant 0 : index
    %get3A_15 = vector.load %arg2[%get3A_13, %get3A_14] : memref<1x32xf32, #tpu.memory_space<vmem>>, vector<1x32xf32>
    %add3A_16 = vector.broadcast %get3A_15 : vector<1x32xf32> to vector<10000x32xf32>
    %add3A_17 = arith.addf %add3A_12, %add3A_16 : vector<10000x32xf32>
    %reduce_sum3A = arith.constant dense<0.000000e+00> : vector<32xf32>
    %reduce_sum3A_18 = vector.multi_reduction <add>, %add3A_17, %reduce_sum3A [0] : vector<10000x32xf32> to vector<32xf32>
    %broadcast_in_dim3A = vector.shape_cast %reduce_sum3A_18 : vector<32xf32> to vector<1x32xf32>
    %div3A = arith.constant 1.000000e+04 : f32
    %div3A_19 = vector.broadcast %div3A : f32 to vector<1x32xf32>
    %div3A_20 = arith.divf %broadcast_in_dim3A, %div3A_19 : vector<1x32xf32>
    %sub3A = vector.broadcast %div3A_20 : vector<1x32xf32> to vector<10000x32xf32>
    %sub3A_21 = arith.subf %add3A_17, %sub3A : vector<10000x32xf32>
    %mul3A = arith.mulf %sub3A_21, %sub3A_21 : vector<10000x32xf32>
    %reduce_sum3A_22 = arith.constant dense<0.000000e+00> : vector<32xf32>
    %reduce_sum3A_23 = vector.multi_reduction <add>, %mul3A, %reduce_sum3A_22 [0] : vector<10000x32xf32> to vector<32xf32>
    %broadcast_in_dim3A_24 = vector.shape_cast %reduce_sum3A_23 : vector<32xf32> to vector<1x32xf32>
    %div3A_25 = arith.constant 1.000000e+04 : f32
    %div3A_26 = vector.broadcast %div3A_25 : f32 to vector<1x32xf32>
    %div3A_27 = arith.divf %broadcast_in_dim3A_24, %div3A_26 : vector<1x32xf32>
    %add3A_28 = arith.constant 9.99999974E-6 : f32
    %add3A_29 = vector.broadcast %add3A_28 : f32 to vector<1x32xf32>
    %add3A_30 = arith.addf %div3A_27, %add3A_29 : vector<1x32xf32>
    %rsqrt3A = math.rsqrt %add3A_30 : vector<1x32xf32>
    %mul3A_31 = vector.broadcast %rsqrt3A : vector<1x32xf32> to vector<10000x32xf32>
    %mul3A_32 = arith.mulf %sub3A_21, %mul3A_31 : vector<10000x32xf32>
    %get3A_33 = arith.constant 0 : index
    %get3A_34 = arith.constant 0 : index
    %get3A_35 = vector.load %arg3[%get3A_33, %get3A_34] : memref<1x32xf32, #tpu.memory_space<vmem>>, vector<1x32xf32>
    %mul3A_36 = vector.broadcast %get3A_35 : vector<1x32xf32> to vector<10000x32xf32>
    %mul3A_37 = arith.mulf %mul3A_32, %mul3A_36 : vector<10000x32xf32>
    %get3A_38 = arith.constant 0 : index
    %get3A_39 = arith.constant 0 : index
    %get3A_40 = vector.load %arg4[%get3A_38, %get3A_39] : memref<1x32xf32, #tpu.memory_space<vmem>>, vector<1x32xf32>
    %add3A_41 = vector.broadcast %get3A_40 : vector<1x32xf32> to vector<10000x32xf32>
    %add3A_42 = arith.addf %mul3A_37, %add3A_41 : vector<10000x32xf32>
    %max3A = arith.constant 0.000000e+00 : f32
    %max3A_43 = vector.broadcast %max3A : f32 to vector<10000x32xf32>
    %max3A_44 = arith.maximumf %add3A_42, %max3A_43 : vector<10000x32xf32>
    %swap3A = arith.constant 0 : index
    %swap3A_45 = arith.constant 0 : index
    %swap3A_46 = vector.load %arg5[%swap3A, %swap3A_45] : memref<10000x32xf32, #tpu.memory_space<vmem>>, vector<10000x32xf32>
    tpu.vector_store %arg5[%swap3A, %swap3A_45], %max3A_44 {strides = array<i32>} : memref<10000x32xf32, #tpu.memory_space<vmem>>, vector<10000x32xf32>,
    return
  }
}

</mosaic_0001>

<sc_bundles>
// kernel: kernel.6.cloned.1.call-start
scs
__scs_entry_jumppad:
0x0: {  	(pc) =	sbr.rel $0x88, $3  }
0x1: {  	(tag) =	ssettag $0x0;
	lr =	simm.s32 $0x1  }
0x2: {  	[smem:$0x3F95] =	sst lr;
	_ =	strace $0xD0000000  }
0x3: {  	_ = 	snop  }
0x4: {  	_ = 	snop  }
0x5: {  	_ = 	snop  }
0x6: {  	_ = 	snop  }
0x7: {  	_ = 	snop  }
__scs_overlays_trampoline_lowered:
0x8: {  	[smem:$0x3FA4] =	sst s0  }
0x9: {  	[smem:$0x3FA5] =	sst s1  }
0xa: {  	[smem:$0x3FA6] =	sst s2  }
0xb: {  	[smem:$0x3FA7] =	sst s3  }
0xc: {  	[smem:$0x3FA8] =	sst s4  }
0xd: {  	[smem:$0x3FA9] =	sst s5  }
0xe: {  	[smem:$0x3FAA] =	sst s6  }
0xf: {  	[smem:$0x3FAB] =	sst s7  }
0x10: {  	[smem:$0x3FAC] =	sst s8  }
0x11: {  	[smem:$0x3FAD] =	sst s9;
	s0 =	simm.s32 @!p0 $0x0  }
0x12: {  	s1 =	sld [smem:$0x3F93];
	s0 =	simm.s32 @p0 $0x1  }
0x13: {  	[smem:$0x3FAE] =	sst s0;
	s0 =	simm.s32 @!p1 $0x0  }
0x14: {  	s2 =	sld [smem:$0x3F92];
	s0 =	simm.s32 @p1 $0x1  }
0x15: {  	[smem:$0x3FAF] =	sst s0;
	s0 =	simm.s32 @!p2 $0x0  }
0x16: {  	s3 =	sld [smem:$0x3FDB];
	s0 =	simm.s32 @p2 $0x1  }
0x17: {  	s4 =	simm.s32 $0x1BF5;
	[smem:$0x3FB1] =	sst s0  }
0x18: {  	s0 =	sld [smem:$0x3F94];
	_ =	swait.ge [sflag:s4], $0x0  }
0x19: {  	s7 =	sld [smem:$0x3F95]  }
0x1a: {  	s8 =	sadd.s32 $0xFFFFE003, lr  }
0x1b: {  	s9 =	sadd.s32 $0xFFFFFEF7, lr;
	s5 =	simm.s32 $0xFFFFFFFF;
	p2 =	slt.u32 s8, $0xFFFFF086  }
0x1c: {  	p1 =	slt.u32 s9, $0xF7A;
	s5 =	simm.s32 @!p2 $0x0  }
0x1d: {  	s5 =	simm.s32 @p1 $0x1;
	p0 =	seq.s32 s7, s2  }
0x1e: {  	s7 =	smul.u32 @!p0 $0xF7A, s2;
	p2 =	seq.s32 @!p0 s5, $0x0  }
0x1f: {  	s9 =	smul.u32 $0xF7A, s1;
	s8 =	simm.s32 @!p0 $0x1BF5;
	p2 =	por !p2, p0  }
0x20: {  	[sflag:s8] =	ssyncset.s32 @!p0 $0xFFFFF086;
	s6 =	sadd.s32 @!p0 s3, s7;
	s7 =	simm.s32 @!p0 $0x108  }
0x21: {  	s3 =	sadd.s32 s3, s9;
	s6 =	sadd.s32 @!p0 $0x88, s6;
	s7 =	simm.s32 @p2 $0x1082  }
0x22: {  	[simem:s7], [sflag:s8] =	dma.local @!p0 [hbm:s6], $0xF7A  }
0x23: {  	s9 =	sor.u32 $0xD0000000, s2;
	s6 =	simm.s32 $0x108;
	_ =	swait.ge @!p0 [sflag:s8], $0x0  }
0x24: {  	s3 =	sadd.s32 $0x88, s3;
	s6 =	simm.s32 @!p1 $0x1082;
	[sflag:s4] =	ssyncset.s32 $0xFFFFF086  }
0x25: {  	[simem:s6], [sflag:s4] =	dma.local [hbm:s3], $0xF7A  }
0x26: {  	[smem:$0x3F95] =	sst s1;
	(tag) =	ssettag s2;
	_ =	strace s9  }
0x27: {  	s1 =	sld [smem:$0x3FA5]  }
0x28: {  	s2 =	sld [smem:$0x3FA6]  }
0x29: {  	s4 =	sld [smem:$0x3FA8]  }
0x2a: {  	p0 =	seq.s32 s5, $0x0;
	s5 =	sld [smem:$0x3FA9]  }
0x2b: {  	s6 =	sld [smem:$0x3FAA]  }
0x2c: {  	s7 =	sld [smem:$0x3FAB]  }
0x2d: {  	s3 =	simm.s32 $0x108;
	s8 =	sld [smem:$0x3FAC]  }
0x2e: {  	s3 =	simm.s32 @!p0 $0x1082;
	s9 =	sld [smem:$0x3FAD]  }
0x2f: {  	lr =	sadd.s32 s0, s3;
	s0 =	sld [smem:$0x3FA4]  }
0x30: {  	s3 =	sld [smem:$0x3FA7]  }
0x31: {  	[smem:$0x3FB0] =	sst s10  }
0x32: {  	s10 =	sld [smem:$0x3FAE];
	_ =	sdelay $0x3  }
0x33: {  	p0 =	seq.s32 s10, $0x1;
	s10 =	sld [smem:$0x3FB0];
	_ =	sdelay $0x3  }
0x34: {  	[smem:$0x3FB0] =	sst s10  }
0x35: {  	s10 =	sld [smem:$0x3FAF];
	_ =	sdelay $0x3  }
0x36: {  	p1 =	seq.s32 s10, $0x1;
	s10 =	sld [smem:$0x3FB0];
	_ =	sdelay $0x3  }
0x37: {  	[smem:$0x3FB0] =	sst s10  }
0x38: {  	s10 =	sld [smem:$0x3FB1]  }
0x39: {  	_ = 	snop;
	(pc) =	sbr.ind lr, $3  }
0x3a: {  	_ = 	snop  }
0x3b: {  	_ = 	snop  }
0x3c: {  	p2 =	seq.s32 s10, $0x1;
	s10 =	sld [smem:$0x3FB0]  }
0x3d: {  	_ =	shalt  }
0x3e: {  	_ =	shalt  }
0x3f: {  	_ =	shalt  }
0x40: {  	_ =	shalt  }
0x41: {  	_ =	shalt  }
0x42: {  	_ =	shalt  }
0x43: {  	_ =	shalt  }
0x44: {  	_ =	shalt  }
0x45: {  	_ =	shalt  }
0x46: {  	_ =	shalt  }
0x47: {  	_ =	shalt  }
0x48: {  	_ =	shalt  }
0x49: {  	_ =	shalt  }
0x4a: {  	_ =	shalt  }
0x4b: {  	_ =	shalt  }
0x4c: {  	_ =	shalt  }
0x4d: {  	_ =	shalt  }
0x4e: {  	_ =	shalt  }
0x4f: {  	_ =	shalt  }
0x50: {  	_ =	shalt  }
0x51: {  	_ =	shalt  }
0x52: {  	_ =	shalt  }
0x53: {  	_ =	shalt  }
0x54: {  	_ =	shalt  }
0x55: {  	_ =	shalt  }
0x56: {  	_ =	shalt  }
0x57: {  	_ =	shalt  }
0x58: {  	_ =	shalt  }
0x59: {  	_ =	shalt  }
0x5a: {  	_ =	shalt  }
0x5b: {  	_ =	shalt  }
0x5c: {  	_ =	shalt  }
0x5d: {  	_ =	shalt  }
0x5e: {  	_ =	shalt  }
0x5f: {  	_ =	shalt  }
0x60: {  	_ =	shalt  }
0x61: {  	_ =	shalt  }
0x62: {  	_ =	shalt  }
0x63: {  	_ =	shalt  }
0x64: {  	_ =	shalt  }
0x65: {  	_ =	shalt  }
0x66: {  	_ =	shalt  }
0x67: {  	_ =	shalt  }
0x68: {  	_ =	shalt  }
0x69: {  	_ =	shalt  }
0x6a: {  	_ =	shalt  }
0x6b: {  	_ =	shalt  }
0x6c: {  	_ =	shalt  }
0x6d: {  	_ =	shalt  }
0x6e: {  	_ =	shalt  }
0x6f: {  	_ =	shalt  }
0x70: {  	_ =	shalt  }
0x71: {  	_ =	shalt  }
0x72: {  	_ =	shalt  }
0x73: {  	_ =	shalt  }
0x74: {  	_ =	shalt  }
0x75: {  	_ =	shalt  }
0x76: {  	_ =	shalt  }
0x77: {  	_ =	shalt  }
0x78: {  	_ =	shalt  }
0x79: {  	_ =	shalt  }
0x7a: {  	_ =	shalt  }
0x7b: {  	_ =	shalt  }
0x7c: {  	_ =	shalt  }
0x7d: {  	_ =	shalt  }
0x7e: {  	_ =	shalt  }
0x7f: {  	_ =	shalt  }
0x80: {  	_ =	shalt  }
0x81: {  	_ =	shalt  }
0x82: {  	_ =	shalt  }
0x83: {  	_ =	shalt  }
0x84: {  	_ =	shalt  }
0x85: {  	_ =	shalt  }
0x86: {  	_ =	shalt  }
0x87: {  	_ =	shalt  }
.Lfunc_end0:
.L_simem_size_0:
called_computation_lowered:
.L_overlay_start_0:
0x88: {  	s2 =	sld [smem:$0x3FD9]  }
0x89: {  	s3 =	sld [smem:$0x3FFE];
	_ =	sdelay $0x1  }
0x8a: {  	s1 =	srdreg.scid  }
0x8b: {  	s0 =	sand.u32 $0x1, s1  }
0x8c: {  	s17 =	sshll.u32 s0, $0xA;
	s2 =	sadd.s32 s3, s2  }
0x8d: {  	s2 =	sadd.s32 s2, s17  }
0x8e: {  	[smem:$0x3FBC] =	sst s2  }
0x8f: {  	_ = 	snop  }
0x90: {  	s2 =	sld [smem:$0x3FC9];
	(tm) =	ssettm $0x1  }
0x91: {  	s18 =	sld [smem:$0x3FFB];
	_ =	sdelay $0x3  }
0x92: {  	_ =	strace s18  }
0x93: {  	s3 =	sld [smem:$0x3FFC];
	_ =	sdelay $0x3  }
0x94: {  	_ =	strace s3  }
0x95: {  	s3 =	sld [smem:$0x3FFD];
	_ =	sdelay $0x3  }
0x96: {  	_ =	strace s3  }
0x97: {  	_ =	strace $0x8FFFFFFF  }
0x98: {  	s19 =	sld [smem:$0x3FDB];
	_ =	sdelay $0x1  }
0x99: {  	s4 =	simm.s32 $_scs_section_size  }
0x9a: {  	s5 =	simm.s32 $_size__tile_overlayer_lowered;
	s6 =	simm.s32 $_tile_overlayer_lowered  }
0x9b: {  	s22 =	simm.s32 $0x1BFF;
	s21 =	sshll.u32 s6, $0x1;
	s3 =	sadd.s32 s4, s19  }
0x9c: {  	s7 =	simm.s32 $0x0;
	s20 =	sshll.u32 s5, $0x1;
	s5 =	sadd.s32 s21, s3  }
0x9d: {  	[timem:s7], [sflag:s22] =	dma.local [hbm:s5], s20  }
0x9e: {  	_ =	swait.ge [sflag:s22], s20  }
0x9f: {  	s4 =	ssub.s32 $0x0, s20;
	[sflag:s22] =	ssyncset.done $0x0  }
0xa0: {  	[sflag:s22] =	ssyncadd.s32 s4;
	_ =	sdelay $0x1  }
0xa1: {  	s23 =	simm.s32 $0x1B8B  }
0xa2: {  	_ =	swait.ge [sflag:s23], $0x1  }
0xa3: {  	[sflag:s23] =	ssyncset.done $0x0  }
0xa4: {  	s25 =	simm.s32 $0x1B8E;
	s24 =	sld [smem:$0x3FFE];
	[sflag:s23] =	ssyncadd.s32 $0xFFFFFFFF  }
0xa5: {  	s26 =	simm.s32 $execute0_lowered;
	[smem:$0x3FD2] =	sst s25  }
0xa6: {  	s5 =	sshll.u32 s26, $0x1;
	_ =	strace $0x80000046;
	[dreg:$0x1] =	wrdreg $0xFFFFFFFF  }
0xa7: {  	s28 =	simm.s32 $_size_execute0_lowered;
	s3 =	sadd.s32 s3, s5;
	[dreg:$0x0] =	wrdreg $0x0  }
0xa8: {  	s5 =	sshll.u32 s28, $0x1;
	[dreg:$0x2] =	wrdreg s3  }
0xa9: {  	[dreg:$0x3] =	wrdreg s5  }
0xaa: {  	[dreg:$0x4] =	wrdreg $0xC0  }
0xab: {  	_ =	task [dreg:s7], $0x5FFFF  }
0xac: {  	[dreg:$0x1] =	wrdreg $0xFFFFFFFF  }
0xad: {  	[dreg:$0x0] =	wrdreg $0x60  }
0xae: {  	[dreg:$0x2] =	wrdreg s2  }
0xaf: {  	[dreg:$0x3] =	wrdreg s24  }
0xb0: {  	[dreg:$0x4] =	wrdreg $0x88000  }
0xb1: {  	[dreg:$0x5] =	wrdreg $0x9  }
0xb2: {  	_ =	task.clear_ibuf [dreg:s7], $0x6FFFF;
	_ =	strace $0x90000046  }
0xb3: {  	s29 =	simm.s32 $0x9;
	_ =	strace $0x80000048  }
0xb4: {  	_ =	swait.ge [sflag:s29], $0x1  }
0xb5: {  	[sflag:s29] =	ssyncadd.s32 $0xFFFFFFFF  }
0xb6: {  	_ =	strace $0x90000048  }
0xb7: {  	_ =	sfence  }
0xb8: {  	s30 =	sld [smem:$0x0];
	_ =	sdelay $0x2  }
0xb9: {  	s31 =	sshll.u32 s1, $0xD;
	s1 =	sshrl.u32 s1, $0x2  }
0xba: {  	s3 =	sand.u32 $0x4000, s31;
	s1 =	sadd.s32 s1, s30  }
0xbb: {  	s0 =	sor.u32 s3, s0;
	s1 =	sshll.u32 s1, $0x11  }
0xbc: {  	s0 =	sor.u32 s1, s0  }
0xbd: {  	s0 =	sadd.s32 $0x8F2B, s0  }
0xbe: {  	[sflag:s0] =	ssyncadd.remote.s32 $0x1  }
0xbf: {  	_ =	sfence.sel $0xFFFF  }
0xc0: {  	[dreg:$0x0] =	wrdreg $0xFFFFFFFF;
	(pc) =	sbr.abs _section_cstart, $3  }
0xc1: {  	[dreg:$0x1] =	wrdreg $0xFFFFFFFF  }
0xc2: {  	_ =	task.clear_ibuf [dreg:s7], $0x2FFFF;
	_ =	strace $0x9FFFFFFF  }
0xc3: {  	(tm) =	ssettm $0x7FFFFFFF  }
tec
execute0_lowered:
.L_overlay_start_1:
0x0: {  	(tag) =	ssettag $0x1  }
0x1: {  	s1 =	rddreg [dreg:$0x0]  }
0x2: {  	s0 =	rddreg [dreg:$0x1]  }
0x3: {  	s2 =	rddreg [dreg:$0x2];
	s3 =	simm.s32 $0x0  }
0x4: {  	s4 =	srdreg.scid;
	s11 =	stileid.u32;
	s28 =	simm.s32 $0x400  }
0x5: {  	s29 =	simm.s32 $0x500;
	s30 =	simm.s32 $0x600;
	s7 =	smul.u32 $0x4E000, s11  }
0x6: {  	[smem:$0x7FF] =	sst s3;
	s6 =	sadd.s32 $0x1E00, s0;
	s10 =	smul.u32 $0x13800, s11  }
0x7: {  	s4 =	sand.u32 $0x1, s4;
	s0 =	sadd.s32 $0x16000, s0;
	s18 =	smul.u32 $0x50, s11  }
0x8: {  	s21 =	sadd.s32 $0x138000, s2;
	_ =	strace $0x80000047;
	s5 =	ssub.s32 $0x2, s4  }
0x9: {  	s9 =	sshll.u32 s4, $0x4;
	s12 =	smul.u32 $0x500, s4;
	s7 =	sshrl.u32 s7, $0x2  }
0xa: {  	[dreg:$0x14] =	wrdreg s21;
	s19 =	sadd.s32 s10, s2;
	s7 =	sadd.s32 s7, s2  }
0xb: {  	s23 =	sadd.s32 s18, s12;
	s18 =	simm.s32 $0x180;
	[dreg:$0xe] =	wrdreg s19  }
0xc: {  	s4 =	smul.u32 $0x138800, s4;
	s13 =	sadd.s32 $0x4000, s7;
	[dreg:$0x8] =	wrdreg s18  }
0xd: {  	s9 =	sor.u32 s11, s9;
	s14 =	sadd.s32 $0x8000, s7;
	[dreg:$0xf] =	wrdreg s13  }
0xe: {  	s9 =	smul.u32 $0xA00, s9;
	s15 =	sadd.s32 $0xC000, s7;
	[dreg:$0x10] =	wrdreg s14  }
0xf: {  	s10 =	sadd.s32 s10, s4;
	s7 =	sadd.s32 $0x10000, s7;
	[dreg:$0x11] =	wrdreg s15  }
0x10: {  	s12 =	sshrl.u32 s10, $0x3;
	s16 =	sadd.s32 s6, s9;
	[dreg:$0x13] =	wrdreg s7  }
0x11: {  	s31 =	simm.s32 $0x1;
	s13 =	sadd.s32 s0, s12;
	[dreg:$0x12] =	wrdreg s16  }
0x12: {  	s7 =	sshll.u32 s23, $0x5;
	s23 =	simm.s32 $0x380;
	[dreg:$0x1b] =	wrdreg s13  }
0x13: {  	p0 =	sne.s32 s11, $0xF;
	s20 =	sadd.s32 $0x20, s16;
	[dreg:$0xa] =	wrdreg s23  }
0x14: {  	s8 =	sshrl.u32 s5, $0x1;
	s22 =	sadd.s32 $0x40, s16;
	[dreg:$0x15] =	wrdreg s20  }
0x15: {  	s11 =	simm.s32 $0x0;
	s24 =	sadd.s32 $0x60, s16;
	[dreg:$0x16] =	wrdreg s22  }
0x16: {  	s8 =	ssub.s32 s5, s8;
	s25 =	sadd.s32 $0x80, s16;
	[dreg:$0x17] =	wrdreg s24  }
0x17: {  	s4 =	sshrl.u32 s4, $0x3;
	s26 =	sadd.s32 $0xA0, s16;
	[dreg:$0x18] =	wrdreg s25  }
0x18: {  	s0 =	sadd.s32 s0, s4;
	s5 =	sadd.s32 $0xC0, s16;
	[dreg:$0x19] =	wrdreg s26  }
0x19: {  	s17 =	sadd.s32 s7, s6;
	s0 =	sadd.s32 $0x27000, s0;
	[dreg:$0x1a] =	wrdreg s5  }
0x1a: {  	s10 =	simm.s32 $0x3;
	s7 =	sadd.s32 $0x1C0, s17;
	[dreg:$0x1c] =	wrdreg s0  }
0x1b: {  	s18 =	simm.s32 $0x8;
	s14 =	sadd.s32 $0x180, s17;
	[dreg:$0x4] =	wrdreg s7  }
0x1c: {  	s4 =	simm.s32 $0x700;
	s15 =	sadd.s32 $0x140, s17;
	[dreg:$0x5] =	wrdreg s14  }
0x1d: {  	s12 =	simm.s32 $0xA;
	s16 =	sadd.s32 $0x100, s17;
	[dreg:$0x6] =	wrdreg s15  }
0x1e: {  	s23 =	simm.s32 $0xB;
	s20 =	smax.u32 s8, $0x1;
	[dreg:$0x7] =	wrdreg s16  }
0x1f: {  	s6 =	simm.s32 $0x2;
	s22 =	simm.s32 $0x280;
	[dreg:$0x1d] =	wrdreg s20  }
0x20: {  	s13 =	simm.s32 $0x4;
	s24 =	simm.s32 $0x480;
	[dreg:$0x9] =	wrdreg s22  }
0x21: {  	s25 =	simm.s32 $0x580;
	s26 =	simm.s32 $0x680;
	[dreg:$0xb] =	wrdreg s24  }
0x22: {  	s0 =	simm.s32 $0x80;
	s8 =	simm.s32 $0x9;
	[dreg:$0xc] =	wrdreg s25  }
0x23: {  	s22 =	simm.s32 $0x800;
	s24 =	simm.s32 $0x100;
	[dreg:$0xd] =	wrdreg s26  }
0x24: {  	s25 =	simm.s32 $0x200;
	s26 =	simm.s32 $0x300;
	s7 =	simm.s32 $0x4800  }
0x25: {  	v0 =	vimm.f32 $0.0e+00;
	s14 =	simm.s32 $0x5;
	s15 =	simm.s32 $0x6;
	s16 =	simm.s32 $0x7  }
.LBB2_1:
0x26: {  	s9 =	simm.s32 $0x0;
	s20 =	simm.s32 $0x200  }
.LBB2_2:
0x27: {  	p1 =	sne.s32 s20, $0xFE00;
	[tilespmem:s9+$0x870] =	vst v0  }
0x28: {  	[tilespmem:s9+$0x800] =	vst v0  }
0x29: {  	[tilespmem:s9+$0x810] =	vst v0  }
.Ltmp0:
0x2a: {  	[tilespmem:s9+$0x820] =	vst v0;
	(pc) =	sbr.rel @p1 .LBB2_2-.Ltmp0, $4  }
0x2b: {  	[tilespmem:s9+$0x830] =	vst v0  }
0x2c: {  	[tilespmem:s9+$0x840] =	vst v0  }
0x2d: {  	[tilespmem:s9+$0x850] =	vst v0  }
0x2e: {  	[tilespmem:s9+$0x860] =	vst v0;
	s9 =	sshra.s32 s20, $0x2;
	s20 =	sadd.s32 $0x200, s20  }
0x2f: {  	[tilespmem:s9+$0x870] =	vst v0  }
0x30: {  	[tilespmem:s9+$0x800] =	vst v0  }
0x31: {  	[tilespmem:s9+$0x810] =	vst v0  }
0x32: {  	[tilespmem:s9+$0x820] =	vst v0  }
0x33: {  	[tilespmem:s9+$0x830] =	vst v0  }
0x34: {  	[tilespmem:s9+$0x840] =	vst v0  }
0x35: {  	[tilespmem:s9+$0x850] =	vst v0  }
0x36: {  	[dreg:$0x1e] =	wrdreg s11;
	[tilespmem:s9+$0x860] =	vst v0  }
0x37: {  	[spmem:s19] =	stream.linear.scatter [tilespmem:s22], [sflag:$0xB], $0x4000, $0x38;
	[tilespmem:$0x1C0C0] =	vst v63  }
0x38: {  	_ =	swait.ge [sflag:s23], $0x4000  }
0x39: {  	[sflag:s23] =	ssyncset.done $0x0  }
0x3a: {  	s5 =	rddreg [dreg:$0xf];
	[sflag:s23] =	ssyncadd.s32 $0xFFFFC000  }
0x3b: {  	[spmem:s5] =	stream.linear.scatter [tilespmem:s22], [sflag:$0xB], $0x4000, $0x38;
	[tilespmem:$0x1C0C0] =	vst v63  }
0x3c: {  	_ =	swait.ge [sflag:s23], $0x4000  }
0x3d: {  	[sflag:s23] =	ssyncset.done $0x0  }
0x3e: {  	s11 =	rddreg [dreg:$0x10];
	[sflag:s23] =	ssyncadd.s32 $0xFFFFC000  }
0x3f: {  	[spmem:s11] =	stream.linear.scatter [tilespmem:s22], [sflag:$0xB], $0x4000, $0x38;
	[tilespmem:$0x1C0C0] =	vst v63  }
0x40: {  	_ =	swait.ge [sflag:s23], $0x4000  }
0x41: {  	[sflag:s23] =	ssyncset.done $0x0  }
0x42: {  	s19 =	rddreg [dreg:$0x11];
	[sflag:s23] =	ssyncadd.s32 $0xFFFFC000  }
0x43: {  	[spmem:s19] =	stream.linear.scatter [tilespmem:s22], [sflag:$0xB], $0x4000, $0x38;
	[tilespmem:$0x1C0C0] =	vst v63  }
0x44: {  	_ =	swait.ge [sflag:s23], $0x4000  }
0x45: {  	[sflag:s23] =	ssyncset.done $0x0  }
0x46: {  	s20 =	rddreg [dreg:$0x13];
	[sflag:s23] =	ssyncadd.s32 $0xFFFFC000  }
0x47: {  	[spmem:s20] =	stream.linear.scatter [tilespmem:s22], [sflag:$0xB], $0x3800, $0x38;
	[tilespmem:$0x1C0C0] =	vst v63  }
0x48: {  	_ =	swait.ge [sflag:s23], $0x3800  }
0x49: {  	[sflag:s23] =	ssyncset.done $0x0  }
0x4a: {  	s9 =	simm.s32 @!p0 $0x800;
	[sflag:s23] =	ssyncadd.s32 $0xFFFFC800  }
0x4b: {  	[spmem:s21] =	stream.linear.scatter @!p0 [tilespmem:s9], [sflag:$0xB], $0x800, $0x38;
	[tilespmem:$0x1C0C0] =	vst v63  }
0x4c: {  	s9 =	simm.s32 @!p0 $0xB  }
0x4d: {  	_ =	swait.ge @!p0 [sflag:s9], $0x800  }
0x4e: {  	[sflag:s9] =	ssyncset.done @!p0 $0x0  }
0x4f: {  	[sflag:s9] =	ssyncadd.s32 @!p0 $0xFFFFF800  }
0x50: {  	[bflag:$0x0] =	sbarrier.arrive $0xFFFF  }
0x51: {  	s20 =	simm.s32 $0x0;
	s9 =	rddreg [dreg:$0x12]  }
0x52: {  	[tilespmem:s20], [sflag:$0x1] =	stream.linear.gather [hbm4b:s9+s20], $0x100, $0x38;
	[tilespmem:$0x1C0C0] =	vst v63  }
0x53: {  	s11 =	rddreg [dreg:$0x15]  }
0x54: {  	[tilespmem:s24], [sflag:$0x2] =	stream.linear.gather [hbm4b:s11+s20], $0x100, $0x38;
	[tilespmem:$0x1C0C0] =	vst v63  }
0x55: {  	s19 =	rddreg [dreg:$0x16]  }
0x56: {  	[tilespmem:s25], [sflag:$0x3] =	stream.linear.gather [hbm4b:s19+s20], $0x100, $0x38;
	[tilespmem:$0x1C0C0] =	vst v63  }
0x57: {  	s21 =	rddreg [dreg:$0x17]  }
0x58: {  	[tilespmem:s26], [sflag:$0x4] =	stream.linear.gather [hbm4b:s21+s20], $0x100, $0x38;
	[tilespmem:$0x1C0C0] =	vst v63  }
0x59: {  	s9 =	rddreg [dreg:$0x18]  }
0x5a: {  	[tilespmem:s28], [sflag:$0x5] =	stream.linear.gather [hbm4b:s9+s20], $0x100, $0x38;
	[tilespmem:$0x1C0C0] =	vst v63  }
0x5b: {  	s11 =	rddreg [dreg:$0x19]  }
0x5c: {  	[tilespmem:s29], [sflag:$0x6] =	stream.linear.gather [hbm4b:s11+s20], $0x100, $0x38;
	[tilespmem:$0x1C0C0] =	vst v63  }
0x5d: {  	s19 =	rddreg [dreg:$0x1a]  }
0x5e: {  	[tilespmem:s30], [sflag:$0x7] =	stream.linear.gather [hbm4b:s19+s20], $0x100, $0x38;
	[tilespmem:$0x1C0C0] =	vst v63  }
0x5f: {  	_ =	swait.ge [sflag:s31], $0x100  }
0x60: {  	p1 =	por $0x1, $0x1;
	[sflag:s31] =	ssyncset.done $0x0  }
0x61: {  	s9 =	simm.s32 @!p1 $0xA;
	[sflag:s31] =	ssyncadd.s32 $0xFFFFFF00  }
0x62: {  	[tilespmem:s22], [sflag:$0x9] =	stream.indirect.gather [hbm4b:s1+s0], $0x80, s3, s0, $0xb8;
	[tilespmem:$0x1C0C0] =	vst v63  }
0x63: {  	_ =	swait.ge @!p1 [sflag:s9], $0x4000  }
0x64: {  	s5 =	simm.s32 @!p1 $0x80;
	[sflag:s9] =	ssyncset.done @!p1 $0x0  }
0x65: {  	s21 =	simm.s32 @!p1 $0x4800;
	[sflag:s9] =	ssyncadd.s32 @!p1 $0xFFFFC000;
	s9 =	simm.s32 @!p1 $0x780  }
0x66: {  	[spmem:s2] =	stream.indirect.scatter.add.f32 @!p1 [tilespmem:s21], [sflag:$0xB], $0x80, s9, s5, $0xb8;
	[tilespmem:$0x1C0C0] =	vst v63  }
0x67: {  	s5 =	simm.s32 @!p1 $0xB  }
0x68: {  	_ =	swait.ge @!p1 [sflag:s5], $0x4000  }
0x69: {  	s9 =	sadd.s32 $0x0, s17;
	[sflag:s5] =	ssyncset.done @!p1 $0x0  }
0x6a: {  	s21 =	sadd.s32 $0xE0, s9;
	[sflag:s5] =	ssyncadd.s32 @!p1 $0xFFFFC000  }
0x6b: {  	[tilespmem:s4], [sflag:$0x8] =	stream.linear.gather [hbm4b:s21+s3], $0x100, $0x38;
	[tilespmem:$0x1C0C0] =	vst v63  }
0x6c: {  	_ =	swait.ge [sflag:s6], $0x100  }
0x6d: {  	[sflag:s6] =	ssyncset.done $0x0  }
0x6e: {  	[sflag:s6] =	ssyncadd.s32 $0xFFFFFF00  }
0x6f: {  	[tilespmem:s7], [sflag:$0xA] =	stream.indirect.gather [hbm4b:s1+s0], $0x80, s24, s0, $0xb8;
	[tilespmem:$0x1C0C0] =	vst v63  }
0x70: {  	_ =	swait.ge [sflag:s8], $0x4000  }
0x71: {  	[sflag:s8] =	ssyncset.done $0x0  }
0x72: {  	[sflag:s8] =	ssyncadd.s32 $0xFFFFC000  }
0x73: {  	[spmem:s2] =	stream.indirect.scatter.add.f32 [tilespmem:s22], [sflag:$0xB], $0x80, s0, s0, $0xb8;
	[tilespmem:$0x1C0C0] =	vst v63  }
0x74: {  	_ =	swait.ge [sflag:s23], $0x4000  }
0x75: {  	s11 =	rddreg [dreg:$0x7];
	[sflag:s23] =	ssyncset.done $0x0  }
0x76: {  	[sflag:s23] =	ssyncadd.s32 $0xFFFFC000;
	s5 =	sadd.s32 $0x0, s11  }
0x77: {  	[tilespmem:s3], [sflag:$0x1] =	stream.linear.gather [hbm4b:s5+s3], $0x100, $0x38;
	[tilespmem:$0x1C0C0] =	vst v63  }
0x78: {  	_ =	swait.ge [sflag:s10], $0x100  }
0x79: {  	[sflag:s10] =	ssyncset.done $0x0  }
0x7a: {  	[sflag:s10] =	ssyncadd.s32 $0xFFFFFF00  }
0x7b: {  	[tilespmem:s22], [sflag:$0x9] =	stream.indirect.gather [hbm4b:s1+s0], $0x80, s25, s0, $0xb8;
	[tilespmem:$0x1C0C0] =	vst v63  }
0x7c: {  	_ =	swait.ge [sflag:s12], $0x4000  }
0x7d: {  	[sflag:s12] =	ssyncset.done $0x0  }
0x7e: {  	s19 =	rddreg [dreg:$0x8];
	[sflag:s12] =	ssyncadd.s32 $0xFFFFC000  }
0x7f: {  	[spmem:s2] =	stream.indirect.scatter.add.f32 [tilespmem:s7], [sflag:$0xB], $0x80, s19, s0, $0xb8;
	[tilespmem:$0x1C0C0] =	vst v63  }
0x80: {  	_ =	swait.ge [sflag:s23], $0x4000  }
0x81: {  	[sflag:s23] =	ssyncset.done $0x0  }
0x82: {  	s21 =	sadd.s32 $0x120, s9;
	[sflag:s23] =	ssyncadd.s32 $0xFFFFC000  }
0x83: {  	[tilespmem:s24], [sflag:$0x2] =	stream.linear.gather [hbm4b:s21+s3], $0x100, $0x38;
	[tilespmem:$0x1C0C0] =	vst v63  }
0x84: {  	_ =	swait.ge [sflag:s13], $0x100  }
0x85: {  	[sflag:s13] =	ssyncset.done $0x0  }
0x86: {  	[sflag:s13] =	ssyncadd.s32 $0xFFFFFF00  }
0x87: {  	[tilespmem:s7], [sflag:$0xA] =	stream.indirect.gather [hbm4b:s1+s0], $0x80, s26, s0, $0xb8;
	[tilespmem:$0x1C0C0] =	vst v63  }
0x88: {  	_ =	swait.ge [sflag:s8], $0x4000  }
0x89: {  	[sflag:s8] =	ssyncset.done $0x0  }
0x8a: {  	s11 =	rddreg [dreg:$0x9];
	[sflag:s8] =	ssyncadd.s32 $0xFFFFC000  }
0x8b: {  	[spmem:s2] =	stream.indirect.scatter.add.f32 [tilespmem:s22], [sflag:$0xB], $0x80, s11, s0, $0xb8;
	[tilespmem:$0x1C0C0] =	vst v63  }
0x8c: {  	_ =	swait.ge [sflag:s23], $0x4000  }
0x8d: {  	s19 =	rddreg [dreg:$0x6];
	[sflag:s23] =	ssyncset.done $0x0  }
0x8e: {  	[sflag:s23] =	ssyncadd.s32 $0xFFFFC000;
	s5 =	sadd.s32 $0x0, s19  }
0x8f: {  	[tilespmem:s25], [sflag:$0x3] =	stream.linear.gather [hbm4b:s5+s3], $0x100, $0x38;
	[tilespmem:$0x1C0C0] =	vst v63  }
0x90: {  	_ =	swait.ge [sflag:s14], $0x100  }
0x91: {  	[sflag:s14] =	ssyncset.done $0x0  }
0x92: {  	[sflag:s14] =	ssyncadd.s32 $0xFFFFFF00  }
0x93: {  	[tilespmem:s22], [sflag:$0x9] =	stream.indirect.gather [hbm4b:s1+s0], $0x80, s28, s0, $0xb8;
	[tilespmem:$0x1C0C0] =	vst v63  }
0x94: {  	_ =	swait.ge [sflag:s12], $0x4000  }
0x95: {  	[sflag:s12] =	ssyncset.done $0x0  }
0x96: {  	s21 =	rddreg [dreg:$0xa];
	[sflag:s12] =	ssyncadd.s32 $0xFFFFC000  }
0x97: {  	[spmem:s2] =	stream.indirect.scatter.add.f32 [tilespmem:s7], [sflag:$0xB], $0x80, s21, s0, $0xb8;
	[tilespmem:$0x1C0C0] =	vst v63  }
0x98: {  	_ =	swait.ge [sflag:s23], $0x4000  }
0x99: {  	[sflag:s23] =	ssyncset.done $0x0  }
0x9a: {  	s11 =	sadd.s32 $0x160, s9;
	[sflag:s23] =	ssyncadd.s32 $0xFFFFC000  }
0x9b: {  	[tilespmem:s26], [sflag:$0x4] =	stream.linear.gather [hbm4b:s11+s3], $0x100, $0x38;
	[tilespmem:$0x1C0C0] =	vst v63  }
0x9c: {  	_ =	swait.ge [sflag:s15], $0x100  }
0x9d: {  	[sflag:s15] =	ssyncset.done $0x0  }
0x9e: {  	[sflag:s15] =	ssyncadd.s32 $0xFFFFFF00  }
0x9f: {  	[tilespmem:s7], [sflag:$0xA] =	stream.indirect.gather [hbm4b:s1+s0], $0x80, s29, s0, $0xb8;
	[tilespmem:$0x1C0C0] =	vst v63  }
0xa0: {  	_ =	swait.ge [sflag:s8], $0x4000  }
0xa1: {  	[sflag:s8] =	ssyncset.done $0x0  }
0xa2: {  	s19 =	rddreg [dreg:$0xb];
	[sflag:s8] =	ssyncadd.s32 $0xFFFFC000  }
0xa3: {  	[spmem:s2] =	stream.indirect.scatter.add.f32 [tilespmem:s22], [sflag:$0xB], $0x80, s19, s0, $0xb8;
	[tilespmem:$0x1C0C0] =	vst v63  }
0xa4: {  	_ =	swait.ge [sflag:s23], $0x4000  }
0xa5: {  	s21 =	rddreg [dreg:$0x5];
	[sflag:s23] =	ssyncset.done $0x0  }
0xa6: {  	[sflag:s23] =	ssyncadd.s32 $0xFFFFC000;
	s5 =	sadd.s32 $0x0, s21  }
0xa7: {  	[tilespmem:s28], [sflag:$0x5] =	stream.linear.gather [hbm4b:s5+s3], $0x100, $0x38;
	[tilespmem:$0x1C0C0] =	vst v63  }
0xa8: {  	_ =	swait.ge [sflag:s16], $0x100  }
0xa9: {  	[sflag:s16] =	ssyncset.done $0x0  }
0xaa: {  	[sflag:s16] =	ssyncadd.s32 $0xFFFFFF00  }
0xab: {  	[tilespmem:s22], [sflag:$0x9] =	stream.indirect.gather [hbm4b:s1+s0], $0x80, s30, s0, $0xb8;
	[tilespmem:$0x1C0C0] =	vst v63  }
0xac: {  	_ =	swait.ge [sflag:s12], $0x4000  }
0xad: {  	[sflag:s12] =	ssyncset.done $0x0  }
0xae: {  	s11 =	rddreg [dreg:$0xc];
	[sflag:s12] =	ssyncadd.s32 $0xFFFFC000  }
0xaf: {  	[spmem:s2] =	stream.indirect.scatter.add.f32 [tilespmem:s7], [sflag:$0xB], $0x80, s11, s0, $0xb8;
	[tilespmem:$0x1C0C0] =	vst v63  }
0xb0: {  	_ =	swait.ge [sflag:s23], $0x4000  }
0xb1: {  	[sflag:s23] =	ssyncset.done $0x0  }
0xb2: {  	s19 =	sadd.s32 $0x1A0, s9;
	[sflag:s23] =	ssyncadd.s32 $0xFFFFC000  }
0xb3: {  	[tilespmem:s29], [sflag:$0x6] =	stream.linear.gather [hbm4b:s19+s3], $0x100, $0x38;
	[tilespmem:$0x1C0C0] =	vst v63  }
0xb4: {  	_ =	swait.ge [sflag:s18], $0x100  }
0xb5: {  	[sflag:s18] =	ssyncset.done $0x0  }
0xb6: {  	[sflag:s18] =	ssyncadd.s32 $0xFFFFFF00  }
0xb7: {  	[tilespmem:s7], [sflag:$0xA] =	stream.indirect.gather [hbm4b:s1+s0], $0x80, s4, s0, $0xb8;
	[tilespmem:$0x1C0C0] =	vst v63  }
0xb8: {  	_ =	swait.ge [sflag:s8], $0x4000  }
0xb9: {  	[sflag:s8] =	ssyncset.done $0x0  }
0xba: {  	s21 =	rddreg [dreg:$0xd];
	[sflag:s8] =	ssyncadd.s32 $0xFFFFC000  }
0xbb: {  	[spmem:s2] =	stream.indirect.scatter.add.f32 [tilespmem:s22], [sflag:$0xB], $0x80, s21, s0, $0xb8;
	[tilespmem:$0x1C0C0] =	vst v63  }
0xbc: {  	_ =	swait.ge [sflag:s23], $0x4000  }
0xbd: {  	[sflag:s23] =	ssyncset.done $0x0  }
0xbe: {  	s21 =	simm.s32 $0x100;
	s9 =	rddreg [dreg:$0x4];
	[sflag:s23] =	ssyncadd.s32 $0xFFFFC000  }
.LBB2_4:
0xbf: {  	s5 =	sadd.s32 s20, s9  }
0xc0: {  	[tilespmem:s30], [sflag:$0x7] =	stream.linear.gather [hbm4b:s5+s3], $0x100, $0x38;
	[tilespmem:$0x1C0C0] =	vst v63  }
0xc1: {  	s20 =	smov.u32 s21;
	_ =	swait.ge [sflag:s31], $0x100  }
0xc2: {  	p2 =	seq.s32 s20, $0x0;
	[sflag:s31] =	ssyncset.done $0x0  }
0xc3: {  	s5 =	simm.s32 @!p2 $0xA;
	[sflag:s31] =	ssyncadd.s32 $0xFFFFFF00  }
0xc4: {  	[tilespmem:s22], [sflag:$0x9] =	stream.indirect.gather [hbm4b:s1+s0], $0x80, s3, s0, $0xb8;
	[tilespmem:$0x1C0C0] =	vst v63  }
0xc5: {  	_ =	swait.ge @!p2 [sflag:s5], $0x4000  }
0xc6: {  	s9 =	simm.s32 @!p2 $0x4800;
	s11 =	simm.s32 @!p2 $0x80;
	[sflag:s5] =	ssyncset.done @!p2 $0x0  }
0xc7: {  	s19 =	simm.s32 @!p2 $0x780;
	[sflag:s5] =	ssyncadd.s32 @!p2 $0xFFFFC000;
	s5 =	simm.s32 @!p2 $0xB  }
0xc8: {  	[spmem:s2] =	stream.indirect.scatter.add.f32 @!p2 [tilespmem:s9], [sflag:$0xB], $0x80, s19, s11, $0xb8;
	[tilespmem:$0x1C0C0] =	vst v63  }
0xc9: {  	_ =	swait.ge @!p2 [sflag:s5], $0x4000  }
0xca: {  	s9 =	sadd.s32 s20, s17;
	[sflag:s5] =	ssyncset.done @!p2 $0x0  }
0xcb: {  	s19 =	sadd.s32 $0xE0, s9;
	[sflag:s5] =	ssyncadd.s32 @!p2 $0xFFFFC000  }
0xcc: {  	[tilespmem:s4], [sflag:$0x8] =	stream.linear.gather [hbm4b:s19+s3], $0x100, $0x38;
	[tilespmem:$0x1C0C0] =	vst v63  }
0xcd: {  	_ =	swait.ge [sflag:s6], $0x100  }
0xce: {  	[sflag:s6] =	ssyncset.done $0x0  }
0xcf: {  	[sflag:s6] =	ssyncadd.s32 $0xFFFFFF00  }
0xd0: {  	[tilespmem:s7], [sflag:$0xA] =	stream.indirect.gather [hbm4b:s1+s0], $0x80, s24, s0, $0xb8;
	[tilespmem:$0x1C0C0] =	vst v63  }
0xd1: {  	_ =	swait.ge [sflag:s8], $0x4000  }
0xd2: {  	[sflag:s8] =	ssyncset.done $0x0  }
0xd3: {  	[sflag:s8] =	ssyncadd.s32 $0xFFFFC000  }
0xd4: {  	[spmem:s2] =	stream.indirect.scatter.add.f32 [tilespmem:s22], [sflag:$0xB], $0x80, s0, s0, $0xb8;
	[tilespmem:$0x1C0C0] =	vst v63  }
0xd5: {  	_ =	swait.ge [sflag:s23], $0x4000  }
0xd6: {  	s11 =	rddreg [dreg:$0x7];
	[sflag:s23] =	ssyncset.done $0x0  }
0xd7: {  	[sflag:s23] =	ssyncadd.s32 $0xFFFFC000;
	s5 =	sadd.s32 s20, s11  }
0xd8: {  	[tilespmem:s3], [sflag:$0x1] =	stream.linear.gather [hbm4b:s5+s3], $0x100, $0x38;
	[tilespmem:$0x1C0C0] =	vst v63  }
0xd9: {  	_ =	swait.ge [sflag:s10], $0x100  }
0xda: {  	[sflag:s10] =	ssyncset.done $0x0  }
0xdb: {  	[sflag:s10] =	ssyncadd.s32 $0xFFFFFF00  }
0xdc: {  	[tilespmem:s22], [sflag:$0x9] =	stream.indirect.gather [hbm4b:s1+s0], $0x80, s25, s0, $0xb8;
	[tilespmem:$0x1C0C0] =	vst v63  }
0xdd: {  	_ =	swait.ge [sflag:s12], $0x4000  }
0xde: {  	[sflag:s12] =	ssyncset.done $0x0  }
0xdf: {  	s19 =	rddreg [dreg:$0x8];
	[sflag:s12] =	ssyncadd.s32 $0xFFFFC000  }
0xe0: {  	[spmem:s2] =	stream.indirect.scatter.add.f32 [tilespmem:s7], [sflag:$0xB], $0x80, s19, s0, $0xb8;
	[tilespmem:$0x1C0C0] =	vst v63  }
0xe1: {  	_ =	swait.ge [sflag:s23], $0x4000  }
0xe2: {  	[sflag:s23] =	ssyncset.done $0x0  }
0xe3: {  	s11 =	sadd.s32 $0x120, s9;
	[sflag:s23] =	ssyncadd.s32 $0xFFFFC000  }
0xe4: {  	[tilespmem:s24], [sflag:$0x2] =	stream.linear.gather [hbm4b:s11+s3], $0x100, $0x38;
	[tilespmem:$0x1C0C0] =	vst v63  }
0xe5: {  	_ =	swait.ge [sflag:s13], $0x100  }
0xe6: {  	[sflag:s13] =	ssyncset.done $0x0  }
0xe7: {  	[sflag:s13] =	ssyncadd.s32 $0xFFFFFF00  }
0xe8: {  	[tilespmem:s7], [sflag:$0xA] =	stream.indirect.gather [hbm4b:s1+s0], $0x80, s26, s0, $0xb8;
	[tilespmem:$0x1C0C0] =	vst v63  }
0xe9: {  	_ =	swait.ge [sflag:s8], $0x4000  }
0xea: {  	[sflag:s8] =	ssyncset.done $0x0  }
0xeb: {  	s19 =	rddreg [dreg:$0x9];
	[sflag:s8] =	ssyncadd.s32 $0xFFFFC000  }
0xec: {  	[spmem:s2] =	stream.indirect.scatter.add.f32 [tilespmem:s22], [sflag:$0xB], $0x80, s19, s0, $0xb8;
	[tilespmem:$0x1C0C0] =	vst v63  }
0xed: {  	_ =	swait.ge [sflag:s23], $0x4000  }
0xee: {  	s11 =	rddreg [dreg:$0x6];
	[sflag:s23] =	ssyncset.done $0x0  }
0xef: {  	[sflag:s23] =	ssyncadd.s32 $0xFFFFC000;
	s5 =	sadd.s32 s20, s11  }
0xf0: {  	[tilespmem:s25], [sflag:$0x3] =	stream.linear.gather [hbm4b:s5+s3], $0x100, $0x38;
	[tilespmem:$0x1C0C0] =	vst v63  }
0xf1: {  	_ =	swait.ge [sflag:s14], $0x100  }
0xf2: {  	[sflag:s14] =	ssyncset.done $0x0  }
0xf3: {  	[sflag:s14] =	ssyncadd.s32 $0xFFFFFF00  }
0xf4: {  	[tilespmem:s22], [sflag:$0x9] =	stream.indirect.gather [hbm4b:s1+s0], $0x80, s28, s0, $0xb8;
	[tilespmem:$0x1C0C0] =	vst v63  }
0xf5: {  	_ =	swait.ge [sflag:s12], $0x4000  }
0xf6: {  	[sflag:s12] =	ssyncset.done $0x0  }
0xf7: {  	s19 =	rddreg [dreg:$0xa];
	[sflag:s12] =	ssyncadd.s32 $0xFFFFC000  }
0xf8: {  	[spmem:s2] =	stream.indirect.scatter.add.f32 [tilespmem:s7], [sflag:$0xB], $0x80, s19, s0, $0xb8;
	[tilespmem:$0x1C0C0] =	vst v63  }
0xf9: {  	_ =	swait.ge [sflag:s23], $0x4000  }
0xfa: {  	[sflag:s23] =	ssyncset.done $0x0  }
0xfb: {  	s11 =	sadd.s32 $0x160, s9;
	[sflag:s23] =	ssyncadd.s32 $0xFFFFC000  }
0xfc: {  	[tilespmem:s26], [sflag:$0x4] =	stream.linear.gather [hbm4b:s11+s3], $0x100, $0x38;
	[tilespmem:$0x1C0C0] =	vst v63  }
0xfd: {  	_ =	swait.ge [sflag:s15], $0x100  }
0xfe: {  	[sflag:s15] =	ssyncset.done $0x0  }
0xff: {  	[sflag:s15] =	ssyncadd.s32 $0xFFFFFF00  }
0x100: {  	[tilespmem:s7], [sflag:$0xA] =	stream.indirect.gather [hbm4b:s1+s0], $0x80, s29, s0, $0xb8;
	[tilespmem:$0x1C0C0] =	vst v63  }
0x101: {  	_ =	swait.ge [sflag:s8], $0x4000  }
0x102: {  	[sflag:s8] =	ssyncset.done $0x0  }
0x103: {  	s19 =	rddreg [dreg:$0xb];
	[sflag:s8] =	ssyncadd.s32 $0xFFFFC000  }
0x104: {  	[spmem:s2] =	stream.indirect.scatter.add.f32 [tilespmem:s22], [sflag:$0xB], $0x80, s19, s0, $0xb8;
	[tilespmem:$0x1C0C0] =	vst v63  }
0x105: {  	_ =	swait.ge [sflag:s23], $0x4000  }
0x106: {  	s11 =	rddreg [dreg:$0x5];
	[sflag:s23] =	ssyncset.done $0x0  }
0x107: {  	[sflag:s23] =	ssyncadd.s32 $0xFFFFC000;
	s5 =	sadd.s32 s20, s11  }
0x108: {  	[tilespmem:s28], [sflag:$0x5] =	stream.linear.gather [hbm4b:s5+s3], $0x100, $0x38;
	[tilespmem:$0x1C0C0] =	vst v63  }
0x109: {  	_ =	swait.ge [sflag:s16], $0x100  }
0x10a: {  	[sflag:s16] =	ssyncset.done $0x0  }
0x10b: {  	[sflag:s16] =	ssyncadd.s32 $0xFFFFFF00  }
0x10c: {  	[tilespmem:s22], [sflag:$0x9] =	stream.indirect.gather [hbm4b:s1+s0], $0x80, s30, s0, $0xb8;
	[tilespmem:$0x1C0C0] =	vst v63  }
0x10d: {  	_ =	swait.ge [sflag:s12], $0x4000  }
0x10e: {  	[sflag:s12] =	ssyncset.done $0x0  }
0x10f: {  	s19 =	rddreg [dreg:$0xc];
	[sflag:s12] =	ssyncadd.s32 $0xFFFFC000  }
0x110: {  	[spmem:s2] =	stream.indirect.scatter.add.f32 [tilespmem:s7], [sflag:$0xB], $0x80, s19, s0, $0xb8;
	[tilespmem:$0x1C0C0] =	vst v63  }
0x111: {  	_ =	swait.ge [sflag:s23], $0x4000  }
0x112: {  	[sflag:s23] =	ssyncset.done $0x0  }
0x113: {  	s11 =	sadd.s32 $0x1A0, s9;
	[sflag:s23] =	ssyncadd.s32 $0xFFFFC000  }
0x114: {  	[tilespmem:s29], [sflag:$0x6] =	stream.linear.gather [hbm4b:s11+s3], $0x100, $0x38;
	[tilespmem:$0x1C0C0] =	vst v63  }
0x115: {  	_ =	swait.ge [sflag:s18], $0x100  }
0x116: {  	[sflag:s18] =	ssyncset.done $0x0  }
0x117: {  	[sflag:s18] =	ssyncadd.s32 $0xFFFFFF00  }
0x118: {  	[tilespmem:s7], [sflag:$0xA] =	stream.indirect.gather [hbm4b:s1+s0], $0x80, s4, s0, $0xb8;
	[tilespmem:$0x1C0C0] =	vst v63  }
0x119: {  	s21 =	sadd.s32 $0x100, s21;
	_ =	swait.ge [sflag:s8], $0x4000  }
0x11a: {  	p1 =	sne.s32 s21, $0xA00;
	[sflag:s8] =	ssyncset.done $0x0  }
.Ltmp1:
0x11b: {  	s19 =	rddreg [dreg:$0xd];
	[sflag:s8] =	ssyncadd.s32 $0xFFFFC000;
	(pc) =	sbr.rel @p1 .LBB2_4-.Ltmp1, $4  }
0x11c: {  	[spmem:s2] =	stream.indirect.scatter.add.f32 [tilespmem:s22], [sflag:$0xB], $0x80, s19, s0, $0xb8;
	[tilespmem:$0x1C0C0] =	vst v63  }
0x11d: {  	_ =	swait.ge [sflag:s23], $0x4000  }
0x11e: {  	[sflag:s23] =	ssyncset.done $0x0  }
0x11f: {  	s9 =	rddreg [dreg:$0x4];
	[sflag:s23] =	ssyncadd.s32 $0xFFFFC000  }
0x120: {  	s5 =	sadd.s32 s20, s9  }
0x121: {  	[tilespmem:s30], [sflag:$0x7] =	stream.linear.gather [hbm4b:s5+s3], $0x100, $0x38;
	[tilespmem:$0x1C0C0] =	vst v63  }
0x122: {  	_ =	swait.ge [sflag:s12], $0x4000  }
0x123: {  	[sflag:s12] =	ssyncset.done $0x0  }
0x124: {  	s19 =	simm.s32 $0x780;
	[sflag:s12] =	ssyncadd.s32 $0xFFFFC000  }
0x125: {  	[spmem:s2] =	stream.indirect.scatter.add.f32 [tilespmem:s7], [sflag:$0xB], $0x80, s19, s0, $0xb8;
	[tilespmem:$0x1C0C0] =	vst v63  }
0x126: {  	_ =	swait.ge [sflag:s23], $0x4000  }
0x127: {  	[sflag:s23] =	ssyncset.done $0x0  }
0x128: {  	[sflag:s23] =	ssyncadd.s32 $0xFFFFC000  }
0x129: {  	_ =	swait.ge [sflag:s31], $0x100  }
0x12a: {  	[sflag:s31] =	ssyncset.done $0x0  }
0x12b: {  	[sflag:s31] =	ssyncadd.s32 $0xFFFFFF00  }
0x12c: {  	_ =	swait.ge [sflag:s6], $0x100  }
0x12d: {  	[sflag:s6] =	ssyncset.done $0x0  }
0x12e: {  	[sflag:s6] =	ssyncadd.s32 $0xFFFFFF00  }
0x12f: {  	_ =	swait.ge [sflag:s10], $0x100  }
0x130: {  	[sflag:s10] =	ssyncset.done $0x0  }
0x131: {  	[sflag:s10] =	ssyncadd.s32 $0xFFFFFF00  }
0x132: {  	_ =	swait.ge [sflag:s13], $0x100  }
0x133: {  	[sflag:s13] =	ssyncset.done $0x0  }
0x134: {  	[sflag:s13] =	ssyncadd.s32 $0xFFFFFF00  }
0x135: {  	_ =	swait.ge [sflag:s14], $0x100  }
0x136: {  	[sflag:s14] =	ssyncset.done $0x0  }
0x137: {  	[sflag:s14] =	ssyncadd.s32 $0xFFFFFF00  }
0x138: {  	_ =	swait.ge [sflag:s15], $0x100  }
0x139: {  	[sflag:s15] =	ssyncset.done $0x0  }
0x13a: {  	[sflag:s15] =	ssyncadd.s32 $0xFFFFFF00  }
0x13b: {  	_ =	swait.ge [sflag:s16], $0x100  }
0x13c: {  	[sflag:s16] =	ssyncset.done $0x0  }
0x13d: {  	[sflag:s16] =	ssyncadd.s32 $0xFFFFFF00  }
0x13e: {  	s20 =	stileid.u32;
	[bflag:$0x0] =	sbarrier.arrive $0xFFFF  }
0x13f: {  	s5 =	sshll.u32 s20, $0x6;
	s19 =	rddreg [dreg:$0xe]  }
0x140: {  	s5 =	sor.u32 $0x1C0B, s5;
	s11 =	rddreg [dreg:$0x1b];
	s21 =	sshrl.u32 s19, $0x3  }
0x141: {  	[hbm:s11], [sflag:s5] =	dma.local [spmem:s21], $0x2700  }
0x142: {  	_ =	swait.ge [sflag:s23], $0x2700  }
0x143: {  	[sflag:s23] =	ssyncset.done $0x0;
	s21 =	rddreg [dreg:$0x14]  }
0x144: {  	s11 =	rddreg [dreg:$0x1c];
	[sflag:s23] =	ssyncadd.s32 $0xFFFFD900;
	s9 =	sshrl.u32 @!p0 s21, $0x3  }
0x145: {  	[hbm:s11], [sflag:s5] =	dma.local @!p0 [spmem:s9], $0x100  }
0x146: {  	s5 =	simm.s32 @!p0 $0xB  }
0x147: {  	_ =	swait.ge @!p0 [sflag:s5], $0x100  }
0x148: {  	s9 =	rddreg [dreg:$0x1e]  }
0x149: {  	s20 =	rddreg [dreg:$0x1d];
	s11 =	sadd.s32 $0x1, s9  }
0x14a: {  	p1 =	sne.s32 s11, s20  }
.Ltmp2:
0x14b: {  	_ = 	snop;
	(pc) =	sbr.rel @p1 .LBB2_1-.Ltmp2, $3  }
0x14c: {  	_ =	sdelay $0x1  }
0x14d: {  	[sflag:s5] =	ssyncset.done @!p0 $0x0  }
0x14e: {  	[sflag:s5] =	ssyncadd.s32 @!p0 $0xFFFFFF00  }
0x14f: {  	_ =	sfence.sel $0x180000  }
0x150: {  	[bflag:$0x0] =	sbarrier.arrive $0xFFFF  }
0x151: {  	_ =	strace $0x90000047  }
0x152: {  	s0 =	stileid.u32;
	[bflag:$0x2] =	sbarrier.arrive $0xFFFF  }
0x153: {  	p0 =	sne.s32 s0, $0x0;
	s0 =	rddreg [dreg:$0x3]  }
0x154: {  	s0 =	sadd.s32 @!p0 $0x100000, s0  }
0x155: {  	[sflag:s0] =	ssyncadd.tile.s32 @!p0 $0x1;
	_ =	shalt  }
.Lfunc_end2:
_tile_overlayer_lowered:
.L_overlay_start_2:
0x156: {  	(tag) =	ssettag $0x2  }
0x157: {  	s0 =	rddreg [dreg:$0x0];
	s2 =	stileid.u32  }
0x158: {  	s1 =	rddreg [dreg:$0x1];
	p0 =	sne.s32 s2, $0x0  }
0x159: {  	s3 =	rddreg [dreg:$0x2];
	[bflag:$0x3] =	sbarrier.arrive $0xFFFF;
	s2 =	simm.s32 @!p0 $0x1C0B  }
0x15a: {  	[timem:s3], [sflag:s2] =	dma.local @!p0 [hbm:s0], s1  }
0x15b: {  	s0 =	simm.s32 @!p0 $0xB  }
0x15c: {  	_ =	swait.ge @!p0 [sflag:s0], s1  }
0x15d: {  	s1 =	ssub.s32 @!p0 $0x0, s1;
	[sflag:s0] =	ssyncset.done @!p0 $0x0  }
0x15e: {  	[sflag:s0] =	ssyncadd.s32 @!p0 s1  }
0x15f: {  	[bflag:$0x3] =	sbarrier.arrive $0xFFFF  }
0x160: {  	_ =	shalt  }

// kernel: kernel.9.cloned.1.call-start
scs
__scs_entry_jumppad:
0x0: {  	(pc) =	sbr.rel $0x88, $3  }
0x1: {  	(tag) =	ssettag $0x0;
	lr =	simm.s32 $0x1  }
0x2: {  	[smem:$0x3F95] =	sst lr;
	_ =	strace $0xD0000000  }
0x3: {  	_ = 	snop  }
0x4: {  	_ = 	snop  }
0x5: {  	_ = 	snop  }
0x6: {  	_ = 	snop  }
0x7: {  	_ = 	snop  }
__scs_overlays_trampoline_lowered:
0x8: {  	[smem:$0x3FA4] =	sst s0  }
0x9: {  	[smem:$0x3FA5] =	sst s1  }
0xa: {  	[smem:$0x3FA6] =	sst s2  }
0xb: {  	[smem:$0x3FA7] =	sst s3  }
0xc: {  	[smem:$0x3FA8] =	sst s4  }
0xd: {  	[smem:$0x3FA9] =	sst s5  }
0xe: {  	[smem:$0x3FAA] =	sst s6  }
0xf: {  	[smem:$0x3FAB] =	sst s7  }
0x10: {  	[smem:$0x3FAC] =	sst s8  }
0x11: {  	[smem:$0x3FAD] =	sst s9;
	s0 =	simm.s32 @!p0 $0x0  }
0x12: {  	s1 =	sld [smem:$0x3F93];
	s0 =	simm.s32 @p0 $0x1  }
0x13: {  	[smem:$0x3FAE] =	sst s0;
	s0 =	simm.s32 @!p1 $0x0  }
0x14: {  	s2 =	sld [smem:$0x3F92];
	s0 =	simm.s32 @p1 $0x1  }
0x15: {  	[smem:$0x3FAF] =	sst s0;
	s0 =	simm.s32 @!p2 $0x0  }
0x16: {  	s3 =	sld [smem:$0x3FDB];
	s0 =	simm.s32 @p2 $0x1  }
0x17: {  	s4 =	simm.s32 $0x1BF5;
	[smem:$0x3FB1] =	sst s0  }
0x18: {  	s0 =	sld [smem:$0x3F94];
	_ =	swait.ge [sflag:s4], $0x0  }
0x19: {  	s7 =	sld [smem:$0x3F95]  }
0x1a: {  	s8 =	sadd.s32 $0xFFFFE003, lr  }
0x1b: {  	s9 =	sadd.s32 $0xFFFFFEF7, lr;
	s5 =	simm.s32 $0xFFFFFFFF;
	p2 =	slt.u32 s8, $0xFFFFF086  }
0x1c: {  	p1 =	slt.u32 s9, $0xF7A;
	s5 =	simm.s32 @!p2 $0x0  }
0x1d: {  	s5 =	simm.s32 @p1 $0x1;
	p0 =	seq.s32 s7, s2  }
0x1e: {  	s7 =	smul.u32 @!p0 $0xF7A, s2;
	p2 =	seq.s32 @!p0 s5, $0x0  }
0x1f: {  	s9 =	smul.u32 $0xF7A, s1;
	s8 =	simm.s32 @!p0 $0x1BF5;
	p2 =	por !p2, p0  }
0x20: {  	[sflag:s8] =	ssyncset.s32 @!p0 $0xFFFFF086;
	s6 =	sadd.s32 @!p0 s3, s7;
	s7 =	simm.s32 @!p0 $0x108  }
0x21: {  	s3 =	sadd.s32 s3, s9;
	s6 =	sadd.s32 @!p0 $0x88, s6;
	s7 =	simm.s32 @p2 $0x1082  }
0x22: {  	[simem:s7], [sflag:s8] =	dma.local @!p0 [hbm:s6], $0xF7A  }
0x23: {  	s9 =	sor.u32 $0xD0000000, s2;
	s6 =	simm.s32 $0x108;
	_ =	swait.ge @!p0 [sflag:s8], $0x0  }
0x24: {  	s3 =	sadd.s32 $0x88, s3;
	s6 =	simm.s32 @!p1 $0x1082;
	[sflag:s4] =	ssyncset.s32 $0xFFFFF086  }
0x25: {  	[simem:s6], [sflag:s4] =	dma.local [hbm:s3], $0xF7A  }
0x26: {  	[smem:$0x3F95] =	sst s1;
	(tag) =	ssettag s2;
	_ =	strace s9  }
0x27: {  	s1 =	sld [smem:$0x3FA5]  }
0x28: {  	s2 =	sld [smem:$0x3FA6]  }
0x29: {  	s4 =	sld [smem:$0x3FA8]  }
0x2a: {  	p0 =	seq.s32 s5, $0x0;
	s5 =	sld [smem:$0x3FA9]  }
0x2b: {  	s6 =	sld [smem:$0x3FAA]  }
0x2c: {  	s7 =	sld [smem:$0x3FAB]  }
0x2d: {  	s3 =	simm.s32 $0x108;
	s8 =	sld [smem:$0x3FAC]  }
0x2e: {  	s3 =	simm.s32 @!p0 $0x1082;
	s9 =	sld [smem:$0x3FAD]  }
0x2f: {  	lr =	sadd.s32 s0, s3;
	s0 =	sld [smem:$0x3FA4]  }
0x30: {  	s3 =	sld [smem:$0x3FA7]  }
0x31: {  	[smem:$0x3FB0] =	sst s10  }
0x32: {  	s10 =	sld [smem:$0x3FAE];
	_ =	sdelay $0x3  }
0x33: {  	p0 =	seq.s32 s10, $0x1;
	s10 =	sld [smem:$0x3FB0];
	_ =	sdelay $0x3  }
0x34: {  	[smem:$0x3FB0] =	sst s10  }
0x35: {  	s10 =	sld [smem:$0x3FAF];
	_ =	sdelay $0x3  }
0x36: {  	p1 =	seq.s32 s10, $0x1;
	s10 =	sld [smem:$0x3FB0];
	_ =	sdelay $0x3  }
0x37: {  	[smem:$0x3FB0] =	sst s10  }
0x38: {  	s10 =	sld [smem:$0x3FB1]  }
0x39: {  	_ = 	snop;
	(pc) =	sbr.ind lr, $3  }
0x3a: {  	_ = 	snop  }
0x3b: {  	_ = 	snop  }
0x3c: {  	p2 =	seq.s32 s10, $0x1;
	s10 =	sld [smem:$0x3FB0]  }
0x3d: {  	_ =	shalt  }
0x3e: {  	_ =	shalt  }
0x3f: {  	_ =	shalt  }
0x40: {  	_ =	shalt  }
0x41: {  	_ =	shalt  }
0x42: {  	_ =	shalt  }
0x43: {  	_ =	shalt  }
0x44: {  	_ =	shalt  }
0x45: {  	_ =	shalt  }
0x46: {  	_ =	shalt  }
0x47: {  	_ =	shalt  }
0x48: {  	_ =	shalt  }
0x49: {  	_ =	shalt  }
0x4a: {  	_ =	shalt  }
0x4b: {  	_ =	shalt  }
0x4c: {  	_ =	shalt  }
0x4d: {  	_ =	shalt  }
0x4e: {  	_ =	shalt  }
0x4f: {  	_ =	shalt  }
0x50: {  	_ =	shalt  }
0x51: {  	_ =	shalt  }
0x52: {  	_ =	shalt  }
0x53: {  	_ =	shalt  }
0x54: {  	_ =	shalt  }
0x55: {  	_ =	shalt  }
0x56: {  	_ =	shalt  }
0x57: {  	_ =	shalt  }
0x58: {  	_ =	shalt  }
0x59: {  	_ =	shalt  }
0x5a: {  	_ =	shalt  }
0x5b: {  	_ =	shalt  }
0x5c: {  	_ =	shalt  }
0x5d: {  	_ =	shalt  }
0x5e: {  	_ =	shalt  }
0x5f: {  	_ =	shalt  }
0x60: {  	_ =	shalt  }
0x61: {  	_ =	shalt  }
0x62: {  	_ =	shalt  }
0x63: {  	_ =	shalt  }
0x64: {  	_ =	shalt  }
0x65: {  	_ =	shalt  }
0x66: {  	_ =	shalt  }
0x67: {  	_ =	shalt  }
0x68: {  	_ =	shalt  }
0x69: {  	_ =	shalt  }
0x6a: {  	_ =	shalt  }
0x6b: {  	_ =	shalt  }
0x6c: {  	_ =	shalt  }
0x6d: {  	_ =	shalt  }
0x6e: {  	_ =	shalt  }
0x6f: {  	_ =	shalt  }
0x70: {  	_ =	shalt  }
0x71: {  	_ =	shalt  }
0x72: {  	_ =	shalt  }
0x73: {  	_ =	shalt  }
0x74: {  	_ =	shalt  }
0x75: {  	_ =	shalt  }
0x76: {  	_ =	shalt  }
0x77: {  	_ =	shalt  }
0x78: {  	_ =	shalt  }
0x79: {  	_ =	shalt  }
0x7a: {  	_ =	shalt  }
0x7b: {  	_ =	shalt  }
0x7c: {  	_ =	shalt  }
0x7d: {  	_ =	shalt  }
0x7e: {  	_ =	shalt  }
0x7f: {  	_ =	shalt  }
0x80: {  	_ =	shalt  }
0x81: {  	_ =	shalt  }
0x82: {  	_ =	shalt  }
0x83: {  	_ =	shalt  }
0x84: {  	_ =	shalt  }
0x85: {  	_ =	shalt  }
0x86: {  	_ =	shalt  }
0x87: {  	_ =	shalt  }
.Lfunc_end0:
.L_simem_size_0:
called_computation.1_lowered:
.L_overlay_start_0:
0x88: {  	s2 =	sld [smem:$0x3FD9]  }
0x89: {  	s3 =	sld [smem:$0x3FFE];
	_ =	sdelay $0x1  }
0x8a: {  	s1 =	srdreg.scid  }
0x8b: {  	s0 =	sand.u32 $0x1, s1  }
0x8c: {  	s17 =	sshll.u32 s0, $0xA;
	s2 =	sadd.s32 s3, s2  }
0x8d: {  	s2 =	sadd.s32 s2, s17  }
0x8e: {  	[smem:$0x3FBC] =	sst s2  }
0x8f: {  	_ = 	snop  }
0x90: {  	s2 =	sld [smem:$0x3FD0];
	(tm) =	ssettm $0x1  }
0x91: {  	s18 =	sld [smem:$0x3FFB];
	_ =	sdelay $0x3  }
0x92: {  	_ =	strace s18  }
0x93: {  	s3 =	sld [smem:$0x3FFC];
	_ =	sdelay $0x3  }
0x94: {  	_ =	strace s3  }
0x95: {  	s3 =	sld [smem:$0x3FFD];
	_ =	sdelay $0x3  }
0x96: {  	_ =	strace s3  }
0x97: {  	_ =	strace $0x8FFFFFFF  }
0x98: {  	s19 =	sld [smem:$0x3FDB];
	_ =	sdelay $0x1  }
0x99: {  	s4 =	simm.s32 $_scs_section_size  }
0x9a: {  	s5 =	simm.s32 $_size__tile_overlayer_lowered;
	s6 =	simm.s32 $_tile_overlayer_lowered  }
0x9b: {  	s22 =	simm.s32 $0x1BFF;
	s21 =	sshll.u32 s6, $0x1;
	s3 =	sadd.s32 s4, s19  }
0x9c: {  	s7 =	simm.s32 $0x0;
	s20 =	sshll.u32 s5, $0x1;
	s5 =	sadd.s32 s21, s3  }
0x9d: {  	[timem:s7], [sflag:s22] =	dma.local [hbm:s5], s20  }
0x9e: {  	_ =	swait.ge [sflag:s22], s20  }
0x9f: {  	s4 =	ssub.s32 $0x0, s20;
	[sflag:s22] =	ssyncset.done $0x0  }
0xa0: {  	[sflag:s22] =	ssyncadd.s32 s4;
	_ =	sdelay $0x1  }
0xa1: {  	s23 =	simm.s32 $0x1B8B  }
0xa2: {  	_ =	swait.ge [sflag:s23], $0x1  }
0xa3: {  	[sflag:s23] =	ssyncset.done $0x0  }
0xa4: {  	s25 =	simm.s32 $0x1B8E;
	s24 =	sld [smem:$0x3FFE];
	[sflag:s23] =	ssyncadd.s32 $0xFFFFFFFF  }
0xa5: {  	s26 =	simm.s32 $execute0_lowered;
	[smem:$0x3FD2] =	sst s25  }
0xa6: {  	s5 =	sshll.u32 s26, $0x1;
	_ =	strace $0x80000049;
	[dreg:$0x1] =	wrdreg $0xFFFFFFFF  }
0xa7: {  	s28 =	simm.s32 $_size_execute0_lowered;
	s3 =	sadd.s32 s3, s5;
	[dreg:$0x0] =	wrdreg $0x0  }
0xa8: {  	s5 =	sshll.u32 s28, $0x1;
	[dreg:$0x2] =	wrdreg s3  }
0xa9: {  	[dreg:$0x3] =	wrdreg s5  }
0xaa: {  	[dreg:$0x4] =	wrdreg $0xC0  }
0xab: {  	_ =	task [dreg:s7], $0x5FFFF  }
0xac: {  	[dreg:$0x1] =	wrdreg $0xFFFFFFFF  }
0xad: {  	[dreg:$0x0] =	wrdreg $0x60  }
0xae: {  	[dreg:$0x2] =	wrdreg s2  }
0xaf: {  	[dreg:$0x3] =	wrdreg s24  }
0xb0: {  	[dreg:$0x4] =	wrdreg $0x28000  }
0xb1: {  	[dreg:$0x5] =	wrdreg $0x9  }
0xb2: {  	_ =	task.clear_ibuf [dreg:s7], $0x6FFFF;
	_ =	strace $0x90000049  }
0xb3: {  	s29 =	simm.s32 $0x9;
	_ =	strace $0x8000004B  }
0xb4: {  	_ =	swait.ge [sflag:s29], $0x1  }
0xb5: {  	[sflag:s29] =	ssyncadd.s32 $0xFFFFFFFF  }
0xb6: {  	_ =	strace $0x9000004B  }
0xb7: {  	_ =	sfence  }
0xb8: {  	s30 =	sld [smem:$0x0];
	_ =	sdelay $0x2  }
0xb9: {  	s31 =	sshll.u32 s1, $0xD;
	s1 =	sshrl.u32 s1, $0x2  }
0xba: {  	s3 =	sand.u32 $0x4000, s31;
	s1 =	sadd.s32 s1, s30  }
0xbb: {  	s0 =	sor.u32 s3, s0;
	s1 =	sshll.u32 s1, $0x11  }
0xbc: {  	s0 =	sor.u32 s1, s0  }
0xbd: {  	s0 =	sadd.s32 $0x8F2B, s0  }
0xbe: {  	[sflag:s0] =	ssyncadd.remote.s32 $0x1  }
0xbf: {  	_ =	sfence.sel $0xFFFF  }
0xc0: {  	[dreg:$0x0] =	wrdreg $0xFFFFFFFF;
	(pc) =	sbr.abs _section_cstart, $3  }
0xc1: {  	[dreg:$0x1] =	wrdreg $0xFFFFFFFF  }
0xc2: {  	_ =	task.clear_ibuf [dreg:s7], $0x2FFFF;
	_ =	strace $0x9FFFFFFF  }
0xc3: {  	(tm) =	ssettm $0x7FFFFFFF  }
tec
execute0_lowered:
.L_overlay_start_1:
0x0: {  	(tag) =	ssettag $0x1  }
0x1: {  	s1 =	rddreg [dreg:$0x0]  }
0x2: {  	s0 =	rddreg [dreg:$0x1]  }
0x3: {  	s2 =	rddreg [dreg:$0x2];
	s3 =	simm.s32 $0x0  }
0x4: {  	s4 =	srdreg.scid;
	s11 =	stileid.u32;
	s28 =	simm.s32 $0x400  }
0x5: {  	s29 =	simm.s32 $0x500;
	s30 =	simm.s32 $0x600;
	s31 =	simm.s32 $0x1  }
0x6: {  	[smem:$0x7FF] =	sst s3;
	s6 =	sadd.s32 $0x1E00, s0;
	s7 =	smul.u32 $0x13800, s11  }
0x7: {  	s4 =	sand.u32 $0x1, s4;
	s0 =	sadd.s32 $0x16000, s0;
	s10 =	smul.u32 $0x4E00, s11  }
0x8: {  	s18 =	smul.u32 $0x50, s11;
	s20 =	sadd.s32 $0x4E000, s2;
	p0 =	sne.s32 s11, $0xF  }
0x9: {  	_ =	strace $0x8000004A;
	s5 =	ssub.s32 $0x2, s4;
	s9 =	sshll.u32 s4, $0x4  }
0xa: {  	[dreg:$0x14] =	wrdreg s20;
	s20 =	simm.s32 $0x180;
	s7 =	sshrl.u32 s7, $0x2  }
0xb: {  	s19 =	sadd.s32 s10, s2;
	[dreg:$0x8] =	wrdreg s20;
	s7 =	sadd.s32 s7, s2  }
0xc: {  	s12 =	smul.u32 $0x500, s4;
	[dreg:$0xe] =	wrdreg s19;
	s13 =	sadd.s32 $0x1000, s7  }
0xd: {  	s9 =	sor.u32 s11, s9;
	s14 =	sadd.s32 $0x2000, s7;
	[dreg:$0xf] =	wrdreg s13  }
0xe: {  	s9 =	smul.u32 $0xA00, s9;
	s15 =	sadd.s32 $0x3000, s7;
	[dreg:$0x10] =	wrdreg s14  }
0xf: {  	s4 =	smul.u32 $0x4E200, s4;
	s7 =	sadd.s32 $0x4000, s7;
	[dreg:$0x11] =	wrdreg s15  }
0x10: {  	s23 =	sadd.s32 s18, s12;
	s16 =	sadd.s32 s6, s9;
	[dreg:$0x13] =	wrdreg s7  }
0x11: {  	s7 =	sshll.u32 s23, $0x5;
	s23 =	simm.s32 $0x380;
	[dreg:$0x12] =	wrdreg s16  }
0x12: {  	s8 =	sshrl.u32 s5, $0x1;
	s21 =	sadd.s32 $0x20, s16;
	[dreg:$0xa] =	wrdreg s23  }
0x13: {  	s11 =	simm.s32 $0x0;
	s22 =	sadd.s32 $0x40, s16;
	[dreg:$0x15] =	wrdreg s21  }
0x14: {  	s8 =	ssub.s32 s5, s8;
	s24 =	sadd.s32 $0x60, s16;
	[dreg:$0x16] =	wrdreg s22  }
0x15: {  	s12 =	sadd.s32 s10, s4;
	s25 =	sadd.s32 $0x80, s16;
	[dreg:$0x17] =	wrdreg s24  }
0x16: {  	s4 =	sshrl.u32 s4, $0x3;
	s26 =	sadd.s32 $0xA0, s16;
	[dreg:$0x18] =	wrdreg s25  }
0x17: {  	s13 =	sshrl.u32 s12, $0x3;
	s5 =	sadd.s32 $0xC0, s16;
	[dreg:$0x19] =	wrdreg s26  }
0x18: {  	s17 =	sadd.s32 s7, s6;
	s14 =	sadd.s32 s0, s13;
	[dreg:$0x1a] =	wrdreg s5  }
0x19: {  	s10 =	simm.s32 $0x3;
	s7 =	sadd.s32 $0x1C0, s17;
	[dreg:$0x1b] =	wrdreg s14  }
0x1a: {  	s12 =	simm.s32 $0xA;
	s15 =	sadd.s32 $0x180, s17;
	[dreg:$0x4] =	wrdreg s7  }
0x1b: {  	s0 =	sadd.s32 s0, s4;
	s16 =	sadd.s32 $0x140, s17;
	[dreg:$0x5] =	wrdreg s15  }
0x1c: {  	s23 =	simm.s32 $0xB;
	s0 =	sadd.s32 $0x9C00, s0;
	[dreg:$0x6] =	wrdreg s16  }
0x1d: {  	s4 =	simm.s32 $0x700;
	s18 =	sadd.s32 $0x100, s17;
	[dreg:$0x1c] =	wrdreg s0  }
0x1e: {  	s6 =	simm.s32 $0x2;
	s21 =	smax.u32 s8, $0x1;
	[dreg:$0x7] =	wrdreg s18  }
0x1f: {  	s13 =	simm.s32 $0x4;
	s22 =	simm.s32 $0x280;
	[dreg:$0x1d] =	wrdreg s21  }
0x20: {  	s24 =	simm.s32 $0x480;
	s25 =	simm.s32 $0x580;
	[dreg:$0x9] =	wrdreg s22  }
0x21: {  	s26 =	simm.s32 $0x680;
	s8 =	simm.s32 $0x9;
	[dreg:$0xb] =	wrdreg s24  }
0x22: {  	s14 =	simm.s32 $0x5;
	s22 =	simm.s32 $0x800;
	[dreg:$0xc] =	wrdreg s25  }
0x23: {  	s24 =	simm.s32 $0x100;
	[dreg:$0xd] =	wrdreg s26;
	s25 =	simm.s32 $0x200  }
0x24: {  	s26 =	simm.s32 $0x300;
	s0 =	simm.s32 $0x80;
	s7 =	simm.s32 $0x1800  }
0x25: {  	v0 =	vimm.f32 $0.0e+00;
	s15 =	simm.s32 $0x6;
	s16 =	simm.s32 $0x7;
	s18 =	simm.s32 $0x8  }
.LBB2_1:
0x26: {  	s9 =	simm.s32 $0x80;
	s20 =	simm.s32 $0x0  }
.LBB2_2:
0x27: {  	p1 =	sne.s32 s9, $0x3F80;
	[tilespmem:s20+$0x800] =	vst v0;
	s21 =	smov.u32 s9;
	s9 =	sadd.s32 $0x80, s9  }
.Ltmp0:
0x28: {  	[tilespmem:s20+$0x810] =	vst v0;
	(pc) =	sbr.rel @p1 .LBB2_2-.Ltmp0, $2  }
0x29: {  	_ =	sdelay $0x2  }
0x2a: {  	s20 =	sshra.s32 s21, $0x2  }
0x2b: {  	[tilespmem:s20+$0x800] =	vst v0  }
0x2c: {  	[dreg:$0x1e] =	wrdreg s11;
	[tilespmem:s20+$0x810] =	vst v0  }
0x2d: {  	[spmem:s19] =	stream.linear.scatter [tilespmem:s22], [sflag:$0xB], $0x1000, $0x38;
	[tilespmem:$0x7630] =	vst v63  }
0x2e: {  	_ =	swait.ge [sflag:s23], $0x1000  }
0x2f: {  	[sflag:s23] =	ssyncset.done $0x0  }
0x30: {  	s5 =	rddreg [dreg:$0xf];
	[sflag:s23] =	ssyncadd.s32 $0xFFFFF000  }
0x31: {  	[spmem:s5] =	stream.linear.scatter [tilespmem:s22], [sflag:$0xB], $0x1000, $0x38;
	[tilespmem:$0x7630] =	vst v63  }
0x32: {  	_ =	swait.ge [sflag:s23], $0x1000  }
0x33: {  	[sflag:s23] =	ssyncset.done $0x0  }
0x34: {  	s19 =	rddreg [dreg:$0x10];
	[sflag:s23] =	ssyncadd.s32 $0xFFFFF000  }
0x35: {  	[spmem:s19] =	stream.linear.scatter [tilespmem:s22], [sflag:$0xB], $0x1000, $0x38;
	[tilespmem:$0x7630] =	vst v63  }
0x36: {  	_ =	swait.ge [sflag:s23], $0x1000  }
0x37: {  	[sflag:s23] =	ssyncset.done $0x0  }
0x38: {  	s20 =	rddreg [dreg:$0x11];
	[sflag:s23] =	ssyncadd.s32 $0xFFFFF000  }
0x39: {  	[spmem:s20] =	stream.linear.scatter [tilespmem:s22], [sflag:$0xB], $0x1000, $0x38;
	[tilespmem:$0x7630] =	vst v63  }
0x3a: {  	_ =	swait.ge [sflag:s23], $0x1000  }
0x3b: {  	[sflag:s23] =	ssyncset.done $0x0  }
0x3c: {  	s21 =	rddreg [dreg:$0x13];
	[sflag:s23] =	ssyncadd.s32 $0xFFFFF000  }
0x3d: {  	[spmem:s21] =	stream.linear.scatter [tilespmem:s22], [sflag:$0xB], $0xE00, $0x38;
	[tilespmem:$0x7630] =	vst v63  }
0x3e: {  	_ =	swait.ge [sflag:s23], $0xE00  }
0x3f: {  	[sflag:s23] =	ssyncset.done $0x0  }
0x40: {  	s9 =	simm.s32 @!p0 $0x800;
	s5 =	rddreg [dreg:$0x14];
	[sflag:s23] =	ssyncadd.s32 $0xFFFFF200  }
0x41: {  	[spmem:s5] =	stream.linear.scatter @!p0 [tilespmem:s9], [sflag:$0xB], $0x200, $0x38;
	[tilespmem:$0x7630] =	vst v63  }
0x42: {  	s9 =	simm.s32 @!p0 $0xB  }
0x43: {  	_ =	swait.ge @!p0 [sflag:s9], $0x200  }
0x44: {  	[sflag:s9] =	ssyncset.done @!p0 $0x0  }
0x45: {  	[sflag:s9] =	ssyncadd.s32 @!p0 $0xFFFFFE00  }
0x46: {  	[bflag:$0x0] =	sbarrier.arrive $0xFFFF  }
0x47: {  	s20 =	simm.s32 $0x0;
	s9 =	rddreg [dreg:$0x12]  }
0x48: {  	[tilespmem:s20], [sflag:$0x1] =	stream.linear.gather [hbm4b:s9+s20], $0x100, $0x38;
	[tilespmem:$0x7630] =	vst v63  }
0x49: {  	s11 =	rddreg [dreg:$0x15]  }
0x4a: {  	[tilespmem:s24], [sflag:$0x2] =	stream.linear.gather [hbm4b:s11+s20], $0x100, $0x38;
	[tilespmem:$0x7630] =	vst v63  }
0x4b: {  	s19 =	rddreg [dreg:$0x16]  }
0x4c: {  	[tilespmem:s25], [sflag:$0x3] =	stream.linear.gather [hbm4b:s19+s20], $0x100, $0x38;
	[tilespmem:$0x7630] =	vst v63  }
0x4d: {  	s21 =	rddreg [dreg:$0x17]  }
0x4e: {  	[tilespmem:s26], [sflag:$0x4] =	stream.linear.gather [hbm4b:s21+s20], $0x100, $0x38;
	[tilespmem:$0x7630] =	vst v63  }
0x4f: {  	s9 =	rddreg [dreg:$0x18]  }
0x50: {  	[tilespmem:s28], [sflag:$0x5] =	stream.linear.gather [hbm4b:s9+s20], $0x100, $0x38;
	[tilespmem:$0x7630] =	vst v63  }
0x51: {  	s11 =	rddreg [dreg:$0x19]  }
0x52: {  	[tilespmem:s29], [sflag:$0x6] =	stream.linear.gather [hbm4b:s11+s20], $0x100, $0x38;
	[tilespmem:$0x7630] =	vst v63  }
0x53: {  	s19 =	rddreg [dreg:$0x1a]  }
0x54: {  	[tilespmem:s30], [sflag:$0x7] =	stream.linear.gather [hbm4b:s19+s20], $0x100, $0x38;
	[tilespmem:$0x7630] =	vst v63  }
0x55: {  	_ =	swait.ge [sflag:s31], $0x100  }
0x56: {  	p1 =	por $0x1, $0x1;
	[sflag:s31] =	ssyncset.done $0x0  }
0x57: {  	s9 =	simm.s32 @!p1 $0xA;
	[sflag:s31] =	ssyncadd.s32 $0xFFFFFF00  }
0x58: {  	[tilespmem:s22], [sflag:$0x9] =	stream.indirect.gather [hbm4b:s1+s0], $0x20, s3, s0, $0xb8;
	[tilespmem:$0x7630] =	vst v63  }
0x59: {  	_ =	swait.ge @!p1 [sflag:s9], $0x1000  }
0x5a: {  	s5 =	simm.s32 @!p1 $0x80;
	[sflag:s9] =	ssyncset.done @!p1 $0x0  }
0x5b: {  	s21 =	simm.s32 @!p1 $0x1800;
	[sflag:s9] =	ssyncadd.s32 @!p1 $0xFFFFF000;
	s9 =	simm.s32 @!p1 $0x780  }
0x5c: {  	[spmem:s2] =	stream.indirect.scatter.add.f32 @!p1 [tilespmem:s21], [sflag:$0xB], $0x20, s9, s5, $0xb8;
	[tilespmem:$0x7630] =	vst v63  }
0x5d: {  	s5 =	simm.s32 @!p1 $0xB  }
0x5e: {  	_ =	swait.ge @!p1 [sflag:s5], $0x1000  }
0x5f: {  	s9 =	sadd.s32 $0x0, s17;
	[sflag:s5] =	ssyncset.done @!p1 $0x0  }
0x60: {  	s21 =	sadd.s32 $0xE0, s9;
	[sflag:s5] =	ssyncadd.s32 @!p1 $0xFFFFF000  }
0x61: {  	[tilespmem:s4], [sflag:$0x8] =	stream.linear.gather [hbm4b:s21+s3], $0x100, $0x38;
	[tilespmem:$0x7630] =	vst v63  }
0x62: {  	_ =	swait.ge [sflag:s6], $0x100  }
0x63: {  	[sflag:s6] =	ssyncset.done $0x0  }
0x64: {  	[sflag:s6] =	ssyncadd.s32 $0xFFFFFF00  }
0x65: {  	[tilespmem:s7], [sflag:$0xA] =	stream.indirect.gather [hbm4b:s1+s0], $0x20, s24, s0, $0xb8;
	[tilespmem:$0x7630] =	vst v63  }
0x66: {  	_ =	swait.ge [sflag:s8], $0x1000  }
0x67: {  	[sflag:s8] =	ssyncset.done $0x0  }
0x68: {  	[sflag:s8] =	ssyncadd.s32 $0xFFFFF000  }
0x69: {  	[spmem:s2] =	stream.indirect.scatter.add.f32 [tilespmem:s22], [sflag:$0xB], $0x20, s0, s0, $0xb8;
	[tilespmem:$0x7630] =	vst v63  }
0x6a: {  	_ =	swait.ge [sflag:s23], $0x1000  }
0x6b: {  	s11 =	rddreg [dreg:$0x7];
	[sflag:s23] =	ssyncset.done $0x0  }
0x6c: {  	[sflag:s23] =	ssyncadd.s32 $0xFFFFF000;
	s5 =	sadd.s32 $0x0, s11  }
0x6d: {  	[tilespmem:s3], [sflag:$0x1] =	stream.linear.gather [hbm4b:s5+s3], $0x100, $0x38;
	[tilespmem:$0x7630] =	vst v63  }
0x6e: {  	_ =	swait.ge [sflag:s10], $0x100  }
0x6f: {  	[sflag:s10] =	ssyncset.done $0x0  }
0x70: {  	[sflag:s10] =	ssyncadd.s32 $0xFFFFFF00  }
0x71: {  	[tilespmem:s22], [sflag:$0x9] =	stream.indirect.gather [hbm4b:s1+s0], $0x20, s25, s0, $0xb8;
	[tilespmem:$0x7630] =	vst v63  }
0x72: {  	_ =	swait.ge [sflag:s12], $0x1000  }
0x73: {  	[sflag:s12] =	ssyncset.done $0x0  }
0x74: {  	s19 =	rddreg [dreg:$0x8];
	[sflag:s12] =	ssyncadd.s32 $0xFFFFF000  }
0x75: {  	[spmem:s2] =	stream.indirect.scatter.add.f32 [tilespmem:s7], [sflag:$0xB], $0x20, s19, s0, $0xb8;
	[tilespmem:$0x7630] =	vst v63  }
0x76: {  	_ =	swait.ge [sflag:s23], $0x1000  }
0x77: {  	[sflag:s23] =	ssyncset.done $0x0  }
0x78: {  	s21 =	sadd.s32 $0x120, s9;
	[sflag:s23] =	ssyncadd.s32 $0xFFFFF000  }
0x79: {  	[tilespmem:s24], [sflag:$0x2] =	stream.linear.gather [hbm4b:s21+s3], $0x100, $0x38;
	[tilespmem:$0x7630] =	vst v63  }
0x7a: {  	_ =	swait.ge [sflag:s13], $0x100  }
0x7b: {  	[sflag:s13] =	ssyncset.done $0x0  }
0x7c: {  	[sflag:s13] =	ssyncadd.s32 $0xFFFFFF00  }
0x7d: {  	[tilespmem:s7], [sflag:$0xA] =	stream.indirect.gather [hbm4b:s1+s0], $0x20, s26, s0, $0xb8;
	[tilespmem:$0x7630] =	vst v63  }
0x7e: {  	_ =	swait.ge [sflag:s8], $0x1000  }
0x7f: {  	[sflag:s8] =	ssyncset.done $0x0  }
0x80: {  	s11 =	rddreg [dreg:$0x9];
	[sflag:s8] =	ssyncadd.s32 $0xFFFFF000  }
0x81: {  	[spmem:s2] =	stream.indirect.scatter.add.f32 [tilespmem:s22], [sflag:$0xB], $0x20, s11, s0, $0xb8;
	[tilespmem:$0x7630] =	vst v63  }
0x82: {  	_ =	swait.ge [sflag:s23], $0x1000  }
0x83: {  	s19 =	rddreg [dreg:$0x6];
	[sflag:s23] =	ssyncset.done $0x0  }
0x84: {  	[sflag:s23] =	ssyncadd.s32 $0xFFFFF000;
	s5 =	sadd.s32 $0x0, s19  }
0x85: {  	[tilespmem:s25], [sflag:$0x3] =	stream.linear.gather [hbm4b:s5+s3], $0x100, $0x38;
	[tilespmem:$0x7630] =	vst v63  }
0x86: {  	_ =	swait.ge [sflag:s14], $0x100  }
0x87: {  	[sflag:s14] =	ssyncset.done $0x0  }
0x88: {  	[sflag:s14] =	ssyncadd.s32 $0xFFFFFF00  }
0x89: {  	[tilespmem:s22], [sflag:$0x9] =	stream.indirect.gather [hbm4b:s1+s0], $0x20, s28, s0, $0xb8;
	[tilespmem:$0x7630] =	vst v63  }
0x8a: {  	_ =	swait.ge [sflag:s12], $0x1000  }
0x8b: {  	[sflag:s12] =	ssyncset.done $0x0  }
0x8c: {  	s21 =	rddreg [dreg:$0xa];
	[sflag:s12] =	ssyncadd.s32 $0xFFFFF000  }
0x8d: {  	[spmem:s2] =	stream.indirect.scatter.add.f32 [tilespmem:s7], [sflag:$0xB], $0x20, s21, s0, $0xb8;
	[tilespmem:$0x7630] =	vst v63  }
0x8e: {  	_ =	swait.ge [sflag:s23], $0x1000  }
0x8f: {  	[sflag:s23] =	ssyncset.done $0x0  }
0x90: {  	s11 =	sadd.s32 $0x160, s9;
	[sflag:s23] =	ssyncadd.s32 $0xFFFFF000  }
0x91: {  	[tilespmem:s26], [sflag:$0x4] =	stream.linear.gather [hbm4b:s11+s3], $0x100, $0x38;
	[tilespmem:$0x7630] =	vst v63  }
0x92: {  	_ =	swait.ge [sflag:s15], $0x100  }
0x93: {  	[sflag:s15] =	ssyncset.done $0x0  }
0x94: {  	[sflag:s15] =	ssyncadd.s32 $0xFFFFFF00  }
0x95: {  	[tilespmem:s7], [sflag:$0xA] =	stream.indirect.gather [hbm4b:s1+s0], $0x20, s29, s0, $0xb8;
	[tilespmem:$0x7630] =	vst v63  }
0x96: {  	_ =	swait.ge [sflag:s8], $0x1000  }
0x97: {  	[sflag:s8] =	ssyncset.done $0x0  }
0x98: {  	s19 =	rddreg [dreg:$0xb];
	[sflag:s8] =	ssyncadd.s32 $0xFFFFF000  }
0x99: {  	[spmem:s2] =	stream.indirect.scatter.add.f32 [tilespmem:s22], [sflag:$0xB], $0x20, s19, s0, $0xb8;
	[tilespmem:$0x7630] =	vst v63  }
0x9a: {  	_ =	swait.ge [sflag:s23], $0x1000  }
0x9b: {  	s21 =	rddreg [dreg:$0x5];
	[sflag:s23] =	ssyncset.done $0x0  }
0x9c: {  	[sflag:s23] =	ssyncadd.s32 $0xFFFFF000;
	s5 =	sadd.s32 $0x0, s21  }
0x9d: {  	[tilespmem:s28], [sflag:$0x5] =	stream.linear.gather [hbm4b:s5+s3], $0x100, $0x38;
	[tilespmem:$0x7630] =	vst v63  }
0x9e: {  	_ =	swait.ge [sflag:s16], $0x100  }
0x9f: {  	[sflag:s16] =	ssyncset.done $0x0  }
0xa0: {  	[sflag:s16] =	ssyncadd.s32 $0xFFFFFF00  }
0xa1: {  	[tilespmem:s22], [sflag:$0x9] =	stream.indirect.gather [hbm4b:s1+s0], $0x20, s30, s0, $0xb8;
	[tilespmem:$0x7630] =	vst v63  }
0xa2: {  	_ =	swait.ge [sflag:s12], $0x1000  }
0xa3: {  	[sflag:s12] =	ssyncset.done $0x0  }
0xa4: {  	s11 =	rddreg [dreg:$0xc];
	[sflag:s12] =	ssyncadd.s32 $0xFFFFF000  }
0xa5: {  	[spmem:s2] =	stream.indirect.scatter.add.f32 [tilespmem:s7], [sflag:$0xB], $0x20, s11, s0, $0xb8;
	[tilespmem:$0x7630] =	vst v63  }
0xa6: {  	_ =	swait.ge [sflag:s23], $0x1000  }
0xa7: {  	[sflag:s23] =	ssyncset.done $0x0  }
0xa8: {  	s19 =	sadd.s32 $0x1A0, s9;
	[sflag:s23] =	ssyncadd.s32 $0xFFFFF000  }
0xa9: {  	[tilespmem:s29], [sflag:$0x6] =	stream.linear.gather [hbm4b:s19+s3], $0x100, $0x38;
	[tilespmem:$0x7630] =	vst v63  }
0xaa: {  	_ =	swait.ge [sflag:s18], $0x100  }
0xab: {  	[sflag:s18] =	ssyncset.done $0x0  }
0xac: {  	[sflag:s18] =	ssyncadd.s32 $0xFFFFFF00  }
0xad: {  	[tilespmem:s7], [sflag:$0xA] =	stream.indirect.gather [hbm4b:s1+s0], $0x20, s4, s0, $0xb8;
	[tilespmem:$0x7630] =	vst v63  }
0xae: {  	_ =	swait.ge [sflag:s8], $0x1000  }
0xaf: {  	[sflag:s8] =	ssyncset.done $0x0  }
0xb0: {  	s21 =	rddreg [dreg:$0xd];
	[sflag:s8] =	ssyncadd.s32 $0xFFFFF000  }
0xb1: {  	[spmem:s2] =	stream.indirect.scatter.add.f32 [tilespmem:s22], [sflag:$0xB], $0x20, s21, s0, $0xb8;
	[tilespmem:$0x7630] =	vst v63  }
0xb2: {  	_ =	swait.ge [sflag:s23], $0x1000  }
0xb3: {  	[sflag:s23] =	ssyncset.done $0x0  }
0xb4: {  	s21 =	simm.s32 $0x100;
	s9 =	rddreg [dreg:$0x4];
	[sflag:s23] =	ssyncadd.s32 $0xFFFFF000  }
.LBB2_4:
0xb5: {  	s5 =	sadd.s32 s20, s9  }
0xb6: {  	[tilespmem:s30], [sflag:$0x7] =	stream.linear.gather [hbm4b:s5+s3], $0x100, $0x38;
	[tilespmem:$0x7630] =	vst v63  }
0xb7: {  	s20 =	smov.u32 s21;
	_ =	swait.ge [sflag:s31], $0x100  }
0xb8: {  	p2 =	seq.s32 s20, $0x0;
	[sflag:s31] =	ssyncset.done $0x0  }
0xb9: {  	s5 =	simm.s32 @!p2 $0xA;
	[sflag:s31] =	ssyncadd.s32 $0xFFFFFF00  }
0xba: {  	[tilespmem:s22], [sflag:$0x9] =	stream.indirect.gather [hbm4b:s1+s0], $0x20, s3, s0, $0xb8;
	[tilespmem:$0x7630] =	vst v63  }
0xbb: {  	_ =	swait.ge @!p2 [sflag:s5], $0x1000  }
0xbc: {  	s9 =	simm.s32 @!p2 $0x1800;
	s11 =	simm.s32 @!p2 $0x80;
	[sflag:s5] =	ssyncset.done @!p2 $0x0  }
0xbd: {  	s19 =	simm.s32 @!p2 $0x780;
	[sflag:s5] =	ssyncadd.s32 @!p2 $0xFFFFF000;
	s5 =	simm.s32 @!p2 $0xB  }
0xbe: {  	[spmem:s2] =	stream.indirect.scatter.add.f32 @!p2 [tilespmem:s9], [sflag:$0xB], $0x20, s19, s11, $0xb8;
	[tilespmem:$0x7630] =	vst v63  }
0xbf: {  	_ =	swait.ge @!p2 [sflag:s5], $0x1000  }
0xc0: {  	s9 =	sadd.s32 s20, s17;
	[sflag:s5] =	ssyncset.done @!p2 $0x0  }
0xc1: {  	s19 =	sadd.s32 $0xE0, s9;
	[sflag:s5] =	ssyncadd.s32 @!p2 $0xFFFFF000  }
0xc2: {  	[tilespmem:s4], [sflag:$0x8] =	stream.linear.gather [hbm4b:s19+s3], $0x100, $0x38;
	[tilespmem:$0x7630] =	vst v63  }
0xc3: {  	_ =	swait.ge [sflag:s6], $0x100  }
0xc4: {  	[sflag:s6] =	ssyncset.done $0x0  }
0xc5: {  	[sflag:s6] =	ssyncadd.s32 $0xFFFFFF00  }
0xc6: {  	[tilespmem:s7], [sflag:$0xA] =	stream.indirect.gather [hbm4b:s1+s0], $0x20, s24, s0, $0xb8;
	[tilespmem:$0x7630] =	vst v63  }
0xc7: {  	_ =	swait.ge [sflag:s8], $0x1000  }
0xc8: {  	[sflag:s8] =	ssyncset.done $0x0  }
0xc9: {  	[sflag:s8] =	ssyncadd.s32 $0xFFFFF000  }
0xca: {  	[spmem:s2] =	stream.indirect.scatter.add.f32 [tilespmem:s22], [sflag:$0xB], $0x20, s0, s0, $0xb8;
	[tilespmem:$0x7630] =	vst v63  }
0xcb: {  	_ =	swait.ge [sflag:s23], $0x1000  }
0xcc: {  	s11 =	rddreg [dreg:$0x7];
	[sflag:s23] =	ssyncset.done $0x0  }
0xcd: {  	[sflag:s23] =	ssyncadd.s32 $0xFFFFF000;
	s5 =	sadd.s32 s20, s11  }
0xce: {  	[tilespmem:s3], [sflag:$0x1] =	stream.linear.gather [hbm4b:s5+s3], $0x100, $0x38;
	[tilespmem:$0x7630] =	vst v63  }
0xcf: {  	_ =	swait.ge [sflag:s10], $0x100  }
0xd0: {  	[sflag:s10] =	ssyncset.done $0x0  }
0xd1: {  	[sflag:s10] =	ssyncadd.s32 $0xFFFFFF00  }
0xd2: {  	[tilespmem:s22], [sflag:$0x9] =	stream.indirect.gather [hbm4b:s1+s0], $0x20, s25, s0, $0xb8;
	[tilespmem:$0x7630] =	vst v63  }
0xd3: {  	_ =	swait.ge [sflag:s12], $0x1000  }
0xd4: {  	[sflag:s12] =	ssyncset.done $0x0  }
0xd5: {  	s19 =	rddreg [dreg:$0x8];
	[sflag:s12] =	ssyncadd.s32 $0xFFFFF000  }
0xd6: {  	[spmem:s2] =	stream.indirect.scatter.add.f32 [tilespmem:s7], [sflag:$0xB], $0x20, s19, s0, $0xb8;
	[tilespmem:$0x7630] =	vst v63  }
0xd7: {  	_ =	swait.ge [sflag:s23], $0x1000  }
0xd8: {  	[sflag:s23] =	ssyncset.done $0x0  }
0xd9: {  	s11 =	sadd.s32 $0x120, s9;
	[sflag:s23] =	ssyncadd.s32 $0xFFFFF000  }
0xda: {  	[tilespmem:s24], [sflag:$0x2] =	stream.linear.gather [hbm4b:s11+s3], $0x100, $0x38;
	[tilespmem:$0x7630] =	vst v63  }
0xdb: {  	_ =	swait.ge [sflag:s13], $0x100  }
0xdc: {  	[sflag:s13] =	ssyncset.done $0x0  }
0xdd: {  	[sflag:s13] =	ssyncadd.s32 $0xFFFFFF00  }
0xde: {  	[tilespmem:s7], [sflag:$0xA] =	stream.indirect.gather [hbm4b:s1+s0], $0x20, s26, s0, $0xb8;
	[tilespmem:$0x7630] =	vst v63  }
0xdf: {  	_ =	swait.ge [sflag:s8], $0x1000  }
0xe0: {  	[sflag:s8] =	ssyncset.done $0x0  }
0xe1: {  	s19 =	rddreg [dreg:$0x9];
	[sflag:s8] =	ssyncadd.s32 $0xFFFFF000  }
0xe2: {  	[spmem:s2] =	stream.indirect.scatter.add.f32 [tilespmem:s22], [sflag:$0xB], $0x20, s19, s0, $0xb8;
	[tilespmem:$0x7630] =	vst v63  }
0xe3: {  	_ =	swait.ge [sflag:s23], $0x1000  }
0xe4: {  	s11 =	rddreg [dreg:$0x6];
	[sflag:s23] =	ssyncset.done $0x0  }
0xe5: {  	[sflag:s23] =	ssyncadd.s32 $0xFFFFF000;
	s5 =	sadd.s32 s20, s11  }
0xe6: {  	[tilespmem:s25], [sflag:$0x3] =	stream.linear.gather [hbm4b:s5+s3], $0x100, $0x38;
	[tilespmem:$0x7630] =	vst v63  }
0xe7: {  	_ =	swait.ge [sflag:s14], $0x100  }
0xe8: {  	[sflag:s14] =	ssyncset.done $0x0  }
0xe9: {  	[sflag:s14] =	ssyncadd.s32 $0xFFFFFF00  }
0xea: {  	[tilespmem:s22], [sflag:$0x9] =	stream.indirect.gather [hbm4b:s1+s0], $0x20, s28, s0, $0xb8;
	[tilespmem:$0x7630] =	vst v63  }
0xeb: {  	_ =	swait.ge [sflag:s12], $0x1000  }
0xec: {  	[sflag:s12] =	ssyncset.done $0x0  }
0xed: {  	s19 =	rddreg [dreg:$0xa];
	[sflag:s12] =	ssyncadd.s32 $0xFFFFF000  }
0xee: {  	[spmem:s2] =	stream.indirect.scatter.add.f32 [tilespmem:s7], [sflag:$0xB], $0x20, s19, s0, $0xb8;
	[tilespmem:$0x7630] =	vst v63  }
0xef: {  	_ =	swait.ge [sflag:s23], $0x1000  }
0xf0: {  	[sflag:s23] =	ssyncset.done $0x0  }
0xf1: {  	s11 =	sadd.s32 $0x160, s9;
	[sflag:s23] =	ssyncadd.s32 $0xFFFFF000  }
0xf2: {  	[tilespmem:s26], [sflag:$0x4] =	stream.linear.gather [hbm4b:s11+s3], $0x100, $0x38;
	[tilespmem:$0x7630] =	vst v63  }
0xf3: {  	_ =	swait.ge [sflag:s15], $0x100  }
0xf4: {  	[sflag:s15] =	ssyncset.done $0x0  }
0xf5: {  	[sflag:s15] =	ssyncadd.s32 $0xFFFFFF00  }
0xf6: {  	[tilespmem:s7], [sflag:$0xA] =	stream.indirect.gather [hbm4b:s1+s0], $0x20, s29, s0, $0xb8;
	[tilespmem:$0x7630] =	vst v63  }
0xf7: {  	_ =	swait.ge [sflag:s8], $0x1000  }
0xf8: {  	[sflag:s8] =	ssyncset.done $0x0  }
0xf9: {  	s19 =	rddreg [dreg:$0xb];
	[sflag:s8] =	ssyncadd.s32 $0xFFFFF000  }
0xfa: {  	[spmem:s2] =	stream.indirect.scatter.add.f32 [tilespmem:s22], [sflag:$0xB], $0x20, s19, s0, $0xb8;
	[tilespmem:$0x7630] =	vst v63  }
0xfb: {  	_ =	swait.ge [sflag:s23], $0x1000  }
0xfc: {  	s11 =	rddreg [dreg:$0x5];
	[sflag:s23] =	ssyncset.done $0x0  }
0xfd: {  	[sflag:s23] =	ssyncadd.s32 $0xFFFFF000;
	s5 =	sadd.s32 s20, s11  }
0xfe: {  	[tilespmem:s28], [sflag:$0x5] =	stream.linear.gather [hbm4b:s5+s3], $0x100, $0x38;
	[tilespmem:$0x7630] =	vst v63  }
0xff: {  	_ =	swait.ge [sflag:s16], $0x100  }
0x100: {  	[sflag:s16] =	ssyncset.done $0x0  }
0x101: {  	[sflag:s16] =	ssyncadd.s32 $0xFFFFFF00  }
0x102: {  	[tilespmem:s22], [sflag:$0x9] =	stream.indirect.gather [hbm4b:s1+s0], $0x20, s30, s0, $0xb8;
	[tilespmem:$0x7630] =	vst v63  }
0x103: {  	_ =	swait.ge [sflag:s12], $0x1000  }
0x104: {  	[sflag:s12] =	ssyncset.done $0x0  }
0x105: {  	s19 =	rddreg [dreg:$0xc];
	[sflag:s12] =	ssyncadd.s32 $0xFFFFF000  }
0x106: {  	[spmem:s2] =	stream.indirect.scatter.add.f32 [tilespmem:s7], [sflag:$0xB], $0x20, s19, s0, $0xb8;
	[tilespmem:$0x7630] =	vst v63  }
0x107: {  	_ =	swait.ge [sflag:s23], $0x1000  }
0x108: {  	[sflag:s23] =	ssyncset.done $0x0  }
0x109: {  	s11 =	sadd.s32 $0x1A0, s9;
	[sflag:s23] =	ssyncadd.s32 $0xFFFFF000  }
0x10a: {  	[tilespmem:s29], [sflag:$0x6] =	stream.linear.gather [hbm4b:s11+s3], $0x100, $0x38;
	[tilespmem:$0x7630] =	vst v63  }
0x10b: {  	_ =	swait.ge [sflag:s18], $0x100  }
0x10c: {  	[sflag:s18] =	ssyncset.done $0x0  }
0x10d: {  	[sflag:s18] =	ssyncadd.s32 $0xFFFFFF00  }
0x10e: {  	[tilespmem:s7], [sflag:$0xA] =	stream.indirect.gather [hbm4b:s1+s0], $0x20, s4, s0, $0xb8;
	[tilespmem:$0x7630] =	vst v63  }
0x10f: {  	s21 =	sadd.s32 $0x100, s21;
	_ =	swait.ge [sflag:s8], $0x1000  }
0x110: {  	p1 =	sne.s32 s21, $0xA00;
	[sflag:s8] =	ssyncset.done $0x0  }
.Ltmp1:
0x111: {  	s19 =	rddreg [dreg:$0xd];
	[sflag:s8] =	ssyncadd.s32 $0xFFFFF000;
	(pc) =	sbr.rel @p1 .LBB2_4-.Ltmp1, $4  }
0x112: {  	[spmem:s2] =	stream.indirect.scatter.add.f32 [tilespmem:s22], [sflag:$0xB], $0x20, s19, s0, $0xb8;
	[tilespmem:$0x7630] =	vst v63  }
0x113: {  	_ =	swait.ge [sflag:s23], $0x1000  }
0x114: {  	[sflag:s23] =	ssyncset.done $0x0  }
0x115: {  	s9 =	rddreg [dreg:$0x4];
	[sflag:s23] =	ssyncadd.s32 $0xFFFFF000  }
0x116: {  	s5 =	sadd.s32 s20, s9  }
0x117: {  	[tilespmem:s30], [sflag:$0x7] =	stream.linear.gather [hbm4b:s5+s3], $0x100, $0x38;
	[tilespmem:$0x7630] =	vst v63  }
0x118: {  	_ =	swait.ge [sflag:s12], $0x1000  }
0x119: {  	[sflag:s12] =	ssyncset.done $0x0  }
0x11a: {  	s19 =	simm.s32 $0x780;
	[sflag:s12] =	ssyncadd.s32 $0xFFFFF000  }
0x11b: {  	[spmem:s2] =	stream.indirect.scatter.add.f32 [tilespmem:s7], [sflag:$0xB], $0x20, s19, s0, $0xb8;
	[tilespmem:$0x7630] =	vst v63  }
0x11c: {  	_ =	swait.ge [sflag:s23], $0x1000  }
0x11d: {  	[sflag:s23] =	ssyncset.done $0x0  }
0x11e: {  	[sflag:s23] =	ssyncadd.s32 $0xFFFFF000  }
0x11f: {  	_ =	swait.ge [sflag:s31], $0x100  }
0x120: {  	[sflag:s31] =	ssyncset.done $0x0  }
0x121: {  	[sflag:s31] =	ssyncadd.s32 $0xFFFFFF00  }
0x122: {  	_ =	swait.ge [sflag:s6], $0x100  }
0x123: {  	[sflag:s6] =	ssyncset.done $0x0  }
0x124: {  	[sflag:s6] =	ssyncadd.s32 $0xFFFFFF00  }
0x125: {  	_ =	swait.ge [sflag:s10], $0x100  }
0x126: {  	[sflag:s10] =	ssyncset.done $0x0  }
0x127: {  	[sflag:s10] =	ssyncadd.s32 $0xFFFFFF00  }
0x128: {  	_ =	swait.ge [sflag:s13], $0x100  }
0x129: {  	[sflag:s13] =	ssyncset.done $0x0  }
0x12a: {  	[sflag:s13] =	ssyncadd.s32 $0xFFFFFF00  }
0x12b: {  	_ =	swait.ge [sflag:s14], $0x100  }
0x12c: {  	[sflag:s14] =	ssyncset.done $0x0  }
0x12d: {  	[sflag:s14] =	ssyncadd.s32 $0xFFFFFF00  }
0x12e: {  	_ =	swait.ge [sflag:s15], $0x100  }
0x12f: {  	[sflag:s15] =	ssyncset.done $0x0  }
0x130: {  	[sflag:s15] =	ssyncadd.s32 $0xFFFFFF00  }
0x131: {  	_ =	swait.ge [sflag:s16], $0x100  }
0x132: {  	[sflag:s16] =	ssyncset.done $0x0  }
0x133: {  	[sflag:s16] =	ssyncadd.s32 $0xFFFFFF00  }
0x134: {  	s20 =	stileid.u32;
	[bflag:$0x0] =	sbarrier.arrive $0xFFFF  }
0x135: {  	s5 =	sshll.u32 s20, $0x6;
	s19 =	rddreg [dreg:$0xe]  }
0x136: {  	s5 =	sor.u32 $0x1C0B, s5;
	s11 =	rddreg [dreg:$0x1b];
	s21 =	sshrl.u32 s19, $0x3  }
0x137: {  	[hbm:s11], [sflag:s5] =	dma.local [spmem:s21], $0x9C0  }
0x138: {  	_ =	swait.ge [sflag:s23], $0x9C0  }
0x139: {  	[sflag:s23] =	ssyncset.done $0x0;
	s9 =	rddreg [dreg:$0x14]  }
0x13a: {  	s11 =	rddreg [dreg:$0x1c];
	[sflag:s23] =	ssyncadd.s32 $0xFFFFF640;
	s9 =	sshrl.u32 @!p0 s9, $0x3  }
0x13b: {  	[hbm:s11], [sflag:s5] =	dma.local @!p0 [spmem:s9], $0x40  }
0x13c: {  	s5 =	simm.s32 @!p0 $0xB  }
0x13d: {  	_ =	swait.ge @!p0 [sflag:s5], $0x40  }
0x13e: {  	s20 =	rddreg [dreg:$0x1e]  }
0x13f: {  	s21 =	rddreg [dreg:$0x1d];
	s11 =	sadd.s32 $0x1, s20  }
0x140: {  	p1 =	sne.s32 s11, s21  }
.Ltmp2:
0x141: {  	_ = 	snop;
	(pc) =	sbr.rel @p1 .LBB2_1-.Ltmp2, $3  }
0x142: {  	_ =	sdelay $0x1  }
0x143: {  	[sflag:s5] =	ssyncset.done @!p0 $0x0  }
0x144: {  	[sflag:s5] =	ssyncadd.s32 @!p0 $0xFFFFFFC0  }
0x145: {  	_ =	sfence.sel $0x180000  }
0x146: {  	[bflag:$0x0] =	sbarrier.arrive $0xFFFF  }
0x147: {  	_ =	strace $0x9000004A  }
0x148: {  	s0 =	stileid.u32;
	[bflag:$0x2] =	sbarrier.arrive $0xFFFF  }
0x149: {  	p0 =	sne.s32 s0, $0x0;
	s0 =	rddreg [dreg:$0x3]  }
0x14a: {  	s0 =	sadd.s32 @!p0 $0x100000, s0  }
0x14b: {  	[sflag:s0] =	ssyncadd.tile.s32 @!p0 $0x1;
	_ =	shalt  }
.Lfunc_end2:
_tile_overlayer_lowered:
.L_overlay_start_2:
0x14c: {  	(tag) =	ssettag $0x2  }
0x14d: {  	s0 =	rddreg [dreg:$0x0];
	s2 =	stileid.u32  }
0x14e: {  	s1 =	rddreg [dreg:$0x1];
	p0 =	sne.s32 s2, $0x0  }
0x14f: {  	s3 =	rddreg [dreg:$0x2];
	[bflag:$0x3] =	sbarrier.arrive $0xFFFF;
	s2 =	simm.s32 @!p0 $0x1C0B  }
0x150: {  	[timem:s3], [sflag:s2] =	dma.local @!p0 [hbm:s0], s1  }
0x151: {  	s0 =	simm.s32 @!p0 $0xB  }
0x152: {  	_ =	swait.ge @!p0 [sflag:s0], s1  }
0x153: {  	s1 =	ssub.s32 @!p0 $0x0, s1;
	[sflag:s0] =	ssyncset.done @!p0 $0x0  }
0x154: {  	[sflag:s0] =	ssyncadd.s32 @!p0 s1  }
0x155: {  	[bflag:$0x3] =	sbarrier.arrive $0xFFFF  }
0x156: {  	_ =	shalt  }

</sc_bundles>
